<compile_context>
chip_gen: v7x
topology: tpu7x:2x2x1
jax: 0.10.2.dev20260603
libtpu: 0.0.44.dev20260713+nightly
codegen_flags: <defaults>
</compile_context>

<pallas_src>
import jax
import jax.numpy as jnp
from jax import lax
from jax.experimental import pallas as pl
from jax.experimental.pallas import tpu as pltpu
from jax.experimental.pallas import tpu_sc as plsc

_N = 20000
_ROWS = 160
_NP = _ROWS * 128
_K = 2000
_DET = 100
_NEG = -1e9
_PAD = -3e9
_DEAD = -2e9

_NW = 32
_PER_W = _NP // _NW
_CAP = 128
_POOL = _NW * _CAP
_PROWS = _POOL // 128


def _search_body(s_ref, out_ref):
    s = s_ref[...]
    key = jnp.where(s > jnp.float32(0.05), s, jnp.float32(_NEG))
    kbv = lax.bitcast_convert_type(key, jnp.int32)
    ridx = lax.broadcasted_iota(jnp.int32, (_ROWS, 128), 0)
    lidx = lax.broadcasted_iota(jnp.int32, (_ROWS, 128), 1)
    idx = ridx * 128 + lidx

    lo0 = lax.bitcast_convert_type(jnp.float32(0.04), jnp.int32)
    hi0 = lax.bitcast_convert_type(jnp.float32(1.5), jnp.int32)

    def bs_body(_, lh):
        lo, hi = lh
        mid = (lo + hi) // 2
        cnt = jnp.sum(jnp.where(kbv >= mid, 1, 0))
        pred = cnt >= _K
        return (jnp.where(pred, mid, lo), jnp.where(pred, hi, mid))

    lo, hi = lax.fori_loop(0, 26, bs_body, (lo0, hi0))

    n_gt = jnp.sum(jnp.where(kbv > lo, 1, 0))
    ties_needed = _K - n_gt

    def ib_body(_, lh):
        lom, him = lh
        mid = (lom + him) // 2
        cnt = jnp.sum(jnp.where((kbv == lo) & (idx < mid), 1, 0))
        pred = cnt >= ties_needed
        return (jnp.where(pred, lom, mid), jnp.where(pred, mid, him))

    _, him = lax.fori_loop(0, 15, ib_body, (jnp.int32(0), jnp.int32(_NP)))

    rowi = lax.broadcasted_iota(jnp.int32, (8, 128), 0)
    lo_f = lax.bitcast_convert_type(lo, jnp.float32)
    out_ref[...] = jnp.where(rowi == 0, lo_f, him.astype(jnp.float32))


def _compact_body(s_hbm, x1_hbm, y1_hbm, x2_hbm, y2_hbm, lo_hbm, him_hbm,
                  pk_hbm, px1_hbm, py1_hbm, px2_hbm, py2_hbm,
                  s_v, x1_v, y1_v, x2_v, y2_v, th_v,
                  kb_v, bx1_v, by1_v, bx2_v, by2_v):
    wid = lax.axis_index("s") * 2 + lax.axis_index("c")
    base = wid * _PER_W
    pltpu.sync_copy(s_hbm.at[pl.ds(base, _PER_W)], s_v)
    pltpu.sync_copy(x1_hbm.at[pl.ds(base, _PER_W)], x1_v)
    pltpu.sync_copy(y1_hbm.at[pl.ds(base, _PER_W)], y1_v)
    pltpu.sync_copy(x2_hbm.at[pl.ds(base, _PER_W)], x2_v)
    pltpu.sync_copy(y2_hbm.at[pl.ds(base, _PER_W)], y2_v)
    pltpu.sync_copy(lo_hbm, th_v.at[pl.ds(0, 16)])
    pltpu.sync_copy(him_hbm, th_v.at[pl.ds(16, 16)])
    lo_vec = th_v[pl.ds(0, 16)]
    him_vec = th_v[pl.ds(16, 16)].astype(jnp.int32)

    def init_body(i, _):
        sl = pl.ds(i * 16, 16)
        kb_v[sl] = jnp.full((16,), _PAD, jnp.float32)
        bx1_v[sl] = jnp.zeros((16,), jnp.float32)
        by1_v[sl] = jnp.zeros((16,), jnp.float32)
        bx2_v[sl] = jnp.zeros((16,), jnp.float32)
        by2_v[sl] = jnp.zeros((16,), jnp.float32)
        return 0

    lax.fori_loop(0, (_CAP + 16) // 16, init_body, 0)
    lane = lax.broadcasted_iota(jnp.int32, (16,), 0)

    def chunk_body(c, OFF):
        sl = pl.ds(c * 16, 16)
        s = s_v[sl]
        key = jnp.where(s > jnp.float32(0.05), s, jnp.float32(_NEG))
        idx = lane + (base + c * 16)
        lo_v = th_v[pl.ds(0, 16)]
        him_v = th_v[pl.ds(16, 16)].astype(jnp.int32)
        member = (key > lo_v) | ((key == lo_v) & (idx < him_v))
        inc = jnp.where(member, jnp.int32(1), jnp.int32(0))
        for kk in (1, 2, 4, 8):
            shifted = inc[jnp.maximum(lane - kk, 0)]
            inc = inc + jnp.where(lane >= kk, shifted, jnp.int32(0))
        pos = jnp.where(member, OFF + (inc - 1), jnp.int32(_CAP))
        pos = jnp.minimum(pos, jnp.int32(_CAP))
        plsc.store_scatter(kb_v, [pos], key)
        plsc.store_scatter(bx1_v, [pos], x1_v[sl])
        plsc.store_scatter(by1_v, [pos], y1_v[sl])
        plsc.store_scatter(bx2_v, [pos], x2_v[sl])
        plsc.store_scatter(by2_v, [pos], y2_v[sl])
        cnt = plsc.all_reduce_population_count(member)
        return jnp.minimum(OFF + cnt, jnp.full((16,), _CAP, jnp.int32))

    lax.fori_loop(0, _PER_W // 16, chunk_body, jnp.zeros((16,), jnp.int32))
    out = wid * _CAP
    pltpu.sync_copy(kb_v.at[pl.ds(0, _CAP)], pk_hbm.at[pl.ds(out, _CAP)])
    pltpu.sync_copy(bx1_v.at[pl.ds(0, _CAP)], px1_hbm.at[pl.ds(out, _CAP)])
    pltpu.sync_copy(by1_v.at[pl.ds(0, _CAP)], py1_hbm.at[pl.ds(out, _CAP)])
    pltpu.sync_copy(bx2_v.at[pl.ds(0, _CAP)], px2_hbm.at[pl.ds(out, _CAP)])
    pltpu.sync_copy(by2_v.at[pl.ds(0, _CAP)], py2_hbm.at[pl.ds(out, _CAP)])


def _sort_body(k_ref, x1_ref, y1_ref, x2_ref, y2_ref,
               ok_ref, ox1_ref, oy1_ref, ox2_ref, oy2_ref):
    kb = lax.bitcast_convert_type(k_ref[...], jnp.int32)
    x1 = x1_ref[...]
    y1 = y1_ref[...]
    x2 = x2_ref[...]
    y2 = y2_ref[...]

    ri = lax.broadcasted_iota(jnp.int32, (_PROWS, 128), 0)
    li = lax.broadcasted_iota(jnp.int32, (_PROWS, 128), 1)
    pos2d = ri * 128 + li
    pos = pos2d

    for kphase in range(1, 13):
        j = 1 << (kphase - 1)
        while j >= 1:
            if j < 128:
                axis, amt, n = 1, j, 128
            else:
                axis, amt, n = 0, j // 128, _PROWS
            lb = (pos2d & j) == 0
            up = (pos2d & (1 << kphase)) == 0

            def par(a, lb=lb, axis=axis, amt=amt, n=n):
                return jnp.where(lb, pltpu.roll(a, n - amt, axis),
                                 pltpu.roll(a, amt, axis))

            kbp = par(kb)
            posp = par(pos)
            a_first = (kb > kbp) | ((kb == kbp) & (pos < posp))
            ts = a_first == (lb == up)
            kb = jnp.where(ts, kb, kbp)
            pos = jnp.where(ts, pos, posp)
            x1 = jnp.where(ts, x1, par(x1))
            y1 = jnp.where(ts, y1, par(y1))
            x2 = jnp.where(ts, x2, par(x2))
            y2 = jnp.where(ts, y2, par(y2))
            j //= 2

    ok_ref[...] = lax.bitcast_convert_type(kb, jnp.float32)
    ox1_ref[...] = x1
    oy1_ref[...] = y1
    ox2_ref[...] = x2
    oy2_ref[...] = y2


def _pick_body(k_ref, x1_ref, y1_ref, x2_ref, y2_ref,
               ks_ref, x1s_ref, y1s_ref, x2s_ref, y2s_ref, out_ref):
    x1 = x1_ref[...]
    y1 = y1_ref[...]
    x2 = x2_ref[...]
    y2 = y2_ref[...]
    area = (x2 - x1) * (y2 - y1)

    ri = lax.broadcasted_iota(jnp.int32, (_PROWS, 128), 0)
    li = lax.broadcasted_iota(jnp.int32, (_PROWS, 128), 1)
    pos2d = ri * 128 + li
    rowi = lax.broadcasted_iota(jnp.int32, (8, 128), 0)
    lanei = lax.broadcasted_iota(jnp.int32, (8, 128), 1)
    big = jnp.int32(2**30)

    def g_body(t, carry):
        k, acc = carry
        pa = jnp.where(k > jnp.float32(-5e8), pos2d, big)
        ps = jnp.where(k > jnp.float32(-1.5e9), pos2d, big)
        pa11 = jnp.min(jnp.min(pa, axis=0, keepdims=True), axis=1, keepdims=True)
        ps11 = jnp.min(jnp.min(ps, axis=0, keepdims=True), axis=1, keepdims=True)
        spa = pa11[0, 0]
        sps = ps11[0, 0]
        sp = jnp.where(spa < big, spa, sps)
        bx1 = x1s_ref[sp]
        by1 = y1s_ref[sp]
        bx2 = x2s_ref[sp]
        by2 = y2s_ref[sp]
        bsc = ks_ref[sp]
        barea = (bx2 - bx1) * (by2 - by1)
        z = jnp.float32(0.0)
        w = jnp.maximum(jnp.minimum(bx2, x2) - jnp.maximum(bx1, x1), z)
        h = jnp.maximum(jnp.minimum(by2, y2) - jnp.maximum(by1, y1), z)
        inter = w * h
        iou = inter / (((barea + area) - inter) + jnp.float32(1e-9))
        supp = (iou > jnp.float32(0.5)) & (k > jnp.float32(-5e8))
        nk = jnp.where(supp, k - jnp.float32(1e9), k)
        nk = jnp.where(pos2d == sp, jnp.float32(_DEAD), nk)
        outs = jnp.where(bsc > jnp.float32(-5e8), bsc, jnp.float32(_NEG))
        val = jnp.where(rowi == 0, bx1,
              jnp.where(rowi == 1, by1,
              jnp.where(rowi == 2, bx2,
              jnp.where(rowi == 3, by2, outs))))
        acc = jnp.where(lanei == t, val, acc)
        return nk, acc

    acc0 = jnp.zeros((8, 128), jnp.float32)
    _, acc = lax.fori_loop(0, _DET, g_body, (k_ref[...], acc0))
    out_ref[...] = acc


_compact_call_cache = []


def _get_compact_call():
    if not _compact_call_cache:
        mesh = plsc.VectorSubcoreMesh(core_axis_name="c", subcore_axis_name="s",
                                      num_cores=2, num_subcores=16)
        _compact_call_cache.append(pl.kernel(
            _compact_body,
            out_type=(
                jax.ShapeDtypeStruct((_POOL,), jnp.float32),
                jax.ShapeDtypeStruct((_POOL,), jnp.float32),
                jax.ShapeDtypeStruct((_POOL,), jnp.float32),
                jax.ShapeDtypeStruct((_POOL,), jnp.float32),
                jax.ShapeDtypeStruct((_POOL,), jnp.float32),
            ),
            mesh=mesh,
            compiler_params=pltpu.CompilerParams(needs_layout_passes=False),
            scratch_types=[
                pltpu.VMEM((_PER_W,), jnp.float32),
                pltpu.VMEM((_PER_W,), jnp.float32),
                pltpu.VMEM((_PER_W,), jnp.float32),
                pltpu.VMEM((_PER_W,), jnp.float32),
                pltpu.VMEM((_PER_W,), jnp.float32),
                pltpu.VMEM((32,), jnp.float32),
                pltpu.VMEM((_CAP + 16,), jnp.float32),
                pltpu.VMEM((_CAP + 16,), jnp.float32),
                pltpu.VMEM((_CAP + 16,), jnp.float32),
                pltpu.VMEM((_CAP + 16,), jnp.float32),
                pltpu.VMEM((_CAP + 16,), jnp.float32),
            ],
        ))
    return _compact_call_cache[0]


def kernel(boxes, scores):
    s = jnp.pad(scores, (0, _NP - _N), constant_values=-1.0)
    b = jnp.pad(boxes, ((0, _NP - _N), (0, 0)))
    x1 = b[:, 0]
    y1 = b[:, 1]
    x2 = b[:, 2]
    y2 = b[:, 3]

    th = pl.pallas_call(
        _search_body,
        out_shape=jax.ShapeDtypeStruct((8, 128), jnp.float32),
    )(s.reshape(_ROWS, 128))
    lo16 = th[0, :16]
    him16 = th[1, :16]

    pk, px1, py1, px2, py2 = _get_compact_call()(s, x1, y1, x2, y2, lo16, him16)

    shp = jax.ShapeDtypeStruct((_PROWS, 128), jnp.float32)
    sk, sx1, sy1, sx2, sy2 = pl.pallas_call(
        _sort_body,
        out_shape=[shp] * 5,
    )(
        pk.reshape(_PROWS, 128),
        px1.reshape(_PROWS, 128),
        py1.reshape(_PROWS, 128),
        px2.reshape(_PROWS, 128),
        py2.reshape(_PROWS, 128),
    )

    vspec = pl.BlockSpec(memory_space=pltpu.VMEM)
    sspec = pl.BlockSpec(memory_space=pltpu.SMEM)
    out = pl.pallas_call(
        _pick_body,
        out_shape=jax.ShapeDtypeStruct((8, 128), jnp.float32),
        in_specs=[vspec] * 5 + [sspec] * 5,
    )(
        sk, sx1, sy1, sx2, sy2,
        sk.reshape(_POOL), sx1.reshape(_POOL), sy1.reshape(_POOL),
        sx2.reshape(_POOL), sy2.reshape(_POOL),
    )
    return jnp.transpose(out[0:5, 0:_DET])

# --- scband reference (transcript-rebuilt; emitter-appended) ---
"""Pipeline reference for scband-ro-iheads-16887811408561 (READ-ONLY COPY).

The authoritative reference and input builder live on the scoring server;
editing this copy changes nothing except your own understanding.
"""

import jax, jax.numpy as jnp
import numpy as np

SCORE_THRESH = 0.05
NMS_THRESH = 0.5
DET_PER_IMG = 100
PRE_NMS_TOPK = 2000
NEG = -1e9


def setup_inputs(seed: int = 0) -> dict:
    key = jax.random.key(seed)
    k1, k2, k3 = jax.random.split(key, 3)
    N = 20000
    # xyxy boxes inside a 1024x1024 image (x2>x1, y2>y1 guaranteed)
    x1y1 = jax.random.uniform(k1, (N, 2), dtype=jnp.float32) * 800.0
    wh = jax.random.uniform(k2, (N, 2), dtype=jnp.float32) * 200.0 + 4.0
    boxes = jnp.concatenate([x1y1, x1y1 + wh], axis=1)
    scores = jax.random.uniform(k3, (N,), dtype=jnp.float32)
    return {"boxes": boxes, "scores": scores}


def _box_iou(a, b):
    area_a = (a[:, 2] - a[:, 0]) * (a[:, 3] - a[:, 1])
    area_b = (b[:, 2] - b[:, 0]) * (b[:, 3] - b[:, 1])
    lt = jnp.maximum(a[:, None, :2], b[None, :, :2])
    rb = jnp.minimum(a[:, None, 2:], b[None, :, 2:])
    wh = jnp.clip(rb - lt, 0.0)
    inter = wh[..., 0] * wh[..., 1]
    return inter / (area_a[:, None] + area_b[None, :] - inter + 1e-9)


def reference(boxes, scores):
    # 1) score threshold (RoIHeads.postprocess_detections: remove low scoring boxes)
    s = jnp.where(scores > SCORE_THRESH, scores, NEG)
    # 2) pre-NMS top-k candidate selection (gather-heavy)
    top_s, top_i = jax.lax.top_k(s, PRE_NMS_TOPK)
    cand = jnp.take(boxes, top_i, axis=0)
    # 3) greedy NMS over sorted candidates
    iou = _box_iou(cand, cand)
    idxs = jnp.arange(PRE_NMS_TOPK)

    def body(i, supp):
        alive = jnp.logical_not(supp[i]) & (top_s[i] > NEG / 2)
        row = (iou[i] > NMS_THRESH) & (idxs > i) & alive
        return supp | row

    supp = jax.lax.fori_loop(0, PRE_NMS_TOPK, body, jnp.zeros((PRE_NMS_TOPK,), dtype=bool))
    keep_s = jnp.where(supp, NEG, top_s)
    # 4) keep top detection_per_img detections
    fin_s, fin_i = jax.lax.top_k(keep_s, DET_PER_IMG)
    fin_b = jnp.take(cand, fin_i, axis=0)
    return jnp.concatenate([fin_b, fin_s[:, None]], axis=1)

if __name__ == "__main__":
    import jax
    _d = setup_inputs()
    print(jax.jit(kernel)(*tuple(_d.values())))

</pallas_src>

<mosaic_0001>
#map = affine_map<(d0, d1) -> (0)>
module attributes {stable_mosaic.version = 14 : i64} {
  func.func @_compact_body(%arg0: i32, %arg1: i32, %arg2: memref<20480xf32, #tpu.memory_space<hbm>>, %arg3: memref<20480xf32, #tpu.memory_space<hbm>>, %arg4: memref<20480xf32, #tpu.memory_space<hbm>>, %arg5: memref<20480xf32, #tpu.memory_space<hbm>>, %arg6: memref<20480xf32, #tpu.memory_space<hbm>>, %arg7: memref<16xf32, #tpu.memory_space<hbm>>, %arg8: memref<16xf32, #tpu.memory_space<hbm>>, %arg9: memref<4096xf32, #tpu.memory_space<hbm>>, %arg10: memref<4096xf32, #tpu.memory_space<hbm>>, %arg11: memref<4096xf32, #tpu.memory_space<hbm>>, %arg12: memref<4096xf32, #tpu.memory_space<hbm>>, %arg13: memref<4096xf32, #tpu.memory_space<hbm>>, %arg14: memref<640xf32, #tpu.memory_space<vmem>>, %arg15: memref<640xf32, #tpu.memory_space<vmem>>, %arg16: memref<640xf32, #tpu.memory_space<vmem>>, %arg17: memref<640xf32, #tpu.memory_space<vmem>>, %arg18: memref<640xf32, #tpu.memory_space<vmem>>, %arg19: memref<32xf32, #tpu.memory_space<vmem>>, %arg20: memref<144xf32, #tpu.memory_space<vmem>>, %arg21: memref<144xf32, #tpu.memory_space<vmem>>, %arg22: memref<144xf32, #tpu.memory_space<vmem>>, %arg23: memref<144xf32, #tpu.memory_space<vmem>>, %arg24: memref<144xf32, #tpu.memory_space<vmem>>) attributes {dimension_semantics = [#tpu.dimension_semantics<core_parallel>, #tpu.dimension_semantics<subcore_parallel>], iteration_bounds = array<i64: 2, 16>, scalar_prefetch = 0 : i64, scratch_operands = 11 : i64, tpu.core_type = #tpu.core_type<sc_vector_subcore>, window_params = [{transform_indices = #map}, {transform_indices = #map}, {transform_indices = #map}, {transform_indices = #map}, {transform_indices = #map}, {transform_indices = #map}, {transform_indices = #map}, {transform_indices = #map}, {transform_indices = #map}, {transform_indices = #map}, {transform_indices = #map}, {transform_indices = #map}]} {
    %mul3A = arith.constant 2 : i32
    %mul3A_0 = arith.muli %arg1, %mul3A : i32
    %add3A = arith.addi %mul3A_0, %arg0 : i32
    %mul3A_1 = arith.constant 640 : i32
    %mul3A_2 = arith.muli %add3A, %mul3A_1 : i32
    "tpu.region"() ({
      %run_scoped3A = tpu.sem_alloc : memref<!tpu.dma_semaphore, #tpu.memory_space<semaphore_mem>>
      %dma_start3A = tpu.memref_slice %arg2[%mul3A_2] : memref<20480xf32, #tpu.memory_space<hbm>> -> memref<640xf32, #tpu.memory_space<hbm>>
      %dma_start3A_21 = tpu.memref_slice %arg2[%mul3A_2] : memref<20480xf32, #tpu.memory_space<hbm>> -> memref<640xf32, #tpu.memory_space<hbm>>
      tpu.enqueue_dma source(%dma_start3A_21 : memref<640xf32, #tpu.memory_space<hbm>>) target(%arg14 : memref<640xf32, #tpu.memory_space<vmem>>) target_semaphore(%run_scoped3A : memref<!tpu.dma_semaphore, #tpu.memory_space<semaphore_mem>>)
      %dma_wait3A = tpu.memref_slice %arg2[%mul3A_2] : memref<20480xf32, #tpu.memory_space<hbm>> -> memref<640xf32, #tpu.memory_space<hbm>>
      %dma_wait3A_22 = tpu.memref_slice %arg2[%mul3A_2] : memref<20480xf32, #tpu.memory_space<hbm>> -> memref<640xf32, #tpu.memory_space<hbm>>
      tpu.wait_dma2 semaphore(%run_scoped3A : memref<!tpu.dma_semaphore, #tpu.memory_space<semaphore_mem>>) src(%dma_wait3A_22 : memref<640xf32, #tpu.memory_space<hbm>>) dst(%arg14 : memref<640xf32, #tpu.memory_space<vmem>>)
      tpu.yield
    }) : () -> ()
    "tpu.region"() ({
      %run_scoped3A = tpu.sem_alloc : memref<!tpu.dma_semaphore, #tpu.memory_space<semaphore_mem>>
      %dma_start3A = tpu.memref_slice %arg3[%mul3A_2] : memref<20480xf32, #tpu.memory_space<hbm>> -> memref<640xf32, #tpu.memory_space<hbm>>
      %dma_start3A_21 = tpu.memref_slice %arg3[%mul3A_2] : memref<20480xf32, #tpu.memory_space<hbm>> -> memref<640xf32, #tpu.memory_space<hbm>>
      tpu.enqueue_dma source(%dma_start3A_21 : memref<640xf32, #tpu.memory_space<hbm>>) target(%arg15 : memref<640xf32, #tpu.memory_space<vmem>>) target_semaphore(%run_scoped3A : memref<!tpu.dma_semaphore, #tpu.memory_space<semaphore_mem>>)
      %dma_wait3A = tpu.memref_slice %arg3[%mul3A_2] : memref<20480xf32, #tpu.memory_space<hbm>> -> memref<640xf32, #tpu.memory_space<hbm>>
      %dma_wait3A_22 = tpu.memref_slice %arg3[%mul3A_2] : memref<20480xf32, #tpu.memory_space<hbm>> -> memref<640xf32, #tpu.memory_space<hbm>>
      tpu.wait_dma2 semaphore(%run_scoped3A : memref<!tpu.dma_semaphore, #tpu.memory_space<semaphore_mem>>) src(%dma_wait3A_22 : memref<640xf32, #tpu.memory_space<hbm>>) dst(%arg15 : memref<640xf32, #tpu.memory_space<vmem>>)
      tpu.yield
    }) : () -> ()
    "tpu.region"() ({
      %run_scoped3A = tpu.sem_alloc : memref<!tpu.dma_semaphore, #tpu.memory_space<semaphore_mem>>
      %dma_start3A = tpu.memref_slice %arg4[%mul3A_2] : memref<20480xf32, #tpu.memory_space<hbm>> -> memref<640xf32, #tpu.memory_space<hbm>>
      %dma_start3A_21 = tpu.memref_slice %arg4[%mul3A_2] : memref<20480xf32, #tpu.memory_space<hbm>> -> memref<640xf32, #tpu.memory_space<hbm>>
      tpu.enqueue_dma source(%dma_start3A_21 : memref<640xf32, #tpu.memory_space<hbm>>) target(%arg16 : memref<640xf32, #tpu.memory_space<vmem>>) target_semaphore(%run_scoped3A : memref<!tpu.dma_semaphore, #tpu.memory_space<semaphore_mem>>)
      %dma_wait3A = tpu.memref_slice %arg4[%mul3A_2] : memref<20480xf32, #tpu.memory_space<hbm>> -> memref<640xf32, #tpu.memory_space<hbm>>
      %dma_wait3A_22 = tpu.memref_slice %arg4[%mul3A_2] : memref<20480xf32, #tpu.memory_space<hbm>> -> memref<640xf32, #tpu.memory_space<hbm>>
      tpu.wait_dma2 semaphore(%run_scoped3A : memref<!tpu.dma_semaphore, #tpu.memory_space<semaphore_mem>>) src(%dma_wait3A_22 : memref<640xf32, #tpu.memory_space<hbm>>) dst(%arg16 : memref<640xf32, #tpu.memory_space<vmem>>)
      tpu.yield
    }) : () -> ()
    "tpu.region"() ({
      %run_scoped3A = tpu.sem_alloc : memref<!tpu.dma_semaphore, #tpu.memory_space<semaphore_mem>>
      %dma_start3A = tpu.memref_slice %arg5[%mul3A_2] : memref<20480xf32, #tpu.memory_space<hbm>> -> memref<640xf32, #tpu.memory_space<hbm>>
      %dma_start3A_21 = tpu.memref_slice %arg5[%mul3A_2] : memref<20480xf32, #tpu.memory_space<hbm>> -> memref<640xf32, #tpu.memory_space<hbm>>
      tpu.enqueue_dma source(%dma_start3A_21 : memref<640xf32, #tpu.memory_space<hbm>>) target(%arg17 : memref<640xf32, #tpu.memory_space<vmem>>) target_semaphore(%run_scoped3A : memref<!tpu.dma_semaphore, #tpu.memory_space<semaphore_mem>>)
      %dma_wait3A = tpu.memref_slice %arg5[%mul3A_2] : memref<20480xf32, #tpu.memory_space<hbm>> -> memref<640xf32, #tpu.memory_space<hbm>>
      %dma_wait3A_22 = tpu.memref_slice %arg5[%mul3A_2] : memref<20480xf32, #tpu.memory_space<hbm>> -> memref<640xf32, #tpu.memory_space<hbm>>
      tpu.wait_dma2 semaphore(%run_scoped3A : memref<!tpu.dma_semaphore, #tpu.memory_space<semaphore_mem>>) src(%dma_wait3A_22 : memref<640xf32, #tpu.memory_space<hbm>>) dst(%arg17 : memref<640xf32, #tpu.memory_space<vmem>>)
      tpu.yield
    }) : () -> ()
    "tpu.region"() ({
      %run_scoped3A = tpu.sem_alloc : memref<!tpu.dma_semaphore, #tpu.memory_space<semaphore_mem>>
      %dma_start3A = tpu.memref_slice %arg6[%mul3A_2] : memref<20480xf32, #tpu.memory_space<hbm>> -> memref<640xf32, #tpu.memory_space<hbm>>
      %dma_start3A_21 = tpu.memref_slice %arg6[%mul3A_2] : memref<20480xf32, #tpu.memory_space<hbm>> -> memref<640xf32, #tpu.memory_space<hbm>>
      tpu.enqueue_dma source(%dma_start3A_21 : memref<640xf32, #tpu.memory_space<hbm>>) target(%arg18 : memref<640xf32, #tpu.memory_space<vmem>>) target_semaphore(%run_scoped3A : memref<!tpu.dma_semaphore, #tpu.memory_space<semaphore_mem>>)
      %dma_wait3A = tpu.memref_slice %arg6[%mul3A_2] : memref<20480xf32, #tpu.memory_space<hbm>> -> memref<640xf32, #tpu.memory_space<hbm>>
      %dma_wait3A_22 = tpu.memref_slice %arg6[%mul3A_2] : memref<20480xf32, #tpu.memory_space<hbm>> -> memref<640xf32, #tpu.memory_space<hbm>>
      tpu.wait_dma2 semaphore(%run_scoped3A : memref<!tpu.dma_semaphore, #tpu.memory_space<semaphore_mem>>) src(%dma_wait3A_22 : memref<640xf32, #tpu.memory_space<hbm>>) dst(%arg18 : memref<640xf32, #tpu.memory_space<vmem>>)
      tpu.yield
    }) : () -> ()
    "tpu.region"() ({
      %run_scoped3A = tpu.sem_alloc : memref<!tpu.dma_semaphore, #tpu.memory_space<semaphore_mem>>
      %dma_start3A = arith.constant 0 : i32
      %dma_start3A_21 = tpu.memref_slice %arg19[%dma_start3A] : memref<32xf32, #tpu.memory_space<vmem>> -> memref<16xf32, #tpu.memory_space<vmem>>
      %dma_start3A_22 = arith.constant 0 : i32
      %dma_start3A_23 = tpu.memref_slice %arg19[%dma_start3A_22] : memref<32xf32, #tpu.memory_space<vmem>> -> memref<16xf32, #tpu.memory_space<vmem>>
      tpu.enqueue_dma source(%arg7 : memref<16xf32, #tpu.memory_space<hbm>>) target(%dma_start3A_23 : memref<16xf32, #tpu.memory_space<vmem>>) target_semaphore(%run_scoped3A : memref<!tpu.dma_semaphore, #tpu.memory_space<semaphore_mem>>)
      %dma_wait3A = arith.constant 0 : i32
      %dma_wait3A_24 = tpu.memref_slice %arg19[%dma_wait3A] : memref<32xf32, #tpu.memory_space<vmem>> -> memref<16xf32, #tpu.memory_space<vmem>>
      %dma_wait3A_25 = arith.constant 0 : i32
      %dma_wait3A_26 = tpu.memref_slice %arg19[%dma_wait3A_25] : memref<32xf32, #tpu.memory_space<vmem>> -> memref<16xf32, #tpu.memory_space<vmem>>
      tpu.wait_dma2 semaphore(%run_scoped3A : memref<!tpu.dma_semaphore, #tpu.memory_space<semaphore_mem>>) src(%arg7 : memref<16xf32, #tpu.memory_space<hbm>>) dst(%dma_wait3A_26 : memref<16xf32, #tpu.memory_space<vmem>>)
      tpu.yield
    }) : () -> ()
    "tpu.region"() ({
      %run_scoped3A = tpu.sem_alloc : memref<!tpu.dma_semaphore, #tpu.memory_space<semaphore_mem>>
      %dma_start3A = arith.constant 16 : i32
      %dma_start3A_21 = tpu.memref_slice %arg19[%dma_start3A] : memref<32xf32, #tpu.memory_space<vmem>> -> memref<16xf32, #tpu.memory_space<vmem>>
      %dma_start3A_22 = arith.constant 16 : i32
      %dma_start3A_23 = tpu.memref_slice %arg19[%dma_start3A_22] : memref<32xf32, #tpu.memory_space<vmem>> -> memref<16xf32, #tpu.memory_space<vmem>>
      tpu.enqueue_dma source(%arg8 : memref<16xf32, #tpu.memory_space<hbm>>) target(%dma_start3A_23 : memref<16xf32, #tpu.memory_space<vmem>>) target_semaphore(%run_scoped3A : memref<!tpu.dma_semaphore, #tpu.memory_space<semaphore_mem>>)
      %dma_wait3A = arith.constant 16 : i32
      %dma_wait3A_24 = tpu.memref_slice %arg19[%dma_wait3A] : memref<32xf32, #tpu.memory_space<vmem>> -> memref<16xf32, #tpu.memory_space<vmem>>
      %dma_wait3A_25 = arith.constant 16 : i32
      %dma_wait3A_26 = tpu.memref_slice %arg19[%dma_wait3A_25] : memref<32xf32, #tpu.memory_space<vmem>> -> memref<16xf32, #tpu.memory_space<vmem>>
      tpu.wait_dma2 semaphore(%run_scoped3A : memref<!tpu.dma_semaphore, #tpu.memory_space<semaphore_mem>>) src(%arg8 : memref<16xf32, #tpu.memory_space<hbm>>) dst(%dma_wait3A_26 : memref<16xf32, #tpu.memory_space<vmem>>)
      tpu.yield
    }) : () -> ()
    %get3A = arith.constant 0 : index
    %get3A_3 = tpu.vector_load %arg19[%get3A] {strides = array<i32>} : memref<32xf32, #tpu.memory_space<vmem>>, vector<16xf32>,
    %get3A_4 = arith.constant 16 : index
    %get3A_5 = tpu.vector_load %arg19[%get3A_4] {strides = array<i32>} : memref<32xf32, #tpu.memory_space<vmem>>, vector<16xf32>,
    %convert_element_type3A = arith.fptosi %get3A_5 : vector<16xf32> to vector<16xi32>
    %scan3A = arith.constant 0 : i32
    %scan3A_6 = arith.constant 0 : i32
    %scan3A_7 = arith.constant 9 : i32
    %scan3A_8 = arith.addi %scan3A_6, %scan3A_7 : i32
    %scan3A_9 = arith.constant 1 : i32
    %scan3A_10 = scf.for %scan3A_21 = %scan3A_6 to %scan3A_8 step %scan3A_9 iter_args(%scan3A_22 = %scan3A) -> (i32)  : i32 {
      %mul3A_23 = arith.constant 16 : i32
      %mul3A_24 = arith.muli %scan3A_21, %mul3A_23 : i32
      %broadcast_in_dim3A_25 = arith.constant -3.000000e+09 : f32
      %broadcast_in_dim3A_26 = vector.broadcast %broadcast_in_dim3A_25 : f32 to vector<16xf32>
      %swap3A = arith.index_cast %mul3A_24 : i32 to index
      %swap3A_27 = tpu.vector_load %arg20[%swap3A] {strides = array<i32>} : memref<144xf32, #tpu.memory_space<vmem>>, vector<16xf32>,
      tpu.vector_store %arg20[%swap3A], %broadcast_in_dim3A_26 {strides = array<i32>} : memref<144xf32, #tpu.memory_space<vmem>>, vector<16xf32>,
      %broadcast_in_dim3A_28 = arith.constant 0.000000e+00 : f32
      %broadcast_in_dim3A_29 = vector.broadcast %broadcast_in_dim3A_28 : f32 to vector<16xf32>
      %swap3A_30 = arith.index_cast %mul3A_24 : i32 to index
      %swap3A_31 = tpu.vector_load %arg21[%swap3A_30] {strides = array<i32>} : memref<144xf32, #tpu.memory_space<vmem>>, vector<16xf32>,
      tpu.vector_store %arg21[%swap3A_30], %broadcast_in_dim3A_29 {strides = array<i32>} : memref<144xf32, #tpu.memory_space<vmem>>, vector<16xf32>,
      %broadcast_in_dim3A_32 = arith.constant 0.000000e+00 : f32
      %broadcast_in_dim3A_33 = vector.broadcast %broadcast_in_dim3A_32 : f32 to vector<16xf32>
      %swap3A_34 = arith.index_cast %mul3A_24 : i32 to index
      %swap3A_35 = tpu.vector_load %arg22[%swap3A_34] {strides = array<i32>} : memref<144xf32, #tpu.memory_space<vmem>>, vector<16xf32>,
      tpu.vector_store %arg22[%swap3A_34], %broadcast_in_dim3A_33 {strides = array<i32>} : memref<144xf32, #tpu.memory_space<vmem>>, vector<16xf32>,
      %broadcast_in_dim3A_36 = arith.constant 0.000000e+00 : f32
      %broadcast_in_dim3A_37 = vector.broadcast %broadcast_in_dim3A_36 : f32 to vector<16xf32>
      %swap3A_38 = arith.index_cast %mul3A_24 : i32 to index
      %swap3A_39 = tpu.vector_load %arg23[%swap3A_38] {strides = array<i32>} : memref<144xf32, #tpu.memory_space<vmem>>, vector<16xf32>,
      tpu.vector_store %arg23[%swap3A_38], %broadcast_in_dim3A_37 {strides = array<i32>} : memref<144xf32, #tpu.memory_space<vmem>>, vector<16xf32>,
      %broadcast_in_dim3A_40 = arith.constant 0.000000e+00 : f32
      %broadcast_in_dim3A_41 = vector.broadcast %broadcast_in_dim3A_40 : f32 to vector<16xf32>
      %swap3A_42 = arith.index_cast %mul3A_24 : i32 to index
      %swap3A_43 = tpu.vector_load %arg24[%swap3A_42] {strides = array<i32>} : memref<144xf32, #tpu.memory_space<vmem>>, vector<16xf32>,
      tpu.vector_store %arg24[%swap3A_42], %broadcast_in_dim3A_41 {strides = array<i32>} : memref<144xf32, #tpu.memory_space<vmem>>, vector<16xf32>,
      %scan3A_44 = arith.constant 0 : i32
      scf.yield %scan3A_44 : i32
    }
    %scan3A_11 = arith.constant 9 : i32
    %iota3A = tpu.iota {dimensions = array<i32: 0>} : vector<16xi32>
    %broadcast_in_dim3A = arith.constant 0 : i32
    %broadcast_in_dim3A_12 = vector.broadcast %broadcast_in_dim3A : i32 to vector<16xi32>
    %scan3A_13 = arith.constant 0 : i32
    %scan3A_14 = arith.constant 40 : i32
    %scan3A_15 = arith.addi %scan3A_13, %scan3A_14 : i32
    %scan3A_16 = arith.constant 1 : i32
    %scan3A_17 = scf.for %scan3A_21 = %scan3A_13 to %scan3A_15 step %scan3A_16 iter_args(%scan3A_22 = %broadcast_in_dim3A_12) -> (vector<16xi32>)  : i32 {
      %mul3A_23 = arith.constant 16 : i32
      %mul3A_24 = arith.muli %scan3A_21, %mul3A_23 : i32
      %get3A_25 = arith.index_cast %mul3A_24 : i32 to index
      %get3A_26 = tpu.vector_load %arg14[%get3A_25] {strides = array<i32>} : memref<640xf32, #tpu.memory_space<vmem>>, vector<16xf32>,
      %gt3A = arith.constant 5.000000e-02 : f32
      %gt3A_27 = vector.broadcast %gt3A : f32 to vector<16xf32>
      %gt3A_28 = arith.cmpf ogt, %get3A_26, %gt3A_27 : vector<16xf32>
      %jit3A = arith.constant -1.000000e+09 : f32
      %broadcast_in_dim3A_29 = vector.broadcast %jit3A : f32 to vector<16xf32>
      %select_n3A = arith.select %gt3A_28, %get3A_26, %broadcast_in_dim3A_29 : vector<16xi1>, vector<16xf32>
      %mul3A_30 = arith.constant 16 : i32
      %mul3A_31 = arith.muli %scan3A_21, %mul3A_30 : i32
      %add3A_32 = arith.addi %mul3A_2, %mul3A_31 : i32
      %add3A_33 = vector.broadcast %add3A_32 : i32 to vector<16xi32>
      %add3A_34 = arith.addi %iota3A, %add3A_33 : vector<16xi32>
      %get3A_35 = arith.constant 0 : index
      %get3A_36 = tpu.vector_load %arg19[%get3A_35] {strides = array<i32>} : memref<32xf32, #tpu.memory_space<vmem>>, vector<16xf32>,
      %get3A_37 = arith.constant 16 : index
      %get3A_38 = tpu.vector_load %arg19[%get3A_37] {strides = array<i32>} : memref<32xf32, #tpu.memory_space<vmem>>, vector<16xf32>,
      %convert_element_type3A_39 = arith.fptosi %get3A_38 : vector<16xf32> to vector<16xi32>
      %gt3A_40 = arith.cmpf ogt, %select_n3A, %get3A_36 : vector<16xf32>
      %eq3A = arith.cmpf oeq, %select_n3A, %get3A_36 : vector<16xf32>
      %lt3A = arith.cmpi slt, %add3A_34, %convert_element_type3A_39 : vector<16xi32>
      %and3A = arith.andi %eq3A, %lt3A : vector<16xi1>
      %or3A = arith.ori %gt3A_40, %and3A : vector<16xi1>
      %jit3A_41 = arith.constant 1 : i32
      %jit3A_42 = arith.constant 0 : i32
      %broadcast_in_dim3A_43 = vector.broadcast %jit3A_41 : i32 to vector<16xi32>
      %broadcast_in_dim3A_44 = vector.broadcast %jit3A_42 : i32 to vector<16xi32>
      %select_n3A_45 = arith.select %or3A, %broadcast_in_dim3A_43, %broadcast_in_dim3A_44 : vector<16xi1>, vector<16xi32>
      %sub3A = arith.constant 1 : i32
      %sub3A_46 = vector.broadcast %sub3A : i32 to vector<16xi32>
      %sub3A_47 = arith.subi %iota3A, %sub3A_46 : vector<16xi32>
      %max3A = arith.constant 0 : i32
      %max3A_48 = vector.broadcast %max3A : i32 to vector<16xi32>
      %max3A_49 = arith.maxsi %sub3A_47, %max3A_48 : vector<16xi32>
      %lt3A_50 = arith.constant 0 : i32
      %lt3A_51 = vector.broadcast %lt3A_50 : i32 to vector<16xi32>
      %lt3A_52 = arith.cmpi slt, %max3A_49, %lt3A_51 : vector<16xi32>
      %add3A_53 = arith.constant 16 : i32
      %add3A_54 = vector.broadcast %add3A_53 : i32 to vector<16xi32>
      %add3A_55 = arith.addi %max3A_49, %add3A_54 : vector<16xi32>
      %select_n3A_56 = arith.select %lt3A_52, %add3A_55, %max3A_49 : vector<16xi1>, vector<16xi32>
      %broadcast_in_dim3A_57 = vector.shape_cast %select_n3A_56 : vector<16xi32> to vector<16x1xi32>
      %gather3A = vector.shape_cast %broadcast_in_dim3A_57 : vector<16x1xi32> to vector<16xi32>
      %gather3A_58 = tpu.dynamic_gather %select_n3A_45[%gather3A] in [0] : vector<16xi32>, vector<16xi32> -> vector<16xi32>
      %ge3A = arith.constant 1 : i32
      %ge3A_59 = vector.broadcast %ge3A : i32 to vector<16xi32>
      %ge3A_60 = arith.cmpi sge, %iota3A, %ge3A_59 : vector<16xi32>
      %jit3A_61 = arith.constant 0 : i32
      %broadcast_in_dim3A_62 = vector.broadcast %jit3A_61 : i32 to vector<16xi32>
      %select_n3A_63 = arith.select %ge3A_60, %gather3A_58, %broadcast_in_dim3A_62 : vector<16xi1>, vector<16xi32>
      %add3A_64 = arith.addi %select_n3A_45, %select_n3A_63 : vector<16xi32>
      %sub3A_65 = arith.constant 2 : i32
      %sub3A_66 = vector.broadcast %sub3A_65 : i32 to vector<16xi32>
      %sub3A_67 = arith.subi %iota3A, %sub3A_66 : vector<16xi32>
      %max3A_68 = arith.constant 0 : i32
      %max3A_69 = vector.broadcast %max3A_68 : i32 to vector<16xi32>
      %max3A_70 = arith.maxsi %sub3A_67, %max3A_69 : vector<16xi32>
      %lt3A_71 = arith.constant 0 : i32
      %lt3A_72 = vector.broadcast %lt3A_71 : i32 to vector<16xi32>
      %lt3A_73 = arith.cmpi slt, %max3A_70, %lt3A_72 : vector<16xi32>
      %add3A_74 = arith.constant 16 : i32
      %add3A_75 = vector.broadcast %add3A_74 : i32 to vector<16xi32>
      %add3A_76 = arith.addi %max3A_70, %add3A_75 : vector<16xi32>
      %select_n3A_77 = arith.select %lt3A_73, %add3A_76, %max3A_70 : vector<16xi1>, vector<16xi32>
      %broadcast_in_dim3A_78 = vector.shape_cast %select_n3A_77 : vector<16xi32> to vector<16x1xi32>
      %gather3A_79 = vector.shape_cast %broadcast_in_dim3A_78 : vector<16x1xi32> to vector<16xi32>
      %gather3A_80 = tpu.dynamic_gather %add3A_64[%gather3A_79] in [0] : vector<16xi32>, vector<16xi32> -> vector<16xi32>
      %ge3A_81 = arith.constant 2 : i32
      %ge3A_82 = vector.broadcast %ge3A_81 : i32 to vector<16xi32>
      %ge3A_83 = arith.cmpi sge, %iota3A, %ge3A_82 : vector<16xi32>
      %jit3A_84 = arith.constant 0 : i32
      %broadcast_in_dim3A_85 = vector.broadcast %jit3A_84 : i32 to vector<16xi32>
      %select_n3A_86 = arith.select %ge3A_83, %gather3A_80, %broadcast_in_dim3A_85 : vector<16xi1>, vector<16xi32>
      %add3A_87 = arith.addi %add3A_64, %select_n3A_86 : vector<16xi32>
      %sub3A_88 = arith.constant 4 : i32
      %sub3A_89 = vector.broadcast %sub3A_88 : i32 to vector<16xi32>
      %sub3A_90 = arith.subi %iota3A, %sub3A_89 : vector<16xi32>
      %max3A_91 = arith.constant 0 : i32
      %max3A_92 = vector.broadcast %max3A_91 : i32 to vector<16xi32>
      %max3A_93 = arith.maxsi %sub3A_90, %max3A_92 : vector<16xi32>
      %lt3A_94 = arith.constant 0 : i32
      %lt3A_95 = vector.broadcast %lt3A_94 : i32 to vector<16xi32>
      %lt3A_96 = arith.cmpi slt, %max3A_93, %lt3A_95 : vector<16xi32>
      %add3A_97 = arith.constant 16 : i32
      %add3A_98 = vector.broadcast %add3A_97 : i32 to vector<16xi32>
      %add3A_99 = arith.addi %max3A_93, %add3A_98 : vector<16xi32>
      %select_n3A_100 = arith.select %lt3A_96, %add3A_99, %max3A_93 : vector<16xi1>, vector<16xi32>
      %broadcast_in_dim3A_101 = vector.shape_cast %select_n3A_100 : vector<16xi32> to vector<16x1xi32>
      %gather3A_102 = vector.shape_cast %broadcast_in_dim3A_101 : vector<16x1xi32> to vector<16xi32>
      %gather3A_103 = tpu.dynamic_gather %add3A_87[%gather3A_102] in [0] : vector<16xi32>, vector<16xi32> -> vector<16xi32>
      %ge3A_104 = arith.constant 4 : i32
      %ge3A_105 = vector.broadcast %ge3A_104 : i32 to vector<16xi32>
      %ge3A_106 = arith.cmpi sge, %iota3A, %ge3A_105 : vector<16xi32>
      %jit3A_107 = arith.constant 0 : i32
      %broadcast_in_dim3A_108 = vector.broadcast %jit3A_107 : i32 to vector<16xi32>
      %select_n3A_109 = arith.select %ge3A_106, %gather3A_103, %broadcast_in_dim3A_108 : vector<16xi1>, vector<16xi32>
      %add3A_110 = arith.addi %add3A_87, %select_n3A_109 : vector<16xi32>
      %sub3A_111 = arith.constant 8 : i32
      %sub3A_112 = vector.broadcast %sub3A_111 : i32 to vector<16xi32>
      %sub3A_113 = arith.subi %iota3A, %sub3A_112 : vector<16xi32>
      %max3A_114 = arith.constant 0 : i32
      %max3A_115 = vector.broadcast %max3A_114 : i32 to vector<16xi32>
      %max3A_116 = arith.maxsi %sub3A_113, %max3A_115 : vector<16xi32>
      %lt3A_117 = arith.constant 0 : i32
      %lt3A_118 = vector.broadcast %lt3A_117 : i32 to vector<16xi32>
      %lt3A_119 = arith.cmpi slt, %max3A_116, %lt3A_118 : vector<16xi32>
      %add3A_120 = arith.constant 16 : i32
      %add3A_121 = vector.broadcast %add3A_120 : i32 to vector<16xi32>
      %add3A_122 = arith.addi %max3A_116, %add3A_121 : vector<16xi32>
      %select_n3A_123 = arith.select %lt3A_119, %add3A_122, %max3A_116 : vector<16xi1>, vector<16xi32>
      %broadcast_in_dim3A_124 = vector.shape_cast %select_n3A_123 : vector<16xi32> to vector<16x1xi32>
      %gather3A_125 = vector.shape_cast %broadcast_in_dim3A_124 : vector<16x1xi32> to vector<16xi32>
      %gather3A_126 = tpu.dynamic_gather %add3A_110[%gather3A_125] in [0] : vector<16xi32>, vector<16xi32> -> vector<16xi32>
      %ge3A_127 = arith.constant 8 : i32
      %ge3A_128 = vector.broadcast %ge3A_127 : i32 to vector<16xi32>
      %ge3A_129 = arith.cmpi sge, %iota3A, %ge3A_128 : vector<16xi32>
      %jit3A_130 = arith.constant 0 : i32
      %broadcast_in_dim3A_131 = vector.broadcast %jit3A_130 : i32 to vector<16xi32>
      %select_n3A_132 = arith.select %ge3A_129, %gather3A_126, %broadcast_in_dim3A_131 : vector<16xi1>, vector<16xi32>
      %add3A_133 = arith.addi %add3A_110, %select_n3A_132 : vector<16xi32>
      %sub3A_134 = arith.constant 1 : i32
      %sub3A_135 = vector.broadcast %sub3A_134 : i32 to vector<16xi32>
      %sub3A_136 = arith.subi %add3A_133, %sub3A_135 : vector<16xi32>
      %add3A_137 = arith.addi %scan3A_22, %sub3A_136 : vector<16xi32>
      %jit3A_138 = arith.constant 128 : i32
      %broadcast_in_dim3A_139 = vector.broadcast %jit3A_138 : i32 to vector<16xi32>
      %select_n3A_140 = arith.select %or3A, %add3A_137, %broadcast_in_dim3A_139 : vector<16xi1>, vector<16xi32>
      %min3A = arith.constant 128 : i32
      %min3A_141 = vector.broadcast %min3A : i32 to vector<16xi32>
      %min3A_142 = arith.minsi %select_n3A_140, %min3A_141 : vector<16xi32>
      tpu.vector_store_idx %arg20[%min3A_142], %select_n3A : memref<144xf32, #tpu.memory_space<vmem>>[vector<16xi32>], vector<16xf32>,
      %get3A_143 = arith.index_cast %mul3A_24 : i32 to index
      %get3A_144 = tpu.vector_load %arg15[%get3A_143] {strides = array<i32>} : memref<640xf32, #tpu.memory_space<vmem>>, vector<16xf32>,
      tpu.vector_store_idx %arg21[%min3A_142], %get3A_144 : memref<144xf32, #tpu.memory_space<vmem>>[vector<16xi32>], vector<16xf32>,
      %get3A_145 = arith.index_cast %mul3A_24 : i32 to index
      %get3A_146 = tpu.vector_load %arg16[%get3A_145] {strides = array<i32>} : memref<640xf32, #tpu.memory_space<vmem>>, vector<16xf32>,
      tpu.vector_store_idx %arg22[%min3A_142], %get3A_146 : memref<144xf32, #tpu.memory_space<vmem>>[vector<16xi32>], vector<16xf32>,
      %get3A_147 = arith.index_cast %mul3A_24 : i32 to index
      %get3A_148 = tpu.vector_load %arg17[%get3A_147] {strides = array<i32>} : memref<640xf32, #tpu.memory_space<vmem>>, vector<16xf32>,
      tpu.vector_store_idx %arg23[%min3A_142], %get3A_148 : memref<144xf32, #tpu.memory_space<vmem>>[vector<16xi32>], vector<16xf32>,
      %get3A_149 = arith.index_cast %mul3A_24 : i32 to index
      %get3A_150 = tpu.vector_load %arg18[%get3A_149] {strides = array<i32>} : memref<640xf32, #tpu.memory_space<vmem>>, vector<16xf32>,
      tpu.vector_store_idx %arg24[%min3A_142], %get3A_150 : memref<144xf32, #tpu.memory_space<vmem>>[vector<16xi32>], vector<16xf32>,
      %all_reduce_population_count3A = tpu.all_reduce %or3A {dim = 0 : i64, kind = #tpu.reduction_kind<sum>} : vector<16xi1> -> vector<16xi32>
      %add3A_151 = arith.addi %scan3A_22, %all_reduce_population_count3A : vector<16xi32>
      %broadcast_in_dim3A_152 = arith.constant 128 : i32
      %broadcast_in_dim3A_153 = vector.broadcast %broadcast_in_dim3A_152 : i32 to vector<16xi32>
      %min3A_154 = arith.minsi %add3A_151, %broadcast_in_dim3A_153 : vector<16xi32>
      scf.yield %min3A_154 : vector<16xi32>
    }
    %scan3A_18 = arith.constant 40 : i32
    %mul3A_19 = arith.constant 128 : i32
    %mul3A_20 = arith.muli %add3A, %mul3A_19 : i32
    "tpu.region"() ({
      %run_scoped3A = tpu.sem_alloc : memref<!tpu.dma_semaphore, #tpu.memory_space<semaphore_mem>>
      %dma_start3A = arith.constant 0 : i32
      %dma_start3A_21 = tpu.memref_slice %arg20[%dma_start3A] : memref<144xf32, #tpu.memory_space<vmem>> -> memref<128xf32, #tpu.memory_space<vmem>>
      %dma_start3A_22 = tpu.memref_slice %arg9[%mul3A_20] : memref<4096xf32, #tpu.memory_space<hbm>> -> memref<128xf32, #tpu.memory_space<hbm>>
      %dma_start3A_23 = tpu.memref_slice %arg9[%mul3A_20] : memref<4096xf32, #tpu.memory_space<hbm>> -> memref<128xf32, #tpu.memory_space<hbm>>
      %dma_start3A_24 = arith.constant 0 : i32
      %dma_start3A_25 = tpu.memref_slice %arg20[%dma_start3A_24] : memref<144xf32, #tpu.memory_space<vmem>> -> memref<128xf32, #tpu.memory_space<vmem>>
      tpu.enqueue_dma source(%dma_start3A_25 : memref<128xf32, #tpu.memory_space<vmem>>) target(%dma_start3A_23 : memref<128xf32, #tpu.memory_space<hbm>>) target_semaphore(%run_scoped3A : memref<!tpu.dma_semaphore, #tpu.memory_space<semaphore_mem>>)
      %dma_wait3A = arith.constant 0 : i32
      %dma_wait3A_26 = tpu.memref_slice %arg20[%dma_wait3A] : memref<144xf32, #tpu.memory_space<vmem>> -> memref<128xf32, #tpu.memory_space<vmem>>
      %dma_wait3A_27 = tpu.memref_slice %arg9[%mul3A_20] : memref<4096xf32, #tpu.memory_space<hbm>> -> memref<128xf32, #tpu.memory_space<hbm>>
      %dma_wait3A_28 = tpu.memref_slice %arg9[%mul3A_20] : memref<4096xf32, #tpu.memory_space<hbm>> -> memref<128xf32, #tpu.memory_space<hbm>>
      %dma_wait3A_29 = arith.constant 0 : i32
      %dma_wait3A_30 = tpu.memref_slice %arg20[%dma_wait3A_29] : memref<144xf32, #tpu.memory_space<vmem>> -> memref<128xf32, #tpu.memory_space<vmem>>
      tpu.wait_dma2 semaphore(%run_scoped3A : memref<!tpu.dma_semaphore, #tpu.memory_space<semaphore_mem>>) src(%dma_wait3A_30 : memref<128xf32, #tpu.memory_space<vmem>>) dst(%dma_wait3A_28 : memref<128xf32, #tpu.memory_space<hbm>>)
      tpu.yield
    }) : () -> ()
    "tpu.region"() ({
      %run_scoped3A = tpu.sem_alloc : memref<!tpu.dma_semaphore, #tpu.memory_space<semaphore_mem>>
      %dma_start3A = arith.constant 0 : i32
      %dma_start3A_21 = tpu.memref_slice %arg21[%dma_start3A] : memref<144xf32, #tpu.memory_space<vmem>> -> memref<128xf32, #tpu.memory_space<vmem>>
      %dma_start3A_22 = tpu.memref_slice %arg10[%mul3A_20] : memref<4096xf32, #tpu.memory_space<hbm>> -> memref<128xf32, #tpu.memory_space<hbm>>
      %dma_start3A_23 = tpu.memref_slice %arg10[%mul3A_20] : memref<4096xf32, #tpu.memory_space<hbm>> -> memref<128xf32, #tpu.memory_space<hbm>>
      %dma_start3A_24 = arith.constant 0 : i32
      %dma_start3A_25 = tpu.memref_slice %arg21[%dma_start3A_24] : memref<144xf32, #tpu.memory_space<vmem>> -> memref<128xf32, #tpu.memory_space<vmem>>
      tpu.enqueue_dma source(%dma_start3A_25 : memref<128xf32, #tpu.memory_space<vmem>>) target(%dma_start3A_23 : memref<128xf32, #tpu.memory_space<hbm>>) target_semaphore(%run_scoped3A : memref<!tpu.dma_semaphore, #tpu.memory_space<semaphore_mem>>)
      %dma_wait3A = arith.constant 0 : i32
      %dma_wait3A_26 = tpu.memref_slice %arg21[%dma_wait3A] : memref<144xf32, #tpu.memory_space<vmem>> -> memref<128xf32, #tpu.memory_space<vmem>>
      %dma_wait3A_27 = tpu.memref_slice %arg10[%mul3A_20] : memref<4096xf32, #tpu.memory_space<hbm>> -> memref<128xf32, #tpu.memory_space<hbm>>
      %dma_wait3A_28 = tpu.memref_slice %arg10[%mul3A_20] : memref<4096xf32, #tpu.memory_space<hbm>> -> memref<128xf32, #tpu.memory_space<hbm>>
      %dma_wait3A_29 = arith.constant 0 : i32
      %dma_wait3A_30 = tpu.memref_slice %arg21[%dma_wait3A_29] : memref<144xf32, #tpu.memory_space<vmem>> -> memref<128xf32, #tpu.memory_space<vmem>>
      tpu.wait_dma2 semaphore(%run_scoped3A : memref<!tpu.dma_semaphore, #tpu.memory_space<semaphore_mem>>) src(%dma_wait3A_30 : memref<128xf32, #tpu.memory_space<vmem>>) dst(%dma_wait3A_28 : memref<128xf32, #tpu.memory_space<hbm>>)
      tpu.yield
    }) : () -> ()
    "tpu.region"() ({
      %run_scoped3A = tpu.sem_alloc : memref<!tpu.dma_semaphore, #tpu.memory_space<semaphore_mem>>
      %dma_start3A = arith.constant 0 : i32
      %dma_start3A_21 = tpu.memref_slice %arg22[%dma_start3A] : memref<144xf32, #tpu.memory_space<vmem>> -> memref<128xf32, #tpu.memory_space<vmem>>
      %dma_start3A_22 = tpu.memref_slice %arg11[%mul3A_20] : memref<4096xf32, #tpu.memory_space<hbm>> -> memref<128xf32, #tpu.memory_space<hbm>>
      %dma_start3A_23 = tpu.memref_slice %arg11[%mul3A_20] : memref<4096xf32, #tpu.memory_space<hbm>> -> memref<128xf32, #tpu.memory_space<hbm>>
      %dma_start3A_24 = arith.constant 0 : i32
      %dma_start3A_25 = tpu.memref_slice %arg22[%dma_start3A_24] : memref<144xf32, #tpu.memory_space<vmem>> -> memref<128xf32, #tpu.memory_space<vmem>>
      tpu.enqueue_dma source(%dma_start3A_25 : memref<128xf32, #tpu.memory_space<vmem>>) target(%dma_start3A_23 : memref<128xf32, #tpu.memory_space<hbm>>) target_semaphore(%run_scoped3A : memref<!tpu.dma_semaphore, #tpu.memory_space<semaphore_mem>>)
      %dma_wait3A = arith.constant 0 : i32
      %dma_wait3A_26 = tpu.memref_slice %arg22[%dma_wait3A] : memref<144xf32, #tpu.memory_space<vmem>> -> memref<128xf32, #tpu.memory_space<vmem>>
      %dma_wait3A_27 = tpu.memref_slice %arg11[%mul3A_20] : memref<4096xf32, #tpu.memory_space<hbm>> -> memref<128xf32, #tpu.memory_space<hbm>>
      %dma_wait3A_28 = tpu.memref_slice %arg11[%mul3A_20] : memref<4096xf32, #tpu.memory_space<hbm>> -> memref<128xf32, #tpu.memory_space<hbm>>
      %dma_wait3A_29 = arith.constant 0 : i32
      %dma_wait3A_30 = tpu.memref_slice %arg22[%dma_wait3A_29] : memref<144xf32, #tpu.memory_space<vmem>> -> memref<128xf32, #tpu.memory_space<vmem>>
      tpu.wait_dma2 semaphore(%run_scoped3A : memref<!tpu.dma_semaphore, #tpu.memory_space<semaphore_mem>>) src(%dma_wait3A_30 : memref<128xf32, #tpu.memory_space<vmem>>) dst(%dma_wait3A_28 : memref<128xf32, #tpu.memory_space<hbm>>)
      tpu.yield
    }) : () -> ()
    "tpu.region"() ({
      %run_scoped3A = tpu.sem_alloc : memref<!tpu.dma_semaphore, #tpu.memory_space<semaphore_mem>>
      %dma_start3A = arith.constant 0 : i32
      %dma_start3A_21 = tpu.memref_slice %arg23[%dma_start3A] : memref<144xf32, #tpu.memory_space<vmem>> -> memref<128xf32, #tpu.memory_space<vmem>>
      %dma_start3A_22 = tpu.memref_slice %arg12[%mul3A_20] : memref<4096xf32, #tpu.memory_space<hbm>> -> memref<128xf32, #tpu.memory_space<hbm>>
      %dma_start3A_23 = tpu.memref_slice %arg12[%mul3A_20] : memref<4096xf32, #tpu.memory_space<hbm>> -> memref<128xf32, #tpu.memory_space<hbm>>
      %dma_start3A_24 = arith.constant 0 : i32
      %dma_start3A_25 = tpu.memref_slice %arg23[%dma_start3A_24] : memref<144xf32, #tpu.memory_space<vmem>> -> memref<128xf32, #tpu.memory_space<vmem>>
      tpu.enqueue_dma source(%dma_start3A_25 : memref<128xf32, #tpu.memory_space<vmem>>) target(%dma_start3A_23 : memref<128xf32, #tpu.memory_space<hbm>>) target_semaphore(%run_scoped3A : memref<!tpu.dma_semaphore, #tpu.memory_space<semaphore_mem>>)
      %dma_wait3A = arith.constant 0 : i32
      %dma_wait3A_26 = tpu.memref_slice %arg23[%dma_wait3A] : memref<144xf32, #tpu.memory_space<vmem>> -> memref<128xf32, #tpu.memory_space<vmem>>
      %dma_wait3A_27 = tpu.memref_slice %arg12[%mul3A_20] : memref<4096xf32, #tpu.memory_space<hbm>> -> memref<128xf32, #tpu.memory_space<hbm>>
      %dma_wait3A_28 = tpu.memref_slice %arg12[%mul3A_20] : memref<4096xf32, #tpu.memory_space<hbm>> -> memref<128xf32, #tpu.memory_space<hbm>>
      %dma_wait3A_29 = arith.constant 0 : i32
      %dma_wait3A_30 = tpu.memref_slice %arg23[%dma_wait3A_29] : memref<144xf32, #tpu.memory_space<vmem>> -> memref<128xf32, #tpu.memory_space<vmem>>
      tpu.wait_dma2 semaphore(%run_scoped3A : memref<!tpu.dma_semaphore, #tpu.memory_space<semaphore_mem>>) src(%dma_wait3A_30 : memref<128xf32, #tpu.memory_space<vmem>>) dst(%dma_wait3A_28 : memref<128xf32, #tpu.memory_space<hbm>>)
      tpu.yield
    }) : () -> ()
    "tpu.region"() ({
      %run_scoped3A = tpu.sem_alloc : memref<!tpu.dma_semaphore, #tpu.memory_space<semaphore_mem>>
      %dma_start3A = arith.constant 0 : i32
      %dma_start3A_21 = tpu.memref_slice %arg24[%dma_start3A] : memref<144xf32, #tpu.memory_space<vmem>> -> memref<128xf32, #tpu.memory_space<vmem>>
      %dma_start3A_22 = tpu.memref_slice %arg13[%mul3A_20] : memref<4096xf32, #tpu.memory_space<hbm>> -> memref<128xf32, #tpu.memory_space<hbm>>
      %dma_start3A_23 = tpu.memref_slice %arg13[%mul3A_20] : memref<4096xf32, #tpu.memory_space<hbm>> -> memref<128xf32, #tpu.memory_space<hbm>>
      %dma_start3A_24 = arith.constant 0 : i32
      %dma_start3A_25 = tpu.memref_slice %arg24[%dma_start3A_24] : memref<144xf32, #tpu.memory_space<vmem>> -> memref<128xf32, #tpu.memory_space<vmem>>
      tpu.enqueue_dma source(%dma_start3A_25 : memref<128xf32, #tpu.memory_space<vmem>>) target(%dma_start3A_23 : memref<128xf32, #tpu.memory_space<hbm>>) target_semaphore(%run_scoped3A : memref<!tpu.dma_semaphore, #tpu.memory_space<semaphore_mem>>)
      %dma_wait3A = arith.constant 0 : i32
      %dma_wait3A_26 = tpu.memref_slice %arg24[%dma_wait3A] : memref<144xf32, #tpu.memory_space<vmem>> -> memref<128xf32, #tpu.memory_space<vmem>>
      %dma_wait3A_27 = tpu.memref_slice %arg13[%mul3A_20] : memref<4096xf32, #tpu.memory_space<hbm>> -> memref<128xf32, #tpu.memory_space<hbm>>
      %dma_wait3A_28 = tpu.memref_slice %arg13[%mul3A_20] : memref<4096xf32, #tpu.memory_space<hbm>> -> memref<128xf32, #tpu.memory_space<hbm>>
      %dma_wait3A_29 = arith.constant 0 : i32
      %dma_wait3A_30 = tpu.memref_slice %arg24[%dma_wait3A_29] : memref<144xf32, #tpu.memory_space<vmem>> -> memref<128xf32, #tpu.memory_space<vmem>>
      tpu.wait_dma2 semaphore(%run_scoped3A : memref<!tpu.dma_semaphore, #tpu.memory_space<semaphore_mem>>) src(%dma_wait3A_30 : memref<128xf32, #tpu.memory_space<vmem>>) dst(%dma_wait3A_28 : memref<128xf32, #tpu.memory_space<hbm>>)
      tpu.yield
    }) : () -> ()
    return
  }
}

module attributes {stable_mosaic.version = 14 : i64} {
  func.func @_search_body(%arg0: memref<160x128xf32, #tpu.memory_space<vmem>>, %arg1: memref<8x128xf32, #tpu.memory_space<vmem>>) attributes {dimension_semantics = [], scalar_prefetch = 0 : i64, scratch_operands = 0 : i64, tpu.core_type = #tpu.core_type<tc>} {
    %get3A = arith.constant 0 : index
    %get3A_0 = arith.constant 0 : index
    %get3A_1 = vector.load %arg0[%get3A, %get3A_0] : memref<160x128xf32, #tpu.memory_space<vmem>>, vector<160x128xf32>
    %gt3A = arith.constant 5.000000e-02 : f32
    %gt3A_2 = vector.broadcast %gt3A : f32 to vector<160x128xf32>
    %gt3A_3 = arith.cmpf ogt, %get3A_1, %gt3A_2 : vector<160x128xf32>
    %jit3A = arith.constant -1.000000e+09 : f32
    %broadcast_in_dim3A = vector.broadcast %jit3A : f32 to vector<160x128xf32>
    %select_n3A = arith.select %gt3A_3, %get3A_1, %broadcast_in_dim3A : vector<160x128xi1>, vector<160x128xf32>
    %bitcast_convert_type3A = tpu.bitcast %select_n3A : vector<160x128xf32> -> vector<160x128xi32>
    %iota3A = tpu.iota {dimensions = array<i32: 0>} : vector<160x128xi32>
    %iota3A_4 = tpu.iota {dimensions = array<i32: 1>} : vector<160x128xi32>
    %mul3A = arith.constant 128 : i32
    %mul3A_5 = vector.broadcast %mul3A : i32 to vector<160x128xi32>
    %mul3A_6 = arith.muli %iota3A, %mul3A_5 : vector<160x128xi32>
    %add3A = arith.addi %mul3A_6, %iota3A_4 : vector<160x128xi32>
    %bitcast_convert_type3A_7 = arith.constant 4.000000e-02 : f32
    %bitcast_convert_type3A_8 = arith.bitcast %bitcast_convert_type3A_7 : f32 to i32
    %bitcast_convert_type3A_9 = arith.constant 1.500000e+00 : f32
    %bitcast_convert_type3A_10 = arith.bitcast %bitcast_convert_type3A_9 : f32 to i32
    %scan3A = arith.constant 0 : i32
    %scan3A_11 = arith.constant 26 : i32
    %scan3A_12 = arith.addi %scan3A, %scan3A_11 : i32
    %scan3A_13 = arith.constant 1 : i32
    %scan3A_14:2 = scf.for %scan3A_43 = %scan3A to %scan3A_12 step %scan3A_13 iter_args(%scan3A_44 = %bitcast_convert_type3A_8, %scan3A_45 = %bitcast_convert_type3A_10) -> (i32, i32)  : i32 {
      %add3A_46 = arith.addi %scan3A_44, %scan3A_45 : i32
      %jit3A_47 = arith.constant 2 : i32
      %div3A = arith.divsi %add3A_46, %jit3A_47 : i32
      %sign3A = arith.constant 0 : i32
      %sign3A_48 = arith.cmpi sgt, %add3A_46, %sign3A : i32
      %sign3A_49 = arith.extui %sign3A_48 : i1 to i32
      %sign3A_50 = arith.constant 0 : i32
      %sign3A_51 = arith.cmpi slt, %add3A_46, %sign3A_50 : i32
      %sign3A_52 = arith.extui %sign3A_51 : i1 to i32
      %sign3A_53 = arith.subi %sign3A_49, %sign3A_52 : i32
      %sign3A_54 = arith.constant 0 : i32
      %sign3A_55 = arith.cmpi sgt, %jit3A_47, %sign3A_54 : i32
      %sign3A_56 = arith.extui %sign3A_55 : i1 to i32
      %sign3A_57 = arith.constant 0 : i32
      %sign3A_58 = arith.cmpi slt, %jit3A_47, %sign3A_57 : i32
      %sign3A_59 = arith.extui %sign3A_58 : i1 to i32
      %sign3A_60 = arith.subi %sign3A_56, %sign3A_59 : i32
      %ne3A = arith.cmpi ne, %sign3A_53, %sign3A_60 : i32
      %rem3A = arith.remsi %add3A_46, %jit3A_47 : i32
      %ne3A_61 = arith.constant 0 : i32
      %ne3A_62 = arith.cmpi ne, %rem3A, %ne3A_61 : i32
      %and3A = arith.andi %ne3A, %ne3A_62 : i1
      %sub3A_63 = arith.constant 1 : i32
      %sub3A_64 = arith.subi %div3A, %sub3A_63 : i32
      %select_n3A_65 = arith.select %and3A, %sub3A_64, %div3A : i32
      %ge3A = vector.broadcast %select_n3A_65 : i32 to vector<160x128xi32>
      %ge3A_66 = arith.cmpi sge, %bitcast_convert_type3A, %ge3A : vector<160x128xi32>
      %jit3A_67 = arith.constant 1 : i32
      %jit3A_68 = arith.constant 0 : i32
      %broadcast_in_dim3A_69 = vector.broadcast %jit3A_67 : i32 to vector<160x128xi32>
      %broadcast_in_dim3A_70 = vector.broadcast %jit3A_68 : i32 to vector<160x128xi32>
      %select_n3A_71 = arith.select %ge3A_66, %broadcast_in_dim3A_69, %broadcast_in_dim3A_70 : vector<160x128xi1>, vector<160x128xi32>
      %reduce_sum3A_72 = vector.shape_cast %select_n3A_71 : vector<160x128xi32> to vector<1x160x128xi32>
      %reduce_sum3A_73 = arith.constant dense<0> : vector<1xi32>
      %reduce_sum3A_74 = vector.multi_reduction <add>, %reduce_sum3A_72, %reduce_sum3A_73 [1, 2] : vector<1x160x128xi32> to vector<1xi32>
      %reduce_sum3A_75 = vector.shape_cast %reduce_sum3A_74 : vector<1xi32> to vector<1x1x1xi32>
      %reduce_sum3A_76 = vector.extract %reduce_sum3A_75[0, 0, 0] : i32 from vector<1x1x1xi32>
      %ge3A_77 = arith.constant 2000 : i32
      %ge3A_78 = arith.cmpi sge, %reduce_sum3A_76, %ge3A_77 : i32
      %select_n3A_79 = arith.select %ge3A_78, %select_n3A_65, %scan3A_44 : i32
      %select_n3A_80 = arith.select %ge3A_78, %scan3A_45, %select_n3A_65 : i32
      scf.yield %select_n3A_79, %select_n3A_80 : i32, i32
    }
    %gt3A_15 = vector.broadcast %scan3A_14#0 : i32 to vector<160x128xi32>
    %gt3A_16 = arith.cmpi sgt, %bitcast_convert_type3A, %gt3A_15 : vector<160x128xi32>
    %jit3A_17 = arith.constant 1 : i32
    %jit3A_18 = arith.constant 0 : i32
    %broadcast_in_dim3A_19 = vector.broadcast %jit3A_17 : i32 to vector<160x128xi32>
    %broadcast_in_dim3A_20 = vector.broadcast %jit3A_18 : i32 to vector<160x128xi32>
    %select_n3A_21 = arith.select %gt3A_16, %broadcast_in_dim3A_19, %broadcast_in_dim3A_20 : vector<160x128xi1>, vector<160x128xi32>
    %reduce_sum3A = vector.shape_cast %select_n3A_21 : vector<160x128xi32> to vector<1x160x128xi32>
    %reduce_sum3A_22 = arith.constant dense<0> : vector<1xi32>
    %reduce_sum3A_23 = vector.multi_reduction <add>, %reduce_sum3A, %reduce_sum3A_22 [1, 2] : vector<1x160x128xi32> to vector<1xi32>
    %reduce_sum3A_24 = vector.shape_cast %reduce_sum3A_23 : vector<1xi32> to vector<1x1x1xi32>
    %reduce_sum3A_25 = vector.extract %reduce_sum3A_24[0, 0, 0] : i32 from vector<1x1x1xi32>
    %sub3A = arith.constant 2000 : i32
    %sub3A_26 = arith.subi %sub3A, %reduce_sum3A_25 : i32
    %scan3A_27 = arith.constant 0 : i32
    %scan3A_28 = arith.constant 20480 : i32
    %scan3A_29 = arith.constant 0 : i32
    %scan3A_30 = arith.constant 15 : i32
    %scan3A_31 = arith.addi %scan3A_29, %scan3A_30 : i32
    %scan3A_32 = arith.constant 1 : i32
    %scan3A_33:2 = scf.for %scan3A_43 = %scan3A_29 to %scan3A_31 step %scan3A_32 iter_args(%scan3A_44 = %scan3A_27, %scan3A_45 = %scan3A_28) -> (i32, i32)  : i32 {
      %add3A_46 = arith.addi %scan3A_44, %scan3A_45 : i32
      %jit3A_47 = arith.constant 2 : i32
      %div3A = arith.divsi %add3A_46, %jit3A_47 : i32
      %sign3A = arith.constant 0 : i32
      %sign3A_48 = arith.cmpi sgt, %add3A_46, %sign3A : i32
      %sign3A_49 = arith.extui %sign3A_48 : i1 to i32
      %sign3A_50 = arith.constant 0 : i32
      %sign3A_51 = arith.cmpi slt, %add3A_46, %sign3A_50 : i32
      %sign3A_52 = arith.extui %sign3A_51 : i1 to i32
      %sign3A_53 = arith.subi %sign3A_49, %sign3A_52 : i32
      %sign3A_54 = arith.constant 0 : i32
      %sign3A_55 = arith.cmpi sgt, %jit3A_47, %sign3A_54 : i32
      %sign3A_56 = arith.extui %sign3A_55 : i1 to i32
      %sign3A_57 = arith.constant 0 : i32
      %sign3A_58 = arith.cmpi slt, %jit3A_47, %sign3A_57 : i32
      %sign3A_59 = arith.extui %sign3A_58 : i1 to i32
      %sign3A_60 = arith.subi %sign3A_56, %sign3A_59 : i32
      %ne3A = arith.cmpi ne, %sign3A_53, %sign3A_60 : i32
      %rem3A = arith.remsi %add3A_46, %jit3A_47 : i32
      %ne3A_61 = arith.constant 0 : i32
      %ne3A_62 = arith.cmpi ne, %rem3A, %ne3A_61 : i32
      %and3A = arith.andi %ne3A, %ne3A_62 : i1
      %sub3A_63 = arith.constant 1 : i32
      %sub3A_64 = arith.subi %div3A, %sub3A_63 : i32
      %select_n3A_65 = arith.select %and3A, %sub3A_64, %div3A : i32
      %eq3A_66 = vector.broadcast %scan3A_14#0 : i32 to vector<160x128xi32>
      %eq3A_67 = arith.cmpi eq, %bitcast_convert_type3A, %eq3A_66 : vector<160x128xi32>
      %lt3A = vector.broadcast %select_n3A_65 : i32 to vector<160x128xi32>
      %lt3A_68 = arith.cmpi slt, %add3A, %lt3A : vector<160x128xi32>
      %and3A_69 = arith.andi %eq3A_67, %lt3A_68 : vector<160x128xi1>
      %jit3A_70 = arith.constant 1 : i32
      %jit3A_71 = arith.constant 0 : i32
      %broadcast_in_dim3A_72 = vector.broadcast %jit3A_70 : i32 to vector<160x128xi32>
      %broadcast_in_dim3A_73 = vector.broadcast %jit3A_71 : i32 to vector<160x128xi32>
      %select_n3A_74 = arith.select %and3A_69, %broadcast_in_dim3A_72, %broadcast_in_dim3A_73 : vector<160x128xi1>, vector<160x128xi32>
      %reduce_sum3A_75 = vector.shape_cast %select_n3A_74 : vector<160x128xi32> to vector<1x160x128xi32>
      %reduce_sum3A_76 = arith.constant dense<0> : vector<1xi32>
      %reduce_sum3A_77 = vector.multi_reduction <add>, %reduce_sum3A_75, %reduce_sum3A_76 [1, 2] : vector<1x160x128xi32> to vector<1xi32>
      %reduce_sum3A_78 = vector.shape_cast %reduce_sum3A_77 : vector<1xi32> to vector<1x1x1xi32>
      %reduce_sum3A_79 = vector.extract %reduce_sum3A_78[0, 0, 0] : i32 from vector<1x1x1xi32>
      %ge3A = arith.cmpi sge, %reduce_sum3A_79, %sub3A_26 : i32
      %select_n3A_80 = arith.select %ge3A, %scan3A_44, %select_n3A_65 : i32
      %select_n3A_81 = arith.select %ge3A, %select_n3A_65, %scan3A_45 : i32
      scf.yield %select_n3A_80, %select_n3A_81 : i32, i32
    }
    %iota3A_34 = tpu.iota {dimensions = array<i32: 0>} : vector<8x128xi32>
    %bitcast_convert_type3A_35 = arith.bitcast %scan3A_14#0 : i32 to f32
    %eq3A = arith.constant 0 : i32
    %eq3A_36 = vector.broadcast %eq3A : i32 to vector<8x128xi32>
    %eq3A_37 = arith.cmpi eq, %iota3A_34, %eq3A_36 : vector<8x128xi32>
    %convert_element_type3A = arith.sitofp %scan3A_33#1 : i32 to f32
    %broadcast_in_dim3A_38 = vector.broadcast %bitcast_convert_type3A_35 : f32 to vector<8x128xf32>
    %broadcast_in_dim3A_39 = vector.broadcast %convert_element_type3A : f32 to vector<8x128xf32>
    %select_n3A_40 = arith.select %eq3A_37, %broadcast_in_dim3A_38, %broadcast_in_dim3A_39 : vector<8x128xi1>, vector<8x128xf32>
    %swap3A = arith.constant 0 : index
    %swap3A_41 = arith.constant 0 : index
    %swap3A_42 = vector.load %arg1[%swap3A, %swap3A_41] : memref<8x128xf32, #tpu.memory_space<vmem>>, vector<8x128xf32>
    tpu.vector_store %arg1[%swap3A, %swap3A_41], %select_n3A_40 {strides = array<i32>} : memref<8x128xf32, #tpu.memory_space<vmem>>, vector<8x128xf32>,
    return
  }
}

module attributes {stable_mosaic.version = 14 : i64} {
  func.func @_pick_body(%arg0: memref<32x128xf32, #tpu.memory_space<vmem>>, %arg1: memref<32x128xf32, #tpu.memory_space<vmem>>, %arg2: memref<32x128xf32, #tpu.memory_space<vmem>>, %arg3: memref<32x128xf32, #tpu.memory_space<vmem>>, %arg4: memref<32x128xf32, #tpu.memory_space<vmem>>, %arg5: memref<4096xf32, #tpu.memory_space<smem>>, %arg6: memref<4096xf32, #tpu.memory_space<smem>>, %arg7: memref<4096xf32, #tpu.memory_space<smem>>, %arg8: memref<4096xf32, #tpu.memory_space<smem>>, %arg9: memref<4096xf32, #tpu.memory_space<smem>>, %arg10: memref<8x128xf32, #tpu.memory_space<vmem>>) attributes {dimension_semantics = [], scalar_prefetch = 0 : i64, scratch_operands = 0 : i64, tpu.core_type = #tpu.core_type<tc>} {
    %get3A = arith.constant 0 : index
    %get3A_0 = arith.constant 0 : index
    %get3A_1 = vector.load %arg1[%get3A, %get3A_0] : memref<32x128xf32, #tpu.memory_space<vmem>>, vector<32x128xf32>
    %get3A_2 = arith.constant 0 : index
    %get3A_3 = arith.constant 0 : index
    %get3A_4 = vector.load %arg2[%get3A_2, %get3A_3] : memref<32x128xf32, #tpu.memory_space<vmem>>, vector<32x128xf32>
    %get3A_5 = arith.constant 0 : index
    %get3A_6 = arith.constant 0 : index
    %get3A_7 = vector.load %arg3[%get3A_5, %get3A_6] : memref<32x128xf32, #tpu.memory_space<vmem>>, vector<32x128xf32>
    %get3A_8 = arith.constant 0 : index
    %get3A_9 = arith.constant 0 : index
    %get3A_10 = vector.load %arg4[%get3A_8, %get3A_9] : memref<32x128xf32, #tpu.memory_space<vmem>>, vector<32x128xf32>
    %sub3A = arith.subf %get3A_7, %get3A_1 : vector<32x128xf32>
    %sub3A_11 = arith.subf %get3A_10, %get3A_4 : vector<32x128xf32>
    %mul3A = arith.mulf %sub3A, %sub3A_11 : vector<32x128xf32>
    %iota3A = tpu.iota {dimensions = array<i32: 0>} : vector<32x128xi32>
    %iota3A_12 = tpu.iota {dimensions = array<i32: 1>} : vector<32x128xi32>
    %mul3A_13 = arith.constant 128 : i32
    %mul3A_14 = vector.broadcast %mul3A_13 : i32 to vector<32x128xi32>
    %mul3A_15 = arith.muli %iota3A, %mul3A_14 : vector<32x128xi32>
    %add3A = arith.addi %mul3A_15, %iota3A_12 : vector<32x128xi32>
    %iota3A_16 = tpu.iota {dimensions = array<i32: 0>} : vector<8x128xi32>
    %iota3A_17 = tpu.iota {dimensions = array<i32: 1>} : vector<8x128xi32>
    %broadcast_in_dim3A = arith.constant 0.000000e+00 : f32
    %broadcast_in_dim3A_18 = vector.broadcast %broadcast_in_dim3A : f32 to vector<8x128xf32>
    %get3A_19 = arith.constant 0 : index
    %get3A_20 = arith.constant 0 : index
    %get3A_21 = vector.load %arg0[%get3A_19, %get3A_20] : memref<32x128xf32, #tpu.memory_space<vmem>>, vector<32x128xf32>
    %scan3A = arith.constant 1073741824 : i32
    %scan3A_22 = arith.constant 0 : i32
    %scan3A_23 = arith.constant 100 : i32
    %scan3A_24 = arith.addi %scan3A_22, %scan3A_23 : i32
    %scan3A_25 = arith.constant 1 : i32
    %scan3A_26:2 = scf.for %scan3A_30 = %scan3A_22 to %scan3A_24 step %scan3A_25 iter_args(%scan3A_31 = %get3A_21, %scan3A_32 = %broadcast_in_dim3A_18) -> (vector<32x128xf32>, vector<8x128xf32>)  : i32 {
      %gt3A = arith.constant -5.000000e+08 : f32
      %gt3A_33 = vector.broadcast %gt3A : f32 to vector<32x128xf32>
      %gt3A_34 = arith.cmpf ogt, %scan3A_31, %gt3A_33 : vector<32x128xf32>
      %broadcast_in_dim3A_35 = vector.broadcast %scan3A : i32 to vector<32x128xi32>
      %select_n3A = arith.select %gt3A_34, %add3A, %broadcast_in_dim3A_35 : vector<32x128xi1>, vector<32x128xi32>
      %gt3A_36 = arith.constant -1.500000e+09 : f32
      %gt3A_37 = vector.broadcast %gt3A_36 : f32 to vector<32x128xf32>
      %gt3A_38 = arith.cmpf ogt, %scan3A_31, %gt3A_37 : vector<32x128xf32>
      %broadcast_in_dim3A_39 = vector.broadcast %scan3A : i32 to vector<32x128xi32>
      %select_n3A_40 = arith.select %gt3A_38, %add3A, %broadcast_in_dim3A_39 : vector<32x128xi1>, vector<32x128xi32>
      %reduce_min3A = arith.constant dense<2147483647> : vector<128xi32>
      %reduce_min3A_41 = vector.multi_reduction <minsi>, %select_n3A, %reduce_min3A [0] : vector<32x128xi32> to vector<128xi32>
      %broadcast_in_dim3A_42 = vector.shape_cast %reduce_min3A_41 : vector<128xi32> to vector<1x128xi32>
      %reduce_min3A_43 = arith.constant dense<2147483647> : vector<1xi32>
      %reduce_min3A_44 = vector.multi_reduction <minsi>, %broadcast_in_dim3A_42, %reduce_min3A_43 [1] : vector<1x128xi32> to vector<1xi32>
      %broadcast_in_dim3A_45 = vector.shape_cast %reduce_min3A_44 : vector<1xi32> to vector<1x1xi32>
      %reduce_min3A_46 = arith.constant dense<2147483647> : vector<128xi32>
      %reduce_min3A_47 = vector.multi_reduction <minsi>, %select_n3A_40, %reduce_min3A_46 [0] : vector<32x128xi32> to vector<128xi32>
      %broadcast_in_dim3A_48 = vector.shape_cast %reduce_min3A_47 : vector<128xi32> to vector<1x128xi32>
      %reduce_min3A_49 = arith.constant dense<2147483647> : vector<1xi32>
      %reduce_min3A_50 = vector.multi_reduction <minsi>, %broadcast_in_dim3A_48, %reduce_min3A_49 [1] : vector<1x128xi32> to vector<1xi32>
      %broadcast_in_dim3A_51 = vector.shape_cast %reduce_min3A_50 : vector<1xi32> to vector<1x1xi32>
      %squeeze3A = vector.extract %broadcast_in_dim3A_45[0, 0] : i32 from vector<1x1xi32>
      %squeeze3A_52 = vector.extract %broadcast_in_dim3A_51[0, 0] : i32 from vector<1x1xi32>
      %lt3A = arith.cmpi slt, %squeeze3A, %scan3A : i32
      %select_n3A_53 = arith.select %lt3A, %squeeze3A, %squeeze3A_52 : i32
      %get3A_54 = arith.index_cast %select_n3A_53 : i32 to index
      %get3A_55 = memref.load %arg6[%get3A_54] : memref<4096xf32, #tpu.memory_space<smem>>
      %get3A_56 = arith.index_cast %select_n3A_53 : i32 to index
      %get3A_57 = memref.load %arg7[%get3A_56] : memref<4096xf32, #tpu.memory_space<smem>>
      %get3A_58 = arith.index_cast %select_n3A_53 : i32 to index
      %get3A_59 = memref.load %arg8[%get3A_58] : memref<4096xf32, #tpu.memory_space<smem>>
      %get3A_60 = arith.index_cast %select_n3A_53 : i32 to index
      %get3A_61 = memref.load %arg9[%get3A_60] : memref<4096xf32, #tpu.memory_space<smem>>
      %get3A_62 = arith.index_cast %select_n3A_53 : i32 to index
      %get3A_63 = memref.load %arg5[%get3A_62] : memref<4096xf32, #tpu.memory_space<smem>>
      %sub3A_64 = arith.subf %get3A_59, %get3A_55 : f32
      %sub3A_65 = arith.subf %get3A_61, %get3A_57 : f32
      %mul3A_66 = arith.mulf %sub3A_64, %sub3A_65 : f32
      %min3A = vector.broadcast %get3A_59 : f32 to vector<32x128xf32>
      %min3A_67 = arith.minimumf %min3A, %get3A_7 : vector<32x128xf32>
      %max3A = vector.broadcast %get3A_55 : f32 to vector<32x128xf32>
      %max3A_68 = arith.maximumf %max3A, %get3A_1 : vector<32x128xf32>
      %sub3A_69 = arith.subf %min3A_67, %max3A_68 : vector<32x128xf32>
      %max3A_70 = arith.constant 0.000000e+00 : f32
      %max3A_71 = vector.broadcast %max3A_70 : f32 to vector<32x128xf32>
      %max3A_72 = arith.maximumf %sub3A_69, %max3A_71 : vector<32x128xf32>
      %min3A_73 = vector.broadcast %get3A_61 : f32 to vector<32x128xf32>
      %min3A_74 = arith.minimumf %min3A_73, %get3A_10 : vector<32x128xf32>
      %max3A_75 = vector.broadcast %get3A_57 : f32 to vector<32x128xf32>
      %max3A_76 = arith.maximumf %max3A_75, %get3A_4 : vector<32x128xf32>
      %sub3A_77 = arith.subf %min3A_74, %max3A_76 : vector<32x128xf32>
      %max3A_78 = arith.constant 0.000000e+00 : f32
      %max3A_79 = vector.broadcast %max3A_78 : f32 to vector<32x128xf32>
      %max3A_80 = arith.maximumf %sub3A_77, %max3A_79 : vector<32x128xf32>
      %mul3A_81 = arith.mulf %max3A_72, %max3A_80 : vector<32x128xf32>
      %add3A_82 = vector.broadcast %mul3A_66 : f32 to vector<32x128xf32>
      %add3A_83 = arith.addf %add3A_82, %mul3A : vector<32x128xf32>
      %sub3A_84 = arith.subf %add3A_83, %mul3A_81 : vector<32x128xf32>
      %add3A_85 = arith.constant 9.99999971E-10 : f32
      %add3A_86 = vector.broadcast %add3A_85 : f32 to vector<32x128xf32>
      %add3A_87 = arith.addf %sub3A_84, %add3A_86 : vector<32x128xf32>
      %div3A = arith.divf %mul3A_81, %add3A_87 : vector<32x128xf32>
      %gt3A_88 = arith.constant 5.000000e-01 : f32
      %gt3A_89 = vector.broadcast %gt3A_88 : f32 to vector<32x128xf32>
      %gt3A_90 = arith.cmpf ogt, %div3A, %gt3A_89 : vector<32x128xf32>
      %gt3A_91 = arith.constant -5.000000e+08 : f32
      %gt3A_92 = vector.broadcast %gt3A_91 : f32 to vector<32x128xf32>
      %gt3A_93 = arith.cmpf ogt, %scan3A_31, %gt3A_92 : vector<32x128xf32>
      %and3A = arith.andi %gt3A_90, %gt3A_93 : vector<32x128xi1>
      %sub3A_94 = arith.constant 1.000000e+09 : f32
      %sub3A_95 = vector.broadcast %sub3A_94 : f32 to vector<32x128xf32>
      %sub3A_96 = arith.subf %scan3A_31, %sub3A_95 : vector<32x128xf32>
      %select_n3A_97 = arith.select %and3A, %sub3A_96, %scan3A_31 : vector<32x128xi1>, vector<32x128xf32>
      %eq3A = vector.broadcast %select_n3A_53 : i32 to vector<32x128xi32>
      %eq3A_98 = arith.cmpi eq, %add3A, %eq3A : vector<32x128xi32>
      %jit3A = arith.constant -2.000000e+09 : f32
      %broadcast_in_dim3A_99 = vector.broadcast %jit3A : f32 to vector<32x128xf32>
      %select_n3A_100 = arith.select %eq3A_98, %broadcast_in_dim3A_99, %select_n3A_97 : vector<32x128xi1>, vector<32x128xf32>
      %gt3A_101 = arith.constant -5.000000e+08 : f32
      %gt3A_102 = arith.cmpf ogt, %get3A_63, %gt3A_101 : f32
      %jit3A_103 = arith.constant -1.000000e+09 : f32
      %select_n3A_104 = arith.select %gt3A_102, %get3A_63, %jit3A_103 : f32
      %eq3A_105 = arith.constant 0 : i32
      %eq3A_106 = vector.broadcast %eq3A_105 : i32 to vector<8x128xi32>
      %eq3A_107 = arith.cmpi eq, %iota3A_16, %eq3A_106 : vector<8x128xi32>
      %eq3A_108 = arith.constant 1 : i32
      %eq3A_109 = vector.broadcast %eq3A_108 : i32 to vector<8x128xi32>
      %eq3A_110 = arith.cmpi eq, %iota3A_16, %eq3A_109 : vector<8x128xi32>
      %eq3A_111 = arith.constant 2 : i32
      %eq3A_112 = vector.broadcast %eq3A_111 : i32 to vector<8x128xi32>
      %eq3A_113 = arith.cmpi eq, %iota3A_16, %eq3A_112 : vector<8x128xi32>
      %eq3A_114 = arith.constant 3 : i32
      %eq3A_115 = vector.broadcast %eq3A_114 : i32 to vector<8x128xi32>
      %eq3A_116 = arith.cmpi eq, %iota3A_16, %eq3A_115 : vector<8x128xi32>
      %broadcast_in_dim3A_117 = vector.broadcast %get3A_61 : f32 to vector<8x128xf32>
      %broadcast_in_dim3A_118 = vector.broadcast %select_n3A_104 : f32 to vector<8x128xf32>
      %select_n3A_119 = arith.select %eq3A_116, %broadcast_in_dim3A_117, %broadcast_in_dim3A_118 : vector<8x128xi1>, vector<8x128xf32>
      %broadcast_in_dim3A_120 = vector.broadcast %get3A_59 : f32 to vector<8x128xf32>
      %select_n3A_121 = arith.select %eq3A_113, %broadcast_in_dim3A_120, %select_n3A_119 : vector<8x128xi1>, vector<8x128xf32>
      %broadcast_in_dim3A_122 = vector.broadcast %get3A_57 : f32 to vector<8x128xf32>
      %select_n3A_123 = arith.select %eq3A_110, %broadcast_in_dim3A_122, %select_n3A_121 : vector<8x128xi1>, vector<8x128xf32>
      %broadcast_in_dim3A_124 = vector.broadcast %get3A_55 : f32 to vector<8x128xf32>
      %select_n3A_125 = arith.select %eq3A_107, %broadcast_in_dim3A_124, %select_n3A_123 : vector<8x128xi1>, vector<8x128xf32>
      %eq3A_126 = vector.broadcast %scan3A_30 : i32 to vector<8x128xi32>
      %eq3A_127 = arith.cmpi eq, %iota3A_17, %eq3A_126 : vector<8x128xi32>
      %select_n3A_128 = arith.select %eq3A_127, %select_n3A_125, %scan3A_32 : vector<8x128xi1>, vector<8x128xf32>
      scf.yield %select_n3A_100, %select_n3A_128 : vector<32x128xf32>, vector<8x128xf32>
    }
    %scan3A_27 = arith.constant 100 : i32
    %swap3A = arith.constant 0 : index
    %swap3A_28 = arith.constant 0 : index
    %swap3A_29 = vector.load %arg10[%swap3A, %swap3A_28] : memref<8x128xf32, #tpu.memory_space<vmem>>, vector<8x128xf32>
    tpu.vector_store %arg10[%swap3A, %swap3A_28], %scan3A_26#1 {strides = array<i32>} : memref<8x128xf32, #tpu.memory_space<vmem>>, vector<8x128xf32>,
    return
  }
}

module attributes {stable_mosaic.version = 14 : i64} {
  func.func @_sort_body(%arg0: memref<32x128xf32, #tpu.memory_space<vmem>>, %arg1: memref<32x128xf32, #tpu.memory_space<vmem>>, %arg2: memref<32x128xf32, #tpu.memory_space<vmem>>, %arg3: memref<32x128xf32, #tpu.memory_space<vmem>>, %arg4: memref<32x128xf32, #tpu.memory_space<vmem>>, %arg5: memref<32x128xf32, #tpu.memory_space<vmem>>, %arg6: memref<32x128xf32, #tpu.memory_space<vmem>>, %arg7: memref<32x128xf32, #tpu.memory_space<vmem>>, %arg8: memref<32x128xf32, #tpu.memory_space<vmem>>, %arg9: memref<32x128xf32, #tpu.memory_space<vmem>>) attributes {dimension_semantics = [], scalar_prefetch = 0 : i64, scratch_operands = 0 : i64, tpu.core_type = #tpu.core_type<tc>} {
    %get3A = arith.constant 0 : index
    %get3A_0 = arith.constant 0 : index
    %get3A_1 = vector.load %arg0[%get3A, %get3A_0] : memref<32x128xf32, #tpu.memory_space<vmem>>, vector<32x128xf32>
    %bitcast_convert_type3A = tpu.bitcast %get3A_1 : vector<32x128xf32> -> vector<32x128xi32>
    %get3A_2 = arith.constant 0 : index
    %get3A_3 = arith.constant 0 : index
    %get3A_4 = vector.load %arg1[%get3A_2, %get3A_3] : memref<32x128xf32, #tpu.memory_space<vmem>>, vector<32x128xf32>
    %get3A_5 = arith.constant 0 : index
    %get3A_6 = arith.constant 0 : index
    %get3A_7 = vector.load %arg2[%get3A_5, %get3A_6] : memref<32x128xf32, #tpu.memory_space<vmem>>, vector<32x128xf32>
    %get3A_8 = arith.constant 0 : index
    %get3A_9 = arith.constant 0 : index
    %get3A_10 = vector.load %arg3[%get3A_8, %get3A_9] : memref<32x128xf32, #tpu.memory_space<vmem>>, vector<32x128xf32>
    %get3A_11 = arith.constant 0 : index
    %get3A_12 = arith.constant 0 : index
    %get3A_13 = vector.load %arg4[%get3A_11, %get3A_12] : memref<32x128xf32, #tpu.memory_space<vmem>>, vector<32x128xf32>
    %iota3A = tpu.iota {dimensions = array<i32: 0>} : vector<32x128xi32>
    %iota3A_14 = tpu.iota {dimensions = array<i32: 1>} : vector<32x128xi32>
    %mul3A = arith.constant 128 : i32
    %mul3A_15 = vector.broadcast %mul3A : i32 to vector<32x128xi32>
    %mul3A_16 = arith.muli %iota3A, %mul3A_15 : vector<32x128xi32>
    %add3A = arith.addi %mul3A_16, %iota3A_14 : vector<32x128xi32>
    %and3A = arith.constant 1 : i32
    %and3A_17 = vector.broadcast %and3A : i32 to vector<32x128xi32>
    %and3A_18 = arith.andi %add3A, %and3A_17 : vector<32x128xi32>
    %eq3A = arith.constant 0 : i32
    %eq3A_19 = vector.broadcast %eq3A : i32 to vector<32x128xi32>
    %eq3A_20 = arith.cmpi eq, %and3A_18, %eq3A_19 : vector<32x128xi32>
    %and3A_21 = arith.constant 2 : i32
    %and3A_22 = vector.broadcast %and3A_21 : i32 to vector<32x128xi32>
    %and3A_23 = arith.andi %add3A, %and3A_22 : vector<32x128xi32>
    %eq3A_24 = arith.constant 0 : i32
    %eq3A_25 = vector.broadcast %eq3A_24 : i32 to vector<32x128xi32>
    %eq3A_26 = arith.cmpi eq, %and3A_23, %eq3A_25 : vector<32x128xi32>
    %roll3A = arith.constant 127 : i32
    %roll3A_27 = tpu.dynamic_rotate %bitcast_convert_type3A by %roll3A dim 1 : vector<32x128xi32>, i32 -> vector<32x128xi32>
    %roll3A_28 = arith.constant 1 : i32
    %roll3A_29 = tpu.dynamic_rotate %bitcast_convert_type3A by %roll3A_28 dim 1 : vector<32x128xi32>, i32 -> vector<32x128xi32>
    %select_n3A = arith.select %eq3A_20, %roll3A_27, %roll3A_29 : vector<32x128xi1>, vector<32x128xi32>
    %roll3A_30 = arith.constant 127 : i32
    %roll3A_31 = tpu.dynamic_rotate %add3A by %roll3A_30 dim 1 : vector<32x128xi32>, i32 -> vector<32x128xi32>
    %roll3A_32 = arith.constant 1 : i32
    %roll3A_33 = tpu.dynamic_rotate %add3A by %roll3A_32 dim 1 : vector<32x128xi32>, i32 -> vector<32x128xi32>
    %select_n3A_34 = arith.select %eq3A_20, %roll3A_31, %roll3A_33 : vector<32x128xi1>, vector<32x128xi32>
    %gt3A = arith.cmpi sgt, %bitcast_convert_type3A, %select_n3A : vector<32x128xi32>
    %eq3A_35 = arith.cmpi eq, %bitcast_convert_type3A, %select_n3A : vector<32x128xi32>
    %lt3A = arith.cmpi slt, %add3A, %select_n3A_34 : vector<32x128xi32>
    %and3A_36 = arith.andi %eq3A_35, %lt3A : vector<32x128xi1>
    %or3A = arith.ori %gt3A, %and3A_36 : vector<32x128xi1>
    %eq3A_37 = arith.xori %eq3A_20, %eq3A_26 : vector<32x128xi1>
    %eq3A_38 = arith.constant dense<true> : vector<32x128xi1>
    %eq3A_39 = arith.xori %eq3A_37, %eq3A_38 : vector<32x128xi1>
    %eq3A_40 = arith.xori %or3A, %eq3A_39 : vector<32x128xi1>
    %eq3A_41 = arith.constant dense<true> : vector<32x128xi1>
    %eq3A_42 = arith.xori %eq3A_40, %eq3A_41 : vector<32x128xi1>
    %select_n3A_43 = arith.select %eq3A_42, %bitcast_convert_type3A, %select_n3A : vector<32x128xi1>, vector<32x128xi32>
    %select_n3A_44 = arith.select %eq3A_42, %add3A, %select_n3A_34 : vector<32x128xi1>, vector<32x128xi32>
    %roll3A_45 = arith.constant 127 : i32
    %roll3A_46 = tpu.dynamic_rotate %get3A_4 by %roll3A_45 dim 1 : vector<32x128xf32>, i32 -> vector<32x128xf32>
    %roll3A_47 = arith.constant 1 : i32
    %roll3A_48 = tpu.dynamic_rotate %get3A_4 by %roll3A_47 dim 1 : vector<32x128xf32>, i32 -> vector<32x128xf32>
    %select_n3A_49 = arith.select %eq3A_20, %roll3A_46, %roll3A_48 : vector<32x128xi1>, vector<32x128xf32>
    %select_n3A_50 = arith.select %eq3A_42, %get3A_4, %select_n3A_49 : vector<32x128xi1>, vector<32x128xf32>
    %roll3A_51 = arith.constant 127 : i32
    %roll3A_52 = tpu.dynamic_rotate %get3A_7 by %roll3A_51 dim 1 : vector<32x128xf32>, i32 -> vector<32x128xf32>
    %roll3A_53 = arith.constant 1 : i32
    %roll3A_54 = tpu.dynamic_rotate %get3A_7 by %roll3A_53 dim 1 : vector<32x128xf32>, i32 -> vector<32x128xf32>
    %select_n3A_55 = arith.select %eq3A_20, %roll3A_52, %roll3A_54 : vector<32x128xi1>, vector<32x128xf32>
    %select_n3A_56 = arith.select %eq3A_42, %get3A_7, %select_n3A_55 : vector<32x128xi1>, vector<32x128xf32>
    %roll3A_57 = arith.constant 127 : i32
    %roll3A_58 = tpu.dynamic_rotate %get3A_10 by %roll3A_57 dim 1 : vector<32x128xf32>, i32 -> vector<32x128xf32>
    %roll3A_59 = arith.constant 1 : i32
    %roll3A_60 = tpu.dynamic_rotate %get3A_10 by %roll3A_59 dim 1 : vector<32x128xf32>, i32 -> vector<32x128xf32>
    %select_n3A_61 = arith.select %eq3A_20, %roll3A_58, %roll3A_60 : vector<32x128xi1>, vector<32x128xf32>
    %select_n3A_62 = arith.select %eq3A_42, %get3A_10, %select_n3A_61 : vector<32x128xi1>, vector<32x128xf32>
    %roll3A_63 = arith.constant 127 : i32
    %roll3A_64 = tpu.dynamic_rotate %get3A_13 by %roll3A_63 dim 1 : vector<32x128xf32>, i32 -> vector<32x128xf32>
    %roll3A_65 = arith.constant 1 : i32
    %roll3A_66 = tpu.dynamic_rotate %get3A_13 by %roll3A_65 dim 1 : vector<32x128xf32>, i32 -> vector<32x128xf32>
    %select_n3A_67 = arith.select %eq3A_20, %roll3A_64, %roll3A_66 : vector<32x128xi1>, vector<32x128xf32>
    %select_n3A_68 = arith.select %eq3A_42, %get3A_13, %select_n3A_67 : vector<32x128xi1>, vector<32x128xf32>
    %and3A_69 = arith.constant 2 : i32
    %and3A_70 = vector.broadcast %and3A_69 : i32 to vector<32x128xi32>
    %and3A_71 = arith.andi %add3A, %and3A_70 : vector<32x128xi32>
    %eq3A_72 = arith.constant 0 : i32
    %eq3A_73 = vector.broadcast %eq3A_72 : i32 to vector<32x128xi32>
    %eq3A_74 = arith.cmpi eq, %and3A_71, %eq3A_73 : vector<32x128xi32>
    %and3A_75 = arith.constant 4 : i32
    %and3A_76 = vector.broadcast %and3A_75 : i32 to vector<32x128xi32>
    %and3A_77 = arith.andi %add3A, %and3A_76 : vector<32x128xi32>
    %eq3A_78 = arith.constant 0 : i32
    %eq3A_79 = vector.broadcast %eq3A_78 : i32 to vector<32x128xi32>
    %eq3A_80 = arith.cmpi eq, %and3A_77, %eq3A_79 : vector<32x128xi32>
    %roll3A_81 = arith.constant 126 : i32
    %roll3A_82 = tpu.dynamic_rotate %select_n3A_43 by %roll3A_81 dim 1 : vector<32x128xi32>, i32 -> vector<32x128xi32>
    %roll3A_83 = arith.constant 2 : i32
    %roll3A_84 = tpu.dynamic_rotate %select_n3A_43 by %roll3A_83 dim 1 : vector<32x128xi32>, i32 -> vector<32x128xi32>
    %select_n3A_85 = arith.select %eq3A_74, %roll3A_82, %roll3A_84 : vector<32x128xi1>, vector<32x128xi32>
    %roll3A_86 = arith.constant 126 : i32
    %roll3A_87 = tpu.dynamic_rotate %select_n3A_44 by %roll3A_86 dim 1 : vector<32x128xi32>, i32 -> vector<32x128xi32>
    %roll3A_88 = arith.constant 2 : i32
    %roll3A_89 = tpu.dynamic_rotate %select_n3A_44 by %roll3A_88 dim 1 : vector<32x128xi32>, i32 -> vector<32x128xi32>
    %select_n3A_90 = arith.select %eq3A_74, %roll3A_87, %roll3A_89 : vector<32x128xi1>, vector<32x128xi32>
    %gt3A_91 = arith.cmpi sgt, %select_n3A_43, %select_n3A_85 : vector<32x128xi32>
    %eq3A_92 = arith.cmpi eq, %select_n3A_43, %select_n3A_85 : vector<32x128xi32>
    %lt3A_93 = arith.cmpi slt, %select_n3A_44, %select_n3A_90 : vector<32x128xi32>
    %and3A_94 = arith.andi %eq3A_92, %lt3A_93 : vector<32x128xi1>
    %or3A_95 = arith.ori %gt3A_91, %and3A_94 : vector<32x128xi1>
    %eq3A_96 = arith.xori %eq3A_74, %eq3A_80 : vector<32x128xi1>
    %eq3A_97 = arith.constant dense<true> : vector<32x128xi1>
    %eq3A_98 = arith.xori %eq3A_96, %eq3A_97 : vector<32x128xi1>
    %eq3A_99 = arith.xori %or3A_95, %eq3A_98 : vector<32x128xi1>
    %eq3A_100 = arith.constant dense<true> : vector<32x128xi1>
    %eq3A_101 = arith.xori %eq3A_99, %eq3A_100 : vector<32x128xi1>
    %select_n3A_102 = arith.select %eq3A_101, %select_n3A_43, %select_n3A_85 : vector<32x128xi1>, vector<32x128xi32>
    %select_n3A_103 = arith.select %eq3A_101, %select_n3A_44, %select_n3A_90 : vector<32x128xi1>, vector<32x128xi32>
    %roll3A_104 = arith.constant 126 : i32
    %roll3A_105 = tpu.dynamic_rotate %select_n3A_50 by %roll3A_104 dim 1 : vector<32x128xf32>, i32 -> vector<32x128xf32>
    %roll3A_106 = arith.constant 2 : i32
    %roll3A_107 = tpu.dynamic_rotate %select_n3A_50 by %roll3A_106 dim 1 : vector<32x128xf32>, i32 -> vector<32x128xf32>
    %select_n3A_108 = arith.select %eq3A_74, %roll3A_105, %roll3A_107 : vector<32x128xi1>, vector<32x128xf32>
    %select_n3A_109 = arith.select %eq3A_101, %select_n3A_50, %select_n3A_108 : vector<32x128xi1>, vector<32x128xf32>
    %roll3A_110 = arith.constant 126 : i32
    %roll3A_111 = tpu.dynamic_rotate %select_n3A_56 by %roll3A_110 dim 1 : vector<32x128xf32>, i32 -> vector<32x128xf32>
    %roll3A_112 = arith.constant 2 : i32
    %roll3A_113 = tpu.dynamic_rotate %select_n3A_56 by %roll3A_112 dim 1 : vector<32x128xf32>, i32 -> vector<32x128xf32>
    %select_n3A_114 = arith.select %eq3A_74, %roll3A_111, %roll3A_113 : vector<32x128xi1>, vector<32x128xf32>
    %select_n3A_115 = arith.select %eq3A_101, %select_n3A_56, %select_n3A_114 : vector<32x128xi1>, vector<32x128xf32>
    %roll3A_116 = arith.constant 126 : i32
    %roll3A_117 = tpu.dynamic_rotate %select_n3A_62 by %roll3A_116 dim 1 : vector<32x128xf32>, i32 -> vector<32x128xf32>
    %roll3A_118 = arith.constant 2 : i32
    %roll3A_119 = tpu.dynamic_rotate %select_n3A_62 by %roll3A_118 dim 1 : vector<32x128xf32>, i32 -> vector<32x128xf32>
    %select_n3A_120 = arith.select %eq3A_74, %roll3A_117, %roll3A_119 : vector<32x128xi1>, vector<32x128xf32>
    %select_n3A_121 = arith.select %eq3A_101, %select_n3A_62, %select_n3A_120 : vector<32x128xi1>, vector<32x128xf32>
    %roll3A_122 = arith.constant 126 : i32
    %roll3A_123 = tpu.dynamic_rotate %select_n3A_68 by %roll3A_122 dim 1 : vector<32x128xf32>, i32 -> vector<32x128xf32>
    %roll3A_124 = arith.constant 2 : i32
    %roll3A_125 = tpu.dynamic_rotate %select_n3A_68 by %roll3A_124 dim 1 : vector<32x128xf32>, i32 -> vector<32x128xf32>
    %select_n3A_126 = arith.select %eq3A_74, %roll3A_123, %roll3A_125 : vector<32x128xi1>, vector<32x128xf32>
    %select_n3A_127 = arith.select %eq3A_101, %select_n3A_68, %select_n3A_126 : vector<32x128xi1>, vector<32x128xf32>
    %and3A_128 = arith.constant 1 : i32
    %and3A_129 = vector.broadcast %and3A_128 : i32 to vector<32x128xi32>
    %and3A_130 = arith.andi %add3A, %and3A_129 : vector<32x128xi32>
    %eq3A_131 = arith.constant 0 : i32
    %eq3A_132 = vector.broadcast %eq3A_131 : i32 to vector<32x128xi32>
    %eq3A_133 = arith.cmpi eq, %and3A_130, %eq3A_132 : vector<32x128xi32>
    %and3A_134 = arith.constant 4 : i32
    %and3A_135 = vector.broadcast %and3A_134 : i32 to vector<32x128xi32>
    %and3A_136 = arith.andi %add3A, %and3A_135 : vector<32x128xi32>
    %eq3A_137 = arith.constant 0 : i32
    %eq3A_138 = vector.broadcast %eq3A_137 : i32 to vector<32x128xi32>
    %eq3A_139 = arith.cmpi eq, %and3A_136, %eq3A_138 : vector<32x128xi32>
    %roll3A_140 = arith.constant 127 : i32
    %roll3A_141 = tpu.dynamic_rotate %select_n3A_102 by %roll3A_140 dim 1 : vector<32x128xi32>, i32 -> vector<32x128xi32>
    %roll3A_142 = arith.constant 1 : i32
    %roll3A_143 = tpu.dynamic_rotate %select_n3A_102 by %roll3A_142 dim 1 : vector<32x128xi32>, i32 -> vector<32x128xi32>
    %select_n3A_144 = arith.select %eq3A_133, %roll3A_141, %roll3A_143 : vector<32x128xi1>, vector<32x128xi32>
    %roll3A_145 = arith.constant 127 : i32
    %roll3A_146 = tpu.dynamic_rotate %select_n3A_103 by %roll3A_145 dim 1 : vector<32x128xi32>, i32 -> vector<32x128xi32>
    %roll3A_147 = arith.constant 1 : i32
    %roll3A_148 = tpu.dynamic_rotate %select_n3A_103 by %roll3A_147 dim 1 : vector<32x128xi32>, i32 -> vector<32x128xi32>
    %select_n3A_149 = arith.select %eq3A_133, %roll3A_146, %roll3A_148 : vector<32x128xi1>, vector<32x128xi32>
    %gt3A_150 = arith.cmpi sgt, %select_n3A_102, %select_n3A_144 : vector<32x128xi32>
    %eq3A_151 = arith.cmpi eq, %select_n3A_102, %select_n3A_144 : vector<32x128xi32>
    %lt3A_152 = arith.cmpi slt, %select_n3A_103, %select_n3A_149 : vector<32x128xi32>
    %and3A_153 = arith.andi %eq3A_151, %lt3A_152 : vector<32x128xi1>
    %or3A_154 = arith.ori %gt3A_150, %and3A_153 : vector<32x128xi1>
    %eq3A_155 = arith.xori %eq3A_133, %eq3A_139 : vector<32x128xi1>
    %eq3A_156 = arith.constant dense<true> : vector<32x128xi1>
    %eq3A_157 = arith.xori %eq3A_155, %eq3A_156 : vector<32x128xi1>
    %eq3A_158 = arith.xori %or3A_154, %eq3A_157 : vector<32x128xi1>
    %eq3A_159 = arith.constant dense<true> : vector<32x128xi1>
    %eq3A_160 = arith.xori %eq3A_158, %eq3A_159 : vector<32x128xi1>
    %select_n3A_161 = arith.select %eq3A_160, %select_n3A_102, %select_n3A_144 : vector<32x128xi1>, vector<32x128xi32>
    %select_n3A_162 = arith.select %eq3A_160, %select_n3A_103, %select_n3A_149 : vector<32x128xi1>, vector<32x128xi32>
    %roll3A_163 = arith.constant 127 : i32
    %roll3A_164 = tpu.dynamic_rotate %select_n3A_109 by %roll3A_163 dim 1 : vector<32x128xf32>, i32 -> vector<32x128xf32>
    %roll3A_165 = arith.constant 1 : i32
    %roll3A_166 = tpu.dynamic_rotate %select_n3A_109 by %roll3A_165 dim 1 : vector<32x128xf32>, i32 -> vector<32x128xf32>
    %select_n3A_167 = arith.select %eq3A_133, %roll3A_164, %roll3A_166 : vector<32x128xi1>, vector<32x128xf32>
    %select_n3A_168 = arith.select %eq3A_160, %select_n3A_109, %select_n3A_167 : vector<32x128xi1>, vector<32x128xf32>
    %roll3A_169 = arith.constant 127 : i32
    %roll3A_170 = tpu.dynamic_rotate %select_n3A_115 by %roll3A_169 dim 1 : vector<32x128xf32>, i32 -> vector<32x128xf32>
    %roll3A_171 = arith.constant 1 : i32
    %roll3A_172 = tpu.dynamic_rotate %select_n3A_115 by %roll3A_171 dim 1 : vector<32x128xf32>, i32 -> vector<32x128xf32>
    %select_n3A_173 = arith.select %eq3A_133, %roll3A_170, %roll3A_172 : vector<32x128xi1>, vector<32x128xf32>
    %select_n3A_174 = arith.select %eq3A_160, %select_n3A_115, %select_n3A_173 : vector<32x128xi1>, vector<32x128xf32>
    %roll3A_175 = arith.constant 127 : i32
    %roll3A_176 = tpu.dynamic_rotate %select_n3A_121 by %roll3A_175 dim 1 : vector<32x128xf32>, i32 -> vector<32x128xf32>
    %roll3A_177 = arith.constant 1 : i32
    %roll3A_178 = tpu.dynamic_rotate %select_n3A_121 by %roll3A_177 dim 1 : vector<32x128xf32>, i32 -> vector<32x128xf32>
    %select_n3A_179 = arith.select %eq3A_133, %roll3A_176, %roll3A_178 : vector<32x128xi1>, vector<32x128xf32>
    %select_n3A_180 = arith.select %eq3A_160, %select_n3A_121, %select_n3A_179 : vector<32x128xi1>, vector<32x128xf32>
    %roll3A_181 = arith.constant 127 : i32
    %roll3A_182 = tpu.dynamic_rotate %select_n3A_127 by %roll3A_181 dim 1 : vector<32x128xf32>, i32 -> vector<32x128xf32>
    %roll3A_183 = arith.constant 1 : i32
    %roll3A_184 = tpu.dynamic_rotate %select_n3A_127 by %roll3A_183 dim 1 : vector<32x128xf32>, i32 -> vector<32x128xf32>
    %select_n3A_185 = arith.select %eq3A_133, %roll3A_182, %roll3A_184 : vector<32x128xi1>, vector<32x128xf32>
    %select_n3A_186 = arith.select %eq3A_160, %select_n3A_127, %select_n3A_185 : vector<32x128xi1>, vector<32x128xf32>
    %and3A_187 = arith.constant 4 : i32
    %and3A_188 = vector.broadcast %and3A_187 : i32 to vector<32x128xi32>
    %and3A_189 = arith.andi %add3A, %and3A_188 : vector<32x128xi32>
    %eq3A_190 = arith.constant 0 : i32
    %eq3A_191 = vector.broadcast %eq3A_190 : i32 to vector<32x128xi32>
    %eq3A_192 = arith.cmpi eq, %and3A_189, %eq3A_191 : vector<32x128xi32>
    %and3A_193 = arith.constant 8 : i32
    %and3A_194 = vector.broadcast %and3A_193 : i32 to vector<32x128xi32>
    %and3A_195 = arith.andi %add3A, %and3A_194 : vector<32x128xi32>
    %eq3A_196 = arith.constant 0 : i32
    %eq3A_197 = vector.broadcast %eq3A_196 : i32 to vector<32x128xi32>
    %eq3A_198 = arith.cmpi eq, %and3A_195, %eq3A_197 : vector<32x128xi32>
    %roll3A_199 = arith.constant 124 : i32
    %roll3A_200 = tpu.dynamic_rotate %select_n3A_161 by %roll3A_199 dim 1 : vector<32x128xi32>, i32 -> vector<32x128xi32>
    %roll3A_201 = arith.constant 4 : i32
    %roll3A_202 = tpu.dynamic_rotate %select_n3A_161 by %roll3A_201 dim 1 : vector<32x128xi32>, i32 -> vector<32x128xi32>
    %select_n3A_203 = arith.select %eq3A_192, %roll3A_200, %roll3A_202 : vector<32x128xi1>, vector<32x128xi32>
    %roll3A_204 = arith.constant 124 : i32
    %roll3A_205 = tpu.dynamic_rotate %select_n3A_162 by %roll3A_204 dim 1 : vector<32x128xi32>, i32 -> vector<32x128xi32>
    %roll3A_206 = arith.constant 4 : i32
    %roll3A_207 = tpu.dynamic_rotate %select_n3A_162 by %roll3A_206 dim 1 : vector<32x128xi32>, i32 -> vector<32x128xi32>
    %select_n3A_208 = arith.select %eq3A_192, %roll3A_205, %roll3A_207 : vector<32x128xi1>, vector<32x128xi32>
    %gt3A_209 = arith.cmpi sgt, %select_n3A_161, %select_n3A_203 : vector<32x128xi32>
    %eq3A_210 = arith.cmpi eq, %select_n3A_161, %select_n3A_203 : vector<32x128xi32>
    %lt3A_211 = arith.cmpi slt, %select_n3A_162, %select_n3A_208 : vector<32x128xi32>
    %and3A_212 = arith.andi %eq3A_210, %lt3A_211 : vector<32x128xi1>
    %or3A_213 = arith.ori %gt3A_209, %and3A_212 : vector<32x128xi1>
    %eq3A_214 = arith.xori %eq3A_192, %eq3A_198 : vector<32x128xi1>
    %eq3A_215 = arith.constant dense<true> : vector<32x128xi1>
    %eq3A_216 = arith.xori %eq3A_214, %eq3A_215 : vector<32x128xi1>
    %eq3A_217 = arith.xori %or3A_213, %eq3A_216 : vector<32x128xi1>
    %eq3A_218 = arith.constant dense<true> : vector<32x128xi1>
    %eq3A_219 = arith.xori %eq3A_217, %eq3A_218 : vector<32x128xi1>
    %select_n3A_220 = arith.select %eq3A_219, %select_n3A_161, %select_n3A_203 : vector<32x128xi1>, vector<32x128xi32>
    %select_n3A_221 = arith.select %eq3A_219, %select_n3A_162, %select_n3A_208 : vector<32x128xi1>, vector<32x128xi32>
    %roll3A_222 = arith.constant 124 : i32
    %roll3A_223 = tpu.dynamic_rotate %select_n3A_168 by %roll3A_222 dim 1 : vector<32x128xf32>, i32 -> vector<32x128xf32>
    %roll3A_224 = arith.constant 4 : i32
    %roll3A_225 = tpu.dynamic_rotate %select_n3A_168 by %roll3A_224 dim 1 : vector<32x128xf32>, i32 -> vector<32x128xf32>
    %select_n3A_226 = arith.select %eq3A_192, %roll3A_223, %roll3A_225 : vector<32x128xi1>, vector<32x128xf32>
    %select_n3A_227 = arith.select %eq3A_219, %select_n3A_168, %select_n3A_226 : vector<32x128xi1>, vector<32x128xf32>
    %roll3A_228 = arith.constant 124 : i32
    %roll3A_229 = tpu.dynamic_rotate %select_n3A_174 by %roll3A_228 dim 1 : vector<32x128xf32>, i32 -> vector<32x128xf32>
    %roll3A_230 = arith.constant 4 : i32
    %roll3A_231 = tpu.dynamic_rotate %select_n3A_174 by %roll3A_230 dim 1 : vector<32x128xf32>, i32 -> vector<32x128xf32>
    %select_n3A_232 = arith.select %eq3A_192, %roll3A_229, %roll3A_231 : vector<32x128xi1>, vector<32x128xf32>
    %select_n3A_233 = arith.select %eq3A_219, %select_n3A_174, %select_n3A_232 : vector<32x128xi1>, vector<32x128xf32>
    %roll3A_234 = arith.constant 124 : i32
    %roll3A_235 = tpu.dynamic_rotate %select_n3A_180 by %roll3A_234 dim 1 : vector<32x128xf32>, i32 -> vector<32x128xf32>
    %roll3A_236 = arith.constant 4 : i32
    %roll3A_237 = tpu.dynamic_rotate %select_n3A_180 by %roll3A_236 dim 1 : vector<32x128xf32>, i32 -> vector<32x128xf32>
    %select_n3A_238 = arith.select %eq3A_192, %roll3A_235, %roll3A_237 : vector<32x128xi1>, vector<32x128xf32>
    %select_n3A_239 = arith.select %eq3A_219, %select_n3A_180, %select_n3A_238 : vector<32x128xi1>, vector<32x128xf32>
    %roll3A_240 = arith.constant 124 : i32
    %roll3A_241 = tpu.dynamic_rotate %select_n3A_186 by %roll3A_240 dim 1 : vector<32x128xf32>, i32 -> vector<32x128xf32>
    %roll3A_242 = arith.constant 4 : i32
    %roll3A_243 = tpu.dynamic_rotate %select_n3A_186 by %roll3A_242 dim 1 : vector<32x128xf32>, i32 -> vector<32x128xf32>
    %select_n3A_244 = arith.select %eq3A_192, %roll3A_241, %roll3A_243 : vector<32x128xi1>, vector<32x128xf32>
    %select_n3A_245 = arith.select %eq3A_219, %select_n3A_186, %select_n3A_244 : vector<32x128xi1>, vector<32x128xf32>
    %and3A_246 = arith.constant 2 : i32
    %and3A_247 = vector.broadcast %and3A_246 : i32 to vector<32x128xi32>
    %and3A_248 = arith.andi %add3A, %and3A_247 : vector<32x128xi32>
    %eq3A_249 = arith.constant 0 : i32
    %eq3A_250 = vector.broadcast %eq3A_249 : i32 to vector<32x128xi32>
    %eq3A_251 = arith.cmpi eq, %and3A_248, %eq3A_250 : vector<32x128xi32>
    %and3A_252 = arith.constant 8 : i32
    %and3A_253 = vector.broadcast %and3A_252 : i32 to vector<32x128xi32>
    %and3A_254 = arith.andi %add3A, %and3A_253 : vector<32x128xi32>
    %eq3A_255 = arith.constant 0 : i32
    %eq3A_256 = vector.broadcast %eq3A_255 : i32 to vector<32x128xi32>
    %eq3A_257 = arith.cmpi eq, %and3A_254, %eq3A_256 : vector<32x128xi32>
    %roll3A_258 = arith.constant 126 : i32
    %roll3A_259 = tpu.dynamic_rotate %select_n3A_220 by %roll3A_258 dim 1 : vector<32x128xi32>, i32 -> vector<32x128xi32>
    %roll3A_260 = arith.constant 2 : i32
    %roll3A_261 = tpu.dynamic_rotate %select_n3A_220 by %roll3A_260 dim 1 : vector<32x128xi32>, i32 -> vector<32x128xi32>
    %select_n3A_262 = arith.select %eq3A_251, %roll3A_259, %roll3A_261 : vector<32x128xi1>, vector<32x128xi32>
    %roll3A_263 = arith.constant 126 : i32
    %roll3A_264 = tpu.dynamic_rotate %select_n3A_221 by %roll3A_263 dim 1 : vector<32x128xi32>, i32 -> vector<32x128xi32>
    %roll3A_265 = arith.constant 2 : i32
    %roll3A_266 = tpu.dynamic_rotate %select_n3A_221 by %roll3A_265 dim 1 : vector<32x128xi32>, i32 -> vector<32x128xi32>
    %select_n3A_267 = arith.select %eq3A_251, %roll3A_264, %roll3A_266 : vector<32x128xi1>, vector<32x128xi32>
    %gt3A_268 = arith.cmpi sgt, %select_n3A_220, %select_n3A_262 : vector<32x128xi32>
    %eq3A_269 = arith.cmpi eq, %select_n3A_220, %select_n3A_262 : vector<32x128xi32>
    %lt3A_270 = arith.cmpi slt, %select_n3A_221, %select_n3A_267 : vector<32x128xi32>
    %and3A_271 = arith.andi %eq3A_269, %lt3A_270 : vector<32x128xi1>
    %or3A_272 = arith.ori %gt3A_268, %and3A_271 : vector<32x128xi1>
    %eq3A_273 = arith.xori %eq3A_251, %eq3A_257 : vector<32x128xi1>
    %eq3A_274 = arith.constant dense<true> : vector<32x128xi1>
    %eq3A_275 = arith.xori %eq3A_273, %eq3A_274 : vector<32x128xi1>
    %eq3A_276 = arith.xori %or3A_272, %eq3A_275 : vector<32x128xi1>
    %eq3A_277 = arith.constant dense<true> : vector<32x128xi1>
    %eq3A_278 = arith.xori %eq3A_276, %eq3A_277 : vector<32x128xi1>
    %select_n3A_279 = arith.select %eq3A_278, %select_n3A_220, %select_n3A_262 : vector<32x128xi1>, vector<32x128xi32>
    %select_n3A_280 = arith.select %eq3A_278, %select_n3A_221, %select_n3A_267 : vector<32x128xi1>, vector<32x128xi32>
    %roll3A_281 = arith.constant 126 : i32
    %roll3A_282 = tpu.dynamic_rotate %select_n3A_227 by %roll3A_281 dim 1 : vector<32x128xf32>, i32 -> vector<32x128xf32>
    %roll3A_283 = arith.constant 2 : i32
    %roll3A_284 = tpu.dynamic_rotate %select_n3A_227 by %roll3A_283 dim 1 : vector<32x128xf32>, i32 -> vector<32x128xf32>
    %select_n3A_285 = arith.select %eq3A_251, %roll3A_282, %roll3A_284 : vector<32x128xi1>, vector<32x128xf32>
    %select_n3A_286 = arith.select %eq3A_278, %select_n3A_227, %select_n3A_285 : vector<32x128xi1>, vector<32x128xf32>
    %roll3A_287 = arith.constant 126 : i32
    %roll3A_288 = tpu.dynamic_rotate %select_n3A_233 by %roll3A_287 dim 1 : vector<32x128xf32>, i32 -> vector<32x128xf32>
    %roll3A_289 = arith.constant 2 : i32
    %roll3A_290 = tpu.dynamic_rotate %select_n3A_233 by %roll3A_289 dim 1 : vector<32x128xf32>, i32 -> vector<32x128xf32>
    %select_n3A_291 = arith.select %eq3A_251, %roll3A_288, %roll3A_290 : vector<32x128xi1>, vector<32x128xf32>
    %select_n3A_292 = arith.select %eq3A_278, %select_n3A_233, %select_n3A_291 : vector<32x128xi1>, vector<32x128xf32>
    %roll3A_293 = arith.constant 126 : i32
    %roll3A_294 = tpu.dynamic_rotate %select_n3A_239 by %roll3A_293 dim 1 : vector<32x128xf32>, i32 -> vector<32x128xf32>
    %roll3A_295 = arith.constant 2 : i32
    %roll3A_296 = tpu.dynamic_rotate %select_n3A_239 by %roll3A_295 dim 1 : vector<32x128xf32>, i32 -> vector<32x128xf32>
    %select_n3A_297 = arith.select %eq3A_251, %roll3A_294, %roll3A_296 : vector<32x128xi1>, vector<32x128xf32>
    %select_n3A_298 = arith.select %eq3A_278, %select_n3A_239, %select_n3A_297 : vector<32x128xi1>, vector<32x128xf32>
    %roll3A_299 = arith.constant 126 : i32
    %roll3A_300 = tpu.dynamic_rotate %select_n3A_245 by %roll3A_299 dim 1 : vector<32x128xf32>, i32 -> vector<32x128xf32>
    %roll3A_301 = arith.constant 2 : i32
    %roll3A_302 = tpu.dynamic_rotate %select_n3A_245 by %roll3A_301 dim 1 : vector<32x128xf32>, i32 -> vector<32x128xf32>
    %select_n3A_303 = arith.select %eq3A_251, %roll3A_300, %roll3A_302 : vector<32x128xi1>, vector<32x128xf32>
    %select_n3A_304 = arith.select %eq3A_278, %select_n3A_245, %select_n3A_303 : vector<32x128xi1>, vector<32x128xf32>
    %and3A_305 = arith.constant 1 : i32
    %and3A_306 = vector.broadcast %and3A_305 : i32 to vector<32x128xi32>
    %and3A_307 = arith.andi %add3A, %and3A_306 : vector<32x128xi32>
    %eq3A_308 = arith.constant 0 : i32
    %eq3A_309 = vector.broadcast %eq3A_308 : i32 to vector<32x128xi32>
    %eq3A_310 = arith.cmpi eq, %and3A_307, %eq3A_309 : vector<32x128xi32>
    %and3A_311 = arith.constant 8 : i32
    %and3A_312 = vector.broadcast %and3A_311 : i32 to vector<32x128xi32>
    %and3A_313 = arith.andi %add3A, %and3A_312 : vector<32x128xi32>
    %eq3A_314 = arith.constant 0 : i32
    %eq3A_315 = vector.broadcast %eq3A_314 : i32 to vector<32x128xi32>
    %eq3A_316 = arith.cmpi eq, %and3A_313, %eq3A_315 : vector<32x128xi32>
    %roll3A_317 = arith.constant 127 : i32
    %roll3A_318 = tpu.dynamic_rotate %select_n3A_279 by %roll3A_317 dim 1 : vector<32x128xi32>, i32 -> vector<32x128xi32>
    %roll3A_319 = arith.constant 1 : i32
    %roll3A_320 = tpu.dynamic_rotate %select_n3A_279 by %roll3A_319 dim 1 : vector<32x128xi32>, i32 -> vector<32x128xi32>
    %select_n3A_321 = arith.select %eq3A_310, %roll3A_318, %roll3A_320 : vector<32x128xi1>, vector<32x128xi32>
    %roll3A_322 = arith.constant 127 : i32
    %roll3A_323 = tpu.dynamic_rotate %select_n3A_280 by %roll3A_322 dim 1 : vector<32x128xi32>, i32 -> vector<32x128xi32>
    %roll3A_324 = arith.constant 1 : i32
    %roll3A_325 = tpu.dynamic_rotate %select_n3A_280 by %roll3A_324 dim 1 : vector<32x128xi32>, i32 -> vector<32x128xi32>
    %select_n3A_326 = arith.select %eq3A_310, %roll3A_323, %roll3A_325 : vector<32x128xi1>, vector<32x128xi32>
    %gt3A_327 = arith.cmpi sgt, %select_n3A_279, %select_n3A_321 : vector<32x128xi32>
    %eq3A_328 = arith.cmpi eq, %select_n3A_279, %select_n3A_321 : vector<32x128xi32>
    %lt3A_329 = arith.cmpi slt, %select_n3A_280, %select_n3A_326 : vector<32x128xi32>
    %and3A_330 = arith.andi %eq3A_328, %lt3A_329 : vector<32x128xi1>
    %or3A_331 = arith.ori %gt3A_327, %and3A_330 : vector<32x128xi1>
    %eq3A_332 = arith.xori %eq3A_310, %eq3A_316 : vector<32x128xi1>
    %eq3A_333 = arith.constant dense<true> : vector<32x128xi1>
    %eq3A_334 = arith.xori %eq3A_332, %eq3A_333 : vector<32x128xi1>
    %eq3A_335 = arith.xori %or3A_331, %eq3A_334 : vector<32x128xi1>
    %eq3A_336 = arith.constant dense<true> : vector<32x128xi1>
    %eq3A_337 = arith.xori %eq3A_335, %eq3A_336 : vector<32x128xi1>
    %select_n3A_338 = arith.select %eq3A_337, %select_n3A_279, %select_n3A_321 : vector<32x128xi1>, vector<32x128xi32>
    %select_n3A_339 = arith.select %eq3A_337, %select_n3A_280, %select_n3A_326 : vector<32x128xi1>, vector<32x128xi32>
    %roll3A_340 = arith.constant 127 : i32
    %roll3A_341 = tpu.dynamic_rotate %select_n3A_286 by %roll3A_340 dim 1 : vector<32x128xf32>, i32 -> vector<32x128xf32>
    %roll3A_342 = arith.constant 1 : i32
    %roll3A_343 = tpu.dynamic_rotate %select_n3A_286 by %roll3A_342 dim 1 : vector<32x128xf32>, i32 -> vector<32x128xf32>
    %select_n3A_344 = arith.select %eq3A_310, %roll3A_341, %roll3A_343 : vector<32x128xi1>, vector<32x128xf32>
    %select_n3A_345 = arith.select %eq3A_337, %select_n3A_286, %select_n3A_344 : vector<32x128xi1>, vector<32x128xf32>
    %roll3A_346 = arith.constant 127 : i32
    %roll3A_347 = tpu.dynamic_rotate %select_n3A_292 by %roll3A_346 dim 1 : vector<32x128xf32>, i32 -> vector<32x128xf32>
    %roll3A_348 = arith.constant 1 : i32
    %roll3A_349 = tpu.dynamic_rotate %select_n3A_292 by %roll3A_348 dim 1 : vector<32x128xf32>, i32 -> vector<32x128xf32>
    %select_n3A_350 = arith.select %eq3A_310, %roll3A_347, %roll3A_349 : vector<32x128xi1>, vector<32x128xf32>
    %select_n3A_351 = arith.select %eq3A_337, %select_n3A_292, %select_n3A_350 : vector<32x128xi1>, vector<32x128xf32>
    %roll3A_352 = arith.constant 127 : i32
    %roll3A_353 = tpu.dynamic_rotate %select_n3A_298 by %roll3A_352 dim 1 : vector<32x128xf32>, i32 -> vector<32x128xf32>
    %roll3A_354 = arith.constant 1 : i32
    %roll3A_355 = tpu.dynamic_rotate %select_n3A_298 by %roll3A_354 dim 1 : vector<32x128xf32>, i32 -> vector<32x128xf32>
    %select_n3A_356 = arith.select %eq3A_310, %roll3A_353, %roll3A_355 : vector<32x128xi1>, vector<32x128xf32>
    %select_n3A_357 = arith.select %eq3A_337, %select_n3A_298, %select_n3A_356 : vector<32x128xi1>, vector<32x128xf32>
    %roll3A_358 = arith.constant 127 : i32
    %roll3A_359 = tpu.dynamic_rotate %select_n3A_304 by %roll3A_358 dim 1 : vector<32x128xf32>, i32 -> vector<32x128xf32>
    %roll3A_360 = arith.constant 1 : i32
    %roll3A_361 = tpu.dynamic_rotate %select_n3A_304 by %roll3A_360 dim 1 : vector<32x128xf32>, i32 -> vector<32x128xf32>
    %select_n3A_362 = arith.select %eq3A_310, %roll3A_359, %roll3A_361 : vector<32x128xi1>, vector<32x128xf32>
    %select_n3A_363 = arith.select %eq3A_337, %select_n3A_304, %select_n3A_362 : vector<32x128xi1>, vector<32x128xf32>
    %and3A_364 = arith.constant 8 : i32
    %and3A_365 = vector.broadcast %and3A_364 : i32 to vector<32x128xi32>
    %and3A_366 = arith.andi %add3A, %and3A_365 : vector<32x128xi32>
    %eq3A_367 = arith.constant 0 : i32
    %eq3A_368 = vector.broadcast %eq3A_367 : i32 to vector<32x128xi32>
    %eq3A_369 = arith.cmpi eq, %and3A_366, %eq3A_368 : vector<32x128xi32>
    %and3A_370 = arith.constant 16 : i32
    %and3A_371 = vector.broadcast %and3A_370 : i32 to vector<32x128xi32>
    %and3A_372 = arith.andi %add3A, %and3A_371 : vector<32x128xi32>
    %eq3A_373 = arith.constant 0 : i32
    %eq3A_374 = vector.broadcast %eq3A_373 : i32 to vector<32x128xi32>
    %eq3A_375 = arith.cmpi eq, %and3A_372, %eq3A_374 : vector<32x128xi32>
    %roll3A_376 = arith.constant 120 : i32
    %roll3A_377 = tpu.dynamic_rotate %select_n3A_338 by %roll3A_376 dim 1 : vector<32x128xi32>, i32 -> vector<32x128xi32>
    %roll3A_378 = arith.constant 8 : i32
    %roll3A_379 = tpu.dynamic_rotate %select_n3A_338 by %roll3A_378 dim 1 : vector<32x128xi32>, i32 -> vector<32x128xi32>
    %select_n3A_380 = arith.select %eq3A_369, %roll3A_377, %roll3A_379 : vector<32x128xi1>, vector<32x128xi32>
    %roll3A_381 = arith.constant 120 : i32
    %roll3A_382 = tpu.dynamic_rotate %select_n3A_339 by %roll3A_381 dim 1 : vector<32x128xi32>, i32 -> vector<32x128xi32>
    %roll3A_383 = arith.constant 8 : i32
    %roll3A_384 = tpu.dynamic_rotate %select_n3A_339 by %roll3A_383 dim 1 : vector<32x128xi32>, i32 -> vector<32x128xi32>
    %select_n3A_385 = arith.select %eq3A_369, %roll3A_382, %roll3A_384 : vector<32x128xi1>, vector<32x128xi32>
    %gt3A_386 = arith.cmpi sgt, %select_n3A_338, %select_n3A_380 : vector<32x128xi32>
    %eq3A_387 = arith.cmpi eq, %select_n3A_338, %select_n3A_380 : vector<32x128xi32>
    %lt3A_388 = arith.cmpi slt, %select_n3A_339, %select_n3A_385 : vector<32x128xi32>
    %and3A_389 = arith.andi %eq3A_387, %lt3A_388 : vector<32x128xi1>
    %or3A_390 = arith.ori %gt3A_386, %and3A_389 : vector<32x128xi1>
    %eq3A_391 = arith.xori %eq3A_369, %eq3A_375 : vector<32x128xi1>
    %eq3A_392 = arith.constant dense<true> : vector<32x128xi1>
    %eq3A_393 = arith.xori %eq3A_391, %eq3A_392 : vector<32x128xi1>
    %eq3A_394 = arith.xori %or3A_390, %eq3A_393 : vector<32x128xi1>
    %eq3A_395 = arith.constant dense<true> : vector<32x128xi1>
    %eq3A_396 = arith.xori %eq3A_394, %eq3A_395 : vector<32x128xi1>
    %select_n3A_397 = arith.select %eq3A_396, %select_n3A_338, %select_n3A_380 : vector<32x128xi1>, vector<32x128xi32>
    %select_n3A_398 = arith.select %eq3A_396, %select_n3A_339, %select_n3A_385 : vector<32x128xi1>, vector<32x128xi32>
    %roll3A_399 = arith.constant 120 : i32
    %roll3A_400 = tpu.dynamic_rotate %select_n3A_345 by %roll3A_399 dim 1 : vector<32x128xf32>, i32 -> vector<32x128xf32>
    %roll3A_401 = arith.constant 8 : i32
    %roll3A_402 = tpu.dynamic_rotate %select_n3A_345 by %roll3A_401 dim 1 : vector<32x128xf32>, i32 -> vector<32x128xf32>
    %select_n3A_403 = arith.select %eq3A_369, %roll3A_400, %roll3A_402 : vector<32x128xi1>, vector<32x128xf32>
    %select_n3A_404 = arith.select %eq3A_396, %select_n3A_345, %select_n3A_403 : vector<32x128xi1>, vector<32x128xf32>
    %roll3A_405 = arith.constant 120 : i32
    %roll3A_406 = tpu.dynamic_rotate %select_n3A_351 by %roll3A_405 dim 1 : vector<32x128xf32>, i32 -> vector<32x128xf32>
    %roll3A_407 = arith.constant 8 : i32
    %roll3A_408 = tpu.dynamic_rotate %select_n3A_351 by %roll3A_407 dim 1 : vector<32x128xf32>, i32 -> vector<32x128xf32>
    %select_n3A_409 = arith.select %eq3A_369, %roll3A_406, %roll3A_408 : vector<32x128xi1>, vector<32x128xf32>
    %select_n3A_410 = arith.select %eq3A_396, %select_n3A_351, %select_n3A_409 : vector<32x128xi1>, vector<32x128xf32>
    %roll3A_411 = arith.constant 120 : i32
    %roll3A_412 = tpu.dynamic_rotate %select_n3A_357 by %roll3A_411 dim 1 : vector<32x128xf32>, i32 -> vector<32x128xf32>
    %roll3A_413 = arith.constant 8 : i32
    %roll3A_414 = tpu.dynamic_rotate %select_n3A_357 by %roll3A_413 dim 1 : vector<32x128xf32>, i32 -> vector<32x128xf32>
    %select_n3A_415 = arith.select %eq3A_369, %roll3A_412, %roll3A_414 : vector<32x128xi1>, vector<32x128xf32>
    %select_n3A_416 = arith.select %eq3A_396, %select_n3A_357, %select_n3A_415 : vector<32x128xi1>, vector<32x128xf32>
    %roll3A_417 = arith.constant 120 : i32
    %roll3A_418 = tpu.dynamic_rotate %select_n3A_363 by %roll3A_417 dim 1 : vector<32x128xf32>, i32 -> vector<32x128xf32>
    %roll3A_419 = arith.constant 8 : i32
    %roll3A_420 = tpu.dynamic_rotate %select_n3A_363 by %roll3A_419 dim 1 : vector<32x128xf32>, i32 -> vector<32x128xf32>
    %select_n3A_421 = arith.select %eq3A_369, %roll3A_418, %roll3A_420 : vector<32x128xi1>, vector<32x128xf32>
    %select_n3A_422 = arith.select %eq3A_396, %select_n3A_363, %select_n3A_421 : vector<32x128xi1>, vector<32x128xf32>
    %and3A_423 = arith.constant 4 : i32
    %and3A_424 = vector.broadcast %and3A_423 : i32 to vector<32x128xi32>
    %and3A_425 = arith.andi %add3A, %and3A_424 : vector<32x128xi32>
    %eq3A_426 = arith.constant 0 : i32
    %eq3A_427 = vector.broadcast %eq3A_426 : i32 to vector<32x128xi32>
    %eq3A_428 = arith.cmpi eq, %and3A_425, %eq3A_427 : vector<32x128xi32>
    %and3A_429 = arith.constant 16 : i32
    %and3A_430 = vector.broadcast %and3A_429 : i32 to vector<32x128xi32>
    %and3A_431 = arith.andi %add3A, %and3A_430 : vector<32x128xi32>
    %eq3A_432 = arith.constant 0 : i32
    %eq3A_433 = vector.broadcast %eq3A_432 : i32 to vector<32x128xi32>
    %eq3A_434 = arith.cmpi eq, %and3A_431, %eq3A_433 : vector<32x128xi32>
    %roll3A_435 = arith.constant 124 : i32
    %roll3A_436 = tpu.dynamic_rotate %select_n3A_397 by %roll3A_435 dim 1 : vector<32x128xi32>, i32 -> vector<32x128xi32>
    %roll3A_437 = arith.constant 4 : i32
    %roll3A_438 = tpu.dynamic_rotate %select_n3A_397 by %roll3A_437 dim 1 : vector<32x128xi32>, i32 -> vector<32x128xi32>
    %select_n3A_439 = arith.select %eq3A_428, %roll3A_436, %roll3A_438 : vector<32x128xi1>, vector<32x128xi32>
    %roll3A_440 = arith.constant 124 : i32
    %roll3A_441 = tpu.dynamic_rotate %select_n3A_398 by %roll3A_440 dim 1 : vector<32x128xi32>, i32 -> vector<32x128xi32>
    %roll3A_442 = arith.constant 4 : i32
    %roll3A_443 = tpu.dynamic_rotate %select_n3A_398 by %roll3A_442 dim 1 : vector<32x128xi32>, i32 -> vector<32x128xi32>
    %select_n3A_444 = arith.select %eq3A_428, %roll3A_441, %roll3A_443 : vector<32x128xi1>, vector<32x128xi32>
    %gt3A_445 = arith.cmpi sgt, %select_n3A_397, %select_n3A_439 : vector<32x128xi32>
    %eq3A_446 = arith.cmpi eq, %select_n3A_397, %select_n3A_439 : vector<32x128xi32>
    %lt3A_447 = arith.cmpi slt, %select_n3A_398, %select_n3A_444 : vector<32x128xi32>
    %and3A_448 = arith.andi %eq3A_446, %lt3A_447 : vector<32x128xi1>
    %or3A_449 = arith.ori %gt3A_445, %and3A_448 : vector<32x128xi1>
    %eq3A_450 = arith.xori %eq3A_428, %eq3A_434 : vector<32x128xi1>
    %eq3A_451 = arith.constant dense<true> : vector<32x128xi1>
    %eq3A_452 = arith.xori %eq3A_450, %eq3A_451 : vector<32x128xi1>
    %eq3A_453 = arith.xori %or3A_449, %eq3A_452 : vector<32x128xi1>
    %eq3A_454 = arith.constant dense<true> : vector<32x128xi1>
    %eq3A_455 = arith.xori %eq3A_453, %eq3A_454 : vector<32x128xi1>
    %select_n3A_456 = arith.select %eq3A_455, %select_n3A_397, %select_n3A_439 : vector<32x128xi1>, vector<32x128xi32>
    %select_n3A_457 = arith.select %eq3A_455, %select_n3A_398, %select_n3A_444 : vector<32x128xi1>, vector<32x128xi32>
    %roll3A_458 = arith.constant 124 : i32
    %roll3A_459 = tpu.dynamic_rotate %select_n3A_404 by %roll3A_458 dim 1 : vector<32x128xf32>, i32 -> vector<32x128xf32>
    %roll3A_460 = arith.constant 4 : i32
    %roll3A_461 = tpu.dynamic_rotate %select_n3A_404 by %roll3A_460 dim 1 : vector<32x128xf32>, i32 -> vector<32x128xf32>
    %select_n3A_462 = arith.select %eq3A_428, %roll3A_459, %roll3A_461 : vector<32x128xi1>, vector<32x128xf32>
    %select_n3A_463 = arith.select %eq3A_455, %select_n3A_404, %select_n3A_462 : vector<32x128xi1>, vector<32x128xf32>
    %roll3A_464 = arith.constant 124 : i32
    %roll3A_465 = tpu.dynamic_rotate %select_n3A_410 by %roll3A_464 dim 1 : vector<32x128xf32>, i32 -> vector<32x128xf32>
    %roll3A_466 = arith.constant 4 : i32
    %roll3A_467 = tpu.dynamic_rotate %select_n3A_410 by %roll3A_466 dim 1 : vector<32x128xf32>, i32 -> vector<32x128xf32>
    %select_n3A_468 = arith.select %eq3A_428, %roll3A_465, %roll3A_467 : vector<32x128xi1>, vector<32x128xf32>
    %select_n3A_469 = arith.select %eq3A_455, %select_n3A_410, %select_n3A_468 : vector<32x128xi1>, vector<32x128xf32>
    %roll3A_470 = arith.constant 124 : i32
    %roll3A_471 = tpu.dynamic_rotate %select_n3A_416 by %roll3A_470 dim 1 : vector<32x128xf32>, i32 -> vector<32x128xf32>
    %roll3A_472 = arith.constant 4 : i32
    %roll3A_473 = tpu.dynamic_rotate %select_n3A_416 by %roll3A_472 dim 1 : vector<32x128xf32>, i32 -> vector<32x128xf32>
    %select_n3A_474 = arith.select %eq3A_428, %roll3A_471, %roll3A_473 : vector<32x128xi1>, vector<32x128xf32>
    %select_n3A_475 = arith.select %eq3A_455, %select_n3A_416, %select_n3A_474 : vector<32x128xi1>, vector<32x128xf32>
    %roll3A_476 = arith.constant 124 : i32
    %roll3A_477 = tpu.dynamic_rotate %select_n3A_422 by %roll3A_476 dim 1 : vector<32x128xf32>, i32 -> vector<32x128xf32>
    %roll3A_478 = arith.constant 4 : i32
    %roll3A_479 = tpu.dynamic_rotate %select_n3A_422 by %roll3A_478 dim 1 : vector<32x128xf32>, i32 -> vector<32x128xf32>
    %select_n3A_480 = arith.select %eq3A_428, %roll3A_477, %roll3A_479 : vector<32x128xi1>, vector<32x128xf32>
    %select_n3A_481 = arith.select %eq3A_455, %select_n3A_422, %select_n3A_480 : vector<32x128xi1>, vector<32x128xf32>
    %and3A_482 = arith.constant 2 : i32
    %and3A_483 = vector.broadcast %and3A_482 : i32 to vector<32x128xi32>
    %and3A_484 = arith.andi %add3A, %and3A_483 : vector<32x128xi32>
    %eq3A_485 = arith.constant 0 : i32
    %eq3A_486 = vector.broadcast %eq3A_485 : i32 to vector<32x128xi32>
    %eq3A_487 = arith.cmpi eq, %and3A_484, %eq3A_486 : vector<32x128xi32>
    %and3A_488 = arith.constant 16 : i32
    %and3A_489 = vector.broadcast %and3A_488 : i32 to vector<32x128xi32>
    %and3A_490 = arith.andi %add3A, %and3A_489 : vector<32x128xi32>
    %eq3A_491 = arith.constant 0 : i32
    %eq3A_492 = vector.broadcast %eq3A_491 : i32 to vector<32x128xi32>
    %eq3A_493 = arith.cmpi eq, %and3A_490, %eq3A_492 : vector<32x128xi32>
    %roll3A_494 = arith.constant 126 : i32
    %roll3A_495 = tpu.dynamic_rotate %select_n3A_456 by %roll3A_494 dim 1 : vector<32x128xi32>, i32 -> vector<32x128xi32>
    %roll3A_496 = arith.constant 2 : i32
    %roll3A_497 = tpu.dynamic_rotate %select_n3A_456 by %roll3A_496 dim 1 : vector<32x128xi32>, i32 -> vector<32x128xi32>
    %select_n3A_498 = arith.select %eq3A_487, %roll3A_495, %roll3A_497 : vector<32x128xi1>, vector<32x128xi32>
    %roll3A_499 = arith.constant 126 : i32
    %roll3A_500 = tpu.dynamic_rotate %select_n3A_457 by %roll3A_499 dim 1 : vector<32x128xi32>, i32 -> vector<32x128xi32>
    %roll3A_501 = arith.constant 2 : i32
    %roll3A_502 = tpu.dynamic_rotate %select_n3A_457 by %roll3A_501 dim 1 : vector<32x128xi32>, i32 -> vector<32x128xi32>
    %select_n3A_503 = arith.select %eq3A_487, %roll3A_500, %roll3A_502 : vector<32x128xi1>, vector<32x128xi32>
    %gt3A_504 = arith.cmpi sgt, %select_n3A_456, %select_n3A_498 : vector<32x128xi32>
    %eq3A_505 = arith.cmpi eq, %select_n3A_456, %select_n3A_498 : vector<32x128xi32>
    %lt3A_506 = arith.cmpi slt, %select_n3A_457, %select_n3A_503 : vector<32x128xi32>
    %and3A_507 = arith.andi %eq3A_505, %lt3A_506 : vector<32x128xi1>
    %or3A_508 = arith.ori %gt3A_504, %and3A_507 : vector<32x128xi1>
    %eq3A_509 = arith.xori %eq3A_487, %eq3A_493 : vector<32x128xi1>
    %eq3A_510 = arith.constant dense<true> : vector<32x128xi1>
    %eq3A_511 = arith.xori %eq3A_509, %eq3A_510 : vector<32x128xi1>
    %eq3A_512 = arith.xori %or3A_508, %eq3A_511 : vector<32x128xi1>
    %eq3A_513 = arith.constant dense<true> : vector<32x128xi1>
    %eq3A_514 = arith.xori %eq3A_512, %eq3A_513 : vector<32x128xi1>
    %select_n3A_515 = arith.select %eq3A_514, %select_n3A_456, %select_n3A_498 : vector<32x128xi1>, vector<32x128xi32>
    %select_n3A_516 = arith.select %eq3A_514, %select_n3A_457, %select_n3A_503 : vector<32x128xi1>, vector<32x128xi32>
    %roll3A_517 = arith.constant 126 : i32
    %roll3A_518 = tpu.dynamic_rotate %select_n3A_463 by %roll3A_517 dim 1 : vector<32x128xf32>, i32 -> vector<32x128xf32>
    %roll3A_519 = arith.constant 2 : i32
    %roll3A_520 = tpu.dynamic_rotate %select_n3A_463 by %roll3A_519 dim 1 : vector<32x128xf32>, i32 -> vector<32x128xf32>
    %select_n3A_521 = arith.select %eq3A_487, %roll3A_518, %roll3A_520 : vector<32x128xi1>, vector<32x128xf32>
    %select_n3A_522 = arith.select %eq3A_514, %select_n3A_463, %select_n3A_521 : vector<32x128xi1>, vector<32x128xf32>
    %roll3A_523 = arith.constant 126 : i32
    %roll3A_524 = tpu.dynamic_rotate %select_n3A_469 by %roll3A_523 dim 1 : vector<32x128xf32>, i32 -> vector<32x128xf32>
    %roll3A_525 = arith.constant 2 : i32
    %roll3A_526 = tpu.dynamic_rotate %select_n3A_469 by %roll3A_525 dim 1 : vector<32x128xf32>, i32 -> vector<32x128xf32>
    %select_n3A_527 = arith.select %eq3A_487, %roll3A_524, %roll3A_526 : vector<32x128xi1>, vector<32x128xf32>
    %select_n3A_528 = arith.select %eq3A_514, %select_n3A_469, %select_n3A_527 : vector<32x128xi1>, vector<32x128xf32>
    %roll3A_529 = arith.constant 126 : i32
    %roll3A_530 = tpu.dynamic_rotate %select_n3A_475 by %roll3A_529 dim 1 : vector<32x128xf32>, i32 -> vector<32x128xf32>
    %roll3A_531 = arith.constant 2 : i32
    %roll3A_532 = tpu.dynamic_rotate %select_n3A_475 by %roll3A_531 dim 1 : vector<32x128xf32>, i32 -> vector<32x128xf32>
    %select_n3A_533 = arith.select %eq3A_487, %roll3A_530, %roll3A_532 : vector<32x128xi1>, vector<32x128xf32>
    %select_n3A_534 = arith.select %eq3A_514, %select_n3A_475, %select_n3A_533 : vector<32x128xi1>, vector<32x128xf32>
    %roll3A_535 = arith.constant 126 : i32
    %roll3A_536 = tpu.dynamic_rotate %select_n3A_481 by %roll3A_535 dim 1 : vector<32x128xf32>, i32 -> vector<32x128xf32>
    %roll3A_537 = arith.constant 2 : i32
    %roll3A_538 = tpu.dynamic_rotate %select_n3A_481 by %roll3A_537 dim 1 : vector<32x128xf32>, i32 -> vector<32x128xf32>
    %select_n3A_539 = arith.select %eq3A_487, %roll3A_536, %roll3A_538 : vector<32x128xi1>, vector<32x128xf32>
    %select_n3A_540 = arith.select %eq3A_514, %select_n3A_481, %select_n3A_539 : vector<32x128xi1>, vector<32x128xf32>
    %and3A_541 = arith.constant 1 : i32
    %and3A_542 = vector.broadcast %and3A_541 : i32 to vector<32x128xi32>
    %and3A_543 = arith.andi %add3A, %and3A_542 : vector<32x128xi32>
    %eq3A_544 = arith.constant 0 : i32
    %eq3A_545 = vector.broadcast %eq3A_544 : i32 to vector<32x128xi32>
    %eq3A_546 = arith.cmpi eq, %and3A_543, %eq3A_545 : vector<32x128xi32>
    %and3A_547 = arith.constant 16 : i32
    %and3A_548 = vector.broadcast %and3A_547 : i32 to vector<32x128xi32>
    %and3A_549 = arith.andi %add3A, %and3A_548 : vector<32x128xi32>
    %eq3A_550 = arith.constant 0 : i32
    %eq3A_551 = vector.broadcast %eq3A_550 : i32 to vector<32x128xi32>
    %eq3A_552 = arith.cmpi eq, %and3A_549, %eq3A_551 : vector<32x128xi32>
    %roll3A_553 = arith.constant 127 : i32
    %roll3A_554 = tpu.dynamic_rotate %select_n3A_515 by %roll3A_553 dim 1 : vector<32x128xi32>, i32 -> vector<32x128xi32>
    %roll3A_555 = arith.constant 1 : i32
    %roll3A_556 = tpu.dynamic_rotate %select_n3A_515 by %roll3A_555 dim 1 : vector<32x128xi32>, i32 -> vector<32x128xi32>
    %select_n3A_557 = arith.select %eq3A_546, %roll3A_554, %roll3A_556 : vector<32x128xi1>, vector<32x128xi32>
    %roll3A_558 = arith.constant 127 : i32
    %roll3A_559 = tpu.dynamic_rotate %select_n3A_516 by %roll3A_558 dim 1 : vector<32x128xi32>, i32 -> vector<32x128xi32>
    %roll3A_560 = arith.constant 1 : i32
    %roll3A_561 = tpu.dynamic_rotate %select_n3A_516 by %roll3A_560 dim 1 : vector<32x128xi32>, i32 -> vector<32x128xi32>
    %select_n3A_562 = arith.select %eq3A_546, %roll3A_559, %roll3A_561 : vector<32x128xi1>, vector<32x128xi32>
    %gt3A_563 = arith.cmpi sgt, %select_n3A_515, %select_n3A_557 : vector<32x128xi32>
    %eq3A_564 = arith.cmpi eq, %select_n3A_515, %select_n3A_557 : vector<32x128xi32>
    %lt3A_565 = arith.cmpi slt, %select_n3A_516, %select_n3A_562 : vector<32x128xi32>
    %and3A_566 = arith.andi %eq3A_564, %lt3A_565 : vector<32x128xi1>
    %or3A_567 = arith.ori %gt3A_563, %and3A_566 : vector<32x128xi1>
    %eq3A_568 = arith.xori %eq3A_546, %eq3A_552 : vector<32x128xi1>
    %eq3A_569 = arith.constant dense<true> : vector<32x128xi1>
    %eq3A_570 = arith.xori %eq3A_568, %eq3A_569 : vector<32x128xi1>
    %eq3A_571 = arith.xori %or3A_567, %eq3A_570 : vector<32x128xi1>
    %eq3A_572 = arith.constant dense<true> : vector<32x128xi1>
    %eq3A_573 = arith.xori %eq3A_571, %eq3A_572 : vector<32x128xi1>
    %select_n3A_574 = arith.select %eq3A_573, %select_n3A_515, %select_n3A_557 : vector<32x128xi1>, vector<32x128xi32>
    %select_n3A_575 = arith.select %eq3A_573, %select_n3A_516, %select_n3A_562 : vector<32x128xi1>, vector<32x128xi32>
    %roll3A_576 = arith.constant 127 : i32
    %roll3A_577 = tpu.dynamic_rotate %select_n3A_522 by %roll3A_576 dim 1 : vector<32x128xf32>, i32 -> vector<32x128xf32>
    %roll3A_578 = arith.constant 1 : i32
    %roll3A_579 = tpu.dynamic_rotate %select_n3A_522 by %roll3A_578 dim 1 : vector<32x128xf32>, i32 -> vector<32x128xf32>
    %select_n3A_580 = arith.select %eq3A_546, %roll3A_577, %roll3A_579 : vector<32x128xi1>, vector<32x128xf32>
    %select_n3A_581 = arith.select %eq3A_573, %select_n3A_522, %select_n3A_580 : vector<32x128xi1>, vector<32x128xf32>
    %roll3A_582 = arith.constant 127 : i32
    %roll3A_583 = tpu.dynamic_rotate %select_n3A_528 by %roll3A_582 dim 1 : vector<32x128xf32>, i32 -> vector<32x128xf32>
    %roll3A_584 = arith.constant 1 : i32
    %roll3A_585 = tpu.dynamic_rotate %select_n3A_528 by %roll3A_584 dim 1 : vector<32x128xf32>, i32 -> vector<32x128xf32>
    %select_n3A_586 = arith.select %eq3A_546, %roll3A_583, %roll3A_585 : vector<32x128xi1>, vector<32x128xf32>
    %select_n3A_587 = arith.select %eq3A_573, %select_n3A_528, %select_n3A_586 : vector<32x128xi1>, vector<32x128xf32>
    %roll3A_588 = arith.constant 127 : i32
    %roll3A_589 = tpu.dynamic_rotate %select_n3A_534 by %roll3A_588 dim 1 : vector<32x128xf32>, i32 -> vector<32x128xf32>
    %roll3A_590 = arith.constant 1 : i32
    %roll3A_591 = tpu.dynamic_rotate %select_n3A_534 by %roll3A_590 dim 1 : vector<32x128xf32>, i32 -> vector<32x128xf32>
    %select_n3A_592 = arith.select %eq3A_546, %roll3A_589, %roll3A_591 : vector<32x128xi1>, vector<32x128xf32>
    %select_n3A_593 = arith.select %eq3A_573, %select_n3A_534, %select_n3A_592 : vector<32x128xi1>, vector<32x128xf32>
    %roll3A_594 = arith.constant 127 : i32
    %roll3A_595 = tpu.dynamic_rotate %select_n3A_540 by %roll3A_594 dim 1 : vector<32x128xf32>, i32 -> vector<32x128xf32>
    %roll3A_596 = arith.constant 1 : i32
    %roll3A_597 = tpu.dynamic_rotate %select_n3A_540 by %roll3A_596 dim 1 : vector<32x128xf32>, i32 -> vector<32x128xf32>
    %select_n3A_598 = arith.select %eq3A_546, %roll3A_595, %roll3A_597 : vector<32x128xi1>, vector<32x128xf32>
    %select_n3A_599 = arith.select %eq3A_573, %select_n3A_540, %select_n3A_598 : vector<32x128xi1>, vector<32x128xf32>
    %and3A_600 = arith.constant 16 : i32
    %and3A_601 = vector.broadcast %and3A_600 : i32 to vector<32x128xi32>
    %and3A_602 = arith.andi %add3A, %and3A_601 : vector<32x128xi32>
    %eq3A_603 = arith.constant 0 : i32
    %eq3A_604 = vector.broadcast %eq3A_603 : i32 to vector<32x128xi32>
    %eq3A_605 = arith.cmpi eq, %and3A_602, %eq3A_604 : vector<32x128xi32>
    %and3A_606 = arith.constant 32 : i32
    %and3A_607 = vector.broadcast %and3A_606 : i32 to vector<32x128xi32>
    %and3A_608 = arith.andi %add3A, %and3A_607 : vector<32x128xi32>
    %eq3A_609 = arith.constant 0 : i32
    %eq3A_610 = vector.broadcast %eq3A_609 : i32 to vector<32x128xi32>
    %eq3A_611 = arith.cmpi eq, %and3A_608, %eq3A_610 : vector<32x128xi32>
    %roll3A_612 = arith.constant 112 : i32
    %roll3A_613 = tpu.dynamic_rotate %select_n3A_574 by %roll3A_612 dim 1 : vector<32x128xi32>, i32 -> vector<32x128xi32>
    %roll3A_614 = arith.constant 16 : i32
    %roll3A_615 = tpu.dynamic_rotate %select_n3A_574 by %roll3A_614 dim 1 : vector<32x128xi32>, i32 -> vector<32x128xi32>
    %select_n3A_616 = arith.select %eq3A_605, %roll3A_613, %roll3A_615 : vector<32x128xi1>, vector<32x128xi32>
    %roll3A_617 = arith.constant 112 : i32
    %roll3A_618 = tpu.dynamic_rotate %select_n3A_575 by %roll3A_617 dim 1 : vector<32x128xi32>, i32 -> vector<32x128xi32>
    %roll3A_619 = arith.constant 16 : i32
    %roll3A_620 = tpu.dynamic_rotate %select_n3A_575 by %roll3A_619 dim 1 : vector<32x128xi32>, i32 -> vector<32x128xi32>
    %select_n3A_621 = arith.select %eq3A_605, %roll3A_618, %roll3A_620 : vector<32x128xi1>, vector<32x128xi32>
    %gt3A_622 = arith.cmpi sgt, %select_n3A_574, %select_n3A_616 : vector<32x128xi32>
    %eq3A_623 = arith.cmpi eq, %select_n3A_574, %select_n3A_616 : vector<32x128xi32>
    %lt3A_624 = arith.cmpi slt, %select_n3A_575, %select_n3A_621 : vector<32x128xi32>
    %and3A_625 = arith.andi %eq3A_623, %lt3A_624 : vector<32x128xi1>
    %or3A_626 = arith.ori %gt3A_622, %and3A_625 : vector<32x128xi1>
    %eq3A_627 = arith.xori %eq3A_605, %eq3A_611 : vector<32x128xi1>
    %eq3A_628 = arith.constant dense<true> : vector<32x128xi1>
    %eq3A_629 = arith.xori %eq3A_627, %eq3A_628 : vector<32x128xi1>
    %eq3A_630 = arith.xori %or3A_626, %eq3A_629 : vector<32x128xi1>
    %eq3A_631 = arith.constant dense<true> : vector<32x128xi1>
    %eq3A_632 = arith.xori %eq3A_630, %eq3A_631 : vector<32x128xi1>
    %select_n3A_633 = arith.select %eq3A_632, %select_n3A_574, %select_n3A_616 : vector<32x128xi1>, vector<32x128xi32>
    %select_n3A_634 = arith.select %eq3A_632, %select_n3A_575, %select_n3A_621 : vector<32x128xi1>, vector<32x128xi32>
    %roll3A_635 = arith.constant 112 : i32
    %roll3A_636 = tpu.dynamic_rotate %select_n3A_581 by %roll3A_635 dim 1 : vector<32x128xf32>, i32 -> vector<32x128xf32>
    %roll3A_637 = arith.constant 16 : i32
    %roll3A_638 = tpu.dynamic_rotate %select_n3A_581 by %roll3A_637 dim 1 : vector<32x128xf32>, i32 -> vector<32x128xf32>
    %select_n3A_639 = arith.select %eq3A_605, %roll3A_636, %roll3A_638 : vector<32x128xi1>, vector<32x128xf32>
    %select_n3A_640 = arith.select %eq3A_632, %select_n3A_581, %select_n3A_639 : vector<32x128xi1>, vector<32x128xf32>
    %roll3A_641 = arith.constant 112 : i32
    %roll3A_642 = tpu.dynamic_rotate %select_n3A_587 by %roll3A_641 dim 1 : vector<32x128xf32>, i32 -> vector<32x128xf32>
    %roll3A_643 = arith.constant 16 : i32
    %roll3A_644 = tpu.dynamic_rotate %select_n3A_587 by %roll3A_643 dim 1 : vector<32x128xf32>, i32 -> vector<32x128xf32>
    %select_n3A_645 = arith.select %eq3A_605, %roll3A_642, %roll3A_644 : vector<32x128xi1>, vector<32x128xf32>
    %select_n3A_646 = arith.select %eq3A_632, %select_n3A_587, %select_n3A_645 : vector<32x128xi1>, vector<32x128xf32>
    %roll3A_647 = arith.constant 112 : i32
    %roll3A_648 = tpu.dynamic_rotate %select_n3A_593 by %roll3A_647 dim 1 : vector<32x128xf32>, i32 -> vector<32x128xf32>
    %roll3A_649 = arith.constant 16 : i32
    %roll3A_650 = tpu.dynamic_rotate %select_n3A_593 by %roll3A_649 dim 1 : vector<32x128xf32>, i32 -> vector<32x128xf32>
    %select_n3A_651 = arith.select %eq3A_605, %roll3A_648, %roll3A_650 : vector<32x128xi1>, vector<32x128xf32>
    %select_n3A_652 = arith.select %eq3A_632, %select_n3A_593, %select_n3A_651 : vector<32x128xi1>, vector<32x128xf32>
    %roll3A_653 = arith.constant 112 : i32
    %roll3A_654 = tpu.dynamic_rotate %select_n3A_599 by %roll3A_653 dim 1 : vector<32x128xf32>, i32 -> vector<32x128xf32>
    %roll3A_655 = arith.constant 16 : i32
    %roll3A_656 = tpu.dynamic_rotate %select_n3A_599 by %roll3A_655 dim 1 : vector<32x128xf32>, i32 -> vector<32x128xf32>
    %select_n3A_657 = arith.select %eq3A_605, %roll3A_654, %roll3A_656 : vector<32x128xi1>, vector<32x128xf32>
    %select_n3A_658 = arith.select %eq3A_632, %select_n3A_599, %select_n3A_657 : vector<32x128xi1>, vector<32x128xf32>
    %and3A_659 = arith.constant 8 : i32
    %and3A_660 = vector.broadcast %and3A_659 : i32 to vector<32x128xi32>
    %and3A_661 = arith.andi %add3A, %and3A_660 : vector<32x128xi32>
    %eq3A_662 = arith.constant 0 : i32
    %eq3A_663 = vector.broadcast %eq3A_662 : i32 to vector<32x128xi32>
    %eq3A_664 = arith.cmpi eq, %and3A_661, %eq3A_663 : vector<32x128xi32>
    %and3A_665 = arith.constant 32 : i32
    %and3A_666 = vector.broadcast %and3A_665 : i32 to vector<32x128xi32>
    %and3A_667 = arith.andi %add3A, %and3A_666 : vector<32x128xi32>
    %eq3A_668 = arith.constant 0 : i32
    %eq3A_669 = vector.broadcast %eq3A_668 : i32 to vector<32x128xi32>
    %eq3A_670 = arith.cmpi eq, %and3A_667, %eq3A_669 : vector<32x128xi32>
    %roll3A_671 = arith.constant 120 : i32
    %roll3A_672 = tpu.dynamic_rotate %select_n3A_633 by %roll3A_671 dim 1 : vector<32x128xi32>, i32 -> vector<32x128xi32>
    %roll3A_673 = arith.constant 8 : i32
    %roll3A_674 = tpu.dynamic_rotate %select_n3A_633 by %roll3A_673 dim 1 : vector<32x128xi32>, i32 -> vector<32x128xi32>
    %select_n3A_675 = arith.select %eq3A_664, %roll3A_672, %roll3A_674 : vector<32x128xi1>, vector<32x128xi32>
    %roll3A_676 = arith.constant 120 : i32
    %roll3A_677 = tpu.dynamic_rotate %select_n3A_634 by %roll3A_676 dim 1 : vector<32x128xi32>, i32 -> vector<32x128xi32>
    %roll3A_678 = arith.constant 8 : i32
    %roll3A_679 = tpu.dynamic_rotate %select_n3A_634 by %roll3A_678 dim 1 : vector<32x128xi32>, i32 -> vector<32x128xi32>
    %select_n3A_680 = arith.select %eq3A_664, %roll3A_677, %roll3A_679 : vector<32x128xi1>, vector<32x128xi32>
    %gt3A_681 = arith.cmpi sgt, %select_n3A_633, %select_n3A_675 : vector<32x128xi32>
    %eq3A_682 = arith.cmpi eq, %select_n3A_633, %select_n3A_675 : vector<32x128xi32>
    %lt3A_683 = arith.cmpi slt, %select_n3A_634, %select_n3A_680 : vector<32x128xi32>
    %and3A_684 = arith.andi %eq3A_682, %lt3A_683 : vector<32x128xi1>
    %or3A_685 = arith.ori %gt3A_681, %and3A_684 : vector<32x128xi1>
    %eq3A_686 = arith.xori %eq3A_664, %eq3A_670 : vector<32x128xi1>
    %eq3A_687 = arith.constant dense<true> : vector<32x128xi1>
    %eq3A_688 = arith.xori %eq3A_686, %eq3A_687 : vector<32x128xi1>
    %eq3A_689 = arith.xori %or3A_685, %eq3A_688 : vector<32x128xi1>
    %eq3A_690 = arith.constant dense<true> : vector<32x128xi1>
    %eq3A_691 = arith.xori %eq3A_689, %eq3A_690 : vector<32x128xi1>
    %select_n3A_692 = arith.select %eq3A_691, %select_n3A_633, %select_n3A_675 : vector<32x128xi1>, vector<32x128xi32>
    %select_n3A_693 = arith.select %eq3A_691, %select_n3A_634, %select_n3A_680 : vector<32x128xi1>, vector<32x128xi32>
    %roll3A_694 = arith.constant 120 : i32
    %roll3A_695 = tpu.dynamic_rotate %select_n3A_640 by %roll3A_694 dim 1 : vector<32x128xf32>, i32 -> vector<32x128xf32>
    %roll3A_696 = arith.constant 8 : i32
    %roll3A_697 = tpu.dynamic_rotate %select_n3A_640 by %roll3A_696 dim 1 : vector<32x128xf32>, i32 -> vector<32x128xf32>
    %select_n3A_698 = arith.select %eq3A_664, %roll3A_695, %roll3A_697 : vector<32x128xi1>, vector<32x128xf32>
    %select_n3A_699 = arith.select %eq3A_691, %select_n3A_640, %select_n3A_698 : vector<32x128xi1>, vector<32x128xf32>
    %roll3A_700 = arith.constant 120 : i32
    %roll3A_701 = tpu.dynamic_rotate %select_n3A_646 by %roll3A_700 dim 1 : vector<32x128xf32>, i32 -> vector<32x128xf32>
    %roll3A_702 = arith.constant 8 : i32
    %roll3A_703 = tpu.dynamic_rotate %select_n3A_646 by %roll3A_702 dim 1 : vector<32x128xf32>, i32 -> vector<32x128xf32>
    %select_n3A_704 = arith.select %eq3A_664, %roll3A_701, %roll3A_703 : vector<32x128xi1>, vector<32x128xf32>
    %select_n3A_705 = arith.select %eq3A_691, %select_n3A_646, %select_n3A_704 : vector<32x128xi1>, vector<32x128xf32>
    %roll3A_706 = arith.constant 120 : i32
    %roll3A_707 = tpu.dynamic_rotate %select_n3A_652 by %roll3A_706 dim 1 : vector<32x128xf32>, i32 -> vector<32x128xf32>
    %roll3A_708 = arith.constant 8 : i32
    %roll3A_709 = tpu.dynamic_rotate %select_n3A_652 by %roll3A_708 dim 1 : vector<32x128xf32>, i32 -> vector<32x128xf32>
    %select_n3A_710 = arith.select %eq3A_664, %roll3A_707, %roll3A_709 : vector<32x128xi1>, vector<32x128xf32>
    %select_n3A_711 = arith.select %eq3A_691, %select_n3A_652, %select_n3A_710 : vector<32x128xi1>, vector<32x128xf32>
    %roll3A_712 = arith.constant 120 : i32
    %roll3A_713 = tpu.dynamic_rotate %select_n3A_658 by %roll3A_712 dim 1 : vector<32x128xf32>, i32 -> vector<32x128xf32>
    %roll3A_714 = arith.constant 8 : i32
    %roll3A_715 = tpu.dynamic_rotate %select_n3A_658 by %roll3A_714 dim 1 : vector<32x128xf32>, i32 -> vector<32x128xf32>
    %select_n3A_716 = arith.select %eq3A_664, %roll3A_713, %roll3A_715 : vector<32x128xi1>, vector<32x128xf32>
    %select_n3A_717 = arith.select %eq3A_691, %select_n3A_658, %select_n3A_716 : vector<32x128xi1>, vector<32x128xf32>
    %and3A_718 = arith.constant 4 : i32
    %and3A_719 = vector.broadcast %and3A_718 : i32 to vector<32x128xi32>
    %and3A_720 = arith.andi %add3A, %and3A_719 : vector<32x128xi32>
    %eq3A_721 = arith.constant 0 : i32
    %eq3A_722 = vector.broadcast %eq3A_721 : i32 to vector<32x128xi32>
    %eq3A_723 = arith.cmpi eq, %and3A_720, %eq3A_722 : vector<32x128xi32>
    %and3A_724 = arith.constant 32 : i32
    %and3A_725 = vector.broadcast %and3A_724 : i32 to vector<32x128xi32>
    %and3A_726 = arith.andi %add3A, %and3A_725 : vector<32x128xi32>
    %eq3A_727 = arith.constant 0 : i32
    %eq3A_728 = vector.broadcast %eq3A_727 : i32 to vector<32x128xi32>
    %eq3A_729 = arith.cmpi eq, %and3A_726, %eq3A_728 : vector<32x128xi32>
    %roll3A_730 = arith.constant 124 : i32
    %roll3A_731 = tpu.dynamic_rotate %select_n3A_692 by %roll3A_730 dim 1 : vector<32x128xi32>, i32 -> vector<32x128xi32>
    %roll3A_732 = arith.constant 4 : i32
    %roll3A_733 = tpu.dynamic_rotate %select_n3A_692 by %roll3A_732 dim 1 : vector<32x128xi32>, i32 -> vector<32x128xi32>
    %select_n3A_734 = arith.select %eq3A_723, %roll3A_731, %roll3A_733 : vector<32x128xi1>, vector<32x128xi32>
    %roll3A_735 = arith.constant 124 : i32
    %roll3A_736 = tpu.dynamic_rotate %select_n3A_693 by %roll3A_735 dim 1 : vector<32x128xi32>, i32 -> vector<32x128xi32>
    %roll3A_737 = arith.constant 4 : i32
    %roll3A_738 = tpu.dynamic_rotate %select_n3A_693 by %roll3A_737 dim 1 : vector<32x128xi32>, i32 -> vector<32x128xi32>
    %select_n3A_739 = arith.select %eq3A_723, %roll3A_736, %roll3A_738 : vector<32x128xi1>, vector<32x128xi32>
    %gt3A_740 = arith.cmpi sgt, %select_n3A_692, %select_n3A_734 : vector<32x128xi32>
    %eq3A_741 = arith.cmpi eq, %select_n3A_692, %select_n3A_734 : vector<32x128xi32>
    %lt3A_742 = arith.cmpi slt, %select_n3A_693, %select_n3A_739 : vector<32x128xi32>
    %and3A_743 = arith.andi %eq3A_741, %lt3A_742 : vector<32x128xi1>
    %or3A_744 = arith.ori %gt3A_740, %and3A_743 : vector<32x128xi1>
    %eq3A_745 = arith.xori %eq3A_723, %eq3A_729 : vector<32x128xi1>
    %eq3A_746 = arith.constant dense<true> : vector<32x128xi1>
    %eq3A_747 = arith.xori %eq3A_745, %eq3A_746 : vector<32x128xi1>
    %eq3A_748 = arith.xori %or3A_744, %eq3A_747 : vector<32x128xi1>
    %eq3A_749 = arith.constant dense<true> : vector<32x128xi1>
    %eq3A_750 = arith.xori %eq3A_748, %eq3A_749 : vector<32x128xi1>
    %select_n3A_751 = arith.select %eq3A_750, %select_n3A_692, %select_n3A_734 : vector<32x128xi1>, vector<32x128xi32>
    %select_n3A_752 = arith.select %eq3A_750, %select_n3A_693, %select_n3A_739 : vector<32x128xi1>, vector<32x128xi32>
    %roll3A_753 = arith.constant 124 : i32
    %roll3A_754 = tpu.dynamic_rotate %select_n3A_699 by %roll3A_753 dim 1 : vector<32x128xf32>, i32 -> vector<32x128xf32>
    %roll3A_755 = arith.constant 4 : i32
    %roll3A_756 = tpu.dynamic_rotate %select_n3A_699 by %roll3A_755 dim 1 : vector<32x128xf32>, i32 -> vector<32x128xf32>
    %select_n3A_757 = arith.select %eq3A_723, %roll3A_754, %roll3A_756 : vector<32x128xi1>, vector<32x128xf32>
    %select_n3A_758 = arith.select %eq3A_750, %select_n3A_699, %select_n3A_757 : vector<32x128xi1>, vector<32x128xf32>
    %roll3A_759 = arith.constant 124 : i32
    %roll3A_760 = tpu.dynamic_rotate %select_n3A_705 by %roll3A_759 dim 1 : vector<32x128xf32>, i32 -> vector<32x128xf32>
    %roll3A_761 = arith.constant 4 : i32
    %roll3A_762 = tpu.dynamic_rotate %select_n3A_705 by %roll3A_761 dim 1 : vector<32x128xf32>, i32 -> vector<32x128xf32>
    %select_n3A_763 = arith.select %eq3A_723, %roll3A_760, %roll3A_762 : vector<32x128xi1>, vector<32x128xf32>
    %select_n3A_764 = arith.select %eq3A_750, %select_n3A_705, %select_n3A_763 : vector<32x128xi1>, vector<32x128xf32>
    %roll3A_765 = arith.constant 124 : i32
    %roll3A_766 = tpu.dynamic_rotate %select_n3A_711 by %roll3A_765 dim 1 : vector<32x128xf32>, i32 -> vector<32x128xf32>
    %roll3A_767 = arith.constant 4 : i32
    %roll3A_768 = tpu.dynamic_rotate %select_n3A_711 by %roll3A_767 dim 1 : vector<32x128xf32>, i32 -> vector<32x128xf32>
    %select_n3A_769 = arith.select %eq3A_723, %roll3A_766, %roll3A_768 : vector<32x128xi1>, vector<32x128xf32>
    %select_n3A_770 = arith.select %eq3A_750, %select_n3A_711, %select_n3A_769 : vector<32x128xi1>, vector<32x128xf32>
    %roll3A_771 = arith.constant 124 : i32
    %roll3A_772 = tpu.dynamic_rotate %select_n3A_717 by %roll3A_771 dim 1 : vector<32x128xf32>, i32 -> vector<32x128xf32>
    %roll3A_773 = arith.constant 4 : i32
    %roll3A_774 = tpu.dynamic_rotate %select_n3A_717 by %roll3A_773 dim 1 : vector<32x128xf32>, i32 -> vector<32x128xf32>
    %select_n3A_775 = arith.select %eq3A_723, %roll3A_772, %roll3A_774 : vector<32x128xi1>, vector<32x128xf32>
    %select_n3A_776 = arith.select %eq3A_750, %select_n3A_717, %select_n3A_775 : vector<32x128xi1>, vector<32x128xf32>
    %and3A_777 = arith.constant 2 : i32
    %and3A_778 = vector.broadcast %and3A_777 : i32 to vector<32x128xi32>
    %and3A_779 = arith.andi %add3A, %and3A_778 : vector<32x128xi32>
    %eq3A_780 = arith.constant 0 : i32
    %eq3A_781 = vector.broadcast %eq3A_780 : i32 to vector<32x128xi32>
    %eq3A_782 = arith.cmpi eq, %and3A_779, %eq3A_781 : vector<32x128xi32>
    %and3A_783 = arith.constant 32 : i32
    %and3A_784 = vector.broadcast %and3A_783 : i32 to vector<32x128xi32>
    %and3A_785 = arith.andi %add3A, %and3A_784 : vector<32x128xi32>
    %eq3A_786 = arith.constant 0 : i32
    %eq3A_787 = vector.broadcast %eq3A_786 : i32 to vector<32x128xi32>
    %eq3A_788 = arith.cmpi eq, %and3A_785, %eq3A_787 : vector<32x128xi32>
    %roll3A_789 = arith.constant 126 : i32
    %roll3A_790 = tpu.dynamic_rotate %select_n3A_751 by %roll3A_789 dim 1 : vector<32x128xi32>, i32 -> vector<32x128xi32>
    %roll3A_791 = arith.constant 2 : i32
    %roll3A_792 = tpu.dynamic_rotate %select_n3A_751 by %roll3A_791 dim 1 : vector<32x128xi32>, i32 -> vector<32x128xi32>
    %select_n3A_793 = arith.select %eq3A_782, %roll3A_790, %roll3A_792 : vector<32x128xi1>, vector<32x128xi32>
    %roll3A_794 = arith.constant 126 : i32
    %roll3A_795 = tpu.dynamic_rotate %select_n3A_752 by %roll3A_794 dim 1 : vector<32x128xi32>, i32 -> vector<32x128xi32>
    %roll3A_796 = arith.constant 2 : i32
    %roll3A_797 = tpu.dynamic_rotate %select_n3A_752 by %roll3A_796 dim 1 : vector<32x128xi32>, i32 -> vector<32x128xi32>
    %select_n3A_798 = arith.select %eq3A_782, %roll3A_795, %roll3A_797 : vector<32x128xi1>, vector<32x128xi32>
    %gt3A_799 = arith.cmpi sgt, %select_n3A_751, %select_n3A_793 : vector<32x128xi32>
    %eq3A_800 = arith.cmpi eq, %select_n3A_751, %select_n3A_793 : vector<32x128xi32>
    %lt3A_801 = arith.cmpi slt, %select_n3A_752, %select_n3A_798 : vector<32x128xi32>
    %and3A_802 = arith.andi %eq3A_800, %lt3A_801 : vector<32x128xi1>
    %or3A_803 = arith.ori %gt3A_799, %and3A_802 : vector<32x128xi1>
    %eq3A_804 = arith.xori %eq3A_782, %eq3A_788 : vector<32x128xi1>
    %eq3A_805 = arith.constant dense<true> : vector<32x128xi1>
    %eq3A_806 = arith.xori %eq3A_804, %eq3A_805 : vector<32x128xi1>
    %eq3A_807 = arith.xori %or3A_803, %eq3A_806 : vector<32x128xi1>
    %eq3A_808 = arith.constant dense<true> : vector<32x128xi1>
    %eq3A_809 = arith.xori %eq3A_807, %eq3A_808 : vector<32x128xi1>
    %select_n3A_810 = arith.select %eq3A_809, %select_n3A_751, %select_n3A_793 : vector<32x128xi1>, vector<32x128xi32>
    %select_n3A_811 = arith.select %eq3A_809, %select_n3A_752, %select_n3A_798 : vector<32x128xi1>, vector<32x128xi32>
    %roll3A_812 = arith.constant 126 : i32
    %roll3A_813 = tpu.dynamic_rotate %select_n3A_758 by %roll3A_812 dim 1 : vector<32x128xf32>, i32 -> vector<32x128xf32>
    %roll3A_814 = arith.constant 2 : i32
    %roll3A_815 = tpu.dynamic_rotate %select_n3A_758 by %roll3A_814 dim 1 : vector<32x128xf32>, i32 -> vector<32x128xf32>
    %select_n3A_816 = arith.select %eq3A_782, %roll3A_813, %roll3A_815 : vector<32x128xi1>, vector<32x128xf32>
    %select_n3A_817 = arith.select %eq3A_809, %select_n3A_758, %select_n3A_816 : vector<32x128xi1>, vector<32x128xf32>
    %roll3A_818 = arith.constant 126 : i32
    %roll3A_819 = tpu.dynamic_rotate %select_n3A_764 by %roll3A_818 dim 1 : vector<32x128xf32>, i32 -> vector<32x128xf32>
    %roll3A_820 = arith.constant 2 : i32
    %roll3A_821 = tpu.dynamic_rotate %select_n3A_764 by %roll3A_820 dim 1 : vector<32x128xf32>, i32 -> vector<32x128xf32>
    %select_n3A_822 = arith.select %eq3A_782, %roll3A_819, %roll3A_821 : vector<32x128xi1>, vector<32x128xf32>
    %select_n3A_823 = arith.select %eq3A_809, %select_n3A_764, %select_n3A_822 : vector<32x128xi1>, vector<32x128xf32>
    %roll3A_824 = arith.constant 126 : i32
    %roll3A_825 = tpu.dynamic_rotate %select_n3A_770 by %roll3A_824 dim 1 : vector<32x128xf32>, i32 -> vector<32x128xf32>
    %roll3A_826 = arith.constant 2 : i32
    %roll3A_827 = tpu.dynamic_rotate %select_n3A_770 by %roll3A_826 dim 1 : vector<32x128xf32>, i32 -> vector<32x128xf32>
    %select_n3A_828 = arith.select %eq3A_782, %roll3A_825, %roll3A_827 : vector<32x128xi1>, vector<32x128xf32>
    %select_n3A_829 = arith.select %eq3A_809, %select_n3A_770, %select_n3A_828 : vector<32x128xi1>, vector<32x128xf32>
    %roll3A_830 = arith.constant 126 : i32
    %roll3A_831 = tpu.dynamic_rotate %select_n3A_776 by %roll3A_830 dim 1 : vector<32x128xf32>, i32 -> vector<32x128xf32>
    %roll3A_832 = arith.constant 2 : i32
    %roll3A_833 = tpu.dynamic_rotate %select_n3A_776 by %roll3A_832 dim 1 : vector<32x128xf32>, i32 -> vector<32x128xf32>
    %select_n3A_834 = arith.select %eq3A_782, %roll3A_831, %roll3A_833 : vector<32x128xi1>, vector<32x128xf32>
    %select_n3A_835 = arith.select %eq3A_809, %select_n3A_776, %select_n3A_834 : vector<32x128xi1>, vector<32x128xf32>
    %and3A_836 = arith.constant 1 : i32
    %and3A_837 = vector.broadcast %and3A_836 : i32 to vector<32x128xi32>
    %and3A_838 = arith.andi %add3A, %and3A_837 : vector<32x128xi32>
    %eq3A_839 = arith.constant 0 : i32
    %eq3A_840 = vector.broadcast %eq3A_839 : i32 to vector<32x128xi32>
    %eq3A_841 = arith.cmpi eq, %and3A_838, %eq3A_840 : vector<32x128xi32>
    %and3A_842 = arith.constant 32 : i32
    %and3A_843 = vector.broadcast %and3A_842 : i32 to vector<32x128xi32>
    %and3A_844 = arith.andi %add3A, %and3A_843 : vector<32x128xi32>
    %eq3A_845 = arith.constant 0 : i32
    %eq3A_846 = vector.broadcast %eq3A_845 : i32 to vector<32x128xi32>
    %eq3A_847 = arith.cmpi eq, %and3A_844, %eq3A_846 : vector<32x128xi32>
    %roll3A_848 = arith.constant 127 : i32
    %roll3A_849 = tpu.dynamic_rotate %select_n3A_810 by %roll3A_848 dim 1 : vector<32x128xi32>, i32 -> vector<32x128xi32>
    %roll3A_850 = arith.constant 1 : i32
    %roll3A_851 = tpu.dynamic_rotate %select_n3A_810 by %roll3A_850 dim 1 : vector<32x128xi32>, i32 -> vector<32x128xi32>
    %select_n3A_852 = arith.select %eq3A_841, %roll3A_849, %roll3A_851 : vector<32x128xi1>, vector<32x128xi32>
    %roll3A_853 = arith.constant 127 : i32
    %roll3A_854 = tpu.dynamic_rotate %select_n3A_811 by %roll3A_853 dim 1 : vector<32x128xi32>, i32 -> vector<32x128xi32>
    %roll3A_855 = arith.constant 1 : i32
    %roll3A_856 = tpu.dynamic_rotate %select_n3A_811 by %roll3A_855 dim 1 : vector<32x128xi32>, i32 -> vector<32x128xi32>
    %select_n3A_857 = arith.select %eq3A_841, %roll3A_854, %roll3A_856 : vector<32x128xi1>, vector<32x128xi32>
    %gt3A_858 = arith.cmpi sgt, %select_n3A_810, %select_n3A_852 : vector<32x128xi32>
    %eq3A_859 = arith.cmpi eq, %select_n3A_810, %select_n3A_852 : vector<32x128xi32>
    %lt3A_860 = arith.cmpi slt, %select_n3A_811, %select_n3A_857 : vector<32x128xi32>
    %and3A_861 = arith.andi %eq3A_859, %lt3A_860 : vector<32x128xi1>
    %or3A_862 = arith.ori %gt3A_858, %and3A_861 : vector<32x128xi1>
    %eq3A_863 = arith.xori %eq3A_841, %eq3A_847 : vector<32x128xi1>
    %eq3A_864 = arith.constant dense<true> : vector<32x128xi1>
    %eq3A_865 = arith.xori %eq3A_863, %eq3A_864 : vector<32x128xi1>
    %eq3A_866 = arith.xori %or3A_862, %eq3A_865 : vector<32x128xi1>
    %eq3A_867 = arith.constant dense<true> : vector<32x128xi1>
    %eq3A_868 = arith.xori %eq3A_866, %eq3A_867 : vector<32x128xi1>
    %select_n3A_869 = arith.select %eq3A_868, %select_n3A_810, %select_n3A_852 : vector<32x128xi1>, vector<32x128xi32>
    %select_n3A_870 = arith.select %eq3A_868, %select_n3A_811, %select_n3A_857 : vector<32x128xi1>, vector<32x128xi32>
    %roll3A_871 = arith.constant 127 : i32
    %roll3A_872 = tpu.dynamic_rotate %select_n3A_817 by %roll3A_871 dim 1 : vector<32x128xf32>, i32 -> vector<32x128xf32>
    %roll3A_873 = arith.constant 1 : i32
    %roll3A_874 = tpu.dynamic_rotate %select_n3A_817 by %roll3A_873 dim 1 : vector<32x128xf32>, i32 -> vector<32x128xf32>
    %select_n3A_875 = arith.select %eq3A_841, %roll3A_872, %roll3A_874 : vector<32x128xi1>, vector<32x128xf32>
    %select_n3A_876 = arith.select %eq3A_868, %select_n3A_817, %select_n3A_875 : vector<32x128xi1>, vector<32x128xf32>
    %roll3A_877 = arith.constant 127 : i32
    %roll3A_878 = tpu.dynamic_rotate %select_n3A_823 by %roll3A_877 dim 1 : vector<32x128xf32>, i32 -> vector<32x128xf32>
    %roll3A_879 = arith.constant 1 : i32
    %roll3A_880 = tpu.dynamic_rotate %select_n3A_823 by %roll3A_879 dim 1 : vector<32x128xf32>, i32 -> vector<32x128xf32>
    %select_n3A_881 = arith.select %eq3A_841, %roll3A_878, %roll3A_880 : vector<32x128xi1>, vector<32x128xf32>
    %select_n3A_882 = arith.select %eq3A_868, %select_n3A_823, %select_n3A_881 : vector<32x128xi1>, vector<32x128xf32>
    %roll3A_883 = arith.constant 127 : i32
    %roll3A_884 = tpu.dynamic_rotate %select_n3A_829 by %roll3A_883 dim 1 : vector<32x128xf32>, i32 -> vector<32x128xf32>
    %roll3A_885 = arith.constant 1 : i32
    %roll3A_886 = tpu.dynamic_rotate %select_n3A_829 by %roll3A_885 dim 1 : vector<32x128xf32>, i32 -> vector<32x128xf32>
    %select_n3A_887 = arith.select %eq3A_841, %roll3A_884, %roll3A_886 : vector<32x128xi1>, vector<32x128xf32>
    %select_n3A_888 = arith.select %eq3A_868, %select_n3A_829, %select_n3A_887 : vector<32x128xi1>, vector<32x128xf32>
    %roll3A_889 = arith.constant 127 : i32
    %roll3A_890 = tpu.dynamic_rotate %select_n3A_835 by %roll3A_889 dim 1 : vector<32x128xf32>, i32 -> vector<32x128xf32>
    %roll3A_891 = arith.constant 1 : i32
    %roll3A_892 = tpu.dynamic_rotate %select_n3A_835 by %roll3A_891 dim 1 : vector<32x128xf32>, i32 -> vector<32x128xf32>
    %select_n3A_893 = arith.select %eq3A_841, %roll3A_890, %roll3A_892 : vector<32x128xi1>, vector<32x128xf32>
    %select_n3A_894 = arith.select %eq3A_868, %select_n3A_835, %select_n3A_893 : vector<32x128xi1>, vector<32x128xf32>
    %and3A_895 = arith.constant 32 : i32
    %and3A_896 = vector.broadcast %and3A_895 : i32 to vector<32x128xi32>
    %and3A_897 = arith.andi %add3A, %and3A_896 : vector<32x128xi32>
    %eq3A_898 = arith.constant 0 : i32
    %eq3A_899 = vector.broadcast %eq3A_898 : i32 to vector<32x128xi32>
    %eq3A_900 = arith.cmpi eq, %and3A_897, %eq3A_899 : vector<32x128xi32>
    %and3A_901 = arith.constant 64 : i32
    %and3A_902 = vector.broadcast %and3A_901 : i32 to vector<32x128xi32>
    %and3A_903 = arith.andi %add3A, %and3A_902 : vector<32x128xi32>
    %eq3A_904 = arith.constant 0 : i32
    %eq3A_905 = vector.broadcast %eq3A_904 : i32 to vector<32x128xi32>
    %eq3A_906 = arith.cmpi eq, %and3A_903, %eq3A_905 : vector<32x128xi32>
    %roll3A_907 = arith.constant 96 : i32
    %roll3A_908 = tpu.dynamic_rotate %select_n3A_869 by %roll3A_907 dim 1 : vector<32x128xi32>, i32 -> vector<32x128xi32>
    %roll3A_909 = arith.constant 32 : i32
    %roll3A_910 = tpu.dynamic_rotate %select_n3A_869 by %roll3A_909 dim 1 : vector<32x128xi32>, i32 -> vector<32x128xi32>
    %select_n3A_911 = arith.select %eq3A_900, %roll3A_908, %roll3A_910 : vector<32x128xi1>, vector<32x128xi32>
    %roll3A_912 = arith.constant 96 : i32
    %roll3A_913 = tpu.dynamic_rotate %select_n3A_870 by %roll3A_912 dim 1 : vector<32x128xi32>, i32 -> vector<32x128xi32>
    %roll3A_914 = arith.constant 32 : i32
    %roll3A_915 = tpu.dynamic_rotate %select_n3A_870 by %roll3A_914 dim 1 : vector<32x128xi32>, i32 -> vector<32x128xi32>
    %select_n3A_916 = arith.select %eq3A_900, %roll3A_913, %roll3A_915 : vector<32x128xi1>, vector<32x128xi32>
    %gt3A_917 = arith.cmpi sgt, %select_n3A_869, %select_n3A_911 : vector<32x128xi32>
    %eq3A_918 = arith.cmpi eq, %select_n3A_869, %select_n3A_911 : vector<32x128xi32>
    %lt3A_919 = arith.cmpi slt, %select_n3A_870, %select_n3A_916 : vector<32x128xi32>
    %and3A_920 = arith.andi %eq3A_918, %lt3A_919 : vector<32x128xi1>
    %or3A_921 = arith.ori %gt3A_917, %and3A_920 : vector<32x128xi1>
    %eq3A_922 = arith.xori %eq3A_900, %eq3A_906 : vector<32x128xi1>
    %eq3A_923 = arith.constant dense<true> : vector<32x128xi1>
    %eq3A_924 = arith.xori %eq3A_922, %eq3A_923 : vector<32x128xi1>
    %eq3A_925 = arith.xori %or3A_921, %eq3A_924 : vector<32x128xi1>
    %eq3A_926 = arith.constant dense<true> : vector<32x128xi1>
    %eq3A_927 = arith.xori %eq3A_925, %eq3A_926 : vector<32x128xi1>
    %select_n3A_928 = arith.select %eq3A_927, %select_n3A_869, %select_n3A_911 : vector<32x128xi1>, vector<32x128xi32>
    %select_n3A_929 = arith.select %eq3A_927, %select_n3A_870, %select_n3A_916 : vector<32x128xi1>, vector<32x128xi32>
    %roll3A_930 = arith.constant 96 : i32
    %roll3A_931 = tpu.dynamic_rotate %select_n3A_876 by %roll3A_930 dim 1 : vector<32x128xf32>, i32 -> vector<32x128xf32>
    %roll3A_932 = arith.constant 32 : i32
    %roll3A_933 = tpu.dynamic_rotate %select_n3A_876 by %roll3A_932 dim 1 : vector<32x128xf32>, i32 -> vector<32x128xf32>
    %select_n3A_934 = arith.select %eq3A_900, %roll3A_931, %roll3A_933 : vector<32x128xi1>, vector<32x128xf32>
    %select_n3A_935 = arith.select %eq3A_927, %select_n3A_876, %select_n3A_934 : vector<32x128xi1>, vector<32x128xf32>
    %roll3A_936 = arith.constant 96 : i32
    %roll3A_937 = tpu.dynamic_rotate %select_n3A_882 by %roll3A_936 dim 1 : vector<32x128xf32>, i32 -> vector<32x128xf32>
    %roll3A_938 = arith.constant 32 : i32
    %roll3A_939 = tpu.dynamic_rotate %select_n3A_882 by %roll3A_938 dim 1 : vector<32x128xf32>, i32 -> vector<32x128xf32>
    %select_n3A_940 = arith.select %eq3A_900, %roll3A_937, %roll3A_939 : vector<32x128xi1>, vector<32x128xf32>
    %select_n3A_941 = arith.select %eq3A_927, %select_n3A_882, %select_n3A_940 : vector<32x128xi1>, vector<32x128xf32>
    %roll3A_942 = arith.constant 96 : i32
    %roll3A_943 = tpu.dynamic_rotate %select_n3A_888 by %roll3A_942 dim 1 : vector<32x128xf32>, i32 -> vector<32x128xf32>
    %roll3A_944 = arith.constant 32 : i32
    %roll3A_945 = tpu.dynamic_rotate %select_n3A_888 by %roll3A_944 dim 1 : vector<32x128xf32>, i32 -> vector<32x128xf32>
    %select_n3A_946 = arith.select %eq3A_900, %roll3A_943, %roll3A_945 : vector<32x128xi1>, vector<32x128xf32>
    %select_n3A_947 = arith.select %eq3A_927, %select_n3A_888, %select_n3A_946 : vector<32x128xi1>, vector<32x128xf32>
    %roll3A_948 = arith.constant 96 : i32
    %roll3A_949 = tpu.dynamic_rotate %select_n3A_894 by %roll3A_948 dim 1 : vector<32x128xf32>, i32 -> vector<32x128xf32>
    %roll3A_950 = arith.constant 32 : i32
    %roll3A_951 = tpu.dynamic_rotate %select_n3A_894 by %roll3A_950 dim 1 : vector<32x128xf32>, i32 -> vector<32x128xf32>
    %select_n3A_952 = arith.select %eq3A_900, %roll3A_949, %roll3A_951 : vector<32x128xi1>, vector<32x128xf32>
    %select_n3A_953 = arith.select %eq3A_927, %select_n3A_894, %select_n3A_952 : vector<32x128xi1>, vector<32x128xf32>
    %and3A_954 = arith.constant 16 : i32
    %and3A_955 = vector.broadcast %and3A_954 : i32 to vector<32x128xi32>
    %and3A_956 = arith.andi %add3A, %and3A_955 : vector<32x128xi32>
    %eq3A_957 = arith.constant 0 : i32
    %eq3A_958 = vector.broadcast %eq3A_957 : i32 to vector<32x128xi32>
    %eq3A_959 = arith.cmpi eq, %and3A_956, %eq3A_958 : vector<32x128xi32>
    %and3A_960 = arith.constant 64 : i32
    %and3A_961 = vector.broadcast %and3A_960 : i32 to vector<32x128xi32>
    %and3A_962 = arith.andi %add3A, %and3A_961 : vector<32x128xi32>
    %eq3A_963 = arith.constant 0 : i32
    %eq3A_964 = vector.broadcast %eq3A_963 : i32 to vector<32x128xi32>
    %eq3A_965 = arith.cmpi eq, %and3A_962, %eq3A_964 : vector<32x128xi32>
    %roll3A_966 = arith.constant 112 : i32
    %roll3A_967 = tpu.dynamic_rotate %select_n3A_928 by %roll3A_966 dim 1 : vector<32x128xi32>, i32 -> vector<32x128xi32>
    %roll3A_968 = arith.constant 16 : i32
    %roll3A_969 = tpu.dynamic_rotate %select_n3A_928 by %roll3A_968 dim 1 : vector<32x128xi32>, i32 -> vector<32x128xi32>
    %select_n3A_970 = arith.select %eq3A_959, %roll3A_967, %roll3A_969 : vector<32x128xi1>, vector<32x128xi32>
    %roll3A_971 = arith.constant 112 : i32
    %roll3A_972 = tpu.dynamic_rotate %select_n3A_929 by %roll3A_971 dim 1 : vector<32x128xi32>, i32 -> vector<32x128xi32>
    %roll3A_973 = arith.constant 16 : i32
    %roll3A_974 = tpu.dynamic_rotate %select_n3A_929 by %roll3A_973 dim 1 : vector<32x128xi32>, i32 -> vector<32x128xi32>
    %select_n3A_975 = arith.select %eq3A_959, %roll3A_972, %roll3A_974 : vector<32x128xi1>, vector<32x128xi32>
    %gt3A_976 = arith.cmpi sgt, %select_n3A_928, %select_n3A_970 : vector<32x128xi32>
    %eq3A_977 = arith.cmpi eq, %select_n3A_928, %select_n3A_970 : vector<32x128xi32>
    %lt3A_978 = arith.cmpi slt, %select_n3A_929, %select_n3A_975 : vector<32x128xi32>
    %and3A_979 = arith.andi %eq3A_977, %lt3A_978 : vector<32x128xi1>
    %or3A_980 = arith.ori %gt3A_976, %and3A_979 : vector<32x128xi1>
    %eq3A_981 = arith.xori %eq3A_959, %eq3A_965 : vector<32x128xi1>
    %eq3A_982 = arith.constant dense<true> : vector<32x128xi1>
    %eq3A_983 = arith.xori %eq3A_981, %eq3A_982 : vector<32x128xi1>
    %eq3A_984 = arith.xori %or3A_980, %eq3A_983 : vector<32x128xi1>
    %eq3A_985 = arith.constant dense<true> : vector<32x128xi1>
    %eq3A_986 = arith.xori %eq3A_984, %eq3A_985 : vector<32x128xi1>
    %select_n3A_987 = arith.select %eq3A_986, %select_n3A_928, %select_n3A_970 : vector<32x128xi1>, vector<32x128xi32>
    %select_n3A_988 = arith.select %eq3A_986, %select_n3A_929, %select_n3A_975 : vector<32x128xi1>, vector<32x128xi32>
    %roll3A_989 = arith.constant 112 : i32
    %roll3A_990 = tpu.dynamic_rotate %select_n3A_935 by %roll3A_989 dim 1 : vector<32x128xf32>, i32 -> vector<32x128xf32>
    %roll3A_991 = arith.constant 16 : i32
    %roll3A_992 = tpu.dynamic_rotate %select_n3A_935 by %roll3A_991 dim 1 : vector<32x128xf32>, i32 -> vector<32x128xf32>
    %select_n3A_993 = arith.select %eq3A_959, %roll3A_990, %roll3A_992 : vector<32x128xi1>, vector<32x128xf32>
    %select_n3A_994 = arith.select %eq3A_986, %select_n3A_935, %select_n3A_993 : vector<32x128xi1>, vector<32x128xf32>
    %roll3A_995 = arith.constant 112 : i32
    %roll3A_996 = tpu.dynamic_rotate %select_n3A_941 by %roll3A_995 dim 1 : vector<32x128xf32>, i32 -> vector<32x128xf32>
    %roll3A_997 = arith.constant 16 : i32
    %roll3A_998 = tpu.dynamic_rotate %select_n3A_941 by %roll3A_997 dim 1 : vector<32x128xf32>, i32 -> vector<32x128xf32>
    %select_n3A_999 = arith.select %eq3A_959, %roll3A_996, %roll3A_998 : vector<32x128xi1>, vector<32x128xf32>
    %select_n3A_1000 = arith.select %eq3A_986, %select_n3A_941, %select_n3A_999 : vector<32x128xi1>, vector<32x128xf32>
    %roll3A_1001 = arith.constant 112 : i32
    %roll3A_1002 = tpu.dynamic_rotate %select_n3A_947 by %roll3A_1001 dim 1 : vector<32x128xf32>, i32 -> vector<32x128xf32>
    %roll3A_1003 = arith.constant 16 : i32
    %roll3A_1004 = tpu.dynamic_rotate %select_n3A_947 by %roll3A_1003 dim 1 : vector<32x128xf32>, i32 -> vector<32x128xf32>
    %select_n3A_1005 = arith.select %eq3A_959, %roll3A_1002, %roll3A_1004 : vector<32x128xi1>, vector<32x128xf32>
    %select_n3A_1006 = arith.select %eq3A_986, %select_n3A_947, %select_n3A_1005 : vector<32x128xi1>, vector<32x128xf32>
    %roll3A_1007 = arith.constant 112 : i32
    %roll3A_1008 = tpu.dynamic_rotate %select_n3A_953 by %roll3A_1007 dim 1 : vector<32x128xf32>, i32 -> vector<32x128xf32>
    %roll3A_1009 = arith.constant 16 : i32
    %roll3A_1010 = tpu.dynamic_rotate %select_n3A_953 by %roll3A_1009 dim 1 : vector<32x128xf32>, i32 -> vector<32x128xf32>
    %select_n3A_1011 = arith.select %eq3A_959, %roll3A_1008, %roll3A_1010 : vector<32x128xi1>, vector<32x128xf32>
    %select_n3A_1012 = arith.select %eq3A_986, %select_n3A_953, %select_n3A_1011 : vector<32x128xi1>, vector<32x128xf32>
    %and3A_1013 = arith.constant 8 : i32
    %and3A_1014 = vector.broadcast %and3A_1013 : i32 to vector<32x128xi32>
    %and3A_1015 = arith.andi %add3A, %and3A_1014 : vector<32x128xi32>
    %eq3A_1016 = arith.constant 0 : i32
    %eq3A_1017 = vector.broadcast %eq3A_1016 : i32 to vector<32x128xi32>
    %eq3A_1018 = arith.cmpi eq, %and3A_1015, %eq3A_1017 : vector<32x128xi32>
    %and3A_1019 = arith.constant 64 : i32
    %and3A_1020 = vector.broadcast %and3A_1019 : i32 to vector<32x128xi32>
    %and3A_1021 = arith.andi %add3A, %and3A_1020 : vector<32x128xi32>
    %eq3A_1022 = arith.constant 0 : i32
    %eq3A_1023 = vector.broadcast %eq3A_1022 : i32 to vector<32x128xi32>
    %eq3A_1024 = arith.cmpi eq, %and3A_1021, %eq3A_1023 : vector<32x128xi32>
    %roll3A_1025 = arith.constant 120 : i32
    %roll3A_1026 = tpu.dynamic_rotate %select_n3A_987 by %roll3A_1025 dim 1 : vector<32x128xi32>, i32 -> vector<32x128xi32>
    %roll3A_1027 = arith.constant 8 : i32
    %roll3A_1028 = tpu.dynamic_rotate %select_n3A_987 by %roll3A_1027 dim 1 : vector<32x128xi32>, i32 -> vector<32x128xi32>
    %select_n3A_1029 = arith.select %eq3A_1018, %roll3A_1026, %roll3A_1028 : vector<32x128xi1>, vector<32x128xi32>
    %roll3A_1030 = arith.constant 120 : i32
    %roll3A_1031 = tpu.dynamic_rotate %select_n3A_988 by %roll3A_1030 dim 1 : vector<32x128xi32>, i32 -> vector<32x128xi32>
    %roll3A_1032 = arith.constant 8 : i32
    %roll3A_1033 = tpu.dynamic_rotate %select_n3A_988 by %roll3A_1032 dim 1 : vector<32x128xi32>, i32 -> vector<32x128xi32>
    %select_n3A_1034 = arith.select %eq3A_1018, %roll3A_1031, %roll3A_1033 : vector<32x128xi1>, vector<32x128xi32>
    %gt3A_1035 = arith.cmpi sgt, %select_n3A_987, %select_n3A_1029 : vector<32x128xi32>
    %eq3A_1036 = arith.cmpi eq, %select_n3A_987, %select_n3A_1029 : vector<32x128xi32>
    %lt3A_1037 = arith.cmpi slt, %select_n3A_988, %select_n3A_1034 : vector<32x128xi32>
    %and3A_1038 = arith.andi %eq3A_1036, %lt3A_1037 : vector<32x128xi1>
    %or3A_1039 = arith.ori %gt3A_1035, %and3A_1038 : vector<32x128xi1>
    %eq3A_1040 = arith.xori %eq3A_1018, %eq3A_1024 : vector<32x128xi1>
    %eq3A_1041 = arith.constant dense<true> : vector<32x128xi1>
    %eq3A_1042 = arith.xori %eq3A_1040, %eq3A_1041 : vector<32x128xi1>
    %eq3A_1043 = arith.xori %or3A_1039, %eq3A_1042 : vector<32x128xi1>
    %eq3A_1044 = arith.constant dense<true> : vector<32x128xi1>
    %eq3A_1045 = arith.xori %eq3A_1043, %eq3A_1044 : vector<32x128xi1>
    %select_n3A_1046 = arith.select %eq3A_1045, %select_n3A_987, %select_n3A_1029 : vector<32x128xi1>, vector<32x128xi32>
    %select_n3A_1047 = arith.select %eq3A_1045, %select_n3A_988, %select_n3A_1034 : vector<32x128xi1>, vector<32x128xi32>
    %roll3A_1048 = arith.constant 120 : i32
    %roll3A_1049 = tpu.dynamic_rotate %select_n3A_994 by %roll3A_1048 dim 1 : vector<32x128xf32>, i32 -> vector<32x128xf32>
    %roll3A_1050 = arith.constant 8 : i32
    %roll3A_1051 = tpu.dynamic_rotate %select_n3A_994 by %roll3A_1050 dim 1 : vector<32x128xf32>, i32 -> vector<32x128xf32>
    %select_n3A_1052 = arith.select %eq3A_1018, %roll3A_1049, %roll3A_1051 : vector<32x128xi1>, vector<32x128xf32>
    %select_n3A_1053 = arith.select %eq3A_1045, %select_n3A_994, %select_n3A_1052 : vector<32x128xi1>, vector<32x128xf32>
    %roll3A_1054 = arith.constant 120 : i32
    %roll3A_1055 = tpu.dynamic_rotate %select_n3A_1000 by %roll3A_1054 dim 1 : vector<32x128xf32>, i32 -> vector<32x128xf32>
    %roll3A_1056 = arith.constant 8 : i32
    %roll3A_1057 = tpu.dynamic_rotate %select_n3A_1000 by %roll3A_1056 dim 1 : vector<32x128xf32>, i32 -> vector<32x128xf32>
    %select_n3A_1058 = arith.select %eq3A_1018, %roll3A_1055, %roll3A_1057 : vector<32x128xi1>, vector<32x128xf32>
    %select_n3A_1059 = arith.select %eq3A_1045, %select_n3A_1000, %select_n3A_1058 : vector<32x128xi1>, vector<32x128xf32>
    %roll3A_1060 = arith.constant 120 : i32
    %roll3A_1061 = tpu.dynamic_rotate %select_n3A_1006 by %roll3A_1060 dim 1 : vector<32x128xf32>, i32 -> vector<32x128xf32>
    %roll3A_1062 = arith.constant 8 : i32
    %roll3A_1063 = tpu.dynamic_rotate %select_n3A_1006 by %roll3A_1062 dim 1 : vector<32x128xf32>, i32 -> vector<32x128xf32>
    %select_n3A_1064 = arith.select %eq3A_1018, %roll3A_1061, %roll3A_1063 : vector<32x128xi1>, vector<32x128xf32>
    %select_n3A_1065 = arith.select %eq3A_1045, %select_n3A_1006, %select_n3A_1064 : vector<32x128xi1>, vector<32x128xf32>
    %roll3A_1066 = arith.constant 120 : i32
    %roll3A_1067 = tpu.dynamic_rotate %select_n3A_1012 by %roll3A_1066 dim 1 : vector<32x128xf32>, i32 -> vector<32x128xf32>
    %roll3A_1068 = arith.constant 8 : i32
    %roll3A_1069 = tpu.dynamic_rotate %select_n3A_1012 by %roll3A_1068 dim 1 : vector<32x128xf32>, i32 -> vector<32x128xf32>
    %select_n3A_1070 = arith.select %eq3A_1018, %roll3A_1067, %roll3A_1069 : vector<32x128xi1>, vector<32x128xf32>
    %select_n3A_1071 = arith.select %eq3A_1045, %select_n3A_1012, %select_n3A_1070 : vector<32x128xi1>, vector<32x128xf32>
    %and3A_1072 = arith.constant 4 : i32
    %and3A_1073 = vector.broadcast %and3A_1072 : i32 to vector<32x128xi32>
    %and3A_1074 = arith.andi %add3A, %and3A_1073 : vector<32x128xi32>
    %eq3A_1075 = arith.constant 0 : i32
    %eq3A_1076 = vector.broadcast %eq3A_1075 : i32 to vector<32x128xi32>
    %eq3A_1077 = arith.cmpi eq, %and3A_1074, %eq3A_1076 : vector<32x128xi32>
    %and3A_1078 = arith.constant 64 : i32
    %and3A_1079 = vector.broadcast %and3A_1078 : i32 to vector<32x128xi32>
    %and3A_1080 = arith.andi %add3A, %and3A_1079 : vector<32x128xi32>
    %eq3A_1081 = arith.constant 0 : i32
    %eq3A_1082 = vector.broadcast %eq3A_1081 : i32 to vector<32x128xi32>
    %eq3A_1083 = arith.cmpi eq, %and3A_1080, %eq3A_1082 : vector<32x128xi32>
    %roll3A_1084 = arith.constant 124 : i32
    %roll3A_1085 = tpu.dynamic_rotate %select_n3A_1046 by %roll3A_1084 dim 1 : vector<32x128xi32>, i32 -> vector<32x128xi32>
    %roll3A_1086 = arith.constant 4 : i32
    %roll3A_1087 = tpu.dynamic_rotate %select_n3A_1046 by %roll3A_1086 dim 1 : vector<32x128xi32>, i32 -> vector<32x128xi32>
    %select_n3A_1088 = arith.select %eq3A_1077, %roll3A_1085, %roll3A_1087 : vector<32x128xi1>, vector<32x128xi32>
    %roll3A_1089 = arith.constant 124 : i32
    %roll3A_1090 = tpu.dynamic_rotate %select_n3A_1047 by %roll3A_1089 dim 1 : vector<32x128xi32>, i32 -> vector<32x128xi32>
    %roll3A_1091 = arith.constant 4 : i32
    %roll3A_1092 = tpu.dynamic_rotate %select_n3A_1047 by %roll3A_1091 dim 1 : vector<32x128xi32>, i32 -> vector<32x128xi32>
    %select_n3A_1093 = arith.select %eq3A_1077, %roll3A_1090, %roll3A_1092 : vector<32x128xi1>, vector<32x128xi32>
    %gt3A_1094 = arith.cmpi sgt, %select_n3A_1046, %select_n3A_1088 : vector<32x128xi32>
    %eq3A_1095 = arith.cmpi eq, %select_n3A_1046, %select_n3A_1088 : vector<32x128xi32>
    %lt3A_1096 = arith.cmpi slt, %select_n3A_1047, %select_n3A_1093 : vector<32x128xi32>
    %and3A_1097 = arith.andi %eq3A_1095, %lt3A_1096 : vector<32x128xi1>
    %or3A_1098 = arith.ori %gt3A_1094, %and3A_1097 : vector<32x128xi1>
    %eq3A_1099 = arith.xori %eq3A_1077, %eq3A_1083 : vector<32x128xi1>
    %eq3A_1100 = arith.constant dense<true> : vector<32x128xi1>
    %eq3A_1101 = arith.xori %eq3A_1099, %eq3A_1100 : vector<32x128xi1>
    %eq3A_1102 = arith.xori %or3A_1098, %eq3A_1101 : vector<32x128xi1>
    %eq3A_1103 = arith.constant dense<true> : vector<32x128xi1>
    %eq3A_1104 = arith.xori %eq3A_1102, %eq3A_1103 : vector<32x128xi1>
    %select_n3A_1105 = arith.select %eq3A_1104, %select_n3A_1046, %select_n3A_1088 : vector<32x128xi1>, vector<32x128xi32>
    %select_n3A_1106 = arith.select %eq3A_1104, %select_n3A_1047, %select_n3A_1093 : vector<32x128xi1>, vector<32x128xi32>
    %roll3A_1107 = arith.constant 124 : i32
    %roll3A_1108 = tpu.dynamic_rotate %select_n3A_1053 by %roll3A_1107 dim 1 : vector<32x128xf32>, i32 -> vector<32x128xf32>
    %roll3A_1109 = arith.constant 4 : i32
    %roll3A_1110 = tpu.dynamic_rotate %select_n3A_1053 by %roll3A_1109 dim 1 : vector<32x128xf32>, i32 -> vector<32x128xf32>
    %select_n3A_1111 = arith.select %eq3A_1077, %roll3A_1108, %roll3A_1110 : vector<32x128xi1>, vector<32x128xf32>
    %select_n3A_1112 = arith.select %eq3A_1104, %select_n3A_1053, %select_n3A_1111 : vector<32x128xi1>, vector<32x128xf32>
    %roll3A_1113 = arith.constant 124 : i32
    %roll3A_1114 = tpu.dynamic_rotate %select_n3A_1059 by %roll3A_1113 dim 1 : vector<32x128xf32>, i32 -> vector<32x128xf32>
    %roll3A_1115 = arith.constant 4 : i32
    %roll3A_1116 = tpu.dynamic_rotate %select_n3A_1059 by %roll3A_1115 dim 1 : vector<32x128xf32>, i32 -> vector<32x128xf32>
    %select_n3A_1117 = arith.select %eq3A_1077, %roll3A_1114, %roll3A_1116 : vector<32x128xi1>, vector<32x128xf32>
    %select_n3A_1118 = arith.select %eq3A_1104, %select_n3A_1059, %select_n3A_1117 : vector<32x128xi1>, vector<32x128xf32>
    %roll3A_1119 = arith.constant 124 : i32
    %roll3A_1120 = tpu.dynamic_rotate %select_n3A_1065 by %roll3A_1119 dim 1 : vector<32x128xf32>, i32 -> vector<32x128xf32>
    %roll3A_1121 = arith.constant 4 : i32
    %roll3A_1122 = tpu.dynamic_rotate %select_n3A_1065 by %roll3A_1121 dim 1 : vector<32x128xf32>, i32 -> vector<32x128xf32>
    %select_n3A_1123 = arith.select %eq3A_1077, %roll3A_1120, %roll3A_1122 : vector<32x128xi1>, vector<32x128xf32>
    %select_n3A_1124 = arith.select %eq3A_1104, %select_n3A_1065, %select_n3A_1123 : vector<32x128xi1>, vector<32x128xf32>
    %roll3A_1125 = arith.constant 124 : i32
    %roll3A_1126 = tpu.dynamic_rotate %select_n3A_1071 by %roll3A_1125 dim 1 : vector<32x128xf32>, i32 -> vector<32x128xf32>
    %roll3A_1127 = arith.constant 4 : i32
    %roll3A_1128 = tpu.dynamic_rotate %select_n3A_1071 by %roll3A_1127 dim 1 : vector<32x128xf32>, i32 -> vector<32x128xf32>
    %select_n3A_1129 = arith.select %eq3A_1077, %roll3A_1126, %roll3A_1128 : vector<32x128xi1>, vector<32x128xf32>
    %select_n3A_1130 = arith.select %eq3A_1104, %select_n3A_1071, %select_n3A_1129 : vector<32x128xi1>, vector<32x128xf32>
    %and3A_1131 = arith.constant 2 : i32
    %and3A_1132 = vector.broadcast %and3A_1131 : i32 to vector<32x128xi32>
    %and3A_1133 = arith.andi %add3A, %and3A_1132 : vector<32x128xi32>
    %eq3A_1134 = arith.constant 0 : i32
    %eq3A_1135 = vector.broadcast %eq3A_1134 : i32 to vector<32x128xi32>
    %eq3A_1136 = arith.cmpi eq, %and3A_1133, %eq3A_1135 : vector<32x128xi32>
    %and3A_1137 = arith.constant 64 : i32
    %and3A_1138 = vector.broadcast %and3A_1137 : i32 to vector<32x128xi32>
    %and3A_1139 = arith.andi %add3A, %and3A_1138 : vector<32x128xi32>
    %eq3A_1140 = arith.constant 0 : i32
    %eq3A_1141 = vector.broadcast %eq3A_1140 : i32 to vector<32x128xi32>
    %eq3A_1142 = arith.cmpi eq, %and3A_1139, %eq3A_1141 : vector<32x128xi32>
    %roll3A_1143 = arith.constant 126 : i32
    %roll3A_1144 = tpu.dynamic_rotate %select_n3A_1105 by %roll3A_1143 dim 1 : vector<32x128xi32>, i32 -> vector<32x128xi32>
    %roll3A_1145 = arith.constant 2 : i32
    %roll3A_1146 = tpu.dynamic_rotate %select_n3A_1105 by %roll3A_1145 dim 1 : vector<32x128xi32>, i32 -> vector<32x128xi32>
    %select_n3A_1147 = arith.select %eq3A_1136, %roll3A_1144, %roll3A_1146 : vector<32x128xi1>, vector<32x128xi32>
    %roll3A_1148 = arith.constant 126 : i32
    %roll3A_1149 = tpu.dynamic_rotate %select_n3A_1106 by %roll3A_1148 dim 1 : vector<32x128xi32>, i32 -> vector<32x128xi32>
    %roll3A_1150 = arith.constant 2 : i32
    %roll3A_1151 = tpu.dynamic_rotate %select_n3A_1106 by %roll3A_1150 dim 1 : vector<32x128xi32>, i32 -> vector<32x128xi32>
    %select_n3A_1152 = arith.select %eq3A_1136, %roll3A_1149, %roll3A_1151 : vector<32x128xi1>, vector<32x128xi32>
    %gt3A_1153 = arith.cmpi sgt, %select_n3A_1105, %select_n3A_1147 : vector<32x128xi32>
    %eq3A_1154 = arith.cmpi eq, %select_n3A_1105, %select_n3A_1147 : vector<32x128xi32>
    %lt3A_1155 = arith.cmpi slt, %select_n3A_1106, %select_n3A_1152 : vector<32x128xi32>
    %and3A_1156 = arith.andi %eq3A_1154, %lt3A_1155 : vector<32x128xi1>
    %or3A_1157 = arith.ori %gt3A_1153, %and3A_1156 : vector<32x128xi1>
    %eq3A_1158 = arith.xori %eq3A_1136, %eq3A_1142 : vector<32x128xi1>
    %eq3A_1159 = arith.constant dense<true> : vector<32x128xi1>
    %eq3A_1160 = arith.xori %eq3A_1158, %eq3A_1159 : vector<32x128xi1>
    %eq3A_1161 = arith.xori %or3A_1157, %eq3A_1160 : vector<32x128xi1>
    %eq3A_1162 = arith.constant dense<true> : vector<32x128xi1>
    %eq3A_1163 = arith.xori %eq3A_1161, %eq3A_1162 : vector<32x128xi1>
    %select_n3A_1164 = arith.select %eq3A_1163, %select_n3A_1105, %select_n3A_1147 : vector<32x128xi1>, vector<32x128xi32>
    %select_n3A_1165 = arith.select %eq3A_1163, %select_n3A_1106, %select_n3A_1152 : vector<32x128xi1>, vector<32x128xi32>
    %roll3A_1166 = arith.constant 126 : i32
    %roll3A_1167 = tpu.dynamic_rotate %select_n3A_1112 by %roll3A_1166 dim 1 : vector<32x128xf32>, i32 -> vector<32x128xf32>
    %roll3A_1168 = arith.constant 2 : i32
    %roll3A_1169 = tpu.dynamic_rotate %select_n3A_1112 by %roll3A_1168 dim 1 : vector<32x128xf32>, i32 -> vector<32x128xf32>
    %select_n3A_1170 = arith.select %eq3A_1136, %roll3A_1167, %roll3A_1169 : vector<32x128xi1>, vector<32x128xf32>
    %select_n3A_1171 = arith.select %eq3A_1163, %select_n3A_1112, %select_n3A_1170 : vector<32x128xi1>, vector<32x128xf32>
    %roll3A_1172 = arith.constant 126 : i32
    %roll3A_1173 = tpu.dynamic_rotate %select_n3A_1118 by %roll3A_1172 dim 1 : vector<32x128xf32>, i32 -> vector<32x128xf32>
    %roll3A_1174 = arith.constant 2 : i32
    %roll3A_1175 = tpu.dynamic_rotate %select_n3A_1118 by %roll3A_1174 dim 1 : vector<32x128xf32>, i32 -> vector<32x128xf32>
    %select_n3A_1176 = arith.select %eq3A_1136, %roll3A_1173, %roll3A_1175 : vector<32x128xi1>, vector<32x128xf32>
    %select_n3A_1177 = arith.select %eq3A_1163, %select_n3A_1118, %select_n3A_1176 : vector<32x128xi1>, vector<32x128xf32>
    %roll3A_1178 = arith.constant 126 : i32
    %roll3A_1179 = tpu.dynamic_rotate %select_n3A_1124 by %roll3A_1178 dim 1 : vector<32x128xf32>, i32 -> vector<32x128xf32>
    %roll3A_1180 = arith.constant 2 : i32
    %roll3A_1181 = tpu.dynamic_rotate %select_n3A_1124 by %roll3A_1180 dim 1 : vector<32x128xf32>, i32 -> vector<32x128xf32>
    %select_n3A_1182 = arith.select %eq3A_1136, %roll3A_1179, %roll3A_1181 : vector<32x128xi1>, vector<32x128xf32>
    %select_n3A_1183 = arith.select %eq3A_1163, %select_n3A_1124, %select_n3A_1182 : vector<32x128xi1>, vector<32x128xf32>
    %roll3A_1184 = arith.constant 126 : i32
    %roll3A_1185 = tpu.dynamic_rotate %select_n3A_1130 by %roll3A_1184 dim 1 : vector<32x128xf32>, i32 -> vector<32x128xf32>
    %roll3A_1186 = arith.constant 2 : i32
    %roll3A_1187 = tpu.dynamic_rotate %select_n3A_1130 by %roll3A_1186 dim 1 : vector<32x128xf32>, i32 -> vector<32x128xf32>
    %select_n3A_1188 = arith.select %eq3A_1136, %roll3A_1185, %roll3A_1187 : vector<32x128xi1>, vector<32x128xf32>
    %select_n3A_1189 = arith.select %eq3A_1163, %select_n3A_1130, %select_n3A_1188 : vector<32x128xi1>, vector<32x128xf32>
    %and3A_1190 = arith.constant 1 : i32
    %and3A_1191 = vector.broadcast %and3A_1190 : i32 to vector<32x128xi32>
    %and3A_1192 = arith.andi %add3A, %and3A_1191 : vector<32x128xi32>
    %eq3A_1193 = arith.constant 0 : i32
    %eq3A_1194 = vector.broadcast %eq3A_1193 : i32 to vector<32x128xi32>
    %eq3A_1195 = arith.cmpi eq, %and3A_1192, %eq3A_1194 : vector<32x128xi32>
    %and3A_1196 = arith.constant 64 : i32
    %and3A_1197 = vector.broadcast %and3A_1196 : i32 to vector<32x128xi32>
    %and3A_1198 = arith.andi %add3A, %and3A_1197 : vector<32x128xi32>
    %eq3A_1199 = arith.constant 0 : i32
    %eq3A_1200 = vector.broadcast %eq3A_1199 : i32 to vector<32x128xi32>
    %eq3A_1201 = arith.cmpi eq, %and3A_1198, %eq3A_1200 : vector<32x128xi32>
    %roll3A_1202 = arith.constant 127 : i32
    %roll3A_1203 = tpu.dynamic_rotate %select_n3A_1164 by %roll3A_1202 dim 1 : vector<32x128xi32>, i32 -> vector<32x128xi32>
    %roll3A_1204 = arith.constant 1 : i32
    %roll3A_1205 = tpu.dynamic_rotate %select_n3A_1164 by %roll3A_1204 dim 1 : vector<32x128xi32>, i32 -> vector<32x128xi32>
    %select_n3A_1206 = arith.select %eq3A_1195, %roll3A_1203, %roll3A_1205 : vector<32x128xi1>, vector<32x128xi32>
    %roll3A_1207 = arith.constant 127 : i32
    %roll3A_1208 = tpu.dynamic_rotate %select_n3A_1165 by %roll3A_1207 dim 1 : vector<32x128xi32>, i32 -> vector<32x128xi32>
    %roll3A_1209 = arith.constant 1 : i32
    %roll3A_1210 = tpu.dynamic_rotate %select_n3A_1165 by %roll3A_1209 dim 1 : vector<32x128xi32>, i32 -> vector<32x128xi32>
    %select_n3A_1211 = arith.select %eq3A_1195, %roll3A_1208, %roll3A_1210 : vector<32x128xi1>, vector<32x128xi32>
    %gt3A_1212 = arith.cmpi sgt, %select_n3A_1164, %select_n3A_1206 : vector<32x128xi32>
    %eq3A_1213 = arith.cmpi eq, %select_n3A_1164, %select_n3A_1206 : vector<32x128xi32>
    %lt3A_1214 = arith.cmpi slt, %select_n3A_1165, %select_n3A_1211 : vector<32x128xi32>
    %and3A_1215 = arith.andi %eq3A_1213, %lt3A_1214 : vector<32x128xi1>
    %or3A_1216 = arith.ori %gt3A_1212, %and3A_1215 : vector<32x128xi1>
    %eq3A_1217 = arith.xori %eq3A_1195, %eq3A_1201 : vector<32x128xi1>
    %eq3A_1218 = arith.constant dense<true> : vector<32x128xi1>
    %eq3A_1219 = arith.xori %eq3A_1217, %eq3A_1218 : vector<32x128xi1>
    %eq3A_1220 = arith.xori %or3A_1216, %eq3A_1219 : vector<32x128xi1>
    %eq3A_1221 = arith.constant dense<true> : vector<32x128xi1>
    %eq3A_1222 = arith.xori %eq3A_1220, %eq3A_1221 : vector<32x128xi1>
    %select_n3A_1223 = arith.select %eq3A_1222, %select_n3A_1164, %select_n3A_1206 : vector<32x128xi1>, vector<32x128xi32>
    %select_n3A_1224 = arith.select %eq3A_1222, %select_n3A_1165, %select_n3A_1211 : vector<32x128xi1>, vector<32x128xi32>
    %roll3A_1225 = arith.constant 127 : i32
    %roll3A_1226 = tpu.dynamic_rotate %select_n3A_1171 by %roll3A_1225 dim 1 : vector<32x128xf32>, i32 -> vector<32x128xf32>
    %roll3A_1227 = arith.constant 1 : i32
    %roll3A_1228 = tpu.dynamic_rotate %select_n3A_1171 by %roll3A_1227 dim 1 : vector<32x128xf32>, i32 -> vector<32x128xf32>
    %select_n3A_1229 = arith.select %eq3A_1195, %roll3A_1226, %roll3A_1228 : vector<32x128xi1>, vector<32x128xf32>
    %select_n3A_1230 = arith.select %eq3A_1222, %select_n3A_1171, %select_n3A_1229 : vector<32x128xi1>, vector<32x128xf32>
    %roll3A_1231 = arith.constant 127 : i32
    %roll3A_1232 = tpu.dynamic_rotate %select_n3A_1177 by %roll3A_1231 dim 1 : vector<32x128xf32>, i32 -> vector<32x128xf32>
    %roll3A_1233 = arith.constant 1 : i32
    %roll3A_1234 = tpu.dynamic_rotate %select_n3A_1177 by %roll3A_1233 dim 1 : vector<32x128xf32>, i32 -> vector<32x128xf32>
    %select_n3A_1235 = arith.select %eq3A_1195, %roll3A_1232, %roll3A_1234 : vector<32x128xi1>, vector<32x128xf32>
    %select_n3A_1236 = arith.select %eq3A_1222, %select_n3A_1177, %select_n3A_1235 : vector<32x128xi1>, vector<32x128xf32>
    %roll3A_1237 = arith.constant 127 : i32
    %roll3A_1238 = tpu.dynamic_rotate %select_n3A_1183 by %roll3A_1237 dim 1 : vector<32x128xf32>, i32 -> vector<32x128xf32>
    %roll3A_1239 = arith.constant 1 : i32
    %roll3A_1240 = tpu.dynamic_rotate %select_n3A_1183 by %roll3A_1239 dim 1 : vector<32x128xf32>, i32 -> vector<32x128xf32>
    %select_n3A_1241 = arith.select %eq3A_1195, %roll3A_1238, %roll3A_1240 : vector<32x128xi1>, vector<32x128xf32>
    %select_n3A_1242 = arith.select %eq3A_1222, %select_n3A_1183, %select_n3A_1241 : vector<32x128xi1>, vector<32x128xf32>
    %roll3A_1243 = arith.constant 127 : i32
    %roll3A_1244 = tpu.dynamic_rotate %select_n3A_1189 by %roll3A_1243 dim 1 : vector<32x128xf32>, i32 -> vector<32x128xf32>
    %roll3A_1245 = arith.constant 1 : i32
    %roll3A_1246 = tpu.dynamic_rotate %select_n3A_1189 by %roll3A_1245 dim 1 : vector<32x128xf32>, i32 -> vector<32x128xf32>
    %select_n3A_1247 = arith.select %eq3A_1195, %roll3A_1244, %roll3A_1246 : vector<32x128xi1>, vector<32x128xf32>
    %select_n3A_1248 = arith.select %eq3A_1222, %select_n3A_1189, %select_n3A_1247 : vector<32x128xi1>, vector<32x128xf32>
    %and3A_1249 = arith.constant 64 : i32
    %and3A_1250 = vector.broadcast %and3A_1249 : i32 to vector<32x128xi32>
    %and3A_1251 = arith.andi %add3A, %and3A_1250 : vector<32x128xi32>
    %eq3A_1252 = arith.constant 0 : i32
    %eq3A_1253 = vector.broadcast %eq3A_1252 : i32 to vector<32x128xi32>
    %eq3A_1254 = arith.cmpi eq, %and3A_1251, %eq3A_1253 : vector<32x128xi32>
    %and3A_1255 = arith.constant 128 : i32
    %and3A_1256 = vector.broadcast %and3A_1255 : i32 to vector<32x128xi32>
    %and3A_1257 = arith.andi %add3A, %and3A_1256 : vector<32x128xi32>
    %eq3A_1258 = arith.constant 0 : i32
    %eq3A_1259 = vector.broadcast %eq3A_1258 : i32 to vector<32x128xi32>
    %eq3A_1260 = arith.cmpi eq, %and3A_1257, %eq3A_1259 : vector<32x128xi32>
    %roll3A_1261 = arith.constant 64 : i32
    %roll3A_1262 = tpu.dynamic_rotate %select_n3A_1223 by %roll3A_1261 dim 1 : vector<32x128xi32>, i32 -> vector<32x128xi32>
    %roll3A_1263 = arith.constant 64 : i32
    %roll3A_1264 = tpu.dynamic_rotate %select_n3A_1223 by %roll3A_1263 dim 1 : vector<32x128xi32>, i32 -> vector<32x128xi32>
    %select_n3A_1265 = arith.select %eq3A_1254, %roll3A_1262, %roll3A_1264 : vector<32x128xi1>, vector<32x128xi32>
    %roll3A_1266 = arith.constant 64 : i32
    %roll3A_1267 = tpu.dynamic_rotate %select_n3A_1224 by %roll3A_1266 dim 1 : vector<32x128xi32>, i32 -> vector<32x128xi32>
    %roll3A_1268 = arith.constant 64 : i32
    %roll3A_1269 = tpu.dynamic_rotate %select_n3A_1224 by %roll3A_1268 dim 1 : vector<32x128xi32>, i32 -> vector<32x128xi32>
    %select_n3A_1270 = arith.select %eq3A_1254, %roll3A_1267, %roll3A_1269 : vector<32x128xi1>, vector<32x128xi32>
    %gt3A_1271 = arith.cmpi sgt, %select_n3A_1223, %select_n3A_1265 : vector<32x128xi32>
    %eq3A_1272 = arith.cmpi eq, %select_n3A_1223, %select_n3A_1265 : vector<32x128xi32>
    %lt3A_1273 = arith.cmpi slt, %select_n3A_1224, %select_n3A_1270 : vector<32x128xi32>
    %and3A_1274 = arith.andi %eq3A_1272, %lt3A_1273 : vector<32x128xi1>
    %or3A_1275 = arith.ori %gt3A_1271, %and3A_1274 : vector<32x128xi1>
    %eq3A_1276 = arith.xori %eq3A_1254, %eq3A_1260 : vector<32x128xi1>
    %eq3A_1277 = arith.constant dense<true> : vector<32x128xi1>
    %eq3A_1278 = arith.xori %eq3A_1276, %eq3A_1277 : vector<32x128xi1>
    %eq3A_1279 = arith.xori %or3A_1275, %eq3A_1278 : vector<32x128xi1>
    %eq3A_1280 = arith.constant dense<true> : vector<32x128xi1>
    %eq3A_1281 = arith.xori %eq3A_1279, %eq3A_1280 : vector<32x128xi1>
    %select_n3A_1282 = arith.select %eq3A_1281, %select_n3A_1223, %select_n3A_1265 : vector<32x128xi1>, vector<32x128xi32>
    %select_n3A_1283 = arith.select %eq3A_1281, %select_n3A_1224, %select_n3A_1270 : vector<32x128xi1>, vector<32x128xi32>
    %roll3A_1284 = arith.constant 64 : i32
    %roll3A_1285 = tpu.dynamic_rotate %select_n3A_1230 by %roll3A_1284 dim 1 : vector<32x128xf32>, i32 -> vector<32x128xf32>
    %roll3A_1286 = arith.constant 64 : i32
    %roll3A_1287 = tpu.dynamic_rotate %select_n3A_1230 by %roll3A_1286 dim 1 : vector<32x128xf32>, i32 -> vector<32x128xf32>
    %select_n3A_1288 = arith.select %eq3A_1254, %roll3A_1285, %roll3A_1287 : vector<32x128xi1>, vector<32x128xf32>
    %select_n3A_1289 = arith.select %eq3A_1281, %select_n3A_1230, %select_n3A_1288 : vector<32x128xi1>, vector<32x128xf32>
    %roll3A_1290 = arith.constant 64 : i32
    %roll3A_1291 = tpu.dynamic_rotate %select_n3A_1236 by %roll3A_1290 dim 1 : vector<32x128xf32>, i32 -> vector<32x128xf32>
    %roll3A_1292 = arith.constant 64 : i32
    %roll3A_1293 = tpu.dynamic_rotate %select_n3A_1236 by %roll3A_1292 dim 1 : vector<32x128xf32>, i32 -> vector<32x128xf32>
    %select_n3A_1294 = arith.select %eq3A_1254, %roll3A_1291, %roll3A_1293 : vector<32x128xi1>, vector<32x128xf32>
    %select_n3A_1295 = arith.select %eq3A_1281, %select_n3A_1236, %select_n3A_1294 : vector<32x128xi1>, vector<32x128xf32>
    %roll3A_1296 = arith.constant 64 : i32
    %roll3A_1297 = tpu.dynamic_rotate %select_n3A_1242 by %roll3A_1296 dim 1 : vector<32x128xf32>, i32 -> vector<32x128xf32>
    %roll3A_1298 = arith.constant 64 : i32
    %roll3A_1299 = tpu.dynamic_rotate %select_n3A_1242 by %roll3A_1298 dim 1 : vector<32x128xf32>, i32 -> vector<32x128xf32>
    %select_n3A_1300 = arith.select %eq3A_1254, %roll3A_1297, %roll3A_1299 : vector<32x128xi1>, vector<32x128xf32>
    %select_n3A_1301 = arith.select %eq3A_1281, %select_n3A_1242, %select_n3A_1300 : vector<32x128xi1>, vector<32x128xf32>
    %roll3A_1302 = arith.constant 64 : i32
    %roll3A_1303 = tpu.dynamic_rotate %select_n3A_1248 by %roll3A_1302 dim 1 : vector<32x128xf32>, i32 -> vector<32x128xf32>
    %roll3A_1304 = arith.constant 64 : i32
    %roll3A_1305 = tpu.dynamic_rotate %select_n3A_1248 by %roll3A_1304 dim 1 : vector<32x128xf32>, i32 -> vector<32x128xf32>
    %select_n3A_1306 = arith.select %eq3A_1254, %roll3A_1303, %roll3A_1305 : vector<32x128xi1>, vector<32x128xf32>
    %select_n3A_1307 = arith.select %eq3A_1281, %select_n3A_1248, %select_n3A_1306 : vector<32x128xi1>, vector<32x128xf32>
    %and3A_1308 = arith.constant 32 : i32
    %and3A_1309 = vector.broadcast %and3A_1308 : i32 to vector<32x128xi32>
    %and3A_1310 = arith.andi %add3A, %and3A_1309 : vector<32x128xi32>
    %eq3A_1311 = arith.constant 0 : i32
    %eq3A_1312 = vector.broadcast %eq3A_1311 : i32 to vector<32x128xi32>
    %eq3A_1313 = arith.cmpi eq, %and3A_1310, %eq3A_1312 : vector<32x128xi32>
    %and3A_1314 = arith.constant 128 : i32
    %and3A_1315 = vector.broadcast %and3A_1314 : i32 to vector<32x128xi32>
    %and3A_1316 = arith.andi %add3A, %and3A_1315 : vector<32x128xi32>
    %eq3A_1317 = arith.constant 0 : i32
    %eq3A_1318 = vector.broadcast %eq3A_1317 : i32 to vector<32x128xi32>
    %eq3A_1319 = arith.cmpi eq, %and3A_1316, %eq3A_1318 : vector<32x128xi32>
    %roll3A_1320 = arith.constant 96 : i32
    %roll3A_1321 = tpu.dynamic_rotate %select_n3A_1282 by %roll3A_1320 dim 1 : vector<32x128xi32>, i32 -> vector<32x128xi32>
    %roll3A_1322 = arith.constant 32 : i32
    %roll3A_1323 = tpu.dynamic_rotate %select_n3A_1282 by %roll3A_1322 dim 1 : vector<32x128xi32>, i32 -> vector<32x128xi32>
    %select_n3A_1324 = arith.select %eq3A_1313, %roll3A_1321, %roll3A_1323 : vector<32x128xi1>, vector<32x128xi32>
    %roll3A_1325 = arith.constant 96 : i32
    %roll3A_1326 = tpu.dynamic_rotate %select_n3A_1283 by %roll3A_1325 dim 1 : vector<32x128xi32>, i32 -> vector<32x128xi32>
    %roll3A_1327 = arith.constant 32 : i32
    %roll3A_1328 = tpu.dynamic_rotate %select_n3A_1283 by %roll3A_1327 dim 1 : vector<32x128xi32>, i32 -> vector<32x128xi32>
    %select_n3A_1329 = arith.select %eq3A_1313, %roll3A_1326, %roll3A_1328 : vector<32x128xi1>, vector<32x128xi32>
    %gt3A_1330 = arith.cmpi sgt, %select_n3A_1282, %select_n3A_1324 : vector<32x128xi32>
    %eq3A_1331 = arith.cmpi eq, %select_n3A_1282, %select_n3A_1324 : vector<32x128xi32>
    %lt3A_1332 = arith.cmpi slt, %select_n3A_1283, %select_n3A_1329 : vector<32x128xi32>
    %and3A_1333 = arith.andi %eq3A_1331, %lt3A_1332 : vector<32x128xi1>
    %or3A_1334 = arith.ori %gt3A_1330, %and3A_1333 : vector<32x128xi1>
    %eq3A_1335 = arith.xori %eq3A_1313, %eq3A_1319 : vector<32x128xi1>
    %eq3A_1336 = arith.constant dense<true> : vector<32x128xi1>
    %eq3A_1337 = arith.xori %eq3A_1335, %eq3A_1336 : vector<32x128xi1>
    %eq3A_1338 = arith.xori %or3A_1334, %eq3A_1337 : vector<32x128xi1>
    %eq3A_1339 = arith.constant dense<true> : vector<32x128xi1>
    %eq3A_1340 = arith.xori %eq3A_1338, %eq3A_1339 : vector<32x128xi1>
    %select_n3A_1341 = arith.select %eq3A_1340, %select_n3A_1282, %select_n3A_1324 : vector<32x128xi1>, vector<32x128xi32>
    %select_n3A_1342 = arith.select %eq3A_1340, %select_n3A_1283, %select_n3A_1329 : vector<32x128xi1>, vector<32x128xi32>
    %roll3A_1343 = arith.constant 96 : i32
    %roll3A_1344 = tpu.dynamic_rotate %select_n3A_1289 by %roll3A_1343 dim 1 : vector<32x128xf32>, i32 -> vector<32x128xf32>
    %roll3A_1345 = arith.constant 32 : i32
    %roll3A_1346 = tpu.dynamic_rotate %select_n3A_1289 by %roll3A_1345 dim 1 : vector<32x128xf32>, i32 -> vector<32x128xf32>
    %select_n3A_1347 = arith.select %eq3A_1313, %roll3A_1344, %roll3A_1346 : vector<32x128xi1>, vector<32x128xf32>
    %select_n3A_1348 = arith.select %eq3A_1340, %select_n3A_1289, %select_n3A_1347 : vector<32x128xi1>, vector<32x128xf32>
    %roll3A_1349 = arith.constant 96 : i32
    %roll3A_1350 = tpu.dynamic_rotate %select_n3A_1295 by %roll3A_1349 dim 1 : vector<32x128xf32>, i32 -> vector<32x128xf32>
    %roll3A_1351 = arith.constant 32 : i32
    %roll3A_1352 = tpu.dynamic_rotate %select_n3A_1295 by %roll3A_1351 dim 1 : vector<32x128xf32>, i32 -> vector<32x128xf32>
    %select_n3A_1353 = arith.select %eq3A_1313, %roll3A_1350, %roll3A_1352 : vector<32x128xi1>, vector<32x128xf32>
    %select_n3A_1354 = arith.select %eq3A_1340, %select_n3A_1295, %select_n3A_1353 : vector<32x128xi1>, vector<32x128xf32>
    %roll3A_1355 = arith.constant 96 : i32
    %roll3A_1356 = tpu.dynamic_rotate %select_n3A_1301 by %roll3A_1355 dim 1 : vector<32x128xf32>, i32 -> vector<32x128xf32>
    %roll3A_1357 = arith.constant 32 : i32
    %roll3A_1358 = tpu.dynamic_rotate %select_n3A_1301 by %roll3A_1357 dim 1 : vector<32x128xf32>, i32 -> vector<32x128xf32>
    %select_n3A_1359 = arith.select %eq3A_1313, %roll3A_1356, %roll3A_1358 : vector<32x128xi1>, vector<32x128xf32>
    %select_n3A_1360 = arith.select %eq3A_1340, %select_n3A_1301, %select_n3A_1359 : vector<32x128xi1>, vector<32x128xf32>
    %roll3A_1361 = arith.constant 96 : i32
    %roll3A_1362 = tpu.dynamic_rotate %select_n3A_1307 by %roll3A_1361 dim 1 : vector<32x128xf32>, i32 -> vector<32x128xf32>
    %roll3A_1363 = arith.constant 32 : i32
    %roll3A_1364 = tpu.dynamic_rotate %select_n3A_1307 by %roll3A_1363 dim 1 : vector<32x128xf32>, i32 -> vector<32x128xf32>
    %select_n3A_1365 = arith.select %eq3A_1313, %roll3A_1362, %roll3A_1364 : vector<32x128xi1>, vector<32x128xf32>
    %select_n3A_1366 = arith.select %eq3A_1340, %select_n3A_1307, %select_n3A_1365 : vector<32x128xi1>, vector<32x128xf32>
    %and3A_1367 = arith.constant 16 : i32
    %and3A_1368 = vector.broadcast %and3A_1367 : i32 to vector<32x128xi32>
    %and3A_1369 = arith.andi %add3A, %and3A_1368 : vector<32x128xi32>
    %eq3A_1370 = arith.constant 0 : i32
    %eq3A_1371 = vector.broadcast %eq3A_1370 : i32 to vector<32x128xi32>
    %eq3A_1372 = arith.cmpi eq, %and3A_1369, %eq3A_1371 : vector<32x128xi32>
    %and3A_1373 = arith.constant 128 : i32
    %and3A_1374 = vector.broadcast %and3A_1373 : i32 to vector<32x128xi32>
    %and3A_1375 = arith.andi %add3A, %and3A_1374 : vector<32x128xi32>
    %eq3A_1376 = arith.constant 0 : i32
    %eq3A_1377 = vector.broadcast %eq3A_1376 : i32 to vector<32x128xi32>
    %eq3A_1378 = arith.cmpi eq, %and3A_1375, %eq3A_1377 : vector<32x128xi32>
    %roll3A_1379 = arith.constant 112 : i32
    %roll3A_1380 = tpu.dynamic_rotate %select_n3A_1341 by %roll3A_1379 dim 1 : vector<32x128xi32>, i32 -> vector<32x128xi32>
    %roll3A_1381 = arith.constant 16 : i32
    %roll3A_1382 = tpu.dynamic_rotate %select_n3A_1341 by %roll3A_1381 dim 1 : vector<32x128xi32>, i32 -> vector<32x128xi32>
    %select_n3A_1383 = arith.select %eq3A_1372, %roll3A_1380, %roll3A_1382 : vector<32x128xi1>, vector<32x128xi32>
    %roll3A_1384 = arith.constant 112 : i32
    %roll3A_1385 = tpu.dynamic_rotate %select_n3A_1342 by %roll3A_1384 dim 1 : vector<32x128xi32>, i32 -> vector<32x128xi32>
    %roll3A_1386 = arith.constant 16 : i32
    %roll3A_1387 = tpu.dynamic_rotate %select_n3A_1342 by %roll3A_1386 dim 1 : vector<32x128xi32>, i32 -> vector<32x128xi32>
    %select_n3A_1388 = arith.select %eq3A_1372, %roll3A_1385, %roll3A_1387 : vector<32x128xi1>, vector<32x128xi32>
    %gt3A_1389 = arith.cmpi sgt, %select_n3A_1341, %select_n3A_1383 : vector<32x128xi32>
    %eq3A_1390 = arith.cmpi eq, %select_n3A_1341, %select_n3A_1383 : vector<32x128xi32>
    %lt3A_1391 = arith.cmpi slt, %select_n3A_1342, %select_n3A_1388 : vector<32x128xi32>
    %and3A_1392 = arith.andi %eq3A_1390, %lt3A_1391 : vector<32x128xi1>
    %or3A_1393 = arith.ori %gt3A_1389, %and3A_1392 : vector<32x128xi1>
    %eq3A_1394 = arith.xori %eq3A_1372, %eq3A_1378 : vector<32x128xi1>
    %eq3A_1395 = arith.constant dense<true> : vector<32x128xi1>
    %eq3A_1396 = arith.xori %eq3A_1394, %eq3A_1395 : vector<32x128xi1>
    %eq3A_1397 = arith.xori %or3A_1393, %eq3A_1396 : vector<32x128xi1>
    %eq3A_1398 = arith.constant dense<true> : vector<32x128xi1>
    %eq3A_1399 = arith.xori %eq3A_1397, %eq3A_1398 : vector<32x128xi1>
    %select_n3A_1400 = arith.select %eq3A_1399, %select_n3A_1341, %select_n3A_1383 : vector<32x128xi1>, vector<32x128xi32>
    %select_n3A_1401 = arith.select %eq3A_1399, %select_n3A_1342, %select_n3A_1388 : vector<32x128xi1>, vector<32x128xi32>
    %roll3A_1402 = arith.constant 112 : i32
    %roll3A_1403 = tpu.dynamic_rotate %select_n3A_1348 by %roll3A_1402 dim 1 : vector<32x128xf32>, i32 -> vector<32x128xf32>
    %roll3A_1404 = arith.constant 16 : i32
    %roll3A_1405 = tpu.dynamic_rotate %select_n3A_1348 by %roll3A_1404 dim 1 : vector<32x128xf32>, i32 -> vector<32x128xf32>
    %select_n3A_1406 = arith.select %eq3A_1372, %roll3A_1403, %roll3A_1405 : vector<32x128xi1>, vector<32x128xf32>
    %select_n3A_1407 = arith.select %eq3A_1399, %select_n3A_1348, %select_n3A_1406 : vector<32x128xi1>, vector<32x128xf32>
    %roll3A_1408 = arith.constant 112 : i32
    %roll3A_1409 = tpu.dynamic_rotate %select_n3A_1354 by %roll3A_1408 dim 1 : vector<32x128xf32>, i32 -> vector<32x128xf32>
    %roll3A_1410 = arith.constant 16 : i32
    %roll3A_1411 = tpu.dynamic_rotate %select_n3A_1354 by %roll3A_1410 dim 1 : vector<32x128xf32>, i32 -> vector<32x128xf32>
    %select_n3A_1412 = arith.select %eq3A_1372, %roll3A_1409, %roll3A_1411 : vector<32x128xi1>, vector<32x128xf32>
    %select_n3A_1413 = arith.select %eq3A_1399, %select_n3A_1354, %select_n3A_1412 : vector<32x128xi1>, vector<32x128xf32>
    %roll3A_1414 = arith.constant 112 : i32
    %roll3A_1415 = tpu.dynamic_rotate %select_n3A_1360 by %roll3A_1414 dim 1 : vector<32x128xf32>, i32 -> vector<32x128xf32>
    %roll3A_1416 = arith.constant 16 : i32
    %roll3A_1417 = tpu.dynamic_rotate %select_n3A_1360 by %roll3A_1416 dim 1 : vector<32x128xf32>, i32 -> vector<32x128xf32>
    %select_n3A_1418 = arith.select %eq3A_1372, %roll3A_1415, %roll3A_1417 : vector<32x128xi1>, vector<32x128xf32>
    %select_n3A_1419 = arith.select %eq3A_1399, %select_n3A_1360, %select_n3A_1418 : vector<32x128xi1>, vector<32x128xf32>
    %roll3A_1420 = arith.constant 112 : i32
    %roll3A_1421 = tpu.dynamic_rotate %select_n3A_1366 by %roll3A_1420 dim 1 : vector<32x128xf32>, i32 -> vector<32x128xf32>
    %roll3A_1422 = arith.constant 16 : i32
    %roll3A_1423 = tpu.dynamic_rotate %select_n3A_1366 by %roll3A_1422 dim 1 : vector<32x128xf32>, i32 -> vector<32x128xf32>
    %select_n3A_1424 = arith.select %eq3A_1372, %roll3A_1421, %roll3A_1423 : vector<32x128xi1>, vector<32x128xf32>
    %select_n3A_1425 = arith.select %eq3A_1399, %select_n3A_1366, %select_n3A_1424 : vector<32x128xi1>, vector<32x128xf32>
    %and3A_1426 = arith.constant 8 : i32
    %and3A_1427 = vector.broadcast %and3A_1426 : i32 to vector<32x128xi32>
    %and3A_1428 = arith.andi %add3A, %and3A_1427 : vector<32x128xi32>
    %eq3A_1429 = arith.constant 0 : i32
    %eq3A_1430 = vector.broadcast %eq3A_1429 : i32 to vector<32x128xi32>
    %eq3A_1431 = arith.cmpi eq, %and3A_1428, %eq3A_1430 : vector<32x128xi32>
    %and3A_1432 = arith.constant 128 : i32
    %and3A_1433 = vector.broadcast %and3A_1432 : i32 to vector<32x128xi32>
    %and3A_1434 = arith.andi %add3A, %and3A_1433 : vector<32x128xi32>
    %eq3A_1435 = arith.constant 0 : i32
    %eq3A_1436 = vector.broadcast %eq3A_1435 : i32 to vector<32x128xi32>
    %eq3A_1437 = arith.cmpi eq, %and3A_1434, %eq3A_1436 : vector<32x128xi32>
    %roll3A_1438 = arith.constant 120 : i32
    %roll3A_1439 = tpu.dynamic_rotate %select_n3A_1400 by %roll3A_1438 dim 1 : vector<32x128xi32>, i32 -> vector<32x128xi32>
    %roll3A_1440 = arith.constant 8 : i32
    %roll3A_1441 = tpu.dynamic_rotate %select_n3A_1400 by %roll3A_1440 dim 1 : vector<32x128xi32>, i32 -> vector<32x128xi32>
    %select_n3A_1442 = arith.select %eq3A_1431, %roll3A_1439, %roll3A_1441 : vector<32x128xi1>, vector<32x128xi32>
    %roll3A_1443 = arith.constant 120 : i32
    %roll3A_1444 = tpu.dynamic_rotate %select_n3A_1401 by %roll3A_1443 dim 1 : vector<32x128xi32>, i32 -> vector<32x128xi32>
    %roll3A_1445 = arith.constant 8 : i32
    %roll3A_1446 = tpu.dynamic_rotate %select_n3A_1401 by %roll3A_1445 dim 1 : vector<32x128xi32>, i32 -> vector<32x128xi32>
    %select_n3A_1447 = arith.select %eq3A_1431, %roll3A_1444, %roll3A_1446 : vector<32x128xi1>, vector<32x128xi32>
    %gt3A_1448 = arith.cmpi sgt, %select_n3A_1400, %select_n3A_1442 : vector<32x128xi32>
    %eq3A_1449 = arith.cmpi eq, %select_n3A_1400, %select_n3A_1442 : vector<32x128xi32>
    %lt3A_1450 = arith.cmpi slt, %select_n3A_1401, %select_n3A_1447 : vector<32x128xi32>
    %and3A_1451 = arith.andi %eq3A_1449, %lt3A_1450 : vector<32x128xi1>
    %or3A_1452 = arith.ori %gt3A_1448, %and3A_1451 : vector<32x128xi1>
    %eq3A_1453 = arith.xori %eq3A_1431, %eq3A_1437 : vector<32x128xi1>
    %eq3A_1454 = arith.constant dense<true> : vector<32x128xi1>
    %eq3A_1455 = arith.xori %eq3A_1453, %eq3A_1454 : vector<32x128xi1>
    %eq3A_1456 = arith.xori %or3A_1452, %eq3A_1455 : vector<32x128xi1>
    %eq3A_1457 = arith.constant dense<true> : vector<32x128xi1>
    %eq3A_1458 = arith.xori %eq3A_1456, %eq3A_1457 : vector<32x128xi1>
    %select_n3A_1459 = arith.select %eq3A_1458, %select_n3A_1400, %select_n3A_1442 : vector<32x128xi1>, vector<32x128xi32>
    %select_n3A_1460 = arith.select %eq3A_1458, %select_n3A_1401, %select_n3A_1447 : vector<32x128xi1>, vector<32x128xi32>
    %roll3A_1461 = arith.constant 120 : i32
    %roll3A_1462 = tpu.dynamic_rotate %select_n3A_1407 by %roll3A_1461 dim 1 : vector<32x128xf32>, i32 -> vector<32x128xf32>
    %roll3A_1463 = arith.constant 8 : i32
    %roll3A_1464 = tpu.dynamic_rotate %select_n3A_1407 by %roll3A_1463 dim 1 : vector<32x128xf32>, i32 -> vector<32x128xf32>
    %select_n3A_1465 = arith.select %eq3A_1431, %roll3A_1462, %roll3A_1464 : vector<32x128xi1>, vector<32x128xf32>
    %select_n3A_1466 = arith.select %eq3A_1458, %select_n3A_1407, %select_n3A_1465 : vector<32x128xi1>, vector<32x128xf32>
    %roll3A_1467 = arith.constant 120 : i32
    %roll3A_1468 = tpu.dynamic_rotate %select_n3A_1413 by %roll3A_1467 dim 1 : vector<32x128xf32>, i32 -> vector<32x128xf32>
    %roll3A_1469 = arith.constant 8 : i32
    %roll3A_1470 = tpu.dynamic_rotate %select_n3A_1413 by %roll3A_1469 dim 1 : vector<32x128xf32>, i32 -> vector<32x128xf32>
    %select_n3A_1471 = arith.select %eq3A_1431, %roll3A_1468, %roll3A_1470 : vector<32x128xi1>, vector<32x128xf32>
    %select_n3A_1472 = arith.select %eq3A_1458, %select_n3A_1413, %select_n3A_1471 : vector<32x128xi1>, vector<32x128xf32>
    %roll3A_1473 = arith.constant 120 : i32
    %roll3A_1474 = tpu.dynamic_rotate %select_n3A_1419 by %roll3A_1473 dim 1 : vector<32x128xf32>, i32 -> vector<32x128xf32>
    %roll3A_1475 = arith.constant 8 : i32
    %roll3A_1476 = tpu.dynamic_rotate %select_n3A_1419 by %roll3A_1475 dim 1 : vector<32x128xf32>, i32 -> vector<32x128xf32>
    %select_n3A_1477 = arith.select %eq3A_1431, %roll3A_1474, %roll3A_1476 : vector<32x128xi1>, vector<32x128xf32>
    %select_n3A_1478 = arith.select %eq3A_1458, %select_n3A_1419, %select_n3A_1477 : vector<32x128xi1>, vector<32x128xf32>
    %roll3A_1479 = arith.constant 120 : i32
    %roll3A_1480 = tpu.dynamic_rotate %select_n3A_1425 by %roll3A_1479 dim 1 : vector<32x128xf32>, i32 -> vector<32x128xf32>
    %roll3A_1481 = arith.constant 8 : i32
    %roll3A_1482 = tpu.dynamic_rotate %select_n3A_1425 by %roll3A_1481 dim 1 : vector<32x128xf32>, i32 -> vector<32x128xf32>
    %select_n3A_1483 = arith.select %eq3A_1431, %roll3A_1480, %roll3A_1482 : vector<32x128xi1>, vector<32x128xf32>
    %select_n3A_1484 = arith.select %eq3A_1458, %select_n3A_1425, %select_n3A_1483 : vector<32x128xi1>, vector<32x128xf32>
    %and3A_1485 = arith.constant 4 : i32
    %and3A_1486 = vector.broadcast %and3A_1485 : i32 to vector<32x128xi32>
    %and3A_1487 = arith.andi %add3A, %and3A_1486 : vector<32x128xi32>
    %eq3A_1488 = arith.constant 0 : i32
    %eq3A_1489 = vector.broadcast %eq3A_1488 : i32 to vector<32x128xi32>
    %eq3A_1490 = arith.cmpi eq, %and3A_1487, %eq3A_1489 : vector<32x128xi32>
    %and3A_1491 = arith.constant 128 : i32
    %and3A_1492 = vector.broadcast %and3A_1491 : i32 to vector<32x128xi32>
    %and3A_1493 = arith.andi %add3A, %and3A_1492 : vector<32x128xi32>
    %eq3A_1494 = arith.constant 0 : i32
    %eq3A_1495 = vector.broadcast %eq3A_1494 : i32 to vector<32x128xi32>
    %eq3A_1496 = arith.cmpi eq, %and3A_1493, %eq3A_1495 : vector<32x128xi32>
    %roll3A_1497 = arith.constant 124 : i32
    %roll3A_1498 = tpu.dynamic_rotate %select_n3A_1459 by %roll3A_1497 dim 1 : vector<32x128xi32>, i32 -> vector<32x128xi32>
    %roll3A_1499 = arith.constant 4 : i32
    %roll3A_1500 = tpu.dynamic_rotate %select_n3A_1459 by %roll3A_1499 dim 1 : vector<32x128xi32>, i32 -> vector<32x128xi32>
    %select_n3A_1501 = arith.select %eq3A_1490, %roll3A_1498, %roll3A_1500 : vector<32x128xi1>, vector<32x128xi32>
    %roll3A_1502 = arith.constant 124 : i32
    %roll3A_1503 = tpu.dynamic_rotate %select_n3A_1460 by %roll3A_1502 dim 1 : vector<32x128xi32>, i32 -> vector<32x128xi32>
    %roll3A_1504 = arith.constant 4 : i32
    %roll3A_1505 = tpu.dynamic_rotate %select_n3A_1460 by %roll3A_1504 dim 1 : vector<32x128xi32>, i32 -> vector<32x128xi32>
    %select_n3A_1506 = arith.select %eq3A_1490, %roll3A_1503, %roll3A_1505 : vector<32x128xi1>, vector<32x128xi32>
    %gt3A_1507 = arith.cmpi sgt, %select_n3A_1459, %select_n3A_1501 : vector<32x128xi32>
    %eq3A_1508 = arith.cmpi eq, %select_n3A_1459, %select_n3A_1501 : vector<32x128xi32>
    %lt3A_1509 = arith.cmpi slt, %select_n3A_1460, %select_n3A_1506 : vector<32x128xi32>
    %and3A_1510 = arith.andi %eq3A_1508, %lt3A_1509 : vector<32x128xi1>
    %or3A_1511 = arith.ori %gt3A_1507, %and3A_1510 : vector<32x128xi1>
    %eq3A_1512 = arith.xori %eq3A_1490, %eq3A_1496 : vector<32x128xi1>
    %eq3A_1513 = arith.constant dense<true> : vector<32x128xi1>
    %eq3A_1514 = arith.xori %eq3A_1512, %eq3A_1513 : vector<32x128xi1>
    %eq3A_1515 = arith.xori %or3A_1511, %eq3A_1514 : vector<32x128xi1>
    %eq3A_1516 = arith.constant dense<true> : vector<32x128xi1>
    %eq3A_1517 = arith.xori %eq3A_1515, %eq3A_1516 : vector<32x128xi1>
    %select_n3A_1518 = arith.select %eq3A_1517, %select_n3A_1459, %select_n3A_1501 : vector<32x128xi1>, vector<32x128xi32>
    %select_n3A_1519 = arith.select %eq3A_1517, %select_n3A_1460, %select_n3A_1506 : vector<32x128xi1>, vector<32x128xi32>
    %roll3A_1520 = arith.constant 124 : i32
    %roll3A_1521 = tpu.dynamic_rotate %select_n3A_1466 by %roll3A_1520 dim 1 : vector<32x128xf32>, i32 -> vector<32x128xf32>
    %roll3A_1522 = arith.constant 4 : i32
    %roll3A_1523 = tpu.dynamic_rotate %select_n3A_1466 by %roll3A_1522 dim 1 : vector<32x128xf32>, i32 -> vector<32x128xf32>
    %select_n3A_1524 = arith.select %eq3A_1490, %roll3A_1521, %roll3A_1523 : vector<32x128xi1>, vector<32x128xf32>
    %select_n3A_1525 = arith.select %eq3A_1517, %select_n3A_1466, %select_n3A_1524 : vector<32x128xi1>, vector<32x128xf32>
    %roll3A_1526 = arith.constant 124 : i32
    %roll3A_1527 = tpu.dynamic_rotate %select_n3A_1472 by %roll3A_1526 dim 1 : vector<32x128xf32>, i32 -> vector<32x128xf32>
    %roll3A_1528 = arith.constant 4 : i32
    %roll3A_1529 = tpu.dynamic_rotate %select_n3A_1472 by %roll3A_1528 dim 1 : vector<32x128xf32>, i32 -> vector<32x128xf32>
    %select_n3A_1530 = arith.select %eq3A_1490, %roll3A_1527, %roll3A_1529 : vector<32x128xi1>, vector<32x128xf32>
    %select_n3A_1531 = arith.select %eq3A_1517, %select_n3A_1472, %select_n3A_1530 : vector<32x128xi1>, vector<32x128xf32>
    %roll3A_1532 = arith.constant 124 : i32
    %roll3A_1533 = tpu.dynamic_rotate %select_n3A_1478 by %roll3A_1532 dim 1 : vector<32x128xf32>, i32 -> vector<32x128xf32>
    %roll3A_1534 = arith.constant 4 : i32
    %roll3A_1535 = tpu.dynamic_rotate %select_n3A_1478 by %roll3A_1534 dim 1 : vector<32x128xf32>, i32 -> vector<32x128xf32>
    %select_n3A_1536 = arith.select %eq3A_1490, %roll3A_1533, %roll3A_1535 : vector<32x128xi1>, vector<32x128xf32>
    %select_n3A_1537 = arith.select %eq3A_1517, %select_n3A_1478, %select_n3A_1536 : vector<32x128xi1>, vector<32x128xf32>
    %roll3A_1538 = arith.constant 124 : i32
    %roll3A_1539 = tpu.dynamic_rotate %select_n3A_1484 by %roll3A_1538 dim 1 : vector<32x128xf32>, i32 -> vector<32x128xf32>
    %roll3A_1540 = arith.constant 4 : i32
    %roll3A_1541 = tpu.dynamic_rotate %select_n3A_1484 by %roll3A_1540 dim 1 : vector<32x128xf32>, i32 -> vector<32x128xf32>
    %select_n3A_1542 = arith.select %eq3A_1490, %roll3A_1539, %roll3A_1541 : vector<32x128xi1>, vector<32x128xf32>
    %select_n3A_1543 = arith.select %eq3A_1517, %select_n3A_1484, %select_n3A_1542 : vector<32x128xi1>, vector<32x128xf32>
    %and3A_1544 = arith.constant 2 : i32
    %and3A_1545 = vector.broadcast %and3A_1544 : i32 to vector<32x128xi32>
    %and3A_1546 = arith.andi %add3A, %and3A_1545 : vector<32x128xi32>
    %eq3A_1547 = arith.constant 0 : i32
    %eq3A_1548 = vector.broadcast %eq3A_1547 : i32 to vector<32x128xi32>
    %eq3A_1549 = arith.cmpi eq, %and3A_1546, %eq3A_1548 : vector<32x128xi32>
    %and3A_1550 = arith.constant 128 : i32
    %and3A_1551 = vector.broadcast %and3A_1550 : i32 to vector<32x128xi32>
    %and3A_1552 = arith.andi %add3A, %and3A_1551 : vector<32x128xi32>
    %eq3A_1553 = arith.constant 0 : i32
    %eq3A_1554 = vector.broadcast %eq3A_1553 : i32 to vector<32x128xi32>
    %eq3A_1555 = arith.cmpi eq, %and3A_1552, %eq3A_1554 : vector<32x128xi32>
    %roll3A_1556 = arith.constant 126 : i32
    %roll3A_1557 = tpu.dynamic_rotate %select_n3A_1518 by %roll3A_1556 dim 1 : vector<32x128xi32>, i32 -> vector<32x128xi32>
    %roll3A_1558 = arith.constant 2 : i32
    %roll3A_1559 = tpu.dynamic_rotate %select_n3A_1518 by %roll3A_1558 dim 1 : vector<32x128xi32>, i32 -> vector<32x128xi32>
    %select_n3A_1560 = arith.select %eq3A_1549, %roll3A_1557, %roll3A_1559 : vector<32x128xi1>, vector<32x128xi32>
    %roll3A_1561 = arith.constant 126 : i32
    %roll3A_1562 = tpu.dynamic_rotate %select_n3A_1519 by %roll3A_1561 dim 1 : vector<32x128xi32>, i32 -> vector<32x128xi32>
    %roll3A_1563 = arith.constant 2 : i32
    %roll3A_1564 = tpu.dynamic_rotate %select_n3A_1519 by %roll3A_1563 dim 1 : vector<32x128xi32>, i32 -> vector<32x128xi32>
    %select_n3A_1565 = arith.select %eq3A_1549, %roll3A_1562, %roll3A_1564 : vector<32x128xi1>, vector<32x128xi32>
    %gt3A_1566 = arith.cmpi sgt, %select_n3A_1518, %select_n3A_1560 : vector<32x128xi32>
    %eq3A_1567 = arith.cmpi eq, %select_n3A_1518, %select_n3A_1560 : vector<32x128xi32>
    %lt3A_1568 = arith.cmpi slt, %select_n3A_1519, %select_n3A_1565 : vector<32x128xi32>
    %and3A_1569 = arith.andi %eq3A_1567, %lt3A_1568 : vector<32x128xi1>
    %or3A_1570 = arith.ori %gt3A_1566, %and3A_1569 : vector<32x128xi1>
    %eq3A_1571 = arith.xori %eq3A_1549, %eq3A_1555 : vector<32x128xi1>
    %eq3A_1572 = arith.constant dense<true> : vector<32x128xi1>
    %eq3A_1573 = arith.xori %eq3A_1571, %eq3A_1572 : vector<32x128xi1>
    %eq3A_1574 = arith.xori %or3A_1570, %eq3A_1573 : vector<32x128xi1>
    %eq3A_1575 = arith.constant dense<true> : vector<32x128xi1>
    %eq3A_1576 = arith.xori %eq3A_1574, %eq3A_1575 : vector<32x128xi1>
    %select_n3A_1577 = arith.select %eq3A_1576, %select_n3A_1518, %select_n3A_1560 : vector<32x128xi1>, vector<32x128xi32>
    %select_n3A_1578 = arith.select %eq3A_1576, %select_n3A_1519, %select_n3A_1565 : vector<32x128xi1>, vector<32x128xi32>
    %roll3A_1579 = arith.constant 126 : i32
    %roll3A_1580 = tpu.dynamic_rotate %select_n3A_1525 by %roll3A_1579 dim 1 : vector<32x128xf32>, i32 -> vector<32x128xf32>
    %roll3A_1581 = arith.constant 2 : i32
    %roll3A_1582 = tpu.dynamic_rotate %select_n3A_1525 by %roll3A_1581 dim 1 : vector<32x128xf32>, i32 -> vector<32x128xf32>
    %select_n3A_1583 = arith.select %eq3A_1549, %roll3A_1580, %roll3A_1582 : vector<32x128xi1>, vector<32x128xf32>
    %select_n3A_1584 = arith.select %eq3A_1576, %select_n3A_1525, %select_n3A_1583 : vector<32x128xi1>, vector<32x128xf32>
    %roll3A_1585 = arith.constant 126 : i32
    %roll3A_1586 = tpu.dynamic_rotate %select_n3A_1531 by %roll3A_1585 dim 1 : vector<32x128xf32>, i32 -> vector<32x128xf32>
    %roll3A_1587 = arith.constant 2 : i32
    %roll3A_1588 = tpu.dynamic_rotate %select_n3A_1531 by %roll3A_1587 dim 1 : vector<32x128xf32>, i32 -> vector<32x128xf32>
    %select_n3A_1589 = arith.select %eq3A_1549, %roll3A_1586, %roll3A_1588 : vector<32x128xi1>, vector<32x128xf32>
    %select_n3A_1590 = arith.select %eq3A_1576, %select_n3A_1531, %select_n3A_1589 : vector<32x128xi1>, vector<32x128xf32>
    %roll3A_1591 = arith.constant 126 : i32
    %roll3A_1592 = tpu.dynamic_rotate %select_n3A_1537 by %roll3A_1591 dim 1 : vector<32x128xf32>, i32 -> vector<32x128xf32>
    %roll3A_1593 = arith.constant 2 : i32
    %roll3A_1594 = tpu.dynamic_rotate %select_n3A_1537 by %roll3A_1593 dim 1 : vector<32x128xf32>, i32 -> vector<32x128xf32>
    %select_n3A_1595 = arith.select %eq3A_1549, %roll3A_1592, %roll3A_1594 : vector<32x128xi1>, vector<32x128xf32>
    %select_n3A_1596 = arith.select %eq3A_1576, %select_n3A_1537, %select_n3A_1595 : vector<32x128xi1>, vector<32x128xf32>
    %roll3A_1597 = arith.constant 126 : i32
    %roll3A_1598 = tpu.dynamic_rotate %select_n3A_1543 by %roll3A_1597 dim 1 : vector<32x128xf32>, i32 -> vector<32x128xf32>
    %roll3A_1599 = arith.constant 2 : i32
    %roll3A_1600 = tpu.dynamic_rotate %select_n3A_1543 by %roll3A_1599 dim 1 : vector<32x128xf32>, i32 -> vector<32x128xf32>
    %select_n3A_1601 = arith.select %eq3A_1549, %roll3A_1598, %roll3A_1600 : vector<32x128xi1>, vector<32x128xf32>
    %select_n3A_1602 = arith.select %eq3A_1576, %select_n3A_1543, %select_n3A_1601 : vector<32x128xi1>, vector<32x128xf32>
    %and3A_1603 = arith.constant 1 : i32
    %and3A_1604 = vector.broadcast %and3A_1603 : i32 to vector<32x128xi32>
    %and3A_1605 = arith.andi %add3A, %and3A_1604 : vector<32x128xi32>
    %eq3A_1606 = arith.constant 0 : i32
    %eq3A_1607 = vector.broadcast %eq3A_1606 : i32 to vector<32x128xi32>
    %eq3A_1608 = arith.cmpi eq, %and3A_1605, %eq3A_1607 : vector<32x128xi32>
    %and3A_1609 = arith.constant 128 : i32
    %and3A_1610 = vector.broadcast %and3A_1609 : i32 to vector<32x128xi32>
    %and3A_1611 = arith.andi %add3A, %and3A_1610 : vector<32x128xi32>
    %eq3A_1612 = arith.constant 0 : i32
    %eq3A_1613 = vector.broadcast %eq3A_1612 : i32 to vector<32x128xi32>
    %eq3A_1614 = arith.cmpi eq, %and3A_1611, %eq3A_1613 : vector<32x128xi32>
    %roll3A_1615 = arith.constant 127 : i32
    %roll3A_1616 = tpu.dynamic_rotate %select_n3A_1577 by %roll3A_1615 dim 1 : vector<32x128xi32>, i32 -> vector<32x128xi32>
    %roll3A_1617 = arith.constant 1 : i32
    %roll3A_1618 = tpu.dynamic_rotate %select_n3A_1577 by %roll3A_1617 dim 1 : vector<32x128xi32>, i32 -> vector<32x128xi32>
    %select_n3A_1619 = arith.select %eq3A_1608, %roll3A_1616, %roll3A_1618 : vector<32x128xi1>, vector<32x128xi32>
    %roll3A_1620 = arith.constant 127 : i32
    %roll3A_1621 = tpu.dynamic_rotate %select_n3A_1578 by %roll3A_1620 dim 1 : vector<32x128xi32>, i32 -> vector<32x128xi32>
    %roll3A_1622 = arith.constant 1 : i32
    %roll3A_1623 = tpu.dynamic_rotate %select_n3A_1578 by %roll3A_1622 dim 1 : vector<32x128xi32>, i32 -> vector<32x128xi32>
    %select_n3A_1624 = arith.select %eq3A_1608, %roll3A_1621, %roll3A_1623 : vector<32x128xi1>, vector<32x128xi32>
    %gt3A_1625 = arith.cmpi sgt, %select_n3A_1577, %select_n3A_1619 : vector<32x128xi32>
    %eq3A_1626 = arith.cmpi eq, %select_n3A_1577, %select_n3A_1619 : vector<32x128xi32>
    %lt3A_1627 = arith.cmpi slt, %select_n3A_1578, %select_n3A_1624 : vector<32x128xi32>
    %and3A_1628 = arith.andi %eq3A_1626, %lt3A_1627 : vector<32x128xi1>
    %or3A_1629 = arith.ori %gt3A_1625, %and3A_1628 : vector<32x128xi1>
    %eq3A_1630 = arith.xori %eq3A_1608, %eq3A_1614 : vector<32x128xi1>
    %eq3A_1631 = arith.constant dense<true> : vector<32x128xi1>
    %eq3A_1632 = arith.xori %eq3A_1630, %eq3A_1631 : vector<32x128xi1>
    %eq3A_1633 = arith.xori %or3A_1629, %eq3A_1632 : vector<32x128xi1>
    %eq3A_1634 = arith.constant dense<true> : vector<32x128xi1>
    %eq3A_1635 = arith.xori %eq3A_1633, %eq3A_1634 : vector<32x128xi1>
    %select_n3A_1636 = arith.select %eq3A_1635, %select_n3A_1577, %select_n3A_1619 : vector<32x128xi1>, vector<32x128xi32>
    %select_n3A_1637 = arith.select %eq3A_1635, %select_n3A_1578, %select_n3A_1624 : vector<32x128xi1>, vector<32x128xi32>
    %roll3A_1638 = arith.constant 127 : i32
    %roll3A_1639 = tpu.dynamic_rotate %select_n3A_1584 by %roll3A_1638 dim 1 : vector<32x128xf32>, i32 -> vector<32x128xf32>
    %roll3A_1640 = arith.constant 1 : i32
    %roll3A_1641 = tpu.dynamic_rotate %select_n3A_1584 by %roll3A_1640 dim 1 : vector<32x128xf32>, i32 -> vector<32x128xf32>
    %select_n3A_1642 = arith.select %eq3A_1608, %roll3A_1639, %roll3A_1641 : vector<32x128xi1>, vector<32x128xf32>
    %select_n3A_1643 = arith.select %eq3A_1635, %select_n3A_1584, %select_n3A_1642 : vector<32x128xi1>, vector<32x128xf32>
    %roll3A_1644 = arith.constant 127 : i32
    %roll3A_1645 = tpu.dynamic_rotate %select_n3A_1590 by %roll3A_1644 dim 1 : vector<32x128xf32>, i32 -> vector<32x128xf32>
    %roll3A_1646 = arith.constant 1 : i32
    %roll3A_1647 = tpu.dynamic_rotate %select_n3A_1590 by %roll3A_1646 dim 1 : vector<32x128xf32>, i32 -> vector<32x128xf32>
    %select_n3A_1648 = arith.select %eq3A_1608, %roll3A_1645, %roll3A_1647 : vector<32x128xi1>, vector<32x128xf32>
    %select_n3A_1649 = arith.select %eq3A_1635, %select_n3A_1590, %select_n3A_1648 : vector<32x128xi1>, vector<32x128xf32>
    %roll3A_1650 = arith.constant 127 : i32
    %roll3A_1651 = tpu.dynamic_rotate %select_n3A_1596 by %roll3A_1650 dim 1 : vector<32x128xf32>, i32 -> vector<32x128xf32>
    %roll3A_1652 = arith.constant 1 : i32
    %roll3A_1653 = tpu.dynamic_rotate %select_n3A_1596 by %roll3A_1652 dim 1 : vector<32x128xf32>, i32 -> vector<32x128xf32>
    %select_n3A_1654 = arith.select %eq3A_1608, %roll3A_1651, %roll3A_1653 : vector<32x128xi1>, vector<32x128xf32>
    %select_n3A_1655 = arith.select %eq3A_1635, %select_n3A_1596, %select_n3A_1654 : vector<32x128xi1>, vector<32x128xf32>
    %roll3A_1656 = arith.constant 127 : i32
    %roll3A_1657 = tpu.dynamic_rotate %select_n3A_1602 by %roll3A_1656 dim 1 : vector<32x128xf32>, i32 -> vector<32x128xf32>
    %roll3A_1658 = arith.constant 1 : i32
    %roll3A_1659 = tpu.dynamic_rotate %select_n3A_1602 by %roll3A_1658 dim 1 : vector<32x128xf32>, i32 -> vector<32x128xf32>
    %select_n3A_1660 = arith.select %eq3A_1608, %roll3A_1657, %roll3A_1659 : vector<32x128xi1>, vector<32x128xf32>
    %select_n3A_1661 = arith.select %eq3A_1635, %select_n3A_1602, %select_n3A_1660 : vector<32x128xi1>, vector<32x128xf32>
    %and3A_1662 = arith.constant 128 : i32
    %and3A_1663 = vector.broadcast %and3A_1662 : i32 to vector<32x128xi32>
    %and3A_1664 = arith.andi %add3A, %and3A_1663 : vector<32x128xi32>
    %eq3A_1665 = arith.constant 0 : i32
    %eq3A_1666 = vector.broadcast %eq3A_1665 : i32 to vector<32x128xi32>
    %eq3A_1667 = arith.cmpi eq, %and3A_1664, %eq3A_1666 : vector<32x128xi32>
    %and3A_1668 = arith.constant 256 : i32
    %and3A_1669 = vector.broadcast %and3A_1668 : i32 to vector<32x128xi32>
    %and3A_1670 = arith.andi %add3A, %and3A_1669 : vector<32x128xi32>
    %eq3A_1671 = arith.constant 0 : i32
    %eq3A_1672 = vector.broadcast %eq3A_1671 : i32 to vector<32x128xi32>
    %eq3A_1673 = arith.cmpi eq, %and3A_1670, %eq3A_1672 : vector<32x128xi32>
    %roll3A_1674 = arith.constant 31 : i32
    %roll3A_1675 = tpu.dynamic_rotate %select_n3A_1636 by %roll3A_1674 dim 0 : vector<32x128xi32>, i32 -> vector<32x128xi32>
    %roll3A_1676 = arith.constant 1 : i32
    %roll3A_1677 = tpu.dynamic_rotate %select_n3A_1636 by %roll3A_1676 dim 0 : vector<32x128xi32>, i32 -> vector<32x128xi32>
    %select_n3A_1678 = arith.select %eq3A_1667, %roll3A_1675, %roll3A_1677 : vector<32x128xi1>, vector<32x128xi32>
    %roll3A_1679 = arith.constant 31 : i32
    %roll3A_1680 = tpu.dynamic_rotate %select_n3A_1637 by %roll3A_1679 dim 0 : vector<32x128xi32>, i32 -> vector<32x128xi32>
    %roll3A_1681 = arith.constant 1 : i32
    %roll3A_1682 = tpu.dynamic_rotate %select_n3A_1637 by %roll3A_1681 dim 0 : vector<32x128xi32>, i32 -> vector<32x128xi32>
    %select_n3A_1683 = arith.select %eq3A_1667, %roll3A_1680, %roll3A_1682 : vector<32x128xi1>, vector<32x128xi32>
    %gt3A_1684 = arith.cmpi sgt, %select_n3A_1636, %select_n3A_1678 : vector<32x128xi32>
    %eq3A_1685 = arith.cmpi eq, %select_n3A_1636, %select_n3A_1678 : vector<32x128xi32>
    %lt3A_1686 = arith.cmpi slt, %select_n3A_1637, %select_n3A_1683 : vector<32x128xi32>
    %and3A_1687 = arith.andi %eq3A_1685, %lt3A_1686 : vector<32x128xi1>
    %or3A_1688 = arith.ori %gt3A_1684, %and3A_1687 : vector<32x128xi1>
    %eq3A_1689 = arith.xori %eq3A_1667, %eq3A_1673 : vector<32x128xi1>
    %eq3A_1690 = arith.constant dense<true> : vector<32x128xi1>
    %eq3A_1691 = arith.xori %eq3A_1689, %eq3A_1690 : vector<32x128xi1>
    %eq3A_1692 = arith.xori %or3A_1688, %eq3A_1691 : vector<32x128xi1>
    %eq3A_1693 = arith.constant dense<true> : vector<32x128xi1>
    %eq3A_1694 = arith.xori %eq3A_1692, %eq3A_1693 : vector<32x128xi1>
    %select_n3A_1695 = arith.select %eq3A_1694, %select_n3A_1636, %select_n3A_1678 : vector<32x128xi1>, vector<32x128xi32>
    %select_n3A_1696 = arith.select %eq3A_1694, %select_n3A_1637, %select_n3A_1683 : vector<32x128xi1>, vector<32x128xi32>
    %roll3A_1697 = arith.constant 31 : i32
    %roll3A_1698 = tpu.dynamic_rotate %select_n3A_1643 by %roll3A_1697 dim 0 : vector<32x128xf32>, i32 -> vector<32x128xf32>
    %roll3A_1699 = arith.constant 1 : i32
    %roll3A_1700 = tpu.dynamic_rotate %select_n3A_1643 by %roll3A_1699 dim 0 : vector<32x128xf32>, i32 -> vector<32x128xf32>
    %select_n3A_1701 = arith.select %eq3A_1667, %roll3A_1698, %roll3A_1700 : vector<32x128xi1>, vector<32x128xf32>
    %select_n3A_1702 = arith.select %eq3A_1694, %select_n3A_1643, %select_n3A_1701 : vector<32x128xi1>, vector<32x128xf32>
    %roll3A_1703 = arith.constant 31 : i32
    %roll3A_1704 = tpu.dynamic_rotate %select_n3A_1649 by %roll3A_1703 dim 0 : vector<32x128xf32>, i32 -> vector<32x128xf32>
    %roll3A_1705 = arith.constant 1 : i32
    %roll3A_1706 = tpu.dynamic_rotate %select_n3A_1649 by %roll3A_1705 dim 0 : vector<32x128xf32>, i32 -> vector<32x128xf32>
    %select_n3A_1707 = arith.select %eq3A_1667, %roll3A_1704, %roll3A_1706 : vector<32x128xi1>, vector<32x128xf32>
    %select_n3A_1708 = arith.select %eq3A_1694, %select_n3A_1649, %select_n3A_1707 : vector<32x128xi1>, vector<32x128xf32>
    %roll3A_1709 = arith.constant 31 : i32
    %roll3A_1710 = tpu.dynamic_rotate %select_n3A_1655 by %roll3A_1709 dim 0 : vector<32x128xf32>, i32 -> vector<32x128xf32>
    %roll3A_1711 = arith.constant 1 : i32
    %roll3A_1712 = tpu.dynamic_rotate %select_n3A_1655 by %roll3A_1711 dim 0 : vector<32x128xf32>, i32 -> vector<32x128xf32>
    %select_n3A_1713 = arith.select %eq3A_1667, %roll3A_1710, %roll3A_1712 : vector<32x128xi1>, vector<32x128xf32>
    %select_n3A_1714 = arith.select %eq3A_1694, %select_n3A_1655, %select_n3A_1713 : vector<32x128xi1>, vector<32x128xf32>
    %roll3A_1715 = arith.constant 31 : i32
    %roll3A_1716 = tpu.dynamic_rotate %select_n3A_1661 by %roll3A_1715 dim 0 : vector<32x128xf32>, i32 -> vector<32x128xf32>
    %roll3A_1717 = arith.constant 1 : i32
    %roll3A_1718 = tpu.dynamic_rotate %select_n3A_1661 by %roll3A_1717 dim 0 : vector<32x128xf32>, i32 -> vector<32x128xf32>
    %select_n3A_1719 = arith.select %eq3A_1667, %roll3A_1716, %roll3A_1718 : vector<32x128xi1>, vector<32x128xf32>
    %select_n3A_1720 = arith.select %eq3A_1694, %select_n3A_1661, %select_n3A_1719 : vector<32x128xi1>, vector<32x128xf32>
    %and3A_1721 = arith.constant 64 : i32
    %and3A_1722 = vector.broadcast %and3A_1721 : i32 to vector<32x128xi32>
    %and3A_1723 = arith.andi %add3A, %and3A_1722 : vector<32x128xi32>
    %eq3A_1724 = arith.constant 0 : i32
    %eq3A_1725 = vector.broadcast %eq3A_1724 : i32 to vector<32x128xi32>
    %eq3A_1726 = arith.cmpi eq, %and3A_1723, %eq3A_1725 : vector<32x128xi32>
    %and3A_1727 = arith.constant 256 : i32
    %and3A_1728 = vector.broadcast %and3A_1727 : i32 to vector<32x128xi32>
    %and3A_1729 = arith.andi %add3A, %and3A_1728 : vector<32x128xi32>
    %eq3A_1730 = arith.constant 0 : i32
    %eq3A_1731 = vector.broadcast %eq3A_1730 : i32 to vector<32x128xi32>
    %eq3A_1732 = arith.cmpi eq, %and3A_1729, %eq3A_1731 : vector<32x128xi32>
    %roll3A_1733 = arith.constant 64 : i32
    %roll3A_1734 = tpu.dynamic_rotate %select_n3A_1695 by %roll3A_1733 dim 1 : vector<32x128xi32>, i32 -> vector<32x128xi32>
    %roll3A_1735 = arith.constant 64 : i32
    %roll3A_1736 = tpu.dynamic_rotate %select_n3A_1695 by %roll3A_1735 dim 1 : vector<32x128xi32>, i32 -> vector<32x128xi32>
    %select_n3A_1737 = arith.select %eq3A_1726, %roll3A_1734, %roll3A_1736 : vector<32x128xi1>, vector<32x128xi32>
    %roll3A_1738 = arith.constant 64 : i32
    %roll3A_1739 = tpu.dynamic_rotate %select_n3A_1696 by %roll3A_1738 dim 1 : vector<32x128xi32>, i32 -> vector<32x128xi32>
    %roll3A_1740 = arith.constant 64 : i32
    %roll3A_1741 = tpu.dynamic_rotate %select_n3A_1696 by %roll3A_1740 dim 1 : vector<32x128xi32>, i32 -> vector<32x128xi32>
    %select_n3A_1742 = arith.select %eq3A_1726, %roll3A_1739, %roll3A_1741 : vector<32x128xi1>, vector<32x128xi32>
    %gt3A_1743 = arith.cmpi sgt, %select_n3A_1695, %select_n3A_1737 : vector<32x128xi32>
    %eq3A_1744 = arith.cmpi eq, %select_n3A_1695, %select_n3A_1737 : vector<32x128xi32>
    %lt3A_1745 = arith.cmpi slt, %select_n3A_1696, %select_n3A_1742 : vector<32x128xi32>
    %and3A_1746 = arith.andi %eq3A_1744, %lt3A_1745 : vector<32x128xi1>
    %or3A_1747 = arith.ori %gt3A_1743, %and3A_1746 : vector<32x128xi1>
    %eq3A_1748 = arith.xori %eq3A_1726, %eq3A_1732 : vector<32x128xi1>
    %eq3A_1749 = arith.constant dense<true> : vector<32x128xi1>
    %eq3A_1750 = arith.xori %eq3A_1748, %eq3A_1749 : vector<32x128xi1>
    %eq3A_1751 = arith.xori %or3A_1747, %eq3A_1750 : vector<32x128xi1>
    %eq3A_1752 = arith.constant dense<true> : vector<32x128xi1>
    %eq3A_1753 = arith.xori %eq3A_1751, %eq3A_1752 : vector<32x128xi1>
    %select_n3A_1754 = arith.select %eq3A_1753, %select_n3A_1695, %select_n3A_1737 : vector<32x128xi1>, vector<32x128xi32>
    %select_n3A_1755 = arith.select %eq3A_1753, %select_n3A_1696, %select_n3A_1742 : vector<32x128xi1>, vector<32x128xi32>
    %roll3A_1756 = arith.constant 64 : i32
    %roll3A_1757 = tpu.dynamic_rotate %select_n3A_1702 by %roll3A_1756 dim 1 : vector<32x128xf32>, i32 -> vector<32x128xf32>
    %roll3A_1758 = arith.constant 64 : i32
    %roll3A_1759 = tpu.dynamic_rotate %select_n3A_1702 by %roll3A_1758 dim 1 : vector<32x128xf32>, i32 -> vector<32x128xf32>
    %select_n3A_1760 = arith.select %eq3A_1726, %roll3A_1757, %roll3A_1759 : vector<32x128xi1>, vector<32x128xf32>
    %select_n3A_1761 = arith.select %eq3A_1753, %select_n3A_1702, %select_n3A_1760 : vector<32x128xi1>, vector<32x128xf32>
    %roll3A_1762 = arith.constant 64 : i32
    %roll3A_1763 = tpu.dynamic_rotate %select_n3A_1708 by %roll3A_1762 dim 1 : vector<32x128xf32>, i32 -> vector<32x128xf32>
    %roll3A_1764 = arith.constant 64 : i32
    %roll3A_1765 = tpu.dynamic_rotate %select_n3A_1708 by %roll3A_1764 dim 1 : vector<32x128xf32>, i32 -> vector<32x128xf32>
    %select_n3A_1766 = arith.select %eq3A_1726, %roll3A_1763, %roll3A_1765 : vector<32x128xi1>, vector<32x128xf32>
    %select_n3A_1767 = arith.select %eq3A_1753, %select_n3A_1708, %select_n3A_1766 : vector<32x128xi1>, vector<32x128xf32>
    %roll3A_1768 = arith.constant 64 : i32
    %roll3A_1769 = tpu.dynamic_rotate %select_n3A_1714 by %roll3A_1768 dim 1 : vector<32x128xf32>, i32 -> vector<32x128xf32>
    %roll3A_1770 = arith.constant 64 : i32
    %roll3A_1771 = tpu.dynamic_rotate %select_n3A_1714 by %roll3A_1770 dim 1 : vector<32x128xf32>, i32 -> vector<32x128xf32>
    %select_n3A_1772 = arith.select %eq3A_1726, %roll3A_1769, %roll3A_1771 : vector<32x128xi1>, vector<32x128xf32>
    %select_n3A_1773 = arith.select %eq3A_1753, %select_n3A_1714, %select_n3A_1772 : vector<32x128xi1>, vector<32x128xf32>
    %roll3A_1774 = arith.constant 64 : i32
    %roll3A_1775 = tpu.dynamic_rotate %select_n3A_1720 by %roll3A_1774 dim 1 : vector<32x128xf32>, i32 -> vector<32x128xf32>
    %roll3A_1776 = arith.constant 64 : i32
    %roll3A_1777 = tpu.dynamic_rotate %select_n3A_1720 by %roll3A_1776 dim 1 : vector<32x128xf32>, i32 -> vector<32x128xf32>
    %select_n3A_1778 = arith.select %eq3A_1726, %roll3A_1775, %roll3A_1777 : vector<32x128xi1>, vector<32x128xf32>
    %select_n3A_1779 = arith.select %eq3A_1753, %select_n3A_1720, %select_n3A_1778 : vector<32x128xi1>, vector<32x128xf32>
    %and3A_1780 = arith.constant 32 : i32
    %and3A_1781 = vector.broadcast %and3A_1780 : i32 to vector<32x128xi32>
    %and3A_1782 = arith.andi %add3A, %and3A_1781 : vector<32x128xi32>
    %eq3A_1783 = arith.constant 0 : i32
    %eq3A_1784 = vector.broadcast %eq3A_1783 : i32 to vector<32x128xi32>
    %eq3A_1785 = arith.cmpi eq, %and3A_1782, %eq3A_1784 : vector<32x128xi32>
    %and3A_1786 = arith.constant 256 : i32
    %and3A_1787 = vector.broadcast %and3A_1786 : i32 to vector<32x128xi32>
    %and3A_1788 = arith.andi %add3A, %and3A_1787 : vector<32x128xi32>
    %eq3A_1789 = arith.constant 0 : i32
    %eq3A_1790 = vector.broadcast %eq3A_1789 : i32 to vector<32x128xi32>
    %eq3A_1791 = arith.cmpi eq, %and3A_1788, %eq3A_1790 : vector<32x128xi32>
    %roll3A_1792 = arith.constant 96 : i32
    %roll3A_1793 = tpu.dynamic_rotate %select_n3A_1754 by %roll3A_1792 dim 1 : vector<32x128xi32>, i32 -> vector<32x128xi32>
    %roll3A_1794 = arith.constant 32 : i32
    %roll3A_1795 = tpu.dynamic_rotate %select_n3A_1754 by %roll3A_1794 dim 1 : vector<32x128xi32>, i32 -> vector<32x128xi32>
    %select_n3A_1796 = arith.select %eq3A_1785, %roll3A_1793, %roll3A_1795 : vector<32x128xi1>, vector<32x128xi32>
    %roll3A_1797 = arith.constant 96 : i32
    %roll3A_1798 = tpu.dynamic_rotate %select_n3A_1755 by %roll3A_1797 dim 1 : vector<32x128xi32>, i32 -> vector<32x128xi32>
    %roll3A_1799 = arith.constant 32 : i32
    %roll3A_1800 = tpu.dynamic_rotate %select_n3A_1755 by %roll3A_1799 dim 1 : vector<32x128xi32>, i32 -> vector<32x128xi32>
    %select_n3A_1801 = arith.select %eq3A_1785, %roll3A_1798, %roll3A_1800 : vector<32x128xi1>, vector<32x128xi32>
    %gt3A_1802 = arith.cmpi sgt, %select_n3A_1754, %select_n3A_1796 : vector<32x128xi32>
    %eq3A_1803 = arith.cmpi eq, %select_n3A_1754, %select_n3A_1796 : vector<32x128xi32>
    %lt3A_1804 = arith.cmpi slt, %select_n3A_1755, %select_n3A_1801 : vector<32x128xi32>
    %and3A_1805 = arith.andi %eq3A_1803, %lt3A_1804 : vector<32x128xi1>
    %or3A_1806 = arith.ori %gt3A_1802, %and3A_1805 : vector<32x128xi1>
    %eq3A_1807 = arith.xori %eq3A_1785, %eq3A_1791 : vector<32x128xi1>
    %eq3A_1808 = arith.constant dense<true> : vector<32x128xi1>
    %eq3A_1809 = arith.xori %eq3A_1807, %eq3A_1808 : vector<32x128xi1>
    %eq3A_1810 = arith.xori %or3A_1806, %eq3A_1809 : vector<32x128xi1>
    %eq3A_1811 = arith.constant dense<true> : vector<32x128xi1>
    %eq3A_1812 = arith.xori %eq3A_1810, %eq3A_1811 : vector<32x128xi1>
    %select_n3A_1813 = arith.select %eq3A_1812, %select_n3A_1754, %select_n3A_1796 : vector<32x128xi1>, vector<32x128xi32>
    %select_n3A_1814 = arith.select %eq3A_1812, %select_n3A_1755, %select_n3A_1801 : vector<32x128xi1>, vector<32x128xi32>
    %roll3A_1815 = arith.constant 96 : i32
    %roll3A_1816 = tpu.dynamic_rotate %select_n3A_1761 by %roll3A_1815 dim 1 : vector<32x128xf32>, i32 -> vector<32x128xf32>
    %roll3A_1817 = arith.constant 32 : i32
    %roll3A_1818 = tpu.dynamic_rotate %select_n3A_1761 by %roll3A_1817 dim 1 : vector<32x128xf32>, i32 -> vector<32x128xf32>
    %select_n3A_1819 = arith.select %eq3A_1785, %roll3A_1816, %roll3A_1818 : vector<32x128xi1>, vector<32x128xf32>
    %select_n3A_1820 = arith.select %eq3A_1812, %select_n3A_1761, %select_n3A_1819 : vector<32x128xi1>, vector<32x128xf32>
    %roll3A_1821 = arith.constant 96 : i32
    %roll3A_1822 = tpu.dynamic_rotate %select_n3A_1767 by %roll3A_1821 dim 1 : vector<32x128xf32>, i32 -> vector<32x128xf32>
    %roll3A_1823 = arith.constant 32 : i32
    %roll3A_1824 = tpu.dynamic_rotate %select_n3A_1767 by %roll3A_1823 dim 1 : vector<32x128xf32>, i32 -> vector<32x128xf32>
    %select_n3A_1825 = arith.select %eq3A_1785, %roll3A_1822, %roll3A_1824 : vector<32x128xi1>, vector<32x128xf32>
    %select_n3A_1826 = arith.select %eq3A_1812, %select_n3A_1767, %select_n3A_1825 : vector<32x128xi1>, vector<32x128xf32>
    %roll3A_1827 = arith.constant 96 : i32
    %roll3A_1828 = tpu.dynamic_rotate %select_n3A_1773 by %roll3A_1827 dim 1 : vector<32x128xf32>, i32 -> vector<32x128xf32>
    %roll3A_1829 = arith.constant 32 : i32
    %roll3A_1830 = tpu.dynamic_rotate %select_n3A_1773 by %roll3A_1829 dim 1 : vector<32x128xf32>, i32 -> vector<32x128xf32>
    %select_n3A_1831 = arith.select %eq3A_1785, %roll3A_1828, %roll3A_1830 : vector<32x128xi1>, vector<32x128xf32>
    %select_n3A_1832 = arith.select %eq3A_1812, %select_n3A_1773, %select_n3A_1831 : vector<32x128xi1>, vector<32x128xf32>
    %roll3A_1833 = arith.constant 96 : i32
    %roll3A_1834 = tpu.dynamic_rotate %select_n3A_1779 by %roll3A_1833 dim 1 : vector<32x128xf32>, i32 -> vector<32x128xf32>
    %roll3A_1835 = arith.constant 32 : i32
    %roll3A_1836 = tpu.dynamic_rotate %select_n3A_1779 by %roll3A_1835 dim 1 : vector<32x128xf32>, i32 -> vector<32x128xf32>
    %select_n3A_1837 = arith.select %eq3A_1785, %roll3A_1834, %roll3A_1836 : vector<32x128xi1>, vector<32x128xf32>
    %select_n3A_1838 = arith.select %eq3A_1812, %select_n3A_1779, %select_n3A_1837 : vector<32x128xi1>, vector<32x128xf32>
    %and3A_1839 = arith.constant 16 : i32
    %and3A_1840 = vector.broadcast %and3A_1839 : i32 to vector<32x128xi32>
    %and3A_1841 = arith.andi %add3A, %and3A_1840 : vector<32x128xi32>
    %eq3A_1842 = arith.constant 0 : i32
    %eq3A_1843 = vector.broadcast %eq3A_1842 : i32 to vector<32x128xi32>
    %eq3A_1844 = arith.cmpi eq, %and3A_1841, %eq3A_1843 : vector<32x128xi32>
    %and3A_1845 = arith.constant 256 : i32
    %and3A_1846 = vector.broadcast %and3A_1845 : i32 to vector<32x128xi32>
    %and3A_1847 = arith.andi %add3A, %and3A_1846 : vector<32x128xi32>
    %eq3A_1848 = arith.constant 0 : i32
    %eq3A_1849 = vector.broadcast %eq3A_1848 : i32 to vector<32x128xi32>
    %eq3A_1850 = arith.cmpi eq, %and3A_1847, %eq3A_1849 : vector<32x128xi32>
    %roll3A_1851 = arith.constant 112 : i32
    %roll3A_1852 = tpu.dynamic_rotate %select_n3A_1813 by %roll3A_1851 dim 1 : vector<32x128xi32>, i32 -> vector<32x128xi32>
    %roll3A_1853 = arith.constant 16 : i32
    %roll3A_1854 = tpu.dynamic_rotate %select_n3A_1813 by %roll3A_1853 dim 1 : vector<32x128xi32>, i32 -> vector<32x128xi32>
    %select_n3A_1855 = arith.select %eq3A_1844, %roll3A_1852, %roll3A_1854 : vector<32x128xi1>, vector<32x128xi32>
    %roll3A_1856 = arith.constant 112 : i32
    %roll3A_1857 = tpu.dynamic_rotate %select_n3A_1814 by %roll3A_1856 dim 1 : vector<32x128xi32>, i32 -> vector<32x128xi32>
    %roll3A_1858 = arith.constant 16 : i32
    %roll3A_1859 = tpu.dynamic_rotate %select_n3A_1814 by %roll3A_1858 dim 1 : vector<32x128xi32>, i32 -> vector<32x128xi32>
    %select_n3A_1860 = arith.select %eq3A_1844, %roll3A_1857, %roll3A_1859 : vector<32x128xi1>, vector<32x128xi32>
    %gt3A_1861 = arith.cmpi sgt, %select_n3A_1813, %select_n3A_1855 : vector<32x128xi32>
    %eq3A_1862 = arith.cmpi eq, %select_n3A_1813, %select_n3A_1855 : vector<32x128xi32>
    %lt3A_1863 = arith.cmpi slt, %select_n3A_1814, %select_n3A_1860 : vector<32x128xi32>
    %and3A_1864 = arith.andi %eq3A_1862, %lt3A_1863 : vector<32x128xi1>
    %or3A_1865 = arith.ori %gt3A_1861, %and3A_1864 : vector<32x128xi1>
    %eq3A_1866 = arith.xori %eq3A_1844, %eq3A_1850 : vector<32x128xi1>
    %eq3A_1867 = arith.constant dense<true> : vector<32x128xi1>
    %eq3A_1868 = arith.xori %eq3A_1866, %eq3A_1867 : vector<32x128xi1>
    %eq3A_1869 = arith.xori %or3A_1865, %eq3A_1868 : vector<32x128xi1>
    %eq3A_1870 = arith.constant dense<true> : vector<32x128xi1>
    %eq3A_1871 = arith.xori %eq3A_1869, %eq3A_1870 : vector<32x128xi1>
    %select_n3A_1872 = arith.select %eq3A_1871, %select_n3A_1813, %select_n3A_1855 : vector<32x128xi1>, vector<32x128xi32>
    %select_n3A_1873 = arith.select %eq3A_1871, %select_n3A_1814, %select_n3A_1860 : vector<32x128xi1>, vector<32x128xi32>
    %roll3A_1874 = arith.constant 112 : i32
    %roll3A_1875 = tpu.dynamic_rotate %select_n3A_1820 by %roll3A_1874 dim 1 : vector<32x128xf32>, i32 -> vector<32x128xf32>
    %roll3A_1876 = arith.constant 16 : i32
    %roll3A_1877 = tpu.dynamic_rotate %select_n3A_1820 by %roll3A_1876 dim 1 : vector<32x128xf32>, i32 -> vector<32x128xf32>
    %select_n3A_1878 = arith.select %eq3A_1844, %roll3A_1875, %roll3A_1877 : vector<32x128xi1>, vector<32x128xf32>
    %select_n3A_1879 = arith.select %eq3A_1871, %select_n3A_1820, %select_n3A_1878 : vector<32x128xi1>, vector<32x128xf32>
    %roll3A_1880 = arith.constant 112 : i32
    %roll3A_1881 = tpu.dynamic_rotate %select_n3A_1826 by %roll3A_1880 dim 1 : vector<32x128xf32>, i32 -> vector<32x128xf32>
    %roll3A_1882 = arith.constant 16 : i32
    %roll3A_1883 = tpu.dynamic_rotate %select_n3A_1826 by %roll3A_1882 dim 1 : vector<32x128xf32>, i32 -> vector<32x128xf32>
    %select_n3A_1884 = arith.select %eq3A_1844, %roll3A_1881, %roll3A_1883 : vector<32x128xi1>, vector<32x128xf32>
    %select_n3A_1885 = arith.select %eq3A_1871, %select_n3A_1826, %select_n3A_1884 : vector<32x128xi1>, vector<32x128xf32>
    %roll3A_1886 = arith.constant 112 : i32
    %roll3A_1887 = tpu.dynamic_rotate %select_n3A_1832 by %roll3A_1886 dim 1 : vector<32x128xf32>, i32 -> vector<32x128xf32>
    %roll3A_1888 = arith.constant 16 : i32
    %roll3A_1889 = tpu.dynamic_rotate %select_n3A_1832 by %roll3A_1888 dim 1 : vector<32x128xf32>, i32 -> vector<32x128xf32>
    %select_n3A_1890 = arith.select %eq3A_1844, %roll3A_1887, %roll3A_1889 : vector<32x128xi1>, vector<32x128xf32>
    %select_n3A_1891 = arith.select %eq3A_1871, %select_n3A_1832, %select_n3A_1890 : vector<32x128xi1>, vector<32x128xf32>
    %roll3A_1892 = arith.constant 112 : i32
    %roll3A_1893 = tpu.dynamic_rotate %select_n3A_1838 by %roll3A_1892 dim 1 : vector<32x128xf32>, i32 -> vector<32x128xf32>
    %roll3A_1894 = arith.constant 16 : i32
    %roll3A_1895 = tpu.dynamic_rotate %select_n3A_1838 by %roll3A_1894 dim 1 : vector<32x128xf32>, i32 -> vector<32x128xf32>
    %select_n3A_1896 = arith.select %eq3A_1844, %roll3A_1893, %roll3A_1895 : vector<32x128xi1>, vector<32x128xf32>
    %select_n3A_1897 = arith.select %eq3A_1871, %select_n3A_1838, %select_n3A_1896 : vector<32x128xi1>, vector<32x128xf32>
    %and3A_1898 = arith.constant 8 : i32
    %and3A_1899 = vector.broadcast %and3A_1898 : i32 to vector<32x128xi32>
    %and3A_1900 = arith.andi %add3A, %and3A_1899 : vector<32x128xi32>
    %eq3A_1901 = arith.constant 0 : i32
    %eq3A_1902 = vector.broadcast %eq3A_1901 : i32 to vector<32x128xi32>
    %eq3A_1903 = arith.cmpi eq, %and3A_1900, %eq3A_1902 : vector<32x128xi32>
    %and3A_1904 = arith.constant 256 : i32
    %and3A_1905 = vector.broadcast %and3A_1904 : i32 to vector<32x128xi32>
    %and3A_1906 = arith.andi %add3A, %and3A_1905 : vector<32x128xi32>
    %eq3A_1907 = arith.constant 0 : i32
    %eq3A_1908 = vector.broadcast %eq3A_1907 : i32 to vector<32x128xi32>
    %eq3A_1909 = arith.cmpi eq, %and3A_1906, %eq3A_1908 : vector<32x128xi32>
    %roll3A_1910 = arith.constant 120 : i32
    %roll3A_1911 = tpu.dynamic_rotate %select_n3A_1872 by %roll3A_1910 dim 1 : vector<32x128xi32>, i32 -> vector<32x128xi32>
    %roll3A_1912 = arith.constant 8 : i32
    %roll3A_1913 = tpu.dynamic_rotate %select_n3A_1872 by %roll3A_1912 dim 1 : vector<32x128xi32>, i32 -> vector<32x128xi32>
    %select_n3A_1914 = arith.select %eq3A_1903, %roll3A_1911, %roll3A_1913 : vector<32x128xi1>, vector<32x128xi32>
    %roll3A_1915 = arith.constant 120 : i32
    %roll3A_1916 = tpu.dynamic_rotate %select_n3A_1873 by %roll3A_1915 dim 1 : vector<32x128xi32>, i32 -> vector<32x128xi32>
    %roll3A_1917 = arith.constant 8 : i32
    %roll3A_1918 = tpu.dynamic_rotate %select_n3A_1873 by %roll3A_1917 dim 1 : vector<32x128xi32>, i32 -> vector<32x128xi32>
    %select_n3A_1919 = arith.select %eq3A_1903, %roll3A_1916, %roll3A_1918 : vector<32x128xi1>, vector<32x128xi32>
    %gt3A_1920 = arith.cmpi sgt, %select_n3A_1872, %select_n3A_1914 : vector<32x128xi32>
    %eq3A_1921 = arith.cmpi eq, %select_n3A_1872, %select_n3A_1914 : vector<32x128xi32>
    %lt3A_1922 = arith.cmpi slt, %select_n3A_1873, %select_n3A_1919 : vector<32x128xi32>
    %and3A_1923 = arith.andi %eq3A_1921, %lt3A_1922 : vector<32x128xi1>
    %or3A_1924 = arith.ori %gt3A_1920, %and3A_1923 : vector<32x128xi1>
    %eq3A_1925 = arith.xori %eq3A_1903, %eq3A_1909 : vector<32x128xi1>
    %eq3A_1926 = arith.constant dense<true> : vector<32x128xi1>
    %eq3A_1927 = arith.xori %eq3A_1925, %eq3A_1926 : vector<32x128xi1>
    %eq3A_1928 = arith.xori %or3A_1924, %eq3A_1927 : vector<32x128xi1>
    %eq3A_1929 = arith.constant dense<true> : vector<32x128xi1>
    %eq3A_1930 = arith.xori %eq3A_1928, %eq3A_1929 : vector<32x128xi1>
    %select_n3A_1931 = arith.select %eq3A_1930, %select_n3A_1872, %select_n3A_1914 : vector<32x128xi1>, vector<32x128xi32>
    %select_n3A_1932 = arith.select %eq3A_1930, %select_n3A_1873, %select_n3A_1919 : vector<32x128xi1>, vector<32x128xi32>
    %roll3A_1933 = arith.constant 120 : i32
    %roll3A_1934 = tpu.dynamic_rotate %select_n3A_1879 by %roll3A_1933 dim 1 : vector<32x128xf32>, i32 -> vector<32x128xf32>
    %roll3A_1935 = arith.constant 8 : i32
    %roll3A_1936 = tpu.dynamic_rotate %select_n3A_1879 by %roll3A_1935 dim 1 : vector<32x128xf32>, i32 -> vector<32x128xf32>
    %select_n3A_1937 = arith.select %eq3A_1903, %roll3A_1934, %roll3A_1936 : vector<32x128xi1>, vector<32x128xf32>
    %select_n3A_1938 = arith.select %eq3A_1930, %select_n3A_1879, %select_n3A_1937 : vector<32x128xi1>, vector<32x128xf32>
    %roll3A_1939 = arith.constant 120 : i32
    %roll3A_1940 = tpu.dynamic_rotate %select_n3A_1885 by %roll3A_1939 dim 1 : vector<32x128xf32>, i32 -> vector<32x128xf32>
    %roll3A_1941 = arith.constant 8 : i32
    %roll3A_1942 = tpu.dynamic_rotate %select_n3A_1885 by %roll3A_1941 dim 1 : vector<32x128xf32>, i32 -> vector<32x128xf32>
    %select_n3A_1943 = arith.select %eq3A_1903, %roll3A_1940, %roll3A_1942 : vector<32x128xi1>, vector<32x128xf32>
    %select_n3A_1944 = arith.select %eq3A_1930, %select_n3A_1885, %select_n3A_1943 : vector<32x128xi1>, vector<32x128xf32>
    %roll3A_1945 = arith.constant 120 : i32
    %roll3A_1946 = tpu.dynamic_rotate %select_n3A_1891 by %roll3A_1945 dim 1 : vector<32x128xf32>, i32 -> vector<32x128xf32>
    %roll3A_1947 = arith.constant 8 : i32
    %roll3A_1948 = tpu.dynamic_rotate %select_n3A_1891 by %roll3A_1947 dim 1 : vector<32x128xf32>, i32 -> vector<32x128xf32>
    %select_n3A_1949 = arith.select %eq3A_1903, %roll3A_1946, %roll3A_1948 : vector<32x128xi1>, vector<32x128xf32>
    %select_n3A_1950 = arith.select %eq3A_1930, %select_n3A_1891, %select_n3A_1949 : vector<32x128xi1>, vector<32x128xf32>
    %roll3A_1951 = arith.constant 120 : i32
    %roll3A_1952 = tpu.dynamic_rotate %select_n3A_1897 by %roll3A_1951 dim 1 : vector<32x128xf32>, i32 -> vector<32x128xf32>
    %roll3A_1953 = arith.constant 8 : i32
    %roll3A_1954 = tpu.dynamic_rotate %select_n3A_1897 by %roll3A_1953 dim 1 : vector<32x128xf32>, i32 -> vector<32x128xf32>
    %select_n3A_1955 = arith.select %eq3A_1903, %roll3A_1952, %roll3A_1954 : vector<32x128xi1>, vector<32x128xf32>
    %select_n3A_1956 = arith.select %eq3A_1930, %select_n3A_1897, %select_n3A_1955 : vector<32x128xi1>, vector<32x128xf32>
    %and3A_1957 = arith.constant 4 : i32
    %and3A_1958 = vector.broadcast %and3A_1957 : i32 to vector<32x128xi32>
    %and3A_1959 = arith.andi %add3A, %and3A_1958 : vector<32x128xi32>
    %eq3A_1960 = arith.constant 0 : i32
    %eq3A_1961 = vector.broadcast %eq3A_1960 : i32 to vector<32x128xi32>
    %eq3A_1962 = arith.cmpi eq, %and3A_1959, %eq3A_1961 : vector<32x128xi32>
    %and3A_1963 = arith.constant 256 : i32
    %and3A_1964 = vector.broadcast %and3A_1963 : i32 to vector<32x128xi32>
    %and3A_1965 = arith.andi %add3A, %and3A_1964 : vector<32x128xi32>
    %eq3A_1966 = arith.constant 0 : i32
    %eq3A_1967 = vector.broadcast %eq3A_1966 : i32 to vector<32x128xi32>
    %eq3A_1968 = arith.cmpi eq, %and3A_1965, %eq3A_1967 : vector<32x128xi32>
    %roll3A_1969 = arith.constant 124 : i32
    %roll3A_1970 = tpu.dynamic_rotate %select_n3A_1931 by %roll3A_1969 dim 1 : vector<32x128xi32>, i32 -> vector<32x128xi32>
    %roll3A_1971 = arith.constant 4 : i32
    %roll3A_1972 = tpu.dynamic_rotate %select_n3A_1931 by %roll3A_1971 dim 1 : vector<32x128xi32>, i32 -> vector<32x128xi32>
    %select_n3A_1973 = arith.select %eq3A_1962, %roll3A_1970, %roll3A_1972 : vector<32x128xi1>, vector<32x128xi32>
    %roll3A_1974 = arith.constant 124 : i32
    %roll3A_1975 = tpu.dynamic_rotate %select_n3A_1932 by %roll3A_1974 dim 1 : vector<32x128xi32>, i32 -> vector<32x128xi32>
    %roll3A_1976 = arith.constant 4 : i32
    %roll3A_1977 = tpu.dynamic_rotate %select_n3A_1932 by %roll3A_1976 dim 1 : vector<32x128xi32>, i32 -> vector<32x128xi32>
    %select_n3A_1978 = arith.select %eq3A_1962, %roll3A_1975, %roll3A_1977 : vector<32x128xi1>, vector<32x128xi32>
    %gt3A_1979 = arith.cmpi sgt, %select_n3A_1931, %select_n3A_1973 : vector<32x128xi32>
    %eq3A_1980 = arith.cmpi eq, %select_n3A_1931, %select_n3A_1973 : vector<32x128xi32>
    %lt3A_1981 = arith.cmpi slt, %select_n3A_1932, %select_n3A_1978 : vector<32x128xi32>
    %and3A_1982 = arith.andi %eq3A_1980, %lt3A_1981 : vector<32x128xi1>
    %or3A_1983 = arith.ori %gt3A_1979, %and3A_1982 : vector<32x128xi1>
    %eq3A_1984 = arith.xori %eq3A_1962, %eq3A_1968 : vector<32x128xi1>
    %eq3A_1985 = arith.constant dense<true> : vector<32x128xi1>
    %eq3A_1986 = arith.xori %eq3A_1984, %eq3A_1985 : vector<32x128xi1>
    %eq3A_1987 = arith.xori %or3A_1983, %eq3A_1986 : vector<32x128xi1>
    %eq3A_1988 = arith.constant dense<true> : vector<32x128xi1>
    %eq3A_1989 = arith.xori %eq3A_1987, %eq3A_1988 : vector<32x128xi1>
    %select_n3A_1990 = arith.select %eq3A_1989, %select_n3A_1931, %select_n3A_1973 : vector<32x128xi1>, vector<32x128xi32>
    %select_n3A_1991 = arith.select %eq3A_1989, %select_n3A_1932, %select_n3A_1978 : vector<32x128xi1>, vector<32x128xi32>
    %roll3A_1992 = arith.constant 124 : i32
    %roll3A_1993 = tpu.dynamic_rotate %select_n3A_1938 by %roll3A_1992 dim 1 : vector<32x128xf32>, i32 -> vector<32x128xf32>
    %roll3A_1994 = arith.constant 4 : i32
    %roll3A_1995 = tpu.dynamic_rotate %select_n3A_1938 by %roll3A_1994 dim 1 : vector<32x128xf32>, i32 -> vector<32x128xf32>
    %select_n3A_1996 = arith.select %eq3A_1962, %roll3A_1993, %roll3A_1995 : vector<32x128xi1>, vector<32x128xf32>
    %select_n3A_1997 = arith.select %eq3A_1989, %select_n3A_1938, %select_n3A_1996 : vector<32x128xi1>, vector<32x128xf32>
    %roll3A_1998 = arith.constant 124 : i32
    %roll3A_1999 = tpu.dynamic_rotate %select_n3A_1944 by %roll3A_1998 dim 1 : vector<32x128xf32>, i32 -> vector<32x128xf32>
    %roll3A_2000 = arith.constant 4 : i32
    %roll3A_2001 = tpu.dynamic_rotate %select_n3A_1944 by %roll3A_2000 dim 1 : vector<32x128xf32>, i32 -> vector<32x128xf32>
    %select_n3A_2002 = arith.select %eq3A_1962, %roll3A_1999, %roll3A_2001 : vector<32x128xi1>, vector<32x128xf32>
    %select_n3A_2003 = arith.select %eq3A_1989, %select_n3A_1944, %select_n3A_2002 : vector<32x128xi1>, vector<32x128xf32>
    %roll3A_2004 = arith.constant 124 : i32
    %roll3A_2005 = tpu.dynamic_rotate %select_n3A_1950 by %roll3A_2004 dim 1 : vector<32x128xf32>, i32 -> vector<32x128xf32>
    %roll3A_2006 = arith.constant 4 : i32
    %roll3A_2007 = tpu.dynamic_rotate %select_n3A_1950 by %roll3A_2006 dim 1 : vector<32x128xf32>, i32 -> vector<32x128xf32>
    %select_n3A_2008 = arith.select %eq3A_1962, %roll3A_2005, %roll3A_2007 : vector<32x128xi1>, vector<32x128xf32>
    %select_n3A_2009 = arith.select %eq3A_1989, %select_n3A_1950, %select_n3A_2008 : vector<32x128xi1>, vector<32x128xf32>
    %roll3A_2010 = arith.constant 124 : i32
    %roll3A_2011 = tpu.dynamic_rotate %select_n3A_1956 by %roll3A_2010 dim 1 : vector<32x128xf32>, i32 -> vector<32x128xf32>
    %roll3A_2012 = arith.constant 4 : i32
    %roll3A_2013 = tpu.dynamic_rotate %select_n3A_1956 by %roll3A_2012 dim 1 : vector<32x128xf32>, i32 -> vector<32x128xf32>
    %select_n3A_2014 = arith.select %eq3A_1962, %roll3A_2011, %roll3A_2013 : vector<32x128xi1>, vector<32x128xf32>
    %select_n3A_2015 = arith.select %eq3A_1989, %select_n3A_1956, %select_n3A_2014 : vector<32x128xi1>, vector<32x128xf32>
    %and3A_2016 = arith.constant 2 : i32
    %and3A_2017 = vector.broadcast %and3A_2016 : i32 to vector<32x128xi32>
    %and3A_2018 = arith.andi %add3A, %and3A_2017 : vector<32x128xi32>
    %eq3A_2019 = arith.constant 0 : i32
    %eq3A_2020 = vector.broadcast %eq3A_2019 : i32 to vector<32x128xi32>
    %eq3A_2021 = arith.cmpi eq, %and3A_2018, %eq3A_2020 : vector<32x128xi32>
    %and3A_2022 = arith.constant 256 : i32
    %and3A_2023 = vector.broadcast %and3A_2022 : i32 to vector<32x128xi32>
    %and3A_2024 = arith.andi %add3A, %and3A_2023 : vector<32x128xi32>
    %eq3A_2025 = arith.constant 0 : i32
    %eq3A_2026 = vector.broadcast %eq3A_2025 : i32 to vector<32x128xi32>
    %eq3A_2027 = arith.cmpi eq, %and3A_2024, %eq3A_2026 : vector<32x128xi32>
    %roll3A_2028 = arith.constant 126 : i32
    %roll3A_2029 = tpu.dynamic_rotate %select_n3A_1990 by %roll3A_2028 dim 1 : vector<32x128xi32>, i32 -> vector<32x128xi32>
    %roll3A_2030 = arith.constant 2 : i32
    %roll3A_2031 = tpu.dynamic_rotate %select_n3A_1990 by %roll3A_2030 dim 1 : vector<32x128xi32>, i32 -> vector<32x128xi32>
    %select_n3A_2032 = arith.select %eq3A_2021, %roll3A_2029, %roll3A_2031 : vector<32x128xi1>, vector<32x128xi32>
    %roll3A_2033 = arith.constant 126 : i32
    %roll3A_2034 = tpu.dynamic_rotate %select_n3A_1991 by %roll3A_2033 dim 1 : vector<32x128xi32>, i32 -> vector<32x128xi32>
    %roll3A_2035 = arith.constant 2 : i32
    %roll3A_2036 = tpu.dynamic_rotate %select_n3A_1991 by %roll3A_2035 dim 1 : vector<32x128xi32>, i32 -> vector<32x128xi32>
    %select_n3A_2037 = arith.select %eq3A_2021, %roll3A_2034, %roll3A_2036 : vector<32x128xi1>, vector<32x128xi32>
    %gt3A_2038 = arith.cmpi sgt, %select_n3A_1990, %select_n3A_2032 : vector<32x128xi32>
    %eq3A_2039 = arith.cmpi eq, %select_n3A_1990, %select_n3A_2032 : vector<32x128xi32>
    %lt3A_2040 = arith.cmpi slt, %select_n3A_1991, %select_n3A_2037 : vector<32x128xi32>
    %and3A_2041 = arith.andi %eq3A_2039, %lt3A_2040 : vector<32x128xi1>
    %or3A_2042 = arith.ori %gt3A_2038, %and3A_2041 : vector<32x128xi1>
    %eq3A_2043 = arith.xori %eq3A_2021, %eq3A_2027 : vector<32x128xi1>
    %eq3A_2044 = arith.constant dense<true> : vector<32x128xi1>
    %eq3A_2045 = arith.xori %eq3A_2043, %eq3A_2044 : vector<32x128xi1>
    %eq3A_2046 = arith.xori %or3A_2042, %eq3A_2045 : vector<32x128xi1>
    %eq3A_2047 = arith.constant dense<true> : vector<32x128xi1>
    %eq3A_2048 = arith.xori %eq3A_2046, %eq3A_2047 : vector<32x128xi1>
    %select_n3A_2049 = arith.select %eq3A_2048, %select_n3A_1990, %select_n3A_2032 : vector<32x128xi1>, vector<32x128xi32>
    %select_n3A_2050 = arith.select %eq3A_2048, %select_n3A_1991, %select_n3A_2037 : vector<32x128xi1>, vector<32x128xi32>
    %roll3A_2051 = arith.constant 126 : i32
    %roll3A_2052 = tpu.dynamic_rotate %select_n3A_1997 by %roll3A_2051 dim 1 : vector<32x128xf32>, i32 -> vector<32x128xf32>
    %roll3A_2053 = arith.constant 2 : i32
    %roll3A_2054 = tpu.dynamic_rotate %select_n3A_1997 by %roll3A_2053 dim 1 : vector<32x128xf32>, i32 -> vector<32x128xf32>
    %select_n3A_2055 = arith.select %eq3A_2021, %roll3A_2052, %roll3A_2054 : vector<32x128xi1>, vector<32x128xf32>
    %select_n3A_2056 = arith.select %eq3A_2048, %select_n3A_1997, %select_n3A_2055 : vector<32x128xi1>, vector<32x128xf32>
    %roll3A_2057 = arith.constant 126 : i32
    %roll3A_2058 = tpu.dynamic_rotate %select_n3A_2003 by %roll3A_2057 dim 1 : vector<32x128xf32>, i32 -> vector<32x128xf32>
    %roll3A_2059 = arith.constant 2 : i32
    %roll3A_2060 = tpu.dynamic_rotate %select_n3A_2003 by %roll3A_2059 dim 1 : vector<32x128xf32>, i32 -> vector<32x128xf32>
    %select_n3A_2061 = arith.select %eq3A_2021, %roll3A_2058, %roll3A_2060 : vector<32x128xi1>, vector<32x128xf32>
    %select_n3A_2062 = arith.select %eq3A_2048, %select_n3A_2003, %select_n3A_2061 : vector<32x128xi1>, vector<32x128xf32>
    %roll3A_2063 = arith.constant 126 : i32
    %roll3A_2064 = tpu.dynamic_rotate %select_n3A_2009 by %roll3A_2063 dim 1 : vector<32x128xf32>, i32 -> vector<32x128xf32>
    %roll3A_2065 = arith.constant 2 : i32
    %roll3A_2066 = tpu.dynamic_rotate %select_n3A_2009 by %roll3A_2065 dim 1 : vector<32x128xf32>, i32 -> vector<32x128xf32>
    %select_n3A_2067 = arith.select %eq3A_2021, %roll3A_2064, %roll3A_2066 : vector<32x128xi1>, vector<32x128xf32>
    %select_n3A_2068 = arith.select %eq3A_2048, %select_n3A_2009, %select_n3A_2067 : vector<32x128xi1>, vector<32x128xf32>
    %roll3A_2069 = arith.constant 126 : i32
    %roll3A_2070 = tpu.dynamic_rotate %select_n3A_2015 by %roll3A_2069 dim 1 : vector<32x128xf32>, i32 -> vector<32x128xf32>
    %roll3A_2071 = arith.constant 2 : i32
    %roll3A_2072 = tpu.dynamic_rotate %select_n3A_2015 by %roll3A_2071 dim 1 : vector<32x128xf32>, i32 -> vector<32x128xf32>
    %select_n3A_2073 = arith.select %eq3A_2021, %roll3A_2070, %roll3A_2072 : vector<32x128xi1>, vector<32x128xf32>
    %select_n3A_2074 = arith.select %eq3A_2048, %select_n3A_2015, %select_n3A_2073 : vector<32x128xi1>, vector<32x128xf32>
    %and3A_2075 = arith.constant 1 : i32
    %and3A_2076 = vector.broadcast %and3A_2075 : i32 to vector<32x128xi32>
    %and3A_2077 = arith.andi %add3A, %and3A_2076 : vector<32x128xi32>
    %eq3A_2078 = arith.constant 0 : i32
    %eq3A_2079 = vector.broadcast %eq3A_2078 : i32 to vector<32x128xi32>
    %eq3A_2080 = arith.cmpi eq, %and3A_2077, %eq3A_2079 : vector<32x128xi32>
    %and3A_2081 = arith.constant 256 : i32
    %and3A_2082 = vector.broadcast %and3A_2081 : i32 to vector<32x128xi32>
    %and3A_2083 = arith.andi %add3A, %and3A_2082 : vector<32x128xi32>
    %eq3A_2084 = arith.constant 0 : i32
    %eq3A_2085 = vector.broadcast %eq3A_2084 : i32 to vector<32x128xi32>
    %eq3A_2086 = arith.cmpi eq, %and3A_2083, %eq3A_2085 : vector<32x128xi32>
    %roll3A_2087 = arith.constant 127 : i32
    %roll3A_2088 = tpu.dynamic_rotate %select_n3A_2049 by %roll3A_2087 dim 1 : vector<32x128xi32>, i32 -> vector<32x128xi32>
    %roll3A_2089 = arith.constant 1 : i32
    %roll3A_2090 = tpu.dynamic_rotate %select_n3A_2049 by %roll3A_2089 dim 1 : vector<32x128xi32>, i32 -> vector<32x128xi32>
    %select_n3A_2091 = arith.select %eq3A_2080, %roll3A_2088, %roll3A_2090 : vector<32x128xi1>, vector<32x128xi32>
    %roll3A_2092 = arith.constant 127 : i32
    %roll3A_2093 = tpu.dynamic_rotate %select_n3A_2050 by %roll3A_2092 dim 1 : vector<32x128xi32>, i32 -> vector<32x128xi32>
    %roll3A_2094 = arith.constant 1 : i32
    %roll3A_2095 = tpu.dynamic_rotate %select_n3A_2050 by %roll3A_2094 dim 1 : vector<32x128xi32>, i32 -> vector<32x128xi32>
    %select_n3A_2096 = arith.select %eq3A_2080, %roll3A_2093, %roll3A_2095 : vector<32x128xi1>, vector<32x128xi32>
    %gt3A_2097 = arith.cmpi sgt, %select_n3A_2049, %select_n3A_2091 : vector<32x128xi32>
    %eq3A_2098 = arith.cmpi eq, %select_n3A_2049, %select_n3A_2091 : vector<32x128xi32>
    %lt3A_2099 = arith.cmpi slt, %select_n3A_2050, %select_n3A_2096 : vector<32x128xi32>
    %and3A_2100 = arith.andi %eq3A_2098, %lt3A_2099 : vector<32x128xi1>
    %or3A_2101 = arith.ori %gt3A_2097, %and3A_2100 : vector<32x128xi1>
    %eq3A_2102 = arith.xori %eq3A_2080, %eq3A_2086 : vector<32x128xi1>
    %eq3A_2103 = arith.constant dense<true> : vector<32x128xi1>
    %eq3A_2104 = arith.xori %eq3A_2102, %eq3A_2103 : vector<32x128xi1>
    %eq3A_2105 = arith.xori %or3A_2101, %eq3A_2104 : vector<32x128xi1>
    %eq3A_2106 = arith.constant dense<true> : vector<32x128xi1>
    %eq3A_2107 = arith.xori %eq3A_2105, %eq3A_2106 : vector<32x128xi1>
    %select_n3A_2108 = arith.select %eq3A_2107, %select_n3A_2049, %select_n3A_2091 : vector<32x128xi1>, vector<32x128xi32>
    %select_n3A_2109 = arith.select %eq3A_2107, %select_n3A_2050, %select_n3A_2096 : vector<32x128xi1>, vector<32x128xi32>
    %roll3A_2110 = arith.constant 127 : i32
    %roll3A_2111 = tpu.dynamic_rotate %select_n3A_2056 by %roll3A_2110 dim 1 : vector<32x128xf32>, i32 -> vector<32x128xf32>
    %roll3A_2112 = arith.constant 1 : i32
    %roll3A_2113 = tpu.dynamic_rotate %select_n3A_2056 by %roll3A_2112 dim 1 : vector<32x128xf32>, i32 -> vector<32x128xf32>
    %select_n3A_2114 = arith.select %eq3A_2080, %roll3A_2111, %roll3A_2113 : vector<32x128xi1>, vector<32x128xf32>
    %select_n3A_2115 = arith.select %eq3A_2107, %select_n3A_2056, %select_n3A_2114 : vector<32x128xi1>, vector<32x128xf32>
    %roll3A_2116 = arith.constant 127 : i32
    %roll3A_2117 = tpu.dynamic_rotate %select_n3A_2062 by %roll3A_2116 dim 1 : vector<32x128xf32>, i32 -> vector<32x128xf32>
    %roll3A_2118 = arith.constant 1 : i32
    %roll3A_2119 = tpu.dynamic_rotate %select_n3A_2062 by %roll3A_2118 dim 1 : vector<32x128xf32>, i32 -> vector<32x128xf32>
    %select_n3A_2120 = arith.select %eq3A_2080, %roll3A_2117, %roll3A_2119 : vector<32x128xi1>, vector<32x128xf32>
    %select_n3A_2121 = arith.select %eq3A_2107, %select_n3A_2062, %select_n3A_2120 : vector<32x128xi1>, vector<32x128xf32>
    %roll3A_2122 = arith.constant 127 : i32
    %roll3A_2123 = tpu.dynamic_rotate %select_n3A_2068 by %roll3A_2122 dim 1 : vector<32x128xf32>, i32 -> vector<32x128xf32>
    %roll3A_2124 = arith.constant 1 : i32
    %roll3A_2125 = tpu.dynamic_rotate %select_n3A_2068 by %roll3A_2124 dim 1 : vector<32x128xf32>, i32 -> vector<32x128xf32>
    %select_n3A_2126 = arith.select %eq3A_2080, %roll3A_2123, %roll3A_2125 : vector<32x128xi1>, vector<32x128xf32>
    %select_n3A_2127 = arith.select %eq3A_2107, %select_n3A_2068, %select_n3A_2126 : vector<32x128xi1>, vector<32x128xf32>
    %roll3A_2128 = arith.constant 127 : i32
    %roll3A_2129 = tpu.dynamic_rotate %select_n3A_2074 by %roll3A_2128 dim 1 : vector<32x128xf32>, i32 -> vector<32x128xf32>
    %roll3A_2130 = arith.constant 1 : i32
    %roll3A_2131 = tpu.dynamic_rotate %select_n3A_2074 by %roll3A_2130 dim 1 : vector<32x128xf32>, i32 -> vector<32x128xf32>
    %select_n3A_2132 = arith.select %eq3A_2080, %roll3A_2129, %roll3A_2131 : vector<32x128xi1>, vector<32x128xf32>
    %select_n3A_2133 = arith.select %eq3A_2107, %select_n3A_2074, %select_n3A_2132 : vector<32x128xi1>, vector<32x128xf32>
    %and3A_2134 = arith.constant 256 : i32
    %and3A_2135 = vector.broadcast %and3A_2134 : i32 to vector<32x128xi32>
    %and3A_2136 = arith.andi %add3A, %and3A_2135 : vector<32x128xi32>
    %eq3A_2137 = arith.constant 0 : i32
    %eq3A_2138 = vector.broadcast %eq3A_2137 : i32 to vector<32x128xi32>
    %eq3A_2139 = arith.cmpi eq, %and3A_2136, %eq3A_2138 : vector<32x128xi32>
    %and3A_2140 = arith.constant 512 : i32
    %and3A_2141 = vector.broadcast %and3A_2140 : i32 to vector<32x128xi32>
    %and3A_2142 = arith.andi %add3A, %and3A_2141 : vector<32x128xi32>
    %eq3A_2143 = arith.constant 0 : i32
    %eq3A_2144 = vector.broadcast %eq3A_2143 : i32 to vector<32x128xi32>
    %eq3A_2145 = arith.cmpi eq, %and3A_2142, %eq3A_2144 : vector<32x128xi32>
    %roll3A_2146 = arith.constant 30 : i32
    %roll3A_2147 = tpu.dynamic_rotate %select_n3A_2108 by %roll3A_2146 dim 0 : vector<32x128xi32>, i32 -> vector<32x128xi32>
    %roll3A_2148 = arith.constant 2 : i32
    %roll3A_2149 = tpu.dynamic_rotate %select_n3A_2108 by %roll3A_2148 dim 0 : vector<32x128xi32>, i32 -> vector<32x128xi32>
    %select_n3A_2150 = arith.select %eq3A_2139, %roll3A_2147, %roll3A_2149 : vector<32x128xi1>, vector<32x128xi32>
    %roll3A_2151 = arith.constant 30 : i32
    %roll3A_2152 = tpu.dynamic_rotate %select_n3A_2109 by %roll3A_2151 dim 0 : vector<32x128xi32>, i32 -> vector<32x128xi32>
    %roll3A_2153 = arith.constant 2 : i32
    %roll3A_2154 = tpu.dynamic_rotate %select_n3A_2109 by %roll3A_2153 dim 0 : vector<32x128xi32>, i32 -> vector<32x128xi32>
    %select_n3A_2155 = arith.select %eq3A_2139, %roll3A_2152, %roll3A_2154 : vector<32x128xi1>, vector<32x128xi32>
    %gt3A_2156 = arith.cmpi sgt, %select_n3A_2108, %select_n3A_2150 : vector<32x128xi32>
    %eq3A_2157 = arith.cmpi eq, %select_n3A_2108, %select_n3A_2150 : vector<32x128xi32>
    %lt3A_2158 = arith.cmpi slt, %select_n3A_2109, %select_n3A_2155 : vector<32x128xi32>
    %and3A_2159 = arith.andi %eq3A_2157, %lt3A_2158 : vector<32x128xi1>
    %or3A_2160 = arith.ori %gt3A_2156, %and3A_2159 : vector<32x128xi1>
    %eq3A_2161 = arith.xori %eq3A_2139, %eq3A_2145 : vector<32x128xi1>
    %eq3A_2162 = arith.constant dense<true> : vector<32x128xi1>
    %eq3A_2163 = arith.xori %eq3A_2161, %eq3A_2162 : vector<32x128xi1>
    %eq3A_2164 = arith.xori %or3A_2160, %eq3A_2163 : vector<32x128xi1>
    %eq3A_2165 = arith.constant dense<true> : vector<32x128xi1>
    %eq3A_2166 = arith.xori %eq3A_2164, %eq3A_2165 : vector<32x128xi1>
    %select_n3A_2167 = arith.select %eq3A_2166, %select_n3A_2108, %select_n3A_2150 : vector<32x128xi1>, vector<32x128xi32>
    %select_n3A_2168 = arith.select %eq3A_2166, %select_n3A_2109, %select_n3A_2155 : vector<32x128xi1>, vector<32x128xi32>
    %roll3A_2169 = arith.constant 30 : i32
    %roll3A_2170 = tpu.dynamic_rotate %select_n3A_2115 by %roll3A_2169 dim 0 : vector<32x128xf32>, i32 -> vector<32x128xf32>
    %roll3A_2171 = arith.constant 2 : i32
    %roll3A_2172 = tpu.dynamic_rotate %select_n3A_2115 by %roll3A_2171 dim 0 : vector<32x128xf32>, i32 -> vector<32x128xf32>
    %select_n3A_2173 = arith.select %eq3A_2139, %roll3A_2170, %roll3A_2172 : vector<32x128xi1>, vector<32x128xf32>
    %select_n3A_2174 = arith.select %eq3A_2166, %select_n3A_2115, %select_n3A_2173 : vector<32x128xi1>, vector<32x128xf32>
    %roll3A_2175 = arith.constant 30 : i32
    %roll3A_2176 = tpu.dynamic_rotate %select_n3A_2121 by %roll3A_2175 dim 0 : vector<32x128xf32>, i32 -> vector<32x128xf32>
    %roll3A_2177 = arith.constant 2 : i32
    %roll3A_2178 = tpu.dynamic_rotate %select_n3A_2121 by %roll3A_2177 dim 0 : vector<32x128xf32>, i32 -> vector<32x128xf32>
    %select_n3A_2179 = arith.select %eq3A_2139, %roll3A_2176, %roll3A_2178 : vector<32x128xi1>, vector<32x128xf32>
    %select_n3A_2180 = arith.select %eq3A_2166, %select_n3A_2121, %select_n3A_2179 : vector<32x128xi1>, vector<32x128xf32>
    %roll3A_2181 = arith.constant 30 : i32
    %roll3A_2182 = tpu.dynamic_rotate %select_n3A_2127 by %roll3A_2181 dim 0 : vector<32x128xf32>, i32 -> vector<32x128xf32>
    %roll3A_2183 = arith.constant 2 : i32
    %roll3A_2184 = tpu.dynamic_rotate %select_n3A_2127 by %roll3A_2183 dim 0 : vector<32x128xf32>, i32 -> vector<32x128xf32>
    %select_n3A_2185 = arith.select %eq3A_2139, %roll3A_2182, %roll3A_2184 : vector<32x128xi1>, vector<32x128xf32>
    %select_n3A_2186 = arith.select %eq3A_2166, %select_n3A_2127, %select_n3A_2185 : vector<32x128xi1>, vector<32x128xf32>
    %roll3A_2187 = arith.constant 30 : i32
    %roll3A_2188 = tpu.dynamic_rotate %select_n3A_2133 by %roll3A_2187 dim 0 : vector<32x128xf32>, i32 -> vector<32x128xf32>
    %roll3A_2189 = arith.constant 2 : i32
    %roll3A_2190 = tpu.dynamic_rotate %select_n3A_2133 by %roll3A_2189 dim 0 : vector<32x128xf32>, i32 -> vector<32x128xf32>
    %select_n3A_2191 = arith.select %eq3A_2139, %roll3A_2188, %roll3A_2190 : vector<32x128xi1>, vector<32x128xf32>
    %select_n3A_2192 = arith.select %eq3A_2166, %select_n3A_2133, %select_n3A_2191 : vector<32x128xi1>, vector<32x128xf32>
    %and3A_2193 = arith.constant 128 : i32
    %and3A_2194 = vector.broadcast %and3A_2193 : i32 to vector<32x128xi32>
    %and3A_2195 = arith.andi %add3A, %and3A_2194 : vector<32x128xi32>
    %eq3A_2196 = arith.constant 0 : i32
    %eq3A_2197 = vector.broadcast %eq3A_2196 : i32 to vector<32x128xi32>
    %eq3A_2198 = arith.cmpi eq, %and3A_2195, %eq3A_2197 : vector<32x128xi32>
    %and3A_2199 = arith.constant 512 : i32
    %and3A_2200 = vector.broadcast %and3A_2199 : i32 to vector<32x128xi32>
    %and3A_2201 = arith.andi %add3A, %and3A_2200 : vector<32x128xi32>
    %eq3A_2202 = arith.constant 0 : i32
    %eq3A_2203 = vector.broadcast %eq3A_2202 : i32 to vector<32x128xi32>
    %eq3A_2204 = arith.cmpi eq, %and3A_2201, %eq3A_2203 : vector<32x128xi32>
    %roll3A_2205 = arith.constant 31 : i32
    %roll3A_2206 = tpu.dynamic_rotate %select_n3A_2167 by %roll3A_2205 dim 0 : vector<32x128xi32>, i32 -> vector<32x128xi32>
    %roll3A_2207 = arith.constant 1 : i32
    %roll3A_2208 = tpu.dynamic_rotate %select_n3A_2167 by %roll3A_2207 dim 0 : vector<32x128xi32>, i32 -> vector<32x128xi32>
    %select_n3A_2209 = arith.select %eq3A_2198, %roll3A_2206, %roll3A_2208 : vector<32x128xi1>, vector<32x128xi32>
    %roll3A_2210 = arith.constant 31 : i32
    %roll3A_2211 = tpu.dynamic_rotate %select_n3A_2168 by %roll3A_2210 dim 0 : vector<32x128xi32>, i32 -> vector<32x128xi32>
    %roll3A_2212 = arith.constant 1 : i32
    %roll3A_2213 = tpu.dynamic_rotate %select_n3A_2168 by %roll3A_2212 dim 0 : vector<32x128xi32>, i32 -> vector<32x128xi32>
    %select_n3A_2214 = arith.select %eq3A_2198, %roll3A_2211, %roll3A_2213 : vector<32x128xi1>, vector<32x128xi32>
    %gt3A_2215 = arith.cmpi sgt, %select_n3A_2167, %select_n3A_2209 : vector<32x128xi32>
    %eq3A_2216 = arith.cmpi eq, %select_n3A_2167, %select_n3A_2209 : vector<32x128xi32>
    %lt3A_2217 = arith.cmpi slt, %select_n3A_2168, %select_n3A_2214 : vector<32x128xi32>
    %and3A_2218 = arith.andi %eq3A_2216, %lt3A_2217 : vector<32x128xi1>
    %or3A_2219 = arith.ori %gt3A_2215, %and3A_2218 : vector<32x128xi1>
    %eq3A_2220 = arith.xori %eq3A_2198, %eq3A_2204 : vector<32x128xi1>
    %eq3A_2221 = arith.constant dense<true> : vector<32x128xi1>
    %eq3A_2222 = arith.xori %eq3A_2220, %eq3A_2221 : vector<32x128xi1>
    %eq3A_2223 = arith.xori %or3A_2219, %eq3A_2222 : vector<32x128xi1>
    %eq3A_2224 = arith.constant dense<true> : vector<32x128xi1>
    %eq3A_2225 = arith.xori %eq3A_2223, %eq3A_2224 : vector<32x128xi1>
    %select_n3A_2226 = arith.select %eq3A_2225, %select_n3A_2167, %select_n3A_2209 : vector<32x128xi1>, vector<32x128xi32>
    %select_n3A_2227 = arith.select %eq3A_2225, %select_n3A_2168, %select_n3A_2214 : vector<32x128xi1>, vector<32x128xi32>
    %roll3A_2228 = arith.constant 31 : i32
    %roll3A_2229 = tpu.dynamic_rotate %select_n3A_2174 by %roll3A_2228 dim 0 : vector<32x128xf32>, i32 -> vector<32x128xf32>
    %roll3A_2230 = arith.constant 1 : i32
    %roll3A_2231 = tpu.dynamic_rotate %select_n3A_2174 by %roll3A_2230 dim 0 : vector<32x128xf32>, i32 -> vector<32x128xf32>
    %select_n3A_2232 = arith.select %eq3A_2198, %roll3A_2229, %roll3A_2231 : vector<32x128xi1>, vector<32x128xf32>
    %select_n3A_2233 = arith.select %eq3A_2225, %select_n3A_2174, %select_n3A_2232 : vector<32x128xi1>, vector<32x128xf32>
    %roll3A_2234 = arith.constant 31 : i32
    %roll3A_2235 = tpu.dynamic_rotate %select_n3A_2180 by %roll3A_2234 dim 0 : vector<32x128xf32>, i32 -> vector<32x128xf32>
    %roll3A_2236 = arith.constant 1 : i32
    %roll3A_2237 = tpu.dynamic_rotate %select_n3A_2180 by %roll3A_2236 dim 0 : vector<32x128xf32>, i32 -> vector<32x128xf32>
    %select_n3A_2238 = arith.select %eq3A_2198, %roll3A_2235, %roll3A_2237 : vector<32x128xi1>, vector<32x128xf32>
    %select_n3A_2239 = arith.select %eq3A_2225, %select_n3A_2180, %select_n3A_2238 : vector<32x128xi1>, vector<32x128xf32>
    %roll3A_2240 = arith.constant 31 : i32
    %roll3A_2241 = tpu.dynamic_rotate %select_n3A_2186 by %roll3A_2240 dim 0 : vector<32x128xf32>, i32 -> vector<32x128xf32>
    %roll3A_2242 = arith.constant 1 : i32
    %roll3A_2243 = tpu.dynamic_rotate %select_n3A_2186 by %roll3A_2242 dim 0 : vector<32x128xf32>, i32 -> vector<32x128xf32>
    %select_n3A_2244 = arith.select %eq3A_2198, %roll3A_2241, %roll3A_2243 : vector<32x128xi1>, vector<32x128xf32>
    %select_n3A_2245 = arith.select %eq3A_2225, %select_n3A_2186, %select_n3A_2244 : vector<32x128xi1>, vector<32x128xf32>
    %roll3A_2246 = arith.constant 31 : i32
    %roll3A_2247 = tpu.dynamic_rotate %select_n3A_2192 by %roll3A_2246 dim 0 : vector<32x128xf32>, i32 -> vector<32x128xf32>
    %roll3A_2248 = arith.constant 1 : i32
    %roll3A_2249 = tpu.dynamic_rotate %select_n3A_2192 by %roll3A_2248 dim 0 : vector<32x128xf32>, i32 -> vector<32x128xf32>
    %select_n3A_2250 = arith.select %eq3A_2198, %roll3A_2247, %roll3A_2249 : vector<32x128xi1>, vector<32x128xf32>
    %select_n3A_2251 = arith.select %eq3A_2225, %select_n3A_2192, %select_n3A_2250 : vector<32x128xi1>, vector<32x128xf32>
    %and3A_2252 = arith.constant 64 : i32
    %and3A_2253 = vector.broadcast %and3A_2252 : i32 to vector<32x128xi32>
    %and3A_2254 = arith.andi %add3A, %and3A_2253 : vector<32x128xi32>
    %eq3A_2255 = arith.constant 0 : i32
    %eq3A_2256 = vector.broadcast %eq3A_2255 : i32 to vector<32x128xi32>
    %eq3A_2257 = arith.cmpi eq, %and3A_2254, %eq3A_2256 : vector<32x128xi32>
    %and3A_2258 = arith.constant 512 : i32
    %and3A_2259 = vector.broadcast %and3A_2258 : i32 to vector<32x128xi32>
    %and3A_2260 = arith.andi %add3A, %and3A_2259 : vector<32x128xi32>
    %eq3A_2261 = arith.constant 0 : i32
    %eq3A_2262 = vector.broadcast %eq3A_2261 : i32 to vector<32x128xi32>
    %eq3A_2263 = arith.cmpi eq, %and3A_2260, %eq3A_2262 : vector<32x128xi32>
    %roll3A_2264 = arith.constant 64 : i32
    %roll3A_2265 = tpu.dynamic_rotate %select_n3A_2226 by %roll3A_2264 dim 1 : vector<32x128xi32>, i32 -> vector<32x128xi32>
    %roll3A_2266 = arith.constant 64 : i32
    %roll3A_2267 = tpu.dynamic_rotate %select_n3A_2226 by %roll3A_2266 dim 1 : vector<32x128xi32>, i32 -> vector<32x128xi32>
    %select_n3A_2268 = arith.select %eq3A_2257, %roll3A_2265, %roll3A_2267 : vector<32x128xi1>, vector<32x128xi32>
    %roll3A_2269 = arith.constant 64 : i32
    %roll3A_2270 = tpu.dynamic_rotate %select_n3A_2227 by %roll3A_2269 dim 1 : vector<32x128xi32>, i32 -> vector<32x128xi32>
    %roll3A_2271 = arith.constant 64 : i32
    %roll3A_2272 = tpu.dynamic_rotate %select_n3A_2227 by %roll3A_2271 dim 1 : vector<32x128xi32>, i32 -> vector<32x128xi32>
    %select_n3A_2273 = arith.select %eq3A_2257, %roll3A_2270, %roll3A_2272 : vector<32x128xi1>, vector<32x128xi32>
    %gt3A_2274 = arith.cmpi sgt, %select_n3A_2226, %select_n3A_2268 : vector<32x128xi32>
    %eq3A_2275 = arith.cmpi eq, %select_n3A_2226, %select_n3A_2268 : vector<32x128xi32>
    %lt3A_2276 = arith.cmpi slt, %select_n3A_2227, %select_n3A_2273 : vector<32x128xi32>
    %and3A_2277 = arith.andi %eq3A_2275, %lt3A_2276 : vector<32x128xi1>
    %or3A_2278 = arith.ori %gt3A_2274, %and3A_2277 : vector<32x128xi1>
    %eq3A_2279 = arith.xori %eq3A_2257, %eq3A_2263 : vector<32x128xi1>
    %eq3A_2280 = arith.constant dense<true> : vector<32x128xi1>
    %eq3A_2281 = arith.xori %eq3A_2279, %eq3A_2280 : vector<32x128xi1>
    %eq3A_2282 = arith.xori %or3A_2278, %eq3A_2281 : vector<32x128xi1>
    %eq3A_2283 = arith.constant dense<true> : vector<32x128xi1>
    %eq3A_2284 = arith.xori %eq3A_2282, %eq3A_2283 : vector<32x128xi1>
    %select_n3A_2285 = arith.select %eq3A_2284, %select_n3A_2226, %select_n3A_2268 : vector<32x128xi1>, vector<32x128xi32>
    %select_n3A_2286 = arith.select %eq3A_2284, %select_n3A_2227, %select_n3A_2273 : vector<32x128xi1>, vector<32x128xi32>
    %roll3A_2287 = arith.constant 64 : i32
    %roll3A_2288 = tpu.dynamic_rotate %select_n3A_2233 by %roll3A_2287 dim 1 : vector<32x128xf32>, i32 -> vector<32x128xf32>
    %roll3A_2289 = arith.constant 64 : i32
    %roll3A_2290 = tpu.dynamic_rotate %select_n3A_2233 by %roll3A_2289 dim 1 : vector<32x128xf32>, i32 -> vector<32x128xf32>
    %select_n3A_2291 = arith.select %eq3A_2257, %roll3A_2288, %roll3A_2290 : vector<32x128xi1>, vector<32x128xf32>
    %select_n3A_2292 = arith.select %eq3A_2284, %select_n3A_2233, %select_n3A_2291 : vector<32x128xi1>, vector<32x128xf32>
    %roll3A_2293 = arith.constant 64 : i32
    %roll3A_2294 = tpu.dynamic_rotate %select_n3A_2239 by %roll3A_2293 dim 1 : vector<32x128xf32>, i32 -> vector<32x128xf32>
    %roll3A_2295 = arith.constant 64 : i32
    %roll3A_2296 = tpu.dynamic_rotate %select_n3A_2239 by %roll3A_2295 dim 1 : vector<32x128xf32>, i32 -> vector<32x128xf32>
    %select_n3A_2297 = arith.select %eq3A_2257, %roll3A_2294, %roll3A_2296 : vector<32x128xi1>, vector<32x128xf32>
    %select_n3A_2298 = arith.select %eq3A_2284, %select_n3A_2239, %select_n3A_2297 : vector<32x128xi1>, vector<32x128xf32>
    %roll3A_2299 = arith.constant 64 : i32
    %roll3A_2300 = tpu.dynamic_rotate %select_n3A_2245 by %roll3A_2299 dim 1 : vector<32x128xf32>, i32 -> vector<32x128xf32>
    %roll3A_2301 = arith.constant 64 : i32
    %roll3A_2302 = tpu.dynamic_rotate %select_n3A_2245 by %roll3A_2301 dim 1 : vector<32x128xf32>, i32 -> vector<32x128xf32>
    %select_n3A_2303 = arith.select %eq3A_2257, %roll3A_2300, %roll3A_2302 : vector<32x128xi1>, vector<32x128xf32>
    %select_n3A_2304 = arith.select %eq3A_2284, %select_n3A_2245, %select_n3A_2303 : vector<32x128xi1>, vector<32x128xf32>
    %roll3A_2305 = arith.constant 64 : i32
    %roll3A_2306 = tpu.dynamic_rotate %select_n3A_2251 by %roll3A_2305 dim 1 : vector<32x128xf32>, i32 -> vector<32x128xf32>
    %roll3A_2307 = arith.constant 64 : i32
    %roll3A_2308 = tpu.dynamic_rotate %select_n3A_2251 by %roll3A_2307 dim 1 : vector<32x128xf32>, i32 -> vector<32x128xf32>
    %select_n3A_2309 = arith.select %eq3A_2257, %roll3A_2306, %roll3A_2308 : vector<32x128xi1>, vector<32x128xf32>
    %select_n3A_2310 = arith.select %eq3A_2284, %select_n3A_2251, %select_n3A_2309 : vector<32x128xi1>, vector<32x128xf32>
    %and3A_2311 = arith.constant 32 : i32
    %and3A_2312 = vector.broadcast %and3A_2311 : i32 to vector<32x128xi32>
    %and3A_2313 = arith.andi %add3A, %and3A_2312 : vector<32x128xi32>
    %eq3A_2314 = arith.constant 0 : i32
    %eq3A_2315 = vector.broadcast %eq3A_2314 : i32 to vector<32x128xi32>
    %eq3A_2316 = arith.cmpi eq, %and3A_2313, %eq3A_2315 : vector<32x128xi32>
    %and3A_2317 = arith.constant 512 : i32
    %and3A_2318 = vector.broadcast %and3A_2317 : i32 to vector<32x128xi32>
    %and3A_2319 = arith.andi %add3A, %and3A_2318 : vector<32x128xi32>
    %eq3A_2320 = arith.constant 0 : i32
    %eq3A_2321 = vector.broadcast %eq3A_2320 : i32 to vector<32x128xi32>
    %eq3A_2322 = arith.cmpi eq, %and3A_2319, %eq3A_2321 : vector<32x128xi32>
    %roll3A_2323 = arith.constant 96 : i32
    %roll3A_2324 = tpu.dynamic_rotate %select_n3A_2285 by %roll3A_2323 dim 1 : vector<32x128xi32>, i32 -> vector<32x128xi32>
    %roll3A_2325 = arith.constant 32 : i32
    %roll3A_2326 = tpu.dynamic_rotate %select_n3A_2285 by %roll3A_2325 dim 1 : vector<32x128xi32>, i32 -> vector<32x128xi32>
    %select_n3A_2327 = arith.select %eq3A_2316, %roll3A_2324, %roll3A_2326 : vector<32x128xi1>, vector<32x128xi32>
    %roll3A_2328 = arith.constant 96 : i32
    %roll3A_2329 = tpu.dynamic_rotate %select_n3A_2286 by %roll3A_2328 dim 1 : vector<32x128xi32>, i32 -> vector<32x128xi32>
    %roll3A_2330 = arith.constant 32 : i32
    %roll3A_2331 = tpu.dynamic_rotate %select_n3A_2286 by %roll3A_2330 dim 1 : vector<32x128xi32>, i32 -> vector<32x128xi32>
    %select_n3A_2332 = arith.select %eq3A_2316, %roll3A_2329, %roll3A_2331 : vector<32x128xi1>, vector<32x128xi32>
    %gt3A_2333 = arith.cmpi sgt, %select_n3A_2285, %select_n3A_2327 : vector<32x128xi32>
    %eq3A_2334 = arith.cmpi eq, %select_n3A_2285, %select_n3A_2327 : vector<32x128xi32>
    %lt3A_2335 = arith.cmpi slt, %select_n3A_2286, %select_n3A_2332 : vector<32x128xi32>
    %and3A_2336 = arith.andi %eq3A_2334, %lt3A_2335 : vector<32x128xi1>
    %or3A_2337 = arith.ori %gt3A_2333, %and3A_2336 : vector<32x128xi1>
    %eq3A_2338 = arith.xori %eq3A_2316, %eq3A_2322 : vector<32x128xi1>
    %eq3A_2339 = arith.constant dense<true> : vector<32x128xi1>
    %eq3A_2340 = arith.xori %eq3A_2338, %eq3A_2339 : vector<32x128xi1>
    %eq3A_2341 = arith.xori %or3A_2337, %eq3A_2340 : vector<32x128xi1>
    %eq3A_2342 = arith.constant dense<true> : vector<32x128xi1>
    %eq3A_2343 = arith.xori %eq3A_2341, %eq3A_2342 : vector<32x128xi1>
    %select_n3A_2344 = arith.select %eq3A_2343, %select_n3A_2285, %select_n3A_2327 : vector<32x128xi1>, vector<32x128xi32>
    %select_n3A_2345 = arith.select %eq3A_2343, %select_n3A_2286, %select_n3A_2332 : vector<32x128xi1>, vector<32x128xi32>
    %roll3A_2346 = arith.constant 96 : i32
    %roll3A_2347 = tpu.dynamic_rotate %select_n3A_2292 by %roll3A_2346 dim 1 : vector<32x128xf32>, i32 -> vector<32x128xf32>
    %roll3A_2348 = arith.constant 32 : i32
    %roll3A_2349 = tpu.dynamic_rotate %select_n3A_2292 by %roll3A_2348 dim 1 : vector<32x128xf32>, i32 -> vector<32x128xf32>
    %select_n3A_2350 = arith.select %eq3A_2316, %roll3A_2347, %roll3A_2349 : vector<32x128xi1>, vector<32x128xf32>
    %select_n3A_2351 = arith.select %eq3A_2343, %select_n3A_2292, %select_n3A_2350 : vector<32x128xi1>, vector<32x128xf32>
    %roll3A_2352 = arith.constant 96 : i32
    %roll3A_2353 = tpu.dynamic_rotate %select_n3A_2298 by %roll3A_2352 dim 1 : vector<32x128xf32>, i32 -> vector<32x128xf32>
    %roll3A_2354 = arith.constant 32 : i32
    %roll3A_2355 = tpu.dynamic_rotate %select_n3A_2298 by %roll3A_2354 dim 1 : vector<32x128xf32>, i32 -> vector<32x128xf32>
    %select_n3A_2356 = arith.select %eq3A_2316, %roll3A_2353, %roll3A_2355 : vector<32x128xi1>, vector<32x128xf32>
    %select_n3A_2357 = arith.select %eq3A_2343, %select_n3A_2298, %select_n3A_2356 : vector<32x128xi1>, vector<32x128xf32>
    %roll3A_2358 = arith.constant 96 : i32
    %roll3A_2359 = tpu.dynamic_rotate %select_n3A_2304 by %roll3A_2358 dim 1 : vector<32x128xf32>, i32 -> vector<32x128xf32>
    %roll3A_2360 = arith.constant 32 : i32
    %roll3A_2361 = tpu.dynamic_rotate %select_n3A_2304 by %roll3A_2360 dim 1 : vector<32x128xf32>, i32 -> vector<32x128xf32>
    %select_n3A_2362 = arith.select %eq3A_2316, %roll3A_2359, %roll3A_2361 : vector<32x128xi1>, vector<32x128xf32>
    %select_n3A_2363 = arith.select %eq3A_2343, %select_n3A_2304, %select_n3A_2362 : vector<32x128xi1>, vector<32x128xf32>
    %roll3A_2364 = arith.constant 96 : i32
    %roll3A_2365 = tpu.dynamic_rotate %select_n3A_2310 by %roll3A_2364 dim 1 : vector<32x128xf32>, i32 -> vector<32x128xf32>
    %roll3A_2366 = arith.constant 32 : i32
    %roll3A_2367 = tpu.dynamic_rotate %select_n3A_2310 by %roll3A_2366 dim 1 : vector<32x128xf32>, i32 -> vector<32x128xf32>
    %select_n3A_2368 = arith.select %eq3A_2316, %roll3A_2365, %roll3A_2367 : vector<32x128xi1>, vector<32x128xf32>
    %select_n3A_2369 = arith.select %eq3A_2343, %select_n3A_2310, %select_n3A_2368 : vector<32x128xi1>, vector<32x128xf32>
    %and3A_2370 = arith.constant 16 : i32
    %and3A_2371 = vector.broadcast %and3A_2370 : i32 to vector<32x128xi32>
    %and3A_2372 = arith.andi %add3A, %and3A_2371 : vector<32x128xi32>
    %eq3A_2373 = arith.constant 0 : i32
    %eq3A_2374 = vector.broadcast %eq3A_2373 : i32 to vector<32x128xi32>
    %eq3A_2375 = arith.cmpi eq, %and3A_2372, %eq3A_2374 : vector<32x128xi32>
    %and3A_2376 = arith.constant 512 : i32
    %and3A_2377 = vector.broadcast %and3A_2376 : i32 to vector<32x128xi32>
    %and3A_2378 = arith.andi %add3A, %and3A_2377 : vector<32x128xi32>
    %eq3A_2379 = arith.constant 0 : i32
    %eq3A_2380 = vector.broadcast %eq3A_2379 : i32 to vector<32x128xi32>
    %eq3A_2381 = arith.cmpi eq, %and3A_2378, %eq3A_2380 : vector<32x128xi32>
    %roll3A_2382 = arith.constant 112 : i32
    %roll3A_2383 = tpu.dynamic_rotate %select_n3A_2344 by %roll3A_2382 dim 1 : vector<32x128xi32>, i32 -> vector<32x128xi32>
    %roll3A_2384 = arith.constant 16 : i32
    %roll3A_2385 = tpu.dynamic_rotate %select_n3A_2344 by %roll3A_2384 dim 1 : vector<32x128xi32>, i32 -> vector<32x128xi32>
    %select_n3A_2386 = arith.select %eq3A_2375, %roll3A_2383, %roll3A_2385 : vector<32x128xi1>, vector<32x128xi32>
    %roll3A_2387 = arith.constant 112 : i32
    %roll3A_2388 = tpu.dynamic_rotate %select_n3A_2345 by %roll3A_2387 dim 1 : vector<32x128xi32>, i32 -> vector<32x128xi32>
    %roll3A_2389 = arith.constant 16 : i32
    %roll3A_2390 = tpu.dynamic_rotate %select_n3A_2345 by %roll3A_2389 dim 1 : vector<32x128xi32>, i32 -> vector<32x128xi32>
    %select_n3A_2391 = arith.select %eq3A_2375, %roll3A_2388, %roll3A_2390 : vector<32x128xi1>, vector<32x128xi32>
    %gt3A_2392 = arith.cmpi sgt, %select_n3A_2344, %select_n3A_2386 : vector<32x128xi32>
    %eq3A_2393 = arith.cmpi eq, %select_n3A_2344, %select_n3A_2386 : vector<32x128xi32>
    %lt3A_2394 = arith.cmpi slt, %select_n3A_2345, %select_n3A_2391 : vector<32x128xi32>
    %and3A_2395 = arith.andi %eq3A_2393, %lt3A_2394 : vector<32x128xi1>
    %or3A_2396 = arith.ori %gt3A_2392, %and3A_2395 : vector<32x128xi1>
    %eq3A_2397 = arith.xori %eq3A_2375, %eq3A_2381 : vector<32x128xi1>
    %eq3A_2398 = arith.constant dense<true> : vector<32x128xi1>
    %eq3A_2399 = arith.xori %eq3A_2397, %eq3A_2398 : vector<32x128xi1>
    %eq3A_2400 = arith.xori %or3A_2396, %eq3A_2399 : vector<32x128xi1>
    %eq3A_2401 = arith.constant dense<true> : vector<32x128xi1>
    %eq3A_2402 = arith.xori %eq3A_2400, %eq3A_2401 : vector<32x128xi1>
    %select_n3A_2403 = arith.select %eq3A_2402, %select_n3A_2344, %select_n3A_2386 : vector<32x128xi1>, vector<32x128xi32>
    %select_n3A_2404 = arith.select %eq3A_2402, %select_n3A_2345, %select_n3A_2391 : vector<32x128xi1>, vector<32x128xi32>
    %roll3A_2405 = arith.constant 112 : i32
    %roll3A_2406 = tpu.dynamic_rotate %select_n3A_2351 by %roll3A_2405 dim 1 : vector<32x128xf32>, i32 -> vector<32x128xf32>
    %roll3A_2407 = arith.constant 16 : i32
    %roll3A_2408 = tpu.dynamic_rotate %select_n3A_2351 by %roll3A_2407 dim 1 : vector<32x128xf32>, i32 -> vector<32x128xf32>
    %select_n3A_2409 = arith.select %eq3A_2375, %roll3A_2406, %roll3A_2408 : vector<32x128xi1>, vector<32x128xf32>
    %select_n3A_2410 = arith.select %eq3A_2402, %select_n3A_2351, %select_n3A_2409 : vector<32x128xi1>, vector<32x128xf32>
    %roll3A_2411 = arith.constant 112 : i32
    %roll3A_2412 = tpu.dynamic_rotate %select_n3A_2357 by %roll3A_2411 dim 1 : vector<32x128xf32>, i32 -> vector<32x128xf32>
    %roll3A_2413 = arith.constant 16 : i32
    %roll3A_2414 = tpu.dynamic_rotate %select_n3A_2357 by %roll3A_2413 dim 1 : vector<32x128xf32>, i32 -> vector<32x128xf32>
    %select_n3A_2415 = arith.select %eq3A_2375, %roll3A_2412, %roll3A_2414 : vector<32x128xi1>, vector<32x128xf32>
    %select_n3A_2416 = arith.select %eq3A_2402, %select_n3A_2357, %select_n3A_2415 : vector<32x128xi1>, vector<32x128xf32>
    %roll3A_2417 = arith.constant 112 : i32
    %roll3A_2418 = tpu.dynamic_rotate %select_n3A_2363 by %roll3A_2417 dim 1 : vector<32x128xf32>, i32 -> vector<32x128xf32>
    %roll3A_2419 = arith.constant 16 : i32
    %roll3A_2420 = tpu.dynamic_rotate %select_n3A_2363 by %roll3A_2419 dim 1 : vector<32x128xf32>, i32 -> vector<32x128xf32>
    %select_n3A_2421 = arith.select %eq3A_2375, %roll3A_2418, %roll3A_2420 : vector<32x128xi1>, vector<32x128xf32>
    %select_n3A_2422 = arith.select %eq3A_2402, %select_n3A_2363, %select_n3A_2421 : vector<32x128xi1>, vector<32x128xf32>
    %roll3A_2423 = arith.constant 112 : i32
    %roll3A_2424 = tpu.dynamic_rotate %select_n3A_2369 by %roll3A_2423 dim 1 : vector<32x128xf32>, i32 -> vector<32x128xf32>
    %roll3A_2425 = arith.constant 16 : i32
    %roll3A_2426 = tpu.dynamic_rotate %select_n3A_2369 by %roll3A_2425 dim 1 : vector<32x128xf32>, i32 -> vector<32x128xf32>
    %select_n3A_2427 = arith.select %eq3A_2375, %roll3A_2424, %roll3A_2426 : vector<32x128xi1>, vector<32x128xf32>
    %select_n3A_2428 = arith.select %eq3A_2402, %select_n3A_2369, %select_n3A_2427 : vector<32x128xi1>, vector<32x128xf32>
    %and3A_2429 = arith.constant 8 : i32
    %and3A_2430 = vector.broadcast %and3A_2429 : i32 to vector<32x128xi32>
    %and3A_2431 = arith.andi %add3A, %and3A_2430 : vector<32x128xi32>
    %eq3A_2432 = arith.constant 0 : i32
    %eq3A_2433 = vector.broadcast %eq3A_2432 : i32 to vector<32x128xi32>
    %eq3A_2434 = arith.cmpi eq, %and3A_2431, %eq3A_2433 : vector<32x128xi32>
    %and3A_2435 = arith.constant 512 : i32
    %and3A_2436 = vector.broadcast %and3A_2435 : i32 to vector<32x128xi32>
    %and3A_2437 = arith.andi %add3A, %and3A_2436 : vector<32x128xi32>
    %eq3A_2438 = arith.constant 0 : i32
    %eq3A_2439 = vector.broadcast %eq3A_2438 : i32 to vector<32x128xi32>
    %eq3A_2440 = arith.cmpi eq, %and3A_2437, %eq3A_2439 : vector<32x128xi32>
    %roll3A_2441 = arith.constant 120 : i32
    %roll3A_2442 = tpu.dynamic_rotate %select_n3A_2403 by %roll3A_2441 dim 1 : vector<32x128xi32>, i32 -> vector<32x128xi32>
    %roll3A_2443 = arith.constant 8 : i32
    %roll3A_2444 = tpu.dynamic_rotate %select_n3A_2403 by %roll3A_2443 dim 1 : vector<32x128xi32>, i32 -> vector<32x128xi32>
    %select_n3A_2445 = arith.select %eq3A_2434, %roll3A_2442, %roll3A_2444 : vector<32x128xi1>, vector<32x128xi32>
    %roll3A_2446 = arith.constant 120 : i32
    %roll3A_2447 = tpu.dynamic_rotate %select_n3A_2404 by %roll3A_2446 dim 1 : vector<32x128xi32>, i32 -> vector<32x128xi32>
    %roll3A_2448 = arith.constant 8 : i32
    %roll3A_2449 = tpu.dynamic_rotate %select_n3A_2404 by %roll3A_2448 dim 1 : vector<32x128xi32>, i32 -> vector<32x128xi32>
    %select_n3A_2450 = arith.select %eq3A_2434, %roll3A_2447, %roll3A_2449 : vector<32x128xi1>, vector<32x128xi32>
    %gt3A_2451 = arith.cmpi sgt, %select_n3A_2403, %select_n3A_2445 : vector<32x128xi32>
    %eq3A_2452 = arith.cmpi eq, %select_n3A_2403, %select_n3A_2445 : vector<32x128xi32>
    %lt3A_2453 = arith.cmpi slt, %select_n3A_2404, %select_n3A_2450 : vector<32x128xi32>
    %and3A_2454 = arith.andi %eq3A_2452, %lt3A_2453 : vector<32x128xi1>
    %or3A_2455 = arith.ori %gt3A_2451, %and3A_2454 : vector<32x128xi1>
    %eq3A_2456 = arith.xori %eq3A_2434, %eq3A_2440 : vector<32x128xi1>
    %eq3A_2457 = arith.constant dense<true> : vector<32x128xi1>
    %eq3A_2458 = arith.xori %eq3A_2456, %eq3A_2457 : vector<32x128xi1>
    %eq3A_2459 = arith.xori %or3A_2455, %eq3A_2458 : vector<32x128xi1>
    %eq3A_2460 = arith.constant dense<true> : vector<32x128xi1>
    %eq3A_2461 = arith.xori %eq3A_2459, %eq3A_2460 : vector<32x128xi1>
    %select_n3A_2462 = arith.select %eq3A_2461, %select_n3A_2403, %select_n3A_2445 : vector<32x128xi1>, vector<32x128xi32>
    %select_n3A_2463 = arith.select %eq3A_2461, %select_n3A_2404, %select_n3A_2450 : vector<32x128xi1>, vector<32x128xi32>
    %roll3A_2464 = arith.constant 120 : i32
    %roll3A_2465 = tpu.dynamic_rotate %select_n3A_2410 by %roll3A_2464 dim 1 : vector<32x128xf32>, i32 -> vector<32x128xf32>
    %roll3A_2466 = arith.constant 8 : i32
    %roll3A_2467 = tpu.dynamic_rotate %select_n3A_2410 by %roll3A_2466 dim 1 : vector<32x128xf32>, i32 -> vector<32x128xf32>
    %select_n3A_2468 = arith.select %eq3A_2434, %roll3A_2465, %roll3A_2467 : vector<32x128xi1>, vector<32x128xf32>
    %select_n3A_2469 = arith.select %eq3A_2461, %select_n3A_2410, %select_n3A_2468 : vector<32x128xi1>, vector<32x128xf32>
    %roll3A_2470 = arith.constant 120 : i32
    %roll3A_2471 = tpu.dynamic_rotate %select_n3A_2416 by %roll3A_2470 dim 1 : vector<32x128xf32>, i32 -> vector<32x128xf32>
    %roll3A_2472 = arith.constant 8 : i32
    %roll3A_2473 = tpu.dynamic_rotate %select_n3A_2416 by %roll3A_2472 dim 1 : vector<32x128xf32>, i32 -> vector<32x128xf32>
    %select_n3A_2474 = arith.select %eq3A_2434, %roll3A_2471, %roll3A_2473 : vector<32x128xi1>, vector<32x128xf32>
    %select_n3A_2475 = arith.select %eq3A_2461, %select_n3A_2416, %select_n3A_2474 : vector<32x128xi1>, vector<32x128xf32>
    %roll3A_2476 = arith.constant 120 : i32
    %roll3A_2477 = tpu.dynamic_rotate %select_n3A_2422 by %roll3A_2476 dim 1 : vector<32x128xf32>, i32 -> vector<32x128xf32>
    %roll3A_2478 = arith.constant 8 : i32
    %roll3A_2479 = tpu.dynamic_rotate %select_n3A_2422 by %roll3A_2478 dim 1 : vector<32x128xf32>, i32 -> vector<32x128xf32>
    %select_n3A_2480 = arith.select %eq3A_2434, %roll3A_2477, %roll3A_2479 : vector<32x128xi1>, vector<32x128xf32>
    %select_n3A_2481 = arith.select %eq3A_2461, %select_n3A_2422, %select_n3A_2480 : vector<32x128xi1>, vector<32x128xf32>
    %roll3A_2482 = arith.constant 120 : i32
    %roll3A_2483 = tpu.dynamic_rotate %select_n3A_2428 by %roll3A_2482 dim 1 : vector<32x128xf32>, i32 -> vector<32x128xf32>
    %roll3A_2484 = arith.constant 8 : i32
    %roll3A_2485 = tpu.dynamic_rotate %select_n3A_2428 by %roll3A_2484 dim 1 : vector<32x128xf32>, i32 -> vector<32x128xf32>
    %select_n3A_2486 = arith.select %eq3A_2434, %roll3A_2483, %roll3A_2485 : vector<32x128xi1>, vector<32x128xf32>
    %select_n3A_2487 = arith.select %eq3A_2461, %select_n3A_2428, %select_n3A_2486 : vector<32x128xi1>, vector<32x128xf32>
    %and3A_2488 = arith.constant 4 : i32
    %and3A_2489 = vector.broadcast %and3A_2488 : i32 to vector<32x128xi32>
    %and3A_2490 = arith.andi %add3A, %and3A_2489 : vector<32x128xi32>
    %eq3A_2491 = arith.constant 0 : i32
    %eq3A_2492 = vector.broadcast %eq3A_2491 : i32 to vector<32x128xi32>
    %eq3A_2493 = arith.cmpi eq, %and3A_2490, %eq3A_2492 : vector<32x128xi32>
    %and3A_2494 = arith.constant 512 : i32
    %and3A_2495 = vector.broadcast %and3A_2494 : i32 to vector<32x128xi32>
    %and3A_2496 = arith.andi %add3A, %and3A_2495 : vector<32x128xi32>
    %eq3A_2497 = arith.constant 0 : i32
    %eq3A_2498 = vector.broadcast %eq3A_2497 : i32 to vector<32x128xi32>
    %eq3A_2499 = arith.cmpi eq, %and3A_2496, %eq3A_2498 : vector<32x128xi32>
    %roll3A_2500 = arith.constant 124 : i32
    %roll3A_2501 = tpu.dynamic_rotate %select_n3A_2462 by %roll3A_2500 dim 1 : vector<32x128xi32>, i32 -> vector<32x128xi32>
    %roll3A_2502 = arith.constant 4 : i32
    %roll3A_2503 = tpu.dynamic_rotate %select_n3A_2462 by %roll3A_2502 dim 1 : vector<32x128xi32>, i32 -> vector<32x128xi32>
    %select_n3A_2504 = arith.select %eq3A_2493, %roll3A_2501, %roll3A_2503 : vector<32x128xi1>, vector<32x128xi32>
    %roll3A_2505 = arith.constant 124 : i32
    %roll3A_2506 = tpu.dynamic_rotate %select_n3A_2463 by %roll3A_2505 dim 1 : vector<32x128xi32>, i32 -> vector<32x128xi32>
    %roll3A_2507 = arith.constant 4 : i32
    %roll3A_2508 = tpu.dynamic_rotate %select_n3A_2463 by %roll3A_2507 dim 1 : vector<32x128xi32>, i32 -> vector<32x128xi32>
    %select_n3A_2509 = arith.select %eq3A_2493, %roll3A_2506, %roll3A_2508 : vector<32x128xi1>, vector<32x128xi32>
    %gt3A_2510 = arith.cmpi sgt, %select_n3A_2462, %select_n3A_2504 : vector<32x128xi32>
    %eq3A_2511 = arith.cmpi eq, %select_n3A_2462, %select_n3A_2504 : vector<32x128xi32>
    %lt3A_2512 = arith.cmpi slt, %select_n3A_2463, %select_n3A_2509 : vector<32x128xi32>
    %and3A_2513 = arith.andi %eq3A_2511, %lt3A_2512 : vector<32x128xi1>
    %or3A_2514 = arith.ori %gt3A_2510, %and3A_2513 : vector<32x128xi1>
    %eq3A_2515 = arith.xori %eq3A_2493, %eq3A_2499 : vector<32x128xi1>
    %eq3A_2516 = arith.constant dense<true> : vector<32x128xi1>
    %eq3A_2517 = arith.xori %eq3A_2515, %eq3A_2516 : vector<32x128xi1>
    %eq3A_2518 = arith.xori %or3A_2514, %eq3A_2517 : vector<32x128xi1>
    %eq3A_2519 = arith.constant dense<true> : vector<32x128xi1>
    %eq3A_2520 = arith.xori %eq3A_2518, %eq3A_2519 : vector<32x128xi1>
    %select_n3A_2521 = arith.select %eq3A_2520, %select_n3A_2462, %select_n3A_2504 : vector<32x128xi1>, vector<32x128xi32>
    %select_n3A_2522 = arith.select %eq3A_2520, %select_n3A_2463, %select_n3A_2509 : vector<32x128xi1>, vector<32x128xi32>
    %roll3A_2523 = arith.constant 124 : i32
    %roll3A_2524 = tpu.dynamic_rotate %select_n3A_2469 by %roll3A_2523 dim 1 : vector<32x128xf32>, i32 -> vector<32x128xf32>
    %roll3A_2525 = arith.constant 4 : i32
    %roll3A_2526 = tpu.dynamic_rotate %select_n3A_2469 by %roll3A_2525 dim 1 : vector<32x128xf32>, i32 -> vector<32x128xf32>
    %select_n3A_2527 = arith.select %eq3A_2493, %roll3A_2524, %roll3A_2526 : vector<32x128xi1>, vector<32x128xf32>
    %select_n3A_2528 = arith.select %eq3A_2520, %select_n3A_2469, %select_n3A_2527 : vector<32x128xi1>, vector<32x128xf32>
    %roll3A_2529 = arith.constant 124 : i32
    %roll3A_2530 = tpu.dynamic_rotate %select_n3A_2475 by %roll3A_2529 dim 1 : vector<32x128xf32>, i32 -> vector<32x128xf32>
    %roll3A_2531 = arith.constant 4 : i32
    %roll3A_2532 = tpu.dynamic_rotate %select_n3A_2475 by %roll3A_2531 dim 1 : vector<32x128xf32>, i32 -> vector<32x128xf32>
    %select_n3A_2533 = arith.select %eq3A_2493, %roll3A_2530, %roll3A_2532 : vector<32x128xi1>, vector<32x128xf32>
    %select_n3A_2534 = arith.select %eq3A_2520, %select_n3A_2475, %select_n3A_2533 : vector<32x128xi1>, vector<32x128xf32>
    %roll3A_2535 = arith.constant 124 : i32
    %roll3A_2536 = tpu.dynamic_rotate %select_n3A_2481 by %roll3A_2535 dim 1 : vector<32x128xf32>, i32 -> vector<32x128xf32>
    %roll3A_2537 = arith.constant 4 : i32
    %roll3A_2538 = tpu.dynamic_rotate %select_n3A_2481 by %roll3A_2537 dim 1 : vector<32x128xf32>, i32 -> vector<32x128xf32>
    %select_n3A_2539 = arith.select %eq3A_2493, %roll3A_2536, %roll3A_2538 : vector<32x128xi1>, vector<32x128xf32>
    %select_n3A_2540 = arith.select %eq3A_2520, %select_n3A_2481, %select_n3A_2539 : vector<32x128xi1>, vector<32x128xf32>
    %roll3A_2541 = arith.constant 124 : i32
    %roll3A_2542 = tpu.dynamic_rotate %select_n3A_2487 by %roll3A_2541 dim 1 : vector<32x128xf32>, i32 -> vector<32x128xf32>
    %roll3A_2543 = arith.constant 4 : i32
    %roll3A_2544 = tpu.dynamic_rotate %select_n3A_2487 by %roll3A_2543 dim 1 : vector<32x128xf32>, i32 -> vector<32x128xf32>
    %select_n3A_2545 = arith.select %eq3A_2493, %roll3A_2542, %roll3A_2544 : vector<32x128xi1>, vector<32x128xf32>
    %select_n3A_2546 = arith.select %eq3A_2520, %select_n3A_2487, %select_n3A_2545 : vector<32x128xi1>, vector<32x128xf32>
    %and3A_2547 = arith.constant 2 : i32
    %and3A_2548 = vector.broadcast %and3A_2547 : i32 to vector<32x128xi32>
    %and3A_2549 = arith.andi %add3A, %and3A_2548 : vector<32x128xi32>
    %eq3A_2550 = arith.constant 0 : i32
    %eq3A_2551 = vector.broadcast %eq3A_2550 : i32 to vector<32x128xi32>
    %eq3A_2552 = arith.cmpi eq, %and3A_2549, %eq3A_2551 : vector<32x128xi32>
    %and3A_2553 = arith.constant 512 : i32
    %and3A_2554 = vector.broadcast %and3A_2553 : i32 to vector<32x128xi32>
    %and3A_2555 = arith.andi %add3A, %and3A_2554 : vector<32x128xi32>
    %eq3A_2556 = arith.constant 0 : i32
    %eq3A_2557 = vector.broadcast %eq3A_2556 : i32 to vector<32x128xi32>
    %eq3A_2558 = arith.cmpi eq, %and3A_2555, %eq3A_2557 : vector<32x128xi32>
    %roll3A_2559 = arith.constant 126 : i32
    %roll3A_2560 = tpu.dynamic_rotate %select_n3A_2521 by %roll3A_2559 dim 1 : vector<32x128xi32>, i32 -> vector<32x128xi32>
    %roll3A_2561 = arith.constant 2 : i32
    %roll3A_2562 = tpu.dynamic_rotate %select_n3A_2521 by %roll3A_2561 dim 1 : vector<32x128xi32>, i32 -> vector<32x128xi32>
    %select_n3A_2563 = arith.select %eq3A_2552, %roll3A_2560, %roll3A_2562 : vector<32x128xi1>, vector<32x128xi32>
    %roll3A_2564 = arith.constant 126 : i32
    %roll3A_2565 = tpu.dynamic_rotate %select_n3A_2522 by %roll3A_2564 dim 1 : vector<32x128xi32>, i32 -> vector<32x128xi32>
    %roll3A_2566 = arith.constant 2 : i32
    %roll3A_2567 = tpu.dynamic_rotate %select_n3A_2522 by %roll3A_2566 dim 1 : vector<32x128xi32>, i32 -> vector<32x128xi32>
    %select_n3A_2568 = arith.select %eq3A_2552, %roll3A_2565, %roll3A_2567 : vector<32x128xi1>, vector<32x128xi32>
    %gt3A_2569 = arith.cmpi sgt, %select_n3A_2521, %select_n3A_2563 : vector<32x128xi32>
    %eq3A_2570 = arith.cmpi eq, %select_n3A_2521, %select_n3A_2563 : vector<32x128xi32>
    %lt3A_2571 = arith.cmpi slt, %select_n3A_2522, %select_n3A_2568 : vector<32x128xi32>
    %and3A_2572 = arith.andi %eq3A_2570, %lt3A_2571 : vector<32x128xi1>
    %or3A_2573 = arith.ori %gt3A_2569, %and3A_2572 : vector<32x128xi1>
    %eq3A_2574 = arith.xori %eq3A_2552, %eq3A_2558 : vector<32x128xi1>
    %eq3A_2575 = arith.constant dense<true> : vector<32x128xi1>
    %eq3A_2576 = arith.xori %eq3A_2574, %eq3A_2575 : vector<32x128xi1>
    %eq3A_2577 = arith.xori %or3A_2573, %eq3A_2576 : vector<32x128xi1>
    %eq3A_2578 = arith.constant dense<true> : vector<32x128xi1>
    %eq3A_2579 = arith.xori %eq3A_2577, %eq3A_2578 : vector<32x128xi1>
    %select_n3A_2580 = arith.select %eq3A_2579, %select_n3A_2521, %select_n3A_2563 : vector<32x128xi1>, vector<32x128xi32>
    %select_n3A_2581 = arith.select %eq3A_2579, %select_n3A_2522, %select_n3A_2568 : vector<32x128xi1>, vector<32x128xi32>
    %roll3A_2582 = arith.constant 126 : i32
    %roll3A_2583 = tpu.dynamic_rotate %select_n3A_2528 by %roll3A_2582 dim 1 : vector<32x128xf32>, i32 -> vector<32x128xf32>
    %roll3A_2584 = arith.constant 2 : i32
    %roll3A_2585 = tpu.dynamic_rotate %select_n3A_2528 by %roll3A_2584 dim 1 : vector<32x128xf32>, i32 -> vector<32x128xf32>
    %select_n3A_2586 = arith.select %eq3A_2552, %roll3A_2583, %roll3A_2585 : vector<32x128xi1>, vector<32x128xf32>
    %select_n3A_2587 = arith.select %eq3A_2579, %select_n3A_2528, %select_n3A_2586 : vector<32x128xi1>, vector<32x128xf32>
    %roll3A_2588 = arith.constant 126 : i32
    %roll3A_2589 = tpu.dynamic_rotate %select_n3A_2534 by %roll3A_2588 dim 1 : vector<32x128xf32>, i32 -> vector<32x128xf32>
    %roll3A_2590 = arith.constant 2 : i32
    %roll3A_2591 = tpu.dynamic_rotate %select_n3A_2534 by %roll3A_2590 dim 1 : vector<32x128xf32>, i32 -> vector<32x128xf32>
    %select_n3A_2592 = arith.select %eq3A_2552, %roll3A_2589, %roll3A_2591 : vector<32x128xi1>, vector<32x128xf32>
    %select_n3A_2593 = arith.select %eq3A_2579, %select_n3A_2534, %select_n3A_2592 : vector<32x128xi1>, vector<32x128xf32>
    %roll3A_2594 = arith.constant 126 : i32
    %roll3A_2595 = tpu.dynamic_rotate %select_n3A_2540 by %roll3A_2594 dim 1 : vector<32x128xf32>, i32 -> vector<32x128xf32>
    %roll3A_2596 = arith.constant 2 : i32
    %roll3A_2597 = tpu.dynamic_rotate %select_n3A_2540 by %roll3A_2596 dim 1 : vector<32x128xf32>, i32 -> vector<32x128xf32>
    %select_n3A_2598 = arith.select %eq3A_2552, %roll3A_2595, %roll3A_2597 : vector<32x128xi1>, vector<32x128xf32>
    %select_n3A_2599 = arith.select %eq3A_2579, %select_n3A_2540, %select_n3A_2598 : vector<32x128xi1>, vector<32x128xf32>
    %roll3A_2600 = arith.constant 126 : i32
    %roll3A_2601 = tpu.dynamic_rotate %select_n3A_2546 by %roll3A_2600 dim 1 : vector<32x128xf32>, i32 -> vector<32x128xf32>
    %roll3A_2602 = arith.constant 2 : i32
    %roll3A_2603 = tpu.dynamic_rotate %select_n3A_2546 by %roll3A_2602 dim 1 : vector<32x128xf32>, i32 -> vector<32x128xf32>
    %select_n3A_2604 = arith.select %eq3A_2552, %roll3A_2601, %roll3A_2603 : vector<32x128xi1>, vector<32x128xf32>
    %select_n3A_2605 = arith.select %eq3A_2579, %select_n3A_2546, %select_n3A_2604 : vector<32x128xi1>, vector<32x128xf32>
    %and3A_2606 = arith.constant 1 : i32
    %and3A_2607 = vector.broadcast %and3A_2606 : i32 to vector<32x128xi32>
    %and3A_2608 = arith.andi %add3A, %and3A_2607 : vector<32x128xi32>
    %eq3A_2609 = arith.constant 0 : i32
    %eq3A_2610 = vector.broadcast %eq3A_2609 : i32 to vector<32x128xi32>
    %eq3A_2611 = arith.cmpi eq, %and3A_2608, %eq3A_2610 : vector<32x128xi32>
    %and3A_2612 = arith.constant 512 : i32
    %and3A_2613 = vector.broadcast %and3A_2612 : i32 to vector<32x128xi32>
    %and3A_2614 = arith.andi %add3A, %and3A_2613 : vector<32x128xi32>
    %eq3A_2615 = arith.constant 0 : i32
    %eq3A_2616 = vector.broadcast %eq3A_2615 : i32 to vector<32x128xi32>
    %eq3A_2617 = arith.cmpi eq, %and3A_2614, %eq3A_2616 : vector<32x128xi32>
    %roll3A_2618 = arith.constant 127 : i32
    %roll3A_2619 = tpu.dynamic_rotate %select_n3A_2580 by %roll3A_2618 dim 1 : vector<32x128xi32>, i32 -> vector<32x128xi32>
    %roll3A_2620 = arith.constant 1 : i32
    %roll3A_2621 = tpu.dynamic_rotate %select_n3A_2580 by %roll3A_2620 dim 1 : vector<32x128xi32>, i32 -> vector<32x128xi32>
    %select_n3A_2622 = arith.select %eq3A_2611, %roll3A_2619, %roll3A_2621 : vector<32x128xi1>, vector<32x128xi32>
    %roll3A_2623 = arith.constant 127 : i32
    %roll3A_2624 = tpu.dynamic_rotate %select_n3A_2581 by %roll3A_2623 dim 1 : vector<32x128xi32>, i32 -> vector<32x128xi32>
    %roll3A_2625 = arith.constant 1 : i32
    %roll3A_2626 = tpu.dynamic_rotate %select_n3A_2581 by %roll3A_2625 dim 1 : vector<32x128xi32>, i32 -> vector<32x128xi32>
    %select_n3A_2627 = arith.select %eq3A_2611, %roll3A_2624, %roll3A_2626 : vector<32x128xi1>, vector<32x128xi32>
    %gt3A_2628 = arith.cmpi sgt, %select_n3A_2580, %select_n3A_2622 : vector<32x128xi32>
    %eq3A_2629 = arith.cmpi eq, %select_n3A_2580, %select_n3A_2622 : vector<32x128xi32>
    %lt3A_2630 = arith.cmpi slt, %select_n3A_2581, %select_n3A_2627 : vector<32x128xi32>
    %and3A_2631 = arith.andi %eq3A_2629, %lt3A_2630 : vector<32x128xi1>
    %or3A_2632 = arith.ori %gt3A_2628, %and3A_2631 : vector<32x128xi1>
    %eq3A_2633 = arith.xori %eq3A_2611, %eq3A_2617 : vector<32x128xi1>
    %eq3A_2634 = arith.constant dense<true> : vector<32x128xi1>
    %eq3A_2635 = arith.xori %eq3A_2633, %eq3A_2634 : vector<32x128xi1>
    %eq3A_2636 = arith.xori %or3A_2632, %eq3A_2635 : vector<32x128xi1>
    %eq3A_2637 = arith.constant dense<true> : vector<32x128xi1>
    %eq3A_2638 = arith.xori %eq3A_2636, %eq3A_2637 : vector<32x128xi1>
    %select_n3A_2639 = arith.select %eq3A_2638, %select_n3A_2580, %select_n3A_2622 : vector<32x128xi1>, vector<32x128xi32>
    %select_n3A_2640 = arith.select %eq3A_2638, %select_n3A_2581, %select_n3A_2627 : vector<32x128xi1>, vector<32x128xi32>
    %roll3A_2641 = arith.constant 127 : i32
    %roll3A_2642 = tpu.dynamic_rotate %select_n3A_2587 by %roll3A_2641 dim 1 : vector<32x128xf32>, i32 -> vector<32x128xf32>
    %roll3A_2643 = arith.constant 1 : i32
    %roll3A_2644 = tpu.dynamic_rotate %select_n3A_2587 by %roll3A_2643 dim 1 : vector<32x128xf32>, i32 -> vector<32x128xf32>
    %select_n3A_2645 = arith.select %eq3A_2611, %roll3A_2642, %roll3A_2644 : vector<32x128xi1>, vector<32x128xf32>
    %select_n3A_2646 = arith.select %eq3A_2638, %select_n3A_2587, %select_n3A_2645 : vector<32x128xi1>, vector<32x128xf32>
    %roll3A_2647 = arith.constant 127 : i32
    %roll3A_2648 = tpu.dynamic_rotate %select_n3A_2593 by %roll3A_2647 dim 1 : vector<32x128xf32>, i32 -> vector<32x128xf32>
    %roll3A_2649 = arith.constant 1 : i32
    %roll3A_2650 = tpu.dynamic_rotate %select_n3A_2593 by %roll3A_2649 dim 1 : vector<32x128xf32>, i32 -> vector<32x128xf32>
    %select_n3A_2651 = arith.select %eq3A_2611, %roll3A_2648, %roll3A_2650 : vector<32x128xi1>, vector<32x128xf32>
    %select_n3A_2652 = arith.select %eq3A_2638, %select_n3A_2593, %select_n3A_2651 : vector<32x128xi1>, vector<32x128xf32>
    %roll3A_2653 = arith.constant 127 : i32
    %roll3A_2654 = tpu.dynamic_rotate %select_n3A_2599 by %roll3A_2653 dim 1 : vector<32x128xf32>, i32 -> vector<32x128xf32>
    %roll3A_2655 = arith.constant 1 : i32
    %roll3A_2656 = tpu.dynamic_rotate %select_n3A_2599 by %roll3A_2655 dim 1 : vector<32x128xf32>, i32 -> vector<32x128xf32>
    %select_n3A_2657 = arith.select %eq3A_2611, %roll3A_2654, %roll3A_2656 : vector<32x128xi1>, vector<32x128xf32>
    %select_n3A_2658 = arith.select %eq3A_2638, %select_n3A_2599, %select_n3A_2657 : vector<32x128xi1>, vector<32x128xf32>
    %roll3A_2659 = arith.constant 127 : i32
    %roll3A_2660 = tpu.dynamic_rotate %select_n3A_2605 by %roll3A_2659 dim 1 : vector<32x128xf32>, i32 -> vector<32x128xf32>
    %roll3A_2661 = arith.constant 1 : i32
    %roll3A_2662 = tpu.dynamic_rotate %select_n3A_2605 by %roll3A_2661 dim 1 : vector<32x128xf32>, i32 -> vector<32x128xf32>
    %select_n3A_2663 = arith.select %eq3A_2611, %roll3A_2660, %roll3A_2662 : vector<32x128xi1>, vector<32x128xf32>
    %select_n3A_2664 = arith.select %eq3A_2638, %select_n3A_2605, %select_n3A_2663 : vector<32x128xi1>, vector<32x128xf32>
    %and3A_2665 = arith.constant 512 : i32
    %and3A_2666 = vector.broadcast %and3A_2665 : i32 to vector<32x128xi32>
    %and3A_2667 = arith.andi %add3A, %and3A_2666 : vector<32x128xi32>
    %eq3A_2668 = arith.constant 0 : i32
    %eq3A_2669 = vector.broadcast %eq3A_2668 : i32 to vector<32x128xi32>
    %eq3A_2670 = arith.cmpi eq, %and3A_2667, %eq3A_2669 : vector<32x128xi32>
    %and3A_2671 = arith.constant 1024 : i32
    %and3A_2672 = vector.broadcast %and3A_2671 : i32 to vector<32x128xi32>
    %and3A_2673 = arith.andi %add3A, %and3A_2672 : vector<32x128xi32>
    %eq3A_2674 = arith.constant 0 : i32
    %eq3A_2675 = vector.broadcast %eq3A_2674 : i32 to vector<32x128xi32>
    %eq3A_2676 = arith.cmpi eq, %and3A_2673, %eq3A_2675 : vector<32x128xi32>
    %roll3A_2677 = arith.constant 28 : i32
    %roll3A_2678 = tpu.dynamic_rotate %select_n3A_2639 by %roll3A_2677 dim 0 : vector<32x128xi32>, i32 -> vector<32x128xi32>
    %roll3A_2679 = arith.constant 4 : i32
    %roll3A_2680 = tpu.dynamic_rotate %select_n3A_2639 by %roll3A_2679 dim 0 : vector<32x128xi32>, i32 -> vector<32x128xi32>
    %select_n3A_2681 = arith.select %eq3A_2670, %roll3A_2678, %roll3A_2680 : vector<32x128xi1>, vector<32x128xi32>
    %roll3A_2682 = arith.constant 28 : i32
    %roll3A_2683 = tpu.dynamic_rotate %select_n3A_2640 by %roll3A_2682 dim 0 : vector<32x128xi32>, i32 -> vector<32x128xi32>
    %roll3A_2684 = arith.constant 4 : i32
    %roll3A_2685 = tpu.dynamic_rotate %select_n3A_2640 by %roll3A_2684 dim 0 : vector<32x128xi32>, i32 -> vector<32x128xi32>
    %select_n3A_2686 = arith.select %eq3A_2670, %roll3A_2683, %roll3A_2685 : vector<32x128xi1>, vector<32x128xi32>
    %gt3A_2687 = arith.cmpi sgt, %select_n3A_2639, %select_n3A_2681 : vector<32x128xi32>
    %eq3A_2688 = arith.cmpi eq, %select_n3A_2639, %select_n3A_2681 : vector<32x128xi32>
    %lt3A_2689 = arith.cmpi slt, %select_n3A_2640, %select_n3A_2686 : vector<32x128xi32>
    %and3A_2690 = arith.andi %eq3A_2688, %lt3A_2689 : vector<32x128xi1>
    %or3A_2691 = arith.ori %gt3A_2687, %and3A_2690 : vector<32x128xi1>
    %eq3A_2692 = arith.xori %eq3A_2670, %eq3A_2676 : vector<32x128xi1>
    %eq3A_2693 = arith.constant dense<true> : vector<32x128xi1>
    %eq3A_2694 = arith.xori %eq3A_2692, %eq3A_2693 : vector<32x128xi1>
    %eq3A_2695 = arith.xori %or3A_2691, %eq3A_2694 : vector<32x128xi1>
    %eq3A_2696 = arith.constant dense<true> : vector<32x128xi1>
    %eq3A_2697 = arith.xori %eq3A_2695, %eq3A_2696 : vector<32x128xi1>
    %select_n3A_2698 = arith.select %eq3A_2697, %select_n3A_2639, %select_n3A_2681 : vector<32x128xi1>, vector<32x128xi32>
    %select_n3A_2699 = arith.select %eq3A_2697, %select_n3A_2640, %select_n3A_2686 : vector<32x128xi1>, vector<32x128xi32>
    %roll3A_2700 = arith.constant 28 : i32
    %roll3A_2701 = tpu.dynamic_rotate %select_n3A_2646 by %roll3A_2700 dim 0 : vector<32x128xf32>, i32 -> vector<32x128xf32>
    %roll3A_2702 = arith.constant 4 : i32
    %roll3A_2703 = tpu.dynamic_rotate %select_n3A_2646 by %roll3A_2702 dim 0 : vector<32x128xf32>, i32 -> vector<32x128xf32>
    %select_n3A_2704 = arith.select %eq3A_2670, %roll3A_2701, %roll3A_2703 : vector<32x128xi1>, vector<32x128xf32>
    %select_n3A_2705 = arith.select %eq3A_2697, %select_n3A_2646, %select_n3A_2704 : vector<32x128xi1>, vector<32x128xf32>
    %roll3A_2706 = arith.constant 28 : i32
    %roll3A_2707 = tpu.dynamic_rotate %select_n3A_2652 by %roll3A_2706 dim 0 : vector<32x128xf32>, i32 -> vector<32x128xf32>
    %roll3A_2708 = arith.constant 4 : i32
    %roll3A_2709 = tpu.dynamic_rotate %select_n3A_2652 by %roll3A_2708 dim 0 : vector<32x128xf32>, i32 -> vector<32x128xf32>
    %select_n3A_2710 = arith.select %eq3A_2670, %roll3A_2707, %roll3A_2709 : vector<32x128xi1>, vector<32x128xf32>
    %select_n3A_2711 = arith.select %eq3A_2697, %select_n3A_2652, %select_n3A_2710 : vector<32x128xi1>, vector<32x128xf32>
    %roll3A_2712 = arith.constant 28 : i32
    %roll3A_2713 = tpu.dynamic_rotate %select_n3A_2658 by %roll3A_2712 dim 0 : vector<32x128xf32>, i32 -> vector<32x128xf32>
    %roll3A_2714 = arith.constant 4 : i32
    %roll3A_2715 = tpu.dynamic_rotate %select_n3A_2658 by %roll3A_2714 dim 0 : vector<32x128xf32>, i32 -> vector<32x128xf32>
    %select_n3A_2716 = arith.select %eq3A_2670, %roll3A_2713, %roll3A_2715 : vector<32x128xi1>, vector<32x128xf32>
    %select_n3A_2717 = arith.select %eq3A_2697, %select_n3A_2658, %select_n3A_2716 : vector<32x128xi1>, vector<32x128xf32>
    %roll3A_2718 = arith.constant 28 : i32
    %roll3A_2719 = tpu.dynamic_rotate %select_n3A_2664 by %roll3A_2718 dim 0 : vector<32x128xf32>, i32 -> vector<32x128xf32>
    %roll3A_2720 = arith.constant 4 : i32
    %roll3A_2721 = tpu.dynamic_rotate %select_n3A_2664 by %roll3A_2720 dim 0 : vector<32x128xf32>, i32 -> vector<32x128xf32>
    %select_n3A_2722 = arith.select %eq3A_2670, %roll3A_2719, %roll3A_2721 : vector<32x128xi1>, vector<32x128xf32>
    %select_n3A_2723 = arith.select %eq3A_2697, %select_n3A_2664, %select_n3A_2722 : vector<32x128xi1>, vector<32x128xf32>
    %and3A_2724 = arith.constant 256 : i32
    %and3A_2725 = vector.broadcast %and3A_2724 : i32 to vector<32x128xi32>
    %and3A_2726 = arith.andi %add3A, %and3A_2725 : vector<32x128xi32>
    %eq3A_2727 = arith.constant 0 : i32
    %eq3A_2728 = vector.broadcast %eq3A_2727 : i32 to vector<32x128xi32>
    %eq3A_2729 = arith.cmpi eq, %and3A_2726, %eq3A_2728 : vector<32x128xi32>
    %and3A_2730 = arith.constant 1024 : i32
    %and3A_2731 = vector.broadcast %and3A_2730 : i32 to vector<32x128xi32>
    %and3A_2732 = arith.andi %add3A, %and3A_2731 : vector<32x128xi32>
    %eq3A_2733 = arith.constant 0 : i32
    %eq3A_2734 = vector.broadcast %eq3A_2733 : i32 to vector<32x128xi32>
    %eq3A_2735 = arith.cmpi eq, %and3A_2732, %eq3A_2734 : vector<32x128xi32>
    %roll3A_2736 = arith.constant 30 : i32
    %roll3A_2737 = tpu.dynamic_rotate %select_n3A_2698 by %roll3A_2736 dim 0 : vector<32x128xi32>, i32 -> vector<32x128xi32>
    %roll3A_2738 = arith.constant 2 : i32
    %roll3A_2739 = tpu.dynamic_rotate %select_n3A_2698 by %roll3A_2738 dim 0 : vector<32x128xi32>, i32 -> vector<32x128xi32>
    %select_n3A_2740 = arith.select %eq3A_2729, %roll3A_2737, %roll3A_2739 : vector<32x128xi1>, vector<32x128xi32>
    %roll3A_2741 = arith.constant 30 : i32
    %roll3A_2742 = tpu.dynamic_rotate %select_n3A_2699 by %roll3A_2741 dim 0 : vector<32x128xi32>, i32 -> vector<32x128xi32>
    %roll3A_2743 = arith.constant 2 : i32
    %roll3A_2744 = tpu.dynamic_rotate %select_n3A_2699 by %roll3A_2743 dim 0 : vector<32x128xi32>, i32 -> vector<32x128xi32>
    %select_n3A_2745 = arith.select %eq3A_2729, %roll3A_2742, %roll3A_2744 : vector<32x128xi1>, vector<32x128xi32>
    %gt3A_2746 = arith.cmpi sgt, %select_n3A_2698, %select_n3A_2740 : vector<32x128xi32>
    %eq3A_2747 = arith.cmpi eq, %select_n3A_2698, %select_n3A_2740 : vector<32x128xi32>
    %lt3A_2748 = arith.cmpi slt, %select_n3A_2699, %select_n3A_2745 : vector<32x128xi32>
    %and3A_2749 = arith.andi %eq3A_2747, %lt3A_2748 : vector<32x128xi1>
    %or3A_2750 = arith.ori %gt3A_2746, %and3A_2749 : vector<32x128xi1>
    %eq3A_2751 = arith.xori %eq3A_2729, %eq3A_2735 : vector<32x128xi1>
    %eq3A_2752 = arith.constant dense<true> : vector<32x128xi1>
    %eq3A_2753 = arith.xori %eq3A_2751, %eq3A_2752 : vector<32x128xi1>
    %eq3A_2754 = arith.xori %or3A_2750, %eq3A_2753 : vector<32x128xi1>
    %eq3A_2755 = arith.constant dense<true> : vector<32x128xi1>
    %eq3A_2756 = arith.xori %eq3A_2754, %eq3A_2755 : vector<32x128xi1>
    %select_n3A_2757 = arith.select %eq3A_2756, %select_n3A_2698, %select_n3A_2740 : vector<32x128xi1>, vector<32x128xi32>
    %select_n3A_2758 = arith.select %eq3A_2756, %select_n3A_2699, %select_n3A_2745 : vector<32x128xi1>, vector<32x128xi32>
    %roll3A_2759 = arith.constant 30 : i32
    %roll3A_2760 = tpu.dynamic_rotate %select_n3A_2705 by %roll3A_2759 dim 0 : vector<32x128xf32>, i32 -> vector<32x128xf32>
    %roll3A_2761 = arith.constant 2 : i32
    %roll3A_2762 = tpu.dynamic_rotate %select_n3A_2705 by %roll3A_2761 dim 0 : vector<32x128xf32>, i32 -> vector<32x128xf32>
    %select_n3A_2763 = arith.select %eq3A_2729, %roll3A_2760, %roll3A_2762 : vector<32x128xi1>, vector<32x128xf32>
    %select_n3A_2764 = arith.select %eq3A_2756, %select_n3A_2705, %select_n3A_2763 : vector<32x128xi1>, vector<32x128xf32>
    %roll3A_2765 = arith.constant 30 : i32
    %roll3A_2766 = tpu.dynamic_rotate %select_n3A_2711 by %roll3A_2765 dim 0 : vector<32x128xf32>, i32 -> vector<32x128xf32>
    %roll3A_2767 = arith.constant 2 : i32
    %roll3A_2768 = tpu.dynamic_rotate %select_n3A_2711 by %roll3A_2767 dim 0 : vector<32x128xf32>, i32 -> vector<32x128xf32>
    %select_n3A_2769 = arith.select %eq3A_2729, %roll3A_2766, %roll3A_2768 : vector<32x128xi1>, vector<32x128xf32>
    %select_n3A_2770 = arith.select %eq3A_2756, %select_n3A_2711, %select_n3A_2769 : vector<32x128xi1>, vector<32x128xf32>
    %roll3A_2771 = arith.constant 30 : i32
    %roll3A_2772 = tpu.dynamic_rotate %select_n3A_2717 by %roll3A_2771 dim 0 : vector<32x128xf32>, i32 -> vector<32x128xf32>
    %roll3A_2773 = arith.constant 2 : i32
    %roll3A_2774 = tpu.dynamic_rotate %select_n3A_2717 by %roll3A_2773 dim 0 : vector<32x128xf32>, i32 -> vector<32x128xf32>
    %select_n3A_2775 = arith.select %eq3A_2729, %roll3A_2772, %roll3A_2774 : vector<32x128xi1>, vector<32x128xf32>
    %select_n3A_2776 = arith.select %eq3A_2756, %select_n3A_2717, %select_n3A_2775 : vector<32x128xi1>, vector<32x128xf32>
    %roll3A_2777 = arith.constant 30 : i32
    %roll3A_2778 = tpu.dynamic_rotate %select_n3A_2723 by %roll3A_2777 dim 0 : vector<32x128xf32>, i32 -> vector<32x128xf32>
    %roll3A_2779 = arith.constant 2 : i32
    %roll3A_2780 = tpu.dynamic_rotate %select_n3A_2723 by %roll3A_2779 dim 0 : vector<32x128xf32>, i32 -> vector<32x128xf32>
    %select_n3A_2781 = arith.select %eq3A_2729, %roll3A_2778, %roll3A_2780 : vector<32x128xi1>, vector<32x128xf32>
    %select_n3A_2782 = arith.select %eq3A_2756, %select_n3A_2723, %select_n3A_2781 : vector<32x128xi1>, vector<32x128xf32>
    %and3A_2783 = arith.constant 128 : i32
    %and3A_2784 = vector.broadcast %and3A_2783 : i32 to vector<32x128xi32>
    %and3A_2785 = arith.andi %add3A, %and3A_2784 : vector<32x128xi32>
    %eq3A_2786 = arith.constant 0 : i32
    %eq3A_2787 = vector.broadcast %eq3A_2786 : i32 to vector<32x128xi32>
    %eq3A_2788 = arith.cmpi eq, %and3A_2785, %eq3A_2787 : vector<32x128xi32>
    %and3A_2789 = arith.constant 1024 : i32
    %and3A_2790 = vector.broadcast %and3A_2789 : i32 to vector<32x128xi32>
    %and3A_2791 = arith.andi %add3A, %and3A_2790 : vector<32x128xi32>
    %eq3A_2792 = arith.constant 0 : i32
    %eq3A_2793 = vector.broadcast %eq3A_2792 : i32 to vector<32x128xi32>
    %eq3A_2794 = arith.cmpi eq, %and3A_2791, %eq3A_2793 : vector<32x128xi32>
    %roll3A_2795 = arith.constant 31 : i32
    %roll3A_2796 = tpu.dynamic_rotate %select_n3A_2757 by %roll3A_2795 dim 0 : vector<32x128xi32>, i32 -> vector<32x128xi32>
    %roll3A_2797 = arith.constant 1 : i32
    %roll3A_2798 = tpu.dynamic_rotate %select_n3A_2757 by %roll3A_2797 dim 0 : vector<32x128xi32>, i32 -> vector<32x128xi32>
    %select_n3A_2799 = arith.select %eq3A_2788, %roll3A_2796, %roll3A_2798 : vector<32x128xi1>, vector<32x128xi32>
    %roll3A_2800 = arith.constant 31 : i32
    %roll3A_2801 = tpu.dynamic_rotate %select_n3A_2758 by %roll3A_2800 dim 0 : vector<32x128xi32>, i32 -> vector<32x128xi32>
    %roll3A_2802 = arith.constant 1 : i32
    %roll3A_2803 = tpu.dynamic_rotate %select_n3A_2758 by %roll3A_2802 dim 0 : vector<32x128xi32>, i32 -> vector<32x128xi32>
    %select_n3A_2804 = arith.select %eq3A_2788, %roll3A_2801, %roll3A_2803 : vector<32x128xi1>, vector<32x128xi32>
    %gt3A_2805 = arith.cmpi sgt, %select_n3A_2757, %select_n3A_2799 : vector<32x128xi32>
    %eq3A_2806 = arith.cmpi eq, %select_n3A_2757, %select_n3A_2799 : vector<32x128xi32>
    %lt3A_2807 = arith.cmpi slt, %select_n3A_2758, %select_n3A_2804 : vector<32x128xi32>
    %and3A_2808 = arith.andi %eq3A_2806, %lt3A_2807 : vector<32x128xi1>
    %or3A_2809 = arith.ori %gt3A_2805, %and3A_2808 : vector<32x128xi1>
    %eq3A_2810 = arith.xori %eq3A_2788, %eq3A_2794 : vector<32x128xi1>
    %eq3A_2811 = arith.constant dense<true> : vector<32x128xi1>
    %eq3A_2812 = arith.xori %eq3A_2810, %eq3A_2811 : vector<32x128xi1>
    %eq3A_2813 = arith.xori %or3A_2809, %eq3A_2812 : vector<32x128xi1>
    %eq3A_2814 = arith.constant dense<true> : vector<32x128xi1>
    %eq3A_2815 = arith.xori %eq3A_2813, %eq3A_2814 : vector<32x128xi1>
    %select_n3A_2816 = arith.select %eq3A_2815, %select_n3A_2757, %select_n3A_2799 : vector<32x128xi1>, vector<32x128xi32>
    %select_n3A_2817 = arith.select %eq3A_2815, %select_n3A_2758, %select_n3A_2804 : vector<32x128xi1>, vector<32x128xi32>
    %roll3A_2818 = arith.constant 31 : i32
    %roll3A_2819 = tpu.dynamic_rotate %select_n3A_2764 by %roll3A_2818 dim 0 : vector<32x128xf32>, i32 -> vector<32x128xf32>
    %roll3A_2820 = arith.constant 1 : i32
    %roll3A_2821 = tpu.dynamic_rotate %select_n3A_2764 by %roll3A_2820 dim 0 : vector<32x128xf32>, i32 -> vector<32x128xf32>
    %select_n3A_2822 = arith.select %eq3A_2788, %roll3A_2819, %roll3A_2821 : vector<32x128xi1>, vector<32x128xf32>
    %select_n3A_2823 = arith.select %eq3A_2815, %select_n3A_2764, %select_n3A_2822 : vector<32x128xi1>, vector<32x128xf32>
    %roll3A_2824 = arith.constant 31 : i32
    %roll3A_2825 = tpu.dynamic_rotate %select_n3A_2770 by %roll3A_2824 dim 0 : vector<32x128xf32>, i32 -> vector<32x128xf32>
    %roll3A_2826 = arith.constant 1 : i32
    %roll3A_2827 = tpu.dynamic_rotate %select_n3A_2770 by %roll3A_2826 dim 0 : vector<32x128xf32>, i32 -> vector<32x128xf32>
    %select_n3A_2828 = arith.select %eq3A_2788, %roll3A_2825, %roll3A_2827 : vector<32x128xi1>, vector<32x128xf32>
    %select_n3A_2829 = arith.select %eq3A_2815, %select_n3A_2770, %select_n3A_2828 : vector<32x128xi1>, vector<32x128xf32>
    %roll3A_2830 = arith.constant 31 : i32
    %roll3A_2831 = tpu.dynamic_rotate %select_n3A_2776 by %roll3A_2830 dim 0 : vector<32x128xf32>, i32 -> vector<32x128xf32>
    %roll3A_2832 = arith.constant 1 : i32
    %roll3A_2833 = tpu.dynamic_rotate %select_n3A_2776 by %roll3A_2832 dim 0 : vector<32x128xf32>, i32 -> vector<32x128xf32>
    %select_n3A_2834 = arith.select %eq3A_2788, %roll3A_2831, %roll3A_2833 : vector<32x128xi1>, vector<32x128xf32>
    %select_n3A_2835 = arith.select %eq3A_2815, %select_n3A_2776, %select_n3A_2834 : vector<32x128xi1>, vector<32x128xf32>
    %roll3A_2836 = arith.constant 31 : i32
    %roll3A_2837 = tpu.dynamic_rotate %select_n3A_2782 by %roll3A_2836 dim 0 : vector<32x128xf32>, i32 -> vector<32x128xf32>
    %roll3A_2838 = arith.constant 1 : i32
    %roll3A_2839 = tpu.dynamic_rotate %select_n3A_2782 by %roll3A_2838 dim 0 : vector<32x128xf32>, i32 -> vector<32x128xf32>
    %select_n3A_2840 = arith.select %eq3A_2788, %roll3A_2837, %roll3A_2839 : vector<32x128xi1>, vector<32x128xf32>
    %select_n3A_2841 = arith.select %eq3A_2815, %select_n3A_2782, %select_n3A_2840 : vector<32x128xi1>, vector<32x128xf32>
    %and3A_2842 = arith.constant 64 : i32
    %and3A_2843 = vector.broadcast %and3A_2842 : i32 to vector<32x128xi32>
    %and3A_2844 = arith.andi %add3A, %and3A_2843 : vector<32x128xi32>
    %eq3A_2845 = arith.constant 0 : i32
    %eq3A_2846 = vector.broadcast %eq3A_2845 : i32 to vector<32x128xi32>
    %eq3A_2847 = arith.cmpi eq, %and3A_2844, %eq3A_2846 : vector<32x128xi32>
    %and3A_2848 = arith.constant 1024 : i32
    %and3A_2849 = vector.broadcast %and3A_2848 : i32 to vector<32x128xi32>
    %and3A_2850 = arith.andi %add3A, %and3A_2849 : vector<32x128xi32>
    %eq3A_2851 = arith.constant 0 : i32
    %eq3A_2852 = vector.broadcast %eq3A_2851 : i32 to vector<32x128xi32>
    %eq3A_2853 = arith.cmpi eq, %and3A_2850, %eq3A_2852 : vector<32x128xi32>
    %roll3A_2854 = arith.constant 64 : i32
    %roll3A_2855 = tpu.dynamic_rotate %select_n3A_2816 by %roll3A_2854 dim 1 : vector<32x128xi32>, i32 -> vector<32x128xi32>
    %roll3A_2856 = arith.constant 64 : i32
    %roll3A_2857 = tpu.dynamic_rotate %select_n3A_2816 by %roll3A_2856 dim 1 : vector<32x128xi32>, i32 -> vector<32x128xi32>
    %select_n3A_2858 = arith.select %eq3A_2847, %roll3A_2855, %roll3A_2857 : vector<32x128xi1>, vector<32x128xi32>
    %roll3A_2859 = arith.constant 64 : i32
    %roll3A_2860 = tpu.dynamic_rotate %select_n3A_2817 by %roll3A_2859 dim 1 : vector<32x128xi32>, i32 -> vector<32x128xi32>
    %roll3A_2861 = arith.constant 64 : i32
    %roll3A_2862 = tpu.dynamic_rotate %select_n3A_2817 by %roll3A_2861 dim 1 : vector<32x128xi32>, i32 -> vector<32x128xi32>
    %select_n3A_2863 = arith.select %eq3A_2847, %roll3A_2860, %roll3A_2862 : vector<32x128xi1>, vector<32x128xi32>
    %gt3A_2864 = arith.cmpi sgt, %select_n3A_2816, %select_n3A_2858 : vector<32x128xi32>
    %eq3A_2865 = arith.cmpi eq, %select_n3A_2816, %select_n3A_2858 : vector<32x128xi32>
    %lt3A_2866 = arith.cmpi slt, %select_n3A_2817, %select_n3A_2863 : vector<32x128xi32>
    %and3A_2867 = arith.andi %eq3A_2865, %lt3A_2866 : vector<32x128xi1>
    %or3A_2868 = arith.ori %gt3A_2864, %and3A_2867 : vector<32x128xi1>
    %eq3A_2869 = arith.xori %eq3A_2847, %eq3A_2853 : vector<32x128xi1>
    %eq3A_2870 = arith.constant dense<true> : vector<32x128xi1>
    %eq3A_2871 = arith.xori %eq3A_2869, %eq3A_2870 : vector<32x128xi1>
    %eq3A_2872 = arith.xori %or3A_2868, %eq3A_2871 : vector<32x128xi1>
    %eq3A_2873 = arith.constant dense<true> : vector<32x128xi1>
    %eq3A_2874 = arith.xori %eq3A_2872, %eq3A_2873 : vector<32x128xi1>
    %select_n3A_2875 = arith.select %eq3A_2874, %select_n3A_2816, %select_n3A_2858 : vector<32x128xi1>, vector<32x128xi32>
    %select_n3A_2876 = arith.select %eq3A_2874, %select_n3A_2817, %select_n3A_2863 : vector<32x128xi1>, vector<32x128xi32>
    %roll3A_2877 = arith.constant 64 : i32
    %roll3A_2878 = tpu.dynamic_rotate %select_n3A_2823 by %roll3A_2877 dim 1 : vector<32x128xf32>, i32 -> vector<32x128xf32>
    %roll3A_2879 = arith.constant 64 : i32
    %roll3A_2880 = tpu.dynamic_rotate %select_n3A_2823 by %roll3A_2879 dim 1 : vector<32x128xf32>, i32 -> vector<32x128xf32>
    %select_n3A_2881 = arith.select %eq3A_2847, %roll3A_2878, %roll3A_2880 : vector<32x128xi1>, vector<32x128xf32>
    %select_n3A_2882 = arith.select %eq3A_2874, %select_n3A_2823, %select_n3A_2881 : vector<32x128xi1>, vector<32x128xf32>
    %roll3A_2883 = arith.constant 64 : i32
    %roll3A_2884 = tpu.dynamic_rotate %select_n3A_2829 by %roll3A_2883 dim 1 : vector<32x128xf32>, i32 -> vector<32x128xf32>
    %roll3A_2885 = arith.constant 64 : i32
    %roll3A_2886 = tpu.dynamic_rotate %select_n3A_2829 by %roll3A_2885 dim 1 : vector<32x128xf32>, i32 -> vector<32x128xf32>
    %select_n3A_2887 = arith.select %eq3A_2847, %roll3A_2884, %roll3A_2886 : vector<32x128xi1>, vector<32x128xf32>
    %select_n3A_2888 = arith.select %eq3A_2874, %select_n3A_2829, %select_n3A_2887 : vector<32x128xi1>, vector<32x128xf32>
    %roll3A_2889 = arith.constant 64 : i32
    %roll3A_2890 = tpu.dynamic_rotate %select_n3A_2835 by %roll3A_2889 dim 1 : vector<32x128xf32>, i32 -> vector<32x128xf32>
    %roll3A_2891 = arith.constant 64 : i32
    %roll3A_2892 = tpu.dynamic_rotate %select_n3A_2835 by %roll3A_2891 dim 1 : vector<32x128xf32>, i32 -> vector<32x128xf32>
    %select_n3A_2893 = arith.select %eq3A_2847, %roll3A_2890, %roll3A_2892 : vector<32x128xi1>, vector<32x128xf32>
    %select_n3A_2894 = arith.select %eq3A_2874, %select_n3A_2835, %select_n3A_2893 : vector<32x128xi1>, vector<32x128xf32>
    %roll3A_2895 = arith.constant 64 : i32
    %roll3A_2896 = tpu.dynamic_rotate %select_n3A_2841 by %roll3A_2895 dim 1 : vector<32x128xf32>, i32 -> vector<32x128xf32>
    %roll3A_2897 = arith.constant 64 : i32
    %roll3A_2898 = tpu.dynamic_rotate %select_n3A_2841 by %roll3A_2897 dim 1 : vector<32x128xf32>, i32 -> vector<32x128xf32>
    %select_n3A_2899 = arith.select %eq3A_2847, %roll3A_2896, %roll3A_2898 : vector<32x128xi1>, vector<32x128xf32>
    %select_n3A_2900 = arith.select %eq3A_2874, %select_n3A_2841, %select_n3A_2899 : vector<32x128xi1>, vector<32x128xf32>
    %and3A_2901 = arith.constant 32 : i32
    %and3A_2902 = vector.broadcast %and3A_2901 : i32 to vector<32x128xi32>
    %and3A_2903 = arith.andi %add3A, %and3A_2902 : vector<32x128xi32>
    %eq3A_2904 = arith.constant 0 : i32
    %eq3A_2905 = vector.broadcast %eq3A_2904 : i32 to vector<32x128xi32>
    %eq3A_2906 = arith.cmpi eq, %and3A_2903, %eq3A_2905 : vector<32x128xi32>
    %and3A_2907 = arith.constant 1024 : i32
    %and3A_2908 = vector.broadcast %and3A_2907 : i32 to vector<32x128xi32>
    %and3A_2909 = arith.andi %add3A, %and3A_2908 : vector<32x128xi32>
    %eq3A_2910 = arith.constant 0 : i32
    %eq3A_2911 = vector.broadcast %eq3A_2910 : i32 to vector<32x128xi32>
    %eq3A_2912 = arith.cmpi eq, %and3A_2909, %eq3A_2911 : vector<32x128xi32>
    %roll3A_2913 = arith.constant 96 : i32
    %roll3A_2914 = tpu.dynamic_rotate %select_n3A_2875 by %roll3A_2913 dim 1 : vector<32x128xi32>, i32 -> vector<32x128xi32>
    %roll3A_2915 = arith.constant 32 : i32
    %roll3A_2916 = tpu.dynamic_rotate %select_n3A_2875 by %roll3A_2915 dim 1 : vector<32x128xi32>, i32 -> vector<32x128xi32>
    %select_n3A_2917 = arith.select %eq3A_2906, %roll3A_2914, %roll3A_2916 : vector<32x128xi1>, vector<32x128xi32>
    %roll3A_2918 = arith.constant 96 : i32
    %roll3A_2919 = tpu.dynamic_rotate %select_n3A_2876 by %roll3A_2918 dim 1 : vector<32x128xi32>, i32 -> vector<32x128xi32>
    %roll3A_2920 = arith.constant 32 : i32
    %roll3A_2921 = tpu.dynamic_rotate %select_n3A_2876 by %roll3A_2920 dim 1 : vector<32x128xi32>, i32 -> vector<32x128xi32>
    %select_n3A_2922 = arith.select %eq3A_2906, %roll3A_2919, %roll3A_2921 : vector<32x128xi1>, vector<32x128xi32>
    %gt3A_2923 = arith.cmpi sgt, %select_n3A_2875, %select_n3A_2917 : vector<32x128xi32>
    %eq3A_2924 = arith.cmpi eq, %select_n3A_2875, %select_n3A_2917 : vector<32x128xi32>
    %lt3A_2925 = arith.cmpi slt, %select_n3A_2876, %select_n3A_2922 : vector<32x128xi32>
    %and3A_2926 = arith.andi %eq3A_2924, %lt3A_2925 : vector<32x128xi1>
    %or3A_2927 = arith.ori %gt3A_2923, %and3A_2926 : vector<32x128xi1>
    %eq3A_2928 = arith.xori %eq3A_2906, %eq3A_2912 : vector<32x128xi1>
    %eq3A_2929 = arith.constant dense<true> : vector<32x128xi1>
    %eq3A_2930 = arith.xori %eq3A_2928, %eq3A_2929 : vector<32x128xi1>
    %eq3A_2931 = arith.xori %or3A_2927, %eq3A_2930 : vector<32x128xi1>
    %eq3A_2932 = arith.constant dense<true> : vector<32x128xi1>
    %eq3A_2933 = arith.xori %eq3A_2931, %eq3A_2932 : vector<32x128xi1>
    %select_n3A_2934 = arith.select %eq3A_2933, %select_n3A_2875, %select_n3A_2917 : vector<32x128xi1>, vector<32x128xi32>
    %select_n3A_2935 = arith.select %eq3A_2933, %select_n3A_2876, %select_n3A_2922 : vector<32x128xi1>, vector<32x128xi32>
    %roll3A_2936 = arith.constant 96 : i32
    %roll3A_2937 = tpu.dynamic_rotate %select_n3A_2882 by %roll3A_2936 dim 1 : vector<32x128xf32>, i32 -> vector<32x128xf32>
    %roll3A_2938 = arith.constant 32 : i32
    %roll3A_2939 = tpu.dynamic_rotate %select_n3A_2882 by %roll3A_2938 dim 1 : vector<32x128xf32>, i32 -> vector<32x128xf32>
    %select_n3A_2940 = arith.select %eq3A_2906, %roll3A_2937, %roll3A_2939 : vector<32x128xi1>, vector<32x128xf32>
    %select_n3A_2941 = arith.select %eq3A_2933, %select_n3A_2882, %select_n3A_2940 : vector<32x128xi1>, vector<32x128xf32>
    %roll3A_2942 = arith.constant 96 : i32
    %roll3A_2943 = tpu.dynamic_rotate %select_n3A_2888 by %roll3A_2942 dim 1 : vector<32x128xf32>, i32 -> vector<32x128xf32>
    %roll3A_2944 = arith.constant 32 : i32
    %roll3A_2945 = tpu.dynamic_rotate %select_n3A_2888 by %roll3A_2944 dim 1 : vector<32x128xf32>, i32 -> vector<32x128xf32>
    %select_n3A_2946 = arith.select %eq3A_2906, %roll3A_2943, %roll3A_2945 : vector<32x128xi1>, vector<32x128xf32>
    %select_n3A_2947 = arith.select %eq3A_2933, %select_n3A_2888, %select_n3A_2946 : vector<32x128xi1>, vector<32x128xf32>
    %roll3A_2948 = arith.constant 96 : i32
    %roll3A_2949 = tpu.dynamic_rotate %select_n3A_2894 by %roll3A_2948 dim 1 : vector<32x128xf32>, i32 -> vector<32x128xf32>
    %roll3A_2950 = arith.constant 32 : i32
    %roll3A_2951 = tpu.dynamic_rotate %select_n3A_2894 by %roll3A_2950 dim 1 : vector<32x128xf32>, i32 -> vector<32x128xf32>
    %select_n3A_2952 = arith.select %eq3A_2906, %roll3A_2949, %roll3A_2951 : vector<32x128xi1>, vector<32x128xf32>
    %select_n3A_2953 = arith.select %eq3A_2933, %select_n3A_2894, %select_n3A_2952 : vector<32x128xi1>, vector<32x128xf32>
    %roll3A_2954 = arith.constant 96 : i32
    %roll3A_2955 = tpu.dynamic_rotate %select_n3A_2900 by %roll3A_2954 dim 1 : vector<32x128xf32>, i32 -> vector<32x128xf32>
    %roll3A_2956 = arith.constant 32 : i32
    %roll3A_2957 = tpu.dynamic_rotate %select_n3A_2900 by %roll3A_2956 dim 1 : vector<32x128xf32>, i32 -> vector<32x128xf32>
    %select_n3A_2958 = arith.select %eq3A_2906, %roll3A_2955, %roll3A_2957 : vector<32x128xi1>, vector<32x128xf32>
    %select_n3A_2959 = arith.select %eq3A_2933, %select_n3A_2900, %select_n3A_2958 : vector<32x128xi1>, vector<32x128xf32>
    %and3A_2960 = arith.constant 16 : i32
    %and3A_2961 = vector.broadcast %and3A_2960 : i32 to vector<32x128xi32>
    %and3A_2962 = arith.andi %add3A, %and3A_2961 : vector<32x128xi32>
    %eq3A_2963 = arith.constant 0 : i32
    %eq3A_2964 = vector.broadcast %eq3A_2963 : i32 to vector<32x128xi32>
    %eq3A_2965 = arith.cmpi eq, %and3A_2962, %eq3A_2964 : vector<32x128xi32>
    %and3A_2966 = arith.constant 1024 : i32
    %and3A_2967 = vector.broadcast %and3A_2966 : i32 to vector<32x128xi32>
    %and3A_2968 = arith.andi %add3A, %and3A_2967 : vector<32x128xi32>
    %eq3A_2969 = arith.constant 0 : i32
    %eq3A_2970 = vector.broadcast %eq3A_2969 : i32 to vector<32x128xi32>
    %eq3A_2971 = arith.cmpi eq, %and3A_2968, %eq3A_2970 : vector<32x128xi32>
    %roll3A_2972 = arith.constant 112 : i32
    %roll3A_2973 = tpu.dynamic_rotate %select_n3A_2934 by %roll3A_2972 dim 1 : vector<32x128xi32>, i32 -> vector<32x128xi32>
    %roll3A_2974 = arith.constant 16 : i32
    %roll3A_2975 = tpu.dynamic_rotate %select_n3A_2934 by %roll3A_2974 dim 1 : vector<32x128xi32>, i32 -> vector<32x128xi32>
    %select_n3A_2976 = arith.select %eq3A_2965, %roll3A_2973, %roll3A_2975 : vector<32x128xi1>, vector<32x128xi32>
    %roll3A_2977 = arith.constant 112 : i32
    %roll3A_2978 = tpu.dynamic_rotate %select_n3A_2935 by %roll3A_2977 dim 1 : vector<32x128xi32>, i32 -> vector<32x128xi32>
    %roll3A_2979 = arith.constant 16 : i32
    %roll3A_2980 = tpu.dynamic_rotate %select_n3A_2935 by %roll3A_2979 dim 1 : vector<32x128xi32>, i32 -> vector<32x128xi32>
    %select_n3A_2981 = arith.select %eq3A_2965, %roll3A_2978, %roll3A_2980 : vector<32x128xi1>, vector<32x128xi32>
    %gt3A_2982 = arith.cmpi sgt, %select_n3A_2934, %select_n3A_2976 : vector<32x128xi32>
    %eq3A_2983 = arith.cmpi eq, %select_n3A_2934, %select_n3A_2976 : vector<32x128xi32>
    %lt3A_2984 = arith.cmpi slt, %select_n3A_2935, %select_n3A_2981 : vector<32x128xi32>
    %and3A_2985 = arith.andi %eq3A_2983, %lt3A_2984 : vector<32x128xi1>
    %or3A_2986 = arith.ori %gt3A_2982, %and3A_2985 : vector<32x128xi1>
    %eq3A_2987 = arith.xori %eq3A_2965, %eq3A_2971 : vector<32x128xi1>
    %eq3A_2988 = arith.constant dense<true> : vector<32x128xi1>
    %eq3A_2989 = arith.xori %eq3A_2987, %eq3A_2988 : vector<32x128xi1>
    %eq3A_2990 = arith.xori %or3A_2986, %eq3A_2989 : vector<32x128xi1>
    %eq3A_2991 = arith.constant dense<true> : vector<32x128xi1>
    %eq3A_2992 = arith.xori %eq3A_2990, %eq3A_2991 : vector<32x128xi1>
    %select_n3A_2993 = arith.select %eq3A_2992, %select_n3A_2934, %select_n3A_2976 : vector<32x128xi1>, vector<32x128xi32>
    %select_n3A_2994 = arith.select %eq3A_2992, %select_n3A_2935, %select_n3A_2981 : vector<32x128xi1>, vector<32x128xi32>
    %roll3A_2995 = arith.constant 112 : i32
    %roll3A_2996 = tpu.dynamic_rotate %select_n3A_2941 by %roll3A_2995 dim 1 : vector<32x128xf32>, i32 -> vector<32x128xf32>
    %roll3A_2997 = arith.constant 16 : i32
    %roll3A_2998 = tpu.dynamic_rotate %select_n3A_2941 by %roll3A_2997 dim 1 : vector<32x128xf32>, i32 -> vector<32x128xf32>
    %select_n3A_2999 = arith.select %eq3A_2965, %roll3A_2996, %roll3A_2998 : vector<32x128xi1>, vector<32x128xf32>
    %select_n3A_3000 = arith.select %eq3A_2992, %select_n3A_2941, %select_n3A_2999 : vector<32x128xi1>, vector<32x128xf32>
    %roll3A_3001 = arith.constant 112 : i32
    %roll3A_3002 = tpu.dynamic_rotate %select_n3A_2947 by %roll3A_3001 dim 1 : vector<32x128xf32>, i32 -> vector<32x128xf32>
    %roll3A_3003 = arith.constant 16 : i32
    %roll3A_3004 = tpu.dynamic_rotate %select_n3A_2947 by %roll3A_3003 dim 1 : vector<32x128xf32>, i32 -> vector<32x128xf32>
    %select_n3A_3005 = arith.select %eq3A_2965, %roll3A_3002, %roll3A_3004 : vector<32x128xi1>, vector<32x128xf32>
    %select_n3A_3006 = arith.select %eq3A_2992, %select_n3A_2947, %select_n3A_3005 : vector<32x128xi1>, vector<32x128xf32>
    %roll3A_3007 = arith.constant 112 : i32
    %roll3A_3008 = tpu.dynamic_rotate %select_n3A_2953 by %roll3A_3007 dim 1 : vector<32x128xf32>, i32 -> vector<32x128xf32>
    %roll3A_3009 = arith.constant 16 : i32
    %roll3A_3010 = tpu.dynamic_rotate %select_n3A_2953 by %roll3A_3009 dim 1 : vector<32x128xf32>, i32 -> vector<32x128xf32>
    %select_n3A_3011 = arith.select %eq3A_2965, %roll3A_3008, %roll3A_3010 : vector<32x128xi1>, vector<32x128xf32>
    %select_n3A_3012 = arith.select %eq3A_2992, %select_n3A_2953, %select_n3A_3011 : vector<32x128xi1>, vector<32x128xf32>
    %roll3A_3013 = arith.constant 112 : i32
    %roll3A_3014 = tpu.dynamic_rotate %select_n3A_2959 by %roll3A_3013 dim 1 : vector<32x128xf32>, i32 -> vector<32x128xf32>
    %roll3A_3015 = arith.constant 16 : i32
    %roll3A_3016 = tpu.dynamic_rotate %select_n3A_2959 by %roll3A_3015 dim 1 : vector<32x128xf32>, i32 -> vector<32x128xf32>
    %select_n3A_3017 = arith.select %eq3A_2965, %roll3A_3014, %roll3A_3016 : vector<32x128xi1>, vector<32x128xf32>
    %select_n3A_3018 = arith.select %eq3A_2992, %select_n3A_2959, %select_n3A_3017 : vector<32x128xi1>, vector<32x128xf32>
    %and3A_3019 = arith.constant 8 : i32
    %and3A_3020 = vector.broadcast %and3A_3019 : i32 to vector<32x128xi32>
    %and3A_3021 = arith.andi %add3A, %and3A_3020 : vector<32x128xi32>
    %eq3A_3022 = arith.constant 0 : i32
    %eq3A_3023 = vector.broadcast %eq3A_3022 : i32 to vector<32x128xi32>
    %eq3A_3024 = arith.cmpi eq, %and3A_3021, %eq3A_3023 : vector<32x128xi32>
    %and3A_3025 = arith.constant 1024 : i32
    %and3A_3026 = vector.broadcast %and3A_3025 : i32 to vector<32x128xi32>
    %and3A_3027 = arith.andi %add3A, %and3A_3026 : vector<32x128xi32>
    %eq3A_3028 = arith.constant 0 : i32
    %eq3A_3029 = vector.broadcast %eq3A_3028 : i32 to vector<32x128xi32>
    %eq3A_3030 = arith.cmpi eq, %and3A_3027, %eq3A_3029 : vector<32x128xi32>
    %roll3A_3031 = arith.constant 120 : i32
    %roll3A_3032 = tpu.dynamic_rotate %select_n3A_2993 by %roll3A_3031 dim 1 : vector<32x128xi32>, i32 -> vector<32x128xi32>
    %roll3A_3033 = arith.constant 8 : i32
    %roll3A_3034 = tpu.dynamic_rotate %select_n3A_2993 by %roll3A_3033 dim 1 : vector<32x128xi32>, i32 -> vector<32x128xi32>
    %select_n3A_3035 = arith.select %eq3A_3024, %roll3A_3032, %roll3A_3034 : vector<32x128xi1>, vector<32x128xi32>
    %roll3A_3036 = arith.constant 120 : i32
    %roll3A_3037 = tpu.dynamic_rotate %select_n3A_2994 by %roll3A_3036 dim 1 : vector<32x128xi32>, i32 -> vector<32x128xi32>
    %roll3A_3038 = arith.constant 8 : i32
    %roll3A_3039 = tpu.dynamic_rotate %select_n3A_2994 by %roll3A_3038 dim 1 : vector<32x128xi32>, i32 -> vector<32x128xi32>
    %select_n3A_3040 = arith.select %eq3A_3024, %roll3A_3037, %roll3A_3039 : vector<32x128xi1>, vector<32x128xi32>
    %gt3A_3041 = arith.cmpi sgt, %select_n3A_2993, %select_n3A_3035 : vector<32x128xi32>
    %eq3A_3042 = arith.cmpi eq, %select_n3A_2993, %select_n3A_3035 : vector<32x128xi32>
    %lt3A_3043 = arith.cmpi slt, %select_n3A_2994, %select_n3A_3040 : vector<32x128xi32>
    %and3A_3044 = arith.andi %eq3A_3042, %lt3A_3043 : vector<32x128xi1>
    %or3A_3045 = arith.ori %gt3A_3041, %and3A_3044 : vector<32x128xi1>
    %eq3A_3046 = arith.xori %eq3A_3024, %eq3A_3030 : vector<32x128xi1>
    %eq3A_3047 = arith.constant dense<true> : vector<32x128xi1>
    %eq3A_3048 = arith.xori %eq3A_3046, %eq3A_3047 : vector<32x128xi1>
    %eq3A_3049 = arith.xori %or3A_3045, %eq3A_3048 : vector<32x128xi1>
    %eq3A_3050 = arith.constant dense<true> : vector<32x128xi1>
    %eq3A_3051 = arith.xori %eq3A_3049, %eq3A_3050 : vector<32x128xi1>
    %select_n3A_3052 = arith.select %eq3A_3051, %select_n3A_2993, %select_n3A_3035 : vector<32x128xi1>, vector<32x128xi32>
    %select_n3A_3053 = arith.select %eq3A_3051, %select_n3A_2994, %select_n3A_3040 : vector<32x128xi1>, vector<32x128xi32>
    %roll3A_3054 = arith.constant 120 : i32
    %roll3A_3055 = tpu.dynamic_rotate %select_n3A_3000 by %roll3A_3054 dim 1 : vector<32x128xf32>, i32 -> vector<32x128xf32>
    %roll3A_3056 = arith.constant 8 : i32
    %roll3A_3057 = tpu.dynamic_rotate %select_n3A_3000 by %roll3A_3056 dim 1 : vector<32x128xf32>, i32 -> vector<32x128xf32>
    %select_n3A_3058 = arith.select %eq3A_3024, %roll3A_3055, %roll3A_3057 : vector<32x128xi1>, vector<32x128xf32>
    %select_n3A_3059 = arith.select %eq3A_3051, %select_n3A_3000, %select_n3A_3058 : vector<32x128xi1>, vector<32x128xf32>
    %roll3A_3060 = arith.constant 120 : i32
    %roll3A_3061 = tpu.dynamic_rotate %select_n3A_3006 by %roll3A_3060 dim 1 : vector<32x128xf32>, i32 -> vector<32x128xf32>
    %roll3A_3062 = arith.constant 8 : i32
    %roll3A_3063 = tpu.dynamic_rotate %select_n3A_3006 by %roll3A_3062 dim 1 : vector<32x128xf32>, i32 -> vector<32x128xf32>
    %select_n3A_3064 = arith.select %eq3A_3024, %roll3A_3061, %roll3A_3063 : vector<32x128xi1>, vector<32x128xf32>
    %select_n3A_3065 = arith.select %eq3A_3051, %select_n3A_3006, %select_n3A_3064 : vector<32x128xi1>, vector<32x128xf32>
    %roll3A_3066 = arith.constant 120 : i32
    %roll3A_3067 = tpu.dynamic_rotate %select_n3A_3012 by %roll3A_3066 dim 1 : vector<32x128xf32>, i32 -> vector<32x128xf32>
    %roll3A_3068 = arith.constant 8 : i32
    %roll3A_3069 = tpu.dynamic_rotate %select_n3A_3012 by %roll3A_3068 dim 1 : vector<32x128xf32>, i32 -> vector<32x128xf32>
    %select_n3A_3070 = arith.select %eq3A_3024, %roll3A_3067, %roll3A_3069 : vector<32x128xi1>, vector<32x128xf32>
    %select_n3A_3071 = arith.select %eq3A_3051, %select_n3A_3012, %select_n3A_3070 : vector<32x128xi1>, vector<32x128xf32>
    %roll3A_3072 = arith.constant 120 : i32
    %roll3A_3073 = tpu.dynamic_rotate %select_n3A_3018 by %roll3A_3072 dim 1 : vector<32x128xf32>, i32 -> vector<32x128xf32>
    %roll3A_3074 = arith.constant 8 : i32
    %roll3A_3075 = tpu.dynamic_rotate %select_n3A_3018 by %roll3A_3074 dim 1 : vector<32x128xf32>, i32 -> vector<32x128xf32>
    %select_n3A_3076 = arith.select %eq3A_3024, %roll3A_3073, %roll3A_3075 : vector<32x128xi1>, vector<32x128xf32>
    %select_n3A_3077 = arith.select %eq3A_3051, %select_n3A_3018, %select_n3A_3076 : vector<32x128xi1>, vector<32x128xf32>
    %and3A_3078 = arith.constant 4 : i32
    %and3A_3079 = vector.broadcast %and3A_3078 : i32 to vector<32x128xi32>
    %and3A_3080 = arith.andi %add3A, %and3A_3079 : vector<32x128xi32>
    %eq3A_3081 = arith.constant 0 : i32
    %eq3A_3082 = vector.broadcast %eq3A_3081 : i32 to vector<32x128xi32>
    %eq3A_3083 = arith.cmpi eq, %and3A_3080, %eq3A_3082 : vector<32x128xi32>
    %and3A_3084 = arith.constant 1024 : i32
    %and3A_3085 = vector.broadcast %and3A_3084 : i32 to vector<32x128xi32>
    %and3A_3086 = arith.andi %add3A, %and3A_3085 : vector<32x128xi32>
    %eq3A_3087 = arith.constant 0 : i32
    %eq3A_3088 = vector.broadcast %eq3A_3087 : i32 to vector<32x128xi32>
    %eq3A_3089 = arith.cmpi eq, %and3A_3086, %eq3A_3088 : vector<32x128xi32>
    %roll3A_3090 = arith.constant 124 : i32
    %roll3A_3091 = tpu.dynamic_rotate %select_n3A_3052 by %roll3A_3090 dim 1 : vector<32x128xi32>, i32 -> vector<32x128xi32>
    %roll3A_3092 = arith.constant 4 : i32
    %roll3A_3093 = tpu.dynamic_rotate %select_n3A_3052 by %roll3A_3092 dim 1 : vector<32x128xi32>, i32 -> vector<32x128xi32>
    %select_n3A_3094 = arith.select %eq3A_3083, %roll3A_3091, %roll3A_3093 : vector<32x128xi1>, vector<32x128xi32>
    %roll3A_3095 = arith.constant 124 : i32
    %roll3A_3096 = tpu.dynamic_rotate %select_n3A_3053 by %roll3A_3095 dim 1 : vector<32x128xi32>, i32 -> vector<32x128xi32>
    %roll3A_3097 = arith.constant 4 : i32
    %roll3A_3098 = tpu.dynamic_rotate %select_n3A_3053 by %roll3A_3097 dim 1 : vector<32x128xi32>, i32 -> vector<32x128xi32>
    %select_n3A_3099 = arith.select %eq3A_3083, %roll3A_3096, %roll3A_3098 : vector<32x128xi1>, vector<32x128xi32>
    %gt3A_3100 = arith.cmpi sgt, %select_n3A_3052, %select_n3A_3094 : vector<32x128xi32>
    %eq3A_3101 = arith.cmpi eq, %select_n3A_3052, %select_n3A_3094 : vector<32x128xi32>
    %lt3A_3102 = arith.cmpi slt, %select_n3A_3053, %select_n3A_3099 : vector<32x128xi32>
    %and3A_3103 = arith.andi %eq3A_3101, %lt3A_3102 : vector<32x128xi1>
    %or3A_3104 = arith.ori %gt3A_3100, %and3A_3103 : vector<32x128xi1>
    %eq3A_3105 = arith.xori %eq3A_3083, %eq3A_3089 : vector<32x128xi1>
    %eq3A_3106 = arith.constant dense<true> : vector<32x128xi1>
    %eq3A_3107 = arith.xori %eq3A_3105, %eq3A_3106 : vector<32x128xi1>
    %eq3A_3108 = arith.xori %or3A_3104, %eq3A_3107 : vector<32x128xi1>
    %eq3A_3109 = arith.constant dense<true> : vector<32x128xi1>
    %eq3A_3110 = arith.xori %eq3A_3108, %eq3A_3109 : vector<32x128xi1>
    %select_n3A_3111 = arith.select %eq3A_3110, %select_n3A_3052, %select_n3A_3094 : vector<32x128xi1>, vector<32x128xi32>
    %select_n3A_3112 = arith.select %eq3A_3110, %select_n3A_3053, %select_n3A_3099 : vector<32x128xi1>, vector<32x128xi32>
    %roll3A_3113 = arith.constant 124 : i32
    %roll3A_3114 = tpu.dynamic_rotate %select_n3A_3059 by %roll3A_3113 dim 1 : vector<32x128xf32>, i32 -> vector<32x128xf32>
    %roll3A_3115 = arith.constant 4 : i32
    %roll3A_3116 = tpu.dynamic_rotate %select_n3A_3059 by %roll3A_3115 dim 1 : vector<32x128xf32>, i32 -> vector<32x128xf32>
    %select_n3A_3117 = arith.select %eq3A_3083, %roll3A_3114, %roll3A_3116 : vector<32x128xi1>, vector<32x128xf32>
    %select_n3A_3118 = arith.select %eq3A_3110, %select_n3A_3059, %select_n3A_3117 : vector<32x128xi1>, vector<32x128xf32>
    %roll3A_3119 = arith.constant 124 : i32
    %roll3A_3120 = tpu.dynamic_rotate %select_n3A_3065 by %roll3A_3119 dim 1 : vector<32x128xf32>, i32 -> vector<32x128xf32>
    %roll3A_3121 = arith.constant 4 : i32
    %roll3A_3122 = tpu.dynamic_rotate %select_n3A_3065 by %roll3A_3121 dim 1 : vector<32x128xf32>, i32 -> vector<32x128xf32>
    %select_n3A_3123 = arith.select %eq3A_3083, %roll3A_3120, %roll3A_3122 : vector<32x128xi1>, vector<32x128xf32>
    %select_n3A_3124 = arith.select %eq3A_3110, %select_n3A_3065, %select_n3A_3123 : vector<32x128xi1>, vector<32x128xf32>
    %roll3A_3125 = arith.constant 124 : i32
    %roll3A_3126 = tpu.dynamic_rotate %select_n3A_3071 by %roll3A_3125 dim 1 : vector<32x128xf32>, i32 -> vector<32x128xf32>
    %roll3A_3127 = arith.constant 4 : i32
    %roll3A_3128 = tpu.dynamic_rotate %select_n3A_3071 by %roll3A_3127 dim 1 : vector<32x128xf32>, i32 -> vector<32x128xf32>
    %select_n3A_3129 = arith.select %eq3A_3083, %roll3A_3126, %roll3A_3128 : vector<32x128xi1>, vector<32x128xf32>
    %select_n3A_3130 = arith.select %eq3A_3110, %select_n3A_3071, %select_n3A_3129 : vector<32x128xi1>, vector<32x128xf32>
    %roll3A_3131 = arith.constant 124 : i32
    %roll3A_3132 = tpu.dynamic_rotate %select_n3A_3077 by %roll3A_3131 dim 1 : vector<32x128xf32>, i32 -> vector<32x128xf32>
    %roll3A_3133 = arith.constant 4 : i32
    %roll3A_3134 = tpu.dynamic_rotate %select_n3A_3077 by %roll3A_3133 dim 1 : vector<32x128xf32>, i32 -> vector<32x128xf32>
    %select_n3A_3135 = arith.select %eq3A_3083, %roll3A_3132, %roll3A_3134 : vector<32x128xi1>, vector<32x128xf32>
    %select_n3A_3136 = arith.select %eq3A_3110, %select_n3A_3077, %select_n3A_3135 : vector<32x128xi1>, vector<32x128xf32>
    %and3A_3137 = arith.constant 2 : i32
    %and3A_3138 = vector.broadcast %and3A_3137 : i32 to vector<32x128xi32>
    %and3A_3139 = arith.andi %add3A, %and3A_3138 : vector<32x128xi32>
    %eq3A_3140 = arith.constant 0 : i32
    %eq3A_3141 = vector.broadcast %eq3A_3140 : i32 to vector<32x128xi32>
    %eq3A_3142 = arith.cmpi eq, %and3A_3139, %eq3A_3141 : vector<32x128xi32>
    %and3A_3143 = arith.constant 1024 : i32
    %and3A_3144 = vector.broadcast %and3A_3143 : i32 to vector<32x128xi32>
    %and3A_3145 = arith.andi %add3A, %and3A_3144 : vector<32x128xi32>
    %eq3A_3146 = arith.constant 0 : i32
    %eq3A_3147 = vector.broadcast %eq3A_3146 : i32 to vector<32x128xi32>
    %eq3A_3148 = arith.cmpi eq, %and3A_3145, %eq3A_3147 : vector<32x128xi32>
    %roll3A_3149 = arith.constant 126 : i32
    %roll3A_3150 = tpu.dynamic_rotate %select_n3A_3111 by %roll3A_3149 dim 1 : vector<32x128xi32>, i32 -> vector<32x128xi32>
    %roll3A_3151 = arith.constant 2 : i32
    %roll3A_3152 = tpu.dynamic_rotate %select_n3A_3111 by %roll3A_3151 dim 1 : vector<32x128xi32>, i32 -> vector<32x128xi32>
    %select_n3A_3153 = arith.select %eq3A_3142, %roll3A_3150, %roll3A_3152 : vector<32x128xi1>, vector<32x128xi32>
    %roll3A_3154 = arith.constant 126 : i32
    %roll3A_3155 = tpu.dynamic_rotate %select_n3A_3112 by %roll3A_3154 dim 1 : vector<32x128xi32>, i32 -> vector<32x128xi32>
    %roll3A_3156 = arith.constant 2 : i32
    %roll3A_3157 = tpu.dynamic_rotate %select_n3A_3112 by %roll3A_3156 dim 1 : vector<32x128xi32>, i32 -> vector<32x128xi32>
    %select_n3A_3158 = arith.select %eq3A_3142, %roll3A_3155, %roll3A_3157 : vector<32x128xi1>, vector<32x128xi32>
    %gt3A_3159 = arith.cmpi sgt, %select_n3A_3111, %select_n3A_3153 : vector<32x128xi32>
    %eq3A_3160 = arith.cmpi eq, %select_n3A_3111, %select_n3A_3153 : vector<32x128xi32>
    %lt3A_3161 = arith.cmpi slt, %select_n3A_3112, %select_n3A_3158 : vector<32x128xi32>
    %and3A_3162 = arith.andi %eq3A_3160, %lt3A_3161 : vector<32x128xi1>
    %or3A_3163 = arith.ori %gt3A_3159, %and3A_3162 : vector<32x128xi1>
    %eq3A_3164 = arith.xori %eq3A_3142, %eq3A_3148 : vector<32x128xi1>
    %eq3A_3165 = arith.constant dense<true> : vector<32x128xi1>
    %eq3A_3166 = arith.xori %eq3A_3164, %eq3A_3165 : vector<32x128xi1>
    %eq3A_3167 = arith.xori %or3A_3163, %eq3A_3166 : vector<32x128xi1>
    %eq3A_3168 = arith.constant dense<true> : vector<32x128xi1>
    %eq3A_3169 = arith.xori %eq3A_3167, %eq3A_3168 : vector<32x128xi1>
    %select_n3A_3170 = arith.select %eq3A_3169, %select_n3A_3111, %select_n3A_3153 : vector<32x128xi1>, vector<32x128xi32>
    %select_n3A_3171 = arith.select %eq3A_3169, %select_n3A_3112, %select_n3A_3158 : vector<32x128xi1>, vector<32x128xi32>
    %roll3A_3172 = arith.constant 126 : i32
    %roll3A_3173 = tpu.dynamic_rotate %select_n3A_3118 by %roll3A_3172 dim 1 : vector<32x128xf32>, i32 -> vector<32x128xf32>
    %roll3A_3174 = arith.constant 2 : i32
    %roll3A_3175 = tpu.dynamic_rotate %select_n3A_3118 by %roll3A_3174 dim 1 : vector<32x128xf32>, i32 -> vector<32x128xf32>
    %select_n3A_3176 = arith.select %eq3A_3142, %roll3A_3173, %roll3A_3175 : vector<32x128xi1>, vector<32x128xf32>
    %select_n3A_3177 = arith.select %eq3A_3169, %select_n3A_3118, %select_n3A_3176 : vector<32x128xi1>, vector<32x128xf32>
    %roll3A_3178 = arith.constant 126 : i32
    %roll3A_3179 = tpu.dynamic_rotate %select_n3A_3124 by %roll3A_3178 dim 1 : vector<32x128xf32>, i32 -> vector<32x128xf32>
    %roll3A_3180 = arith.constant 2 : i32
    %roll3A_3181 = tpu.dynamic_rotate %select_n3A_3124 by %roll3A_3180 dim 1 : vector<32x128xf32>, i32 -> vector<32x128xf32>
    %select_n3A_3182 = arith.select %eq3A_3142, %roll3A_3179, %roll3A_3181 : vector<32x128xi1>, vector<32x128xf32>
    %select_n3A_3183 = arith.select %eq3A_3169, %select_n3A_3124, %select_n3A_3182 : vector<32x128xi1>, vector<32x128xf32>
    %roll3A_3184 = arith.constant 126 : i32
    %roll3A_3185 = tpu.dynamic_rotate %select_n3A_3130 by %roll3A_3184 dim 1 : vector<32x128xf32>, i32 -> vector<32x128xf32>
    %roll3A_3186 = arith.constant 2 : i32
    %roll3A_3187 = tpu.dynamic_rotate %select_n3A_3130 by %roll3A_3186 dim 1 : vector<32x128xf32>, i32 -> vector<32x128xf32>
    %select_n3A_3188 = arith.select %eq3A_3142, %roll3A_3185, %roll3A_3187 : vector<32x128xi1>, vector<32x128xf32>
    %select_n3A_3189 = arith.select %eq3A_3169, %select_n3A_3130, %select_n3A_3188 : vector<32x128xi1>, vector<32x128xf32>
    %roll3A_3190 = arith.constant 126 : i32
    %roll3A_3191 = tpu.dynamic_rotate %select_n3A_3136 by %roll3A_3190 dim 1 : vector<32x128xf32>, i32 -> vector<32x128xf32>
    %roll3A_3192 = arith.constant 2 : i32
    %roll3A_3193 = tpu.dynamic_rotate %select_n3A_3136 by %roll3A_3192 dim 1 : vector<32x128xf32>, i32 -> vector<32x128xf32>
    %select_n3A_3194 = arith.select %eq3A_3142, %roll3A_3191, %roll3A_3193 : vector<32x128xi1>, vector<32x128xf32>
    %select_n3A_3195 = arith.select %eq3A_3169, %select_n3A_3136, %select_n3A_3194 : vector<32x128xi1>, vector<32x128xf32>
    %and3A_3196 = arith.constant 1 : i32
    %and3A_3197 = vector.broadcast %and3A_3196 : i32 to vector<32x128xi32>
    %and3A_3198 = arith.andi %add3A, %and3A_3197 : vector<32x128xi32>
    %eq3A_3199 = arith.constant 0 : i32
    %eq3A_3200 = vector.broadcast %eq3A_3199 : i32 to vector<32x128xi32>
    %eq3A_3201 = arith.cmpi eq, %and3A_3198, %eq3A_3200 : vector<32x128xi32>
    %and3A_3202 = arith.constant 1024 : i32
    %and3A_3203 = vector.broadcast %and3A_3202 : i32 to vector<32x128xi32>
    %and3A_3204 = arith.andi %add3A, %and3A_3203 : vector<32x128xi32>
    %eq3A_3205 = arith.constant 0 : i32
    %eq3A_3206 = vector.broadcast %eq3A_3205 : i32 to vector<32x128xi32>
    %eq3A_3207 = arith.cmpi eq, %and3A_3204, %eq3A_3206 : vector<32x128xi32>
    %roll3A_3208 = arith.constant 127 : i32
    %roll3A_3209 = tpu.dynamic_rotate %select_n3A_3170 by %roll3A_3208 dim 1 : vector<32x128xi32>, i32 -> vector<32x128xi32>
    %roll3A_3210 = arith.constant 1 : i32
    %roll3A_3211 = tpu.dynamic_rotate %select_n3A_3170 by %roll3A_3210 dim 1 : vector<32x128xi32>, i32 -> vector<32x128xi32>
    %select_n3A_3212 = arith.select %eq3A_3201, %roll3A_3209, %roll3A_3211 : vector<32x128xi1>, vector<32x128xi32>
    %roll3A_3213 = arith.constant 127 : i32
    %roll3A_3214 = tpu.dynamic_rotate %select_n3A_3171 by %roll3A_3213 dim 1 : vector<32x128xi32>, i32 -> vector<32x128xi32>
    %roll3A_3215 = arith.constant 1 : i32
    %roll3A_3216 = tpu.dynamic_rotate %select_n3A_3171 by %roll3A_3215 dim 1 : vector<32x128xi32>, i32 -> vector<32x128xi32>
    %select_n3A_3217 = arith.select %eq3A_3201, %roll3A_3214, %roll3A_3216 : vector<32x128xi1>, vector<32x128xi32>
    %gt3A_3218 = arith.cmpi sgt, %select_n3A_3170, %select_n3A_3212 : vector<32x128xi32>
    %eq3A_3219 = arith.cmpi eq, %select_n3A_3170, %select_n3A_3212 : vector<32x128xi32>
    %lt3A_3220 = arith.cmpi slt, %select_n3A_3171, %select_n3A_3217 : vector<32x128xi32>
    %and3A_3221 = arith.andi %eq3A_3219, %lt3A_3220 : vector<32x128xi1>
    %or3A_3222 = arith.ori %gt3A_3218, %and3A_3221 : vector<32x128xi1>
    %eq3A_3223 = arith.xori %eq3A_3201, %eq3A_3207 : vector<32x128xi1>
    %eq3A_3224 = arith.constant dense<true> : vector<32x128xi1>
    %eq3A_3225 = arith.xori %eq3A_3223, %eq3A_3224 : vector<32x128xi1>
    %eq3A_3226 = arith.xori %or3A_3222, %eq3A_3225 : vector<32x128xi1>
    %eq3A_3227 = arith.constant dense<true> : vector<32x128xi1>
    %eq3A_3228 = arith.xori %eq3A_3226, %eq3A_3227 : vector<32x128xi1>
    %select_n3A_3229 = arith.select %eq3A_3228, %select_n3A_3170, %select_n3A_3212 : vector<32x128xi1>, vector<32x128xi32>
    %select_n3A_3230 = arith.select %eq3A_3228, %select_n3A_3171, %select_n3A_3217 : vector<32x128xi1>, vector<32x128xi32>
    %roll3A_3231 = arith.constant 127 : i32
    %roll3A_3232 = tpu.dynamic_rotate %select_n3A_3177 by %roll3A_3231 dim 1 : vector<32x128xf32>, i32 -> vector<32x128xf32>
    %roll3A_3233 = arith.constant 1 : i32
    %roll3A_3234 = tpu.dynamic_rotate %select_n3A_3177 by %roll3A_3233 dim 1 : vector<32x128xf32>, i32 -> vector<32x128xf32>
    %select_n3A_3235 = arith.select %eq3A_3201, %roll3A_3232, %roll3A_3234 : vector<32x128xi1>, vector<32x128xf32>
    %select_n3A_3236 = arith.select %eq3A_3228, %select_n3A_3177, %select_n3A_3235 : vector<32x128xi1>, vector<32x128xf32>
    %roll3A_3237 = arith.constant 127 : i32
    %roll3A_3238 = tpu.dynamic_rotate %select_n3A_3183 by %roll3A_3237 dim 1 : vector<32x128xf32>, i32 -> vector<32x128xf32>
    %roll3A_3239 = arith.constant 1 : i32
    %roll3A_3240 = tpu.dynamic_rotate %select_n3A_3183 by %roll3A_3239 dim 1 : vector<32x128xf32>, i32 -> vector<32x128xf32>
    %select_n3A_3241 = arith.select %eq3A_3201, %roll3A_3238, %roll3A_3240 : vector<32x128xi1>, vector<32x128xf32>
    %select_n3A_3242 = arith.select %eq3A_3228, %select_n3A_3183, %select_n3A_3241 : vector<32x128xi1>, vector<32x128xf32>
    %roll3A_3243 = arith.constant 127 : i32
    %roll3A_3244 = tpu.dynamic_rotate %select_n3A_3189 by %roll3A_3243 dim 1 : vector<32x128xf32>, i32 -> vector<32x128xf32>
    %roll3A_3245 = arith.constant 1 : i32
    %roll3A_3246 = tpu.dynamic_rotate %select_n3A_3189 by %roll3A_3245 dim 1 : vector<32x128xf32>, i32 -> vector<32x128xf32>
    %select_n3A_3247 = arith.select %eq3A_3201, %roll3A_3244, %roll3A_3246 : vector<32x128xi1>, vector<32x128xf32>
    %select_n3A_3248 = arith.select %eq3A_3228, %select_n3A_3189, %select_n3A_3247 : vector<32x128xi1>, vector<32x128xf32>
    %roll3A_3249 = arith.constant 127 : i32
    %roll3A_3250 = tpu.dynamic_rotate %select_n3A_3195 by %roll3A_3249 dim 1 : vector<32x128xf32>, i32 -> vector<32x128xf32>
    %roll3A_3251 = arith.constant 1 : i32
    %roll3A_3252 = tpu.dynamic_rotate %select_n3A_3195 by %roll3A_3251 dim 1 : vector<32x128xf32>, i32 -> vector<32x128xf32>
    %select_n3A_3253 = arith.select %eq3A_3201, %roll3A_3250, %roll3A_3252 : vector<32x128xi1>, vector<32x128xf32>
    %select_n3A_3254 = arith.select %eq3A_3228, %select_n3A_3195, %select_n3A_3253 : vector<32x128xi1>, vector<32x128xf32>
    %and3A_3255 = arith.constant 1024 : i32
    %and3A_3256 = vector.broadcast %and3A_3255 : i32 to vector<32x128xi32>
    %and3A_3257 = arith.andi %add3A, %and3A_3256 : vector<32x128xi32>
    %eq3A_3258 = arith.constant 0 : i32
    %eq3A_3259 = vector.broadcast %eq3A_3258 : i32 to vector<32x128xi32>
    %eq3A_3260 = arith.cmpi eq, %and3A_3257, %eq3A_3259 : vector<32x128xi32>
    %and3A_3261 = arith.constant 2048 : i32
    %and3A_3262 = vector.broadcast %and3A_3261 : i32 to vector<32x128xi32>
    %and3A_3263 = arith.andi %add3A, %and3A_3262 : vector<32x128xi32>
    %eq3A_3264 = arith.constant 0 : i32
    %eq3A_3265 = vector.broadcast %eq3A_3264 : i32 to vector<32x128xi32>
    %eq3A_3266 = arith.cmpi eq, %and3A_3263, %eq3A_3265 : vector<32x128xi32>
    %roll3A_3267 = arith.constant 24 : i32
    %roll3A_3268 = tpu.dynamic_rotate %select_n3A_3229 by %roll3A_3267 dim 0 : vector<32x128xi32>, i32 -> vector<32x128xi32>
    %roll3A_3269 = arith.constant 8 : i32
    %roll3A_3270 = tpu.dynamic_rotate %select_n3A_3229 by %roll3A_3269 dim 0 : vector<32x128xi32>, i32 -> vector<32x128xi32>
    %select_n3A_3271 = arith.select %eq3A_3260, %roll3A_3268, %roll3A_3270 : vector<32x128xi1>, vector<32x128xi32>
    %roll3A_3272 = arith.constant 24 : i32
    %roll3A_3273 = tpu.dynamic_rotate %select_n3A_3230 by %roll3A_3272 dim 0 : vector<32x128xi32>, i32 -> vector<32x128xi32>
    %roll3A_3274 = arith.constant 8 : i32
    %roll3A_3275 = tpu.dynamic_rotate %select_n3A_3230 by %roll3A_3274 dim 0 : vector<32x128xi32>, i32 -> vector<32x128xi32>
    %select_n3A_3276 = arith.select %eq3A_3260, %roll3A_3273, %roll3A_3275 : vector<32x128xi1>, vector<32x128xi32>
    %gt3A_3277 = arith.cmpi sgt, %select_n3A_3229, %select_n3A_3271 : vector<32x128xi32>
    %eq3A_3278 = arith.cmpi eq, %select_n3A_3229, %select_n3A_3271 : vector<32x128xi32>
    %lt3A_3279 = arith.cmpi slt, %select_n3A_3230, %select_n3A_3276 : vector<32x128xi32>
    %and3A_3280 = arith.andi %eq3A_3278, %lt3A_3279 : vector<32x128xi1>
    %or3A_3281 = arith.ori %gt3A_3277, %and3A_3280 : vector<32x128xi1>
    %eq3A_3282 = arith.xori %eq3A_3260, %eq3A_3266 : vector<32x128xi1>
    %eq3A_3283 = arith.constant dense<true> : vector<32x128xi1>
    %eq3A_3284 = arith.xori %eq3A_3282, %eq3A_3283 : vector<32x128xi1>
    %eq3A_3285 = arith.xori %or3A_3281, %eq3A_3284 : vector<32x128xi1>
    %eq3A_3286 = arith.constant dense<true> : vector<32x128xi1>
    %eq3A_3287 = arith.xori %eq3A_3285, %eq3A_3286 : vector<32x128xi1>
    %select_n3A_3288 = arith.select %eq3A_3287, %select_n3A_3229, %select_n3A_3271 : vector<32x128xi1>, vector<32x128xi32>
    %select_n3A_3289 = arith.select %eq3A_3287, %select_n3A_3230, %select_n3A_3276 : vector<32x128xi1>, vector<32x128xi32>
    %roll3A_3290 = arith.constant 24 : i32
    %roll3A_3291 = tpu.dynamic_rotate %select_n3A_3236 by %roll3A_3290 dim 0 : vector<32x128xf32>, i32 -> vector<32x128xf32>
    %roll3A_3292 = arith.constant 8 : i32
    %roll3A_3293 = tpu.dynamic_rotate %select_n3A_3236 by %roll3A_3292 dim 0 : vector<32x128xf32>, i32 -> vector<32x128xf32>
    %select_n3A_3294 = arith.select %eq3A_3260, %roll3A_3291, %roll3A_3293 : vector<32x128xi1>, vector<32x128xf32>
    %select_n3A_3295 = arith.select %eq3A_3287, %select_n3A_3236, %select_n3A_3294 : vector<32x128xi1>, vector<32x128xf32>
    %roll3A_3296 = arith.constant 24 : i32
    %roll3A_3297 = tpu.dynamic_rotate %select_n3A_3242 by %roll3A_3296 dim 0 : vector<32x128xf32>, i32 -> vector<32x128xf32>
    %roll3A_3298 = arith.constant 8 : i32
    %roll3A_3299 = tpu.dynamic_rotate %select_n3A_3242 by %roll3A_3298 dim 0 : vector<32x128xf32>, i32 -> vector<32x128xf32>
    %select_n3A_3300 = arith.select %eq3A_3260, %roll3A_3297, %roll3A_3299 : vector<32x128xi1>, vector<32x128xf32>
    %select_n3A_3301 = arith.select %eq3A_3287, %select_n3A_3242, %select_n3A_3300 : vector<32x128xi1>, vector<32x128xf32>
    %roll3A_3302 = arith.constant 24 : i32
    %roll3A_3303 = tpu.dynamic_rotate %select_n3A_3248 by %roll3A_3302 dim 0 : vector<32x128xf32>, i32 -> vector<32x128xf32>
    %roll3A_3304 = arith.constant 8 : i32
    %roll3A_3305 = tpu.dynamic_rotate %select_n3A_3248 by %roll3A_3304 dim 0 : vector<32x128xf32>, i32 -> vector<32x128xf32>
    %select_n3A_3306 = arith.select %eq3A_3260, %roll3A_3303, %roll3A_3305 : vector<32x128xi1>, vector<32x128xf32>
    %select_n3A_3307 = arith.select %eq3A_3287, %select_n3A_3248, %select_n3A_3306 : vector<32x128xi1>, vector<32x128xf32>
    %roll3A_3308 = arith.constant 24 : i32
    %roll3A_3309 = tpu.dynamic_rotate %select_n3A_3254 by %roll3A_3308 dim 0 : vector<32x128xf32>, i32 -> vector<32x128xf32>
    %roll3A_3310 = arith.constant 8 : i32
    %roll3A_3311 = tpu.dynamic_rotate %select_n3A_3254 by %roll3A_3310 dim 0 : vector<32x128xf32>, i32 -> vector<32x128xf32>
    %select_n3A_3312 = arith.select %eq3A_3260, %roll3A_3309, %roll3A_3311 : vector<32x128xi1>, vector<32x128xf32>
    %select_n3A_3313 = arith.select %eq3A_3287, %select_n3A_3254, %select_n3A_3312 : vector<32x128xi1>, vector<32x128xf32>
    %and3A_3314 = arith.constant 512 : i32
    %and3A_3315 = vector.broadcast %and3A_3314 : i32 to vector<32x128xi32>
    %and3A_3316 = arith.andi %add3A, %and3A_3315 : vector<32x128xi32>
    %eq3A_3317 = arith.constant 0 : i32
    %eq3A_3318 = vector.broadcast %eq3A_3317 : i32 to vector<32x128xi32>
    %eq3A_3319 = arith.cmpi eq, %and3A_3316, %eq3A_3318 : vector<32x128xi32>
    %and3A_3320 = arith.constant 2048 : i32
    %and3A_3321 = vector.broadcast %and3A_3320 : i32 to vector<32x128xi32>
    %and3A_3322 = arith.andi %add3A, %and3A_3321 : vector<32x128xi32>
    %eq3A_3323 = arith.constant 0 : i32
    %eq3A_3324 = vector.broadcast %eq3A_3323 : i32 to vector<32x128xi32>
    %eq3A_3325 = arith.cmpi eq, %and3A_3322, %eq3A_3324 : vector<32x128xi32>
    %roll3A_3326 = arith.constant 28 : i32
    %roll3A_3327 = tpu.dynamic_rotate %select_n3A_3288 by %roll3A_3326 dim 0 : vector<32x128xi32>, i32 -> vector<32x128xi32>
    %roll3A_3328 = arith.constant 4 : i32
    %roll3A_3329 = tpu.dynamic_rotate %select_n3A_3288 by %roll3A_3328 dim 0 : vector<32x128xi32>, i32 -> vector<32x128xi32>
    %select_n3A_3330 = arith.select %eq3A_3319, %roll3A_3327, %roll3A_3329 : vector<32x128xi1>, vector<32x128xi32>
    %roll3A_3331 = arith.constant 28 : i32
    %roll3A_3332 = tpu.dynamic_rotate %select_n3A_3289 by %roll3A_3331 dim 0 : vector<32x128xi32>, i32 -> vector<32x128xi32>
    %roll3A_3333 = arith.constant 4 : i32
    %roll3A_3334 = tpu.dynamic_rotate %select_n3A_3289 by %roll3A_3333 dim 0 : vector<32x128xi32>, i32 -> vector<32x128xi32>
    %select_n3A_3335 = arith.select %eq3A_3319, %roll3A_3332, %roll3A_3334 : vector<32x128xi1>, vector<32x128xi32>
    %gt3A_3336 = arith.cmpi sgt, %select_n3A_3288, %select_n3A_3330 : vector<32x128xi32>
    %eq3A_3337 = arith.cmpi eq, %select_n3A_3288, %select_n3A_3330 : vector<32x128xi32>
    %lt3A_3338 = arith.cmpi slt, %select_n3A_3289, %select_n3A_3335 : vector<32x128xi32>
    %and3A_3339 = arith.andi %eq3A_3337, %lt3A_3338 : vector<32x128xi1>
    %or3A_3340 = arith.ori %gt3A_3336, %and3A_3339 : vector<32x128xi1>
    %eq3A_3341 = arith.xori %eq3A_3319, %eq3A_3325 : vector<32x128xi1>
    %eq3A_3342 = arith.constant dense<true> : vector<32x128xi1>
    %eq3A_3343 = arith.xori %eq3A_3341, %eq3A_3342 : vector<32x128xi1>
    %eq3A_3344 = arith.xori %or3A_3340, %eq3A_3343 : vector<32x128xi1>
    %eq3A_3345 = arith.constant dense<true> : vector<32x128xi1>
    %eq3A_3346 = arith.xori %eq3A_3344, %eq3A_3345 : vector<32x128xi1>
    %select_n3A_3347 = arith.select %eq3A_3346, %select_n3A_3288, %select_n3A_3330 : vector<32x128xi1>, vector<32x128xi32>
    %select_n3A_3348 = arith.select %eq3A_3346, %select_n3A_3289, %select_n3A_3335 : vector<32x128xi1>, vector<32x128xi32>
    %roll3A_3349 = arith.constant 28 : i32
    %roll3A_3350 = tpu.dynamic_rotate %select_n3A_3295 by %roll3A_3349 dim 0 : vector<32x128xf32>, i32 -> vector<32x128xf32>
    %roll3A_3351 = arith.constant 4 : i32
    %roll3A_3352 = tpu.dynamic_rotate %select_n3A_3295 by %roll3A_3351 dim 0 : vector<32x128xf32>, i32 -> vector<32x128xf32>
    %select_n3A_3353 = arith.select %eq3A_3319, %roll3A_3350, %roll3A_3352 : vector<32x128xi1>, vector<32x128xf32>
    %select_n3A_3354 = arith.select %eq3A_3346, %select_n3A_3295, %select_n3A_3353 : vector<32x128xi1>, vector<32x128xf32>
    %roll3A_3355 = arith.constant 28 : i32
    %roll3A_3356 = tpu.dynamic_rotate %select_n3A_3301 by %roll3A_3355 dim 0 : vector<32x128xf32>, i32 -> vector<32x128xf32>
    %roll3A_3357 = arith.constant 4 : i32
    %roll3A_3358 = tpu.dynamic_rotate %select_n3A_3301 by %roll3A_3357 dim 0 : vector<32x128xf32>, i32 -> vector<32x128xf32>
    %select_n3A_3359 = arith.select %eq3A_3319, %roll3A_3356, %roll3A_3358 : vector<32x128xi1>, vector<32x128xf32>
    %select_n3A_3360 = arith.select %eq3A_3346, %select_n3A_3301, %select_n3A_3359 : vector<32x128xi1>, vector<32x128xf32>
    %roll3A_3361 = arith.constant 28 : i32
    %roll3A_3362 = tpu.dynamic_rotate %select_n3A_3307 by %roll3A_3361 dim 0 : vector<32x128xf32>, i32 -> vector<32x128xf32>
    %roll3A_3363 = arith.constant 4 : i32
    %roll3A_3364 = tpu.dynamic_rotate %select_n3A_3307 by %roll3A_3363 dim 0 : vector<32x128xf32>, i32 -> vector<32x128xf32>
    %select_n3A_3365 = arith.select %eq3A_3319, %roll3A_3362, %roll3A_3364 : vector<32x128xi1>, vector<32x128xf32>
    %select_n3A_3366 = arith.select %eq3A_3346, %select_n3A_3307, %select_n3A_3365 : vector<32x128xi1>, vector<32x128xf32>
    %roll3A_3367 = arith.constant 28 : i32
    %roll3A_3368 = tpu.dynamic_rotate %select_n3A_3313 by %roll3A_3367 dim 0 : vector<32x128xf32>, i32 -> vector<32x128xf32>
    %roll3A_3369 = arith.constant 4 : i32
    %roll3A_3370 = tpu.dynamic_rotate %select_n3A_3313 by %roll3A_3369 dim 0 : vector<32x128xf32>, i32 -> vector<32x128xf32>
    %select_n3A_3371 = arith.select %eq3A_3319, %roll3A_3368, %roll3A_3370 : vector<32x128xi1>, vector<32x128xf32>
    %select_n3A_3372 = arith.select %eq3A_3346, %select_n3A_3313, %select_n3A_3371 : vector<32x128xi1>, vector<32x128xf32>
    %and3A_3373 = arith.constant 256 : i32
    %and3A_3374 = vector.broadcast %and3A_3373 : i32 to vector<32x128xi32>
    %and3A_3375 = arith.andi %add3A, %and3A_3374 : vector<32x128xi32>
    %eq3A_3376 = arith.constant 0 : i32
    %eq3A_3377 = vector.broadcast %eq3A_3376 : i32 to vector<32x128xi32>
    %eq3A_3378 = arith.cmpi eq, %and3A_3375, %eq3A_3377 : vector<32x128xi32>
    %and3A_3379 = arith.constant 2048 : i32
    %and3A_3380 = vector.broadcast %and3A_3379 : i32 to vector<32x128xi32>
    %and3A_3381 = arith.andi %add3A, %and3A_3380 : vector<32x128xi32>
    %eq3A_3382 = arith.constant 0 : i32
    %eq3A_3383 = vector.broadcast %eq3A_3382 : i32 to vector<32x128xi32>
    %eq3A_3384 = arith.cmpi eq, %and3A_3381, %eq3A_3383 : vector<32x128xi32>
    %roll3A_3385 = arith.constant 30 : i32
    %roll3A_3386 = tpu.dynamic_rotate %select_n3A_3347 by %roll3A_3385 dim 0 : vector<32x128xi32>, i32 -> vector<32x128xi32>
    %roll3A_3387 = arith.constant 2 : i32
    %roll3A_3388 = tpu.dynamic_rotate %select_n3A_3347 by %roll3A_3387 dim 0 : vector<32x128xi32>, i32 -> vector<32x128xi32>
    %select_n3A_3389 = arith.select %eq3A_3378, %roll3A_3386, %roll3A_3388 : vector<32x128xi1>, vector<32x128xi32>
    %roll3A_3390 = arith.constant 30 : i32
    %roll3A_3391 = tpu.dynamic_rotate %select_n3A_3348 by %roll3A_3390 dim 0 : vector<32x128xi32>, i32 -> vector<32x128xi32>
    %roll3A_3392 = arith.constant 2 : i32
    %roll3A_3393 = tpu.dynamic_rotate %select_n3A_3348 by %roll3A_3392 dim 0 : vector<32x128xi32>, i32 -> vector<32x128xi32>
    %select_n3A_3394 = arith.select %eq3A_3378, %roll3A_3391, %roll3A_3393 : vector<32x128xi1>, vector<32x128xi32>
    %gt3A_3395 = arith.cmpi sgt, %select_n3A_3347, %select_n3A_3389 : vector<32x128xi32>
    %eq3A_3396 = arith.cmpi eq, %select_n3A_3347, %select_n3A_3389 : vector<32x128xi32>
    %lt3A_3397 = arith.cmpi slt, %select_n3A_3348, %select_n3A_3394 : vector<32x128xi32>
    %and3A_3398 = arith.andi %eq3A_3396, %lt3A_3397 : vector<32x128xi1>
    %or3A_3399 = arith.ori %gt3A_3395, %and3A_3398 : vector<32x128xi1>
    %eq3A_3400 = arith.xori %eq3A_3378, %eq3A_3384 : vector<32x128xi1>
    %eq3A_3401 = arith.constant dense<true> : vector<32x128xi1>
    %eq3A_3402 = arith.xori %eq3A_3400, %eq3A_3401 : vector<32x128xi1>
    %eq3A_3403 = arith.xori %or3A_3399, %eq3A_3402 : vector<32x128xi1>
    %eq3A_3404 = arith.constant dense<true> : vector<32x128xi1>
    %eq3A_3405 = arith.xori %eq3A_3403, %eq3A_3404 : vector<32x128xi1>
    %select_n3A_3406 = arith.select %eq3A_3405, %select_n3A_3347, %select_n3A_3389 : vector<32x128xi1>, vector<32x128xi32>
    %select_n3A_3407 = arith.select %eq3A_3405, %select_n3A_3348, %select_n3A_3394 : vector<32x128xi1>, vector<32x128xi32>
    %roll3A_3408 = arith.constant 30 : i32
    %roll3A_3409 = tpu.dynamic_rotate %select_n3A_3354 by %roll3A_3408 dim 0 : vector<32x128xf32>, i32 -> vector<32x128xf32>
    %roll3A_3410 = arith.constant 2 : i32
    %roll3A_3411 = tpu.dynamic_rotate %select_n3A_3354 by %roll3A_3410 dim 0 : vector<32x128xf32>, i32 -> vector<32x128xf32>
    %select_n3A_3412 = arith.select %eq3A_3378, %roll3A_3409, %roll3A_3411 : vector<32x128xi1>, vector<32x128xf32>
    %select_n3A_3413 = arith.select %eq3A_3405, %select_n3A_3354, %select_n3A_3412 : vector<32x128xi1>, vector<32x128xf32>
    %roll3A_3414 = arith.constant 30 : i32
    %roll3A_3415 = tpu.dynamic_rotate %select_n3A_3360 by %roll3A_3414 dim 0 : vector<32x128xf32>, i32 -> vector<32x128xf32>
    %roll3A_3416 = arith.constant 2 : i32
    %roll3A_3417 = tpu.dynamic_rotate %select_n3A_3360 by %roll3A_3416 dim 0 : vector<32x128xf32>, i32 -> vector<32x128xf32>
    %select_n3A_3418 = arith.select %eq3A_3378, %roll3A_3415, %roll3A_3417 : vector<32x128xi1>, vector<32x128xf32>
    %select_n3A_3419 = arith.select %eq3A_3405, %select_n3A_3360, %select_n3A_3418 : vector<32x128xi1>, vector<32x128xf32>
    %roll3A_3420 = arith.constant 30 : i32
    %roll3A_3421 = tpu.dynamic_rotate %select_n3A_3366 by %roll3A_3420 dim 0 : vector<32x128xf32>, i32 -> vector<32x128xf32>
    %roll3A_3422 = arith.constant 2 : i32
    %roll3A_3423 = tpu.dynamic_rotate %select_n3A_3366 by %roll3A_3422 dim 0 : vector<32x128xf32>, i32 -> vector<32x128xf32>
    %select_n3A_3424 = arith.select %eq3A_3378, %roll3A_3421, %roll3A_3423 : vector<32x128xi1>, vector<32x128xf32>
    %select_n3A_3425 = arith.select %eq3A_3405, %select_n3A_3366, %select_n3A_3424 : vector<32x128xi1>, vector<32x128xf32>
    %roll3A_3426 = arith.constant 30 : i32
    %roll3A_3427 = tpu.dynamic_rotate %select_n3A_3372 by %roll3A_3426 dim 0 : vector<32x128xf32>, i32 -> vector<32x128xf32>
    %roll3A_3428 = arith.constant 2 : i32
    %roll3A_3429 = tpu.dynamic_rotate %select_n3A_3372 by %roll3A_3428 dim 0 : vector<32x128xf32>, i32 -> vector<32x128xf32>
    %select_n3A_3430 = arith.select %eq3A_3378, %roll3A_3427, %roll3A_3429 : vector<32x128xi1>, vector<32x128xf32>
    %select_n3A_3431 = arith.select %eq3A_3405, %select_n3A_3372, %select_n3A_3430 : vector<32x128xi1>, vector<32x128xf32>
    %and3A_3432 = arith.constant 128 : i32
    %and3A_3433 = vector.broadcast %and3A_3432 : i32 to vector<32x128xi32>
    %and3A_3434 = arith.andi %add3A, %and3A_3433 : vector<32x128xi32>
    %eq3A_3435 = arith.constant 0 : i32
    %eq3A_3436 = vector.broadcast %eq3A_3435 : i32 to vector<32x128xi32>
    %eq3A_3437 = arith.cmpi eq, %and3A_3434, %eq3A_3436 : vector<32x128xi32>
    %and3A_3438 = arith.constant 2048 : i32
    %and3A_3439 = vector.broadcast %and3A_3438 : i32 to vector<32x128xi32>
    %and3A_3440 = arith.andi %add3A, %and3A_3439 : vector<32x128xi32>
    %eq3A_3441 = arith.constant 0 : i32
    %eq3A_3442 = vector.broadcast %eq3A_3441 : i32 to vector<32x128xi32>
    %eq3A_3443 = arith.cmpi eq, %and3A_3440, %eq3A_3442 : vector<32x128xi32>
    %roll3A_3444 = arith.constant 31 : i32
    %roll3A_3445 = tpu.dynamic_rotate %select_n3A_3406 by %roll3A_3444 dim 0 : vector<32x128xi32>, i32 -> vector<32x128xi32>
    %roll3A_3446 = arith.constant 1 : i32
    %roll3A_3447 = tpu.dynamic_rotate %select_n3A_3406 by %roll3A_3446 dim 0 : vector<32x128xi32>, i32 -> vector<32x128xi32>
    %select_n3A_3448 = arith.select %eq3A_3437, %roll3A_3445, %roll3A_3447 : vector<32x128xi1>, vector<32x128xi32>
    %roll3A_3449 = arith.constant 31 : i32
    %roll3A_3450 = tpu.dynamic_rotate %select_n3A_3407 by %roll3A_3449 dim 0 : vector<32x128xi32>, i32 -> vector<32x128xi32>
    %roll3A_3451 = arith.constant 1 : i32
    %roll3A_3452 = tpu.dynamic_rotate %select_n3A_3407 by %roll3A_3451 dim 0 : vector<32x128xi32>, i32 -> vector<32x128xi32>
    %select_n3A_3453 = arith.select %eq3A_3437, %roll3A_3450, %roll3A_3452 : vector<32x128xi1>, vector<32x128xi32>
    %gt3A_3454 = arith.cmpi sgt, %select_n3A_3406, %select_n3A_3448 : vector<32x128xi32>
    %eq3A_3455 = arith.cmpi eq, %select_n3A_3406, %select_n3A_3448 : vector<32x128xi32>
    %lt3A_3456 = arith.cmpi slt, %select_n3A_3407, %select_n3A_3453 : vector<32x128xi32>
    %and3A_3457 = arith.andi %eq3A_3455, %lt3A_3456 : vector<32x128xi1>
    %or3A_3458 = arith.ori %gt3A_3454, %and3A_3457 : vector<32x128xi1>
    %eq3A_3459 = arith.xori %eq3A_3437, %eq3A_3443 : vector<32x128xi1>
    %eq3A_3460 = arith.constant dense<true> : vector<32x128xi1>
    %eq3A_3461 = arith.xori %eq3A_3459, %eq3A_3460 : vector<32x128xi1>
    %eq3A_3462 = arith.xori %or3A_3458, %eq3A_3461 : vector<32x128xi1>
    %eq3A_3463 = arith.constant dense<true> : vector<32x128xi1>
    %eq3A_3464 = arith.xori %eq3A_3462, %eq3A_3463 : vector<32x128xi1>
    %select_n3A_3465 = arith.select %eq3A_3464, %select_n3A_3406, %select_n3A_3448 : vector<32x128xi1>, vector<32x128xi32>
    %select_n3A_3466 = arith.select %eq3A_3464, %select_n3A_3407, %select_n3A_3453 : vector<32x128xi1>, vector<32x128xi32>
    %roll3A_3467 = arith.constant 31 : i32
    %roll3A_3468 = tpu.dynamic_rotate %select_n3A_3413 by %roll3A_3467 dim 0 : vector<32x128xf32>, i32 -> vector<32x128xf32>
    %roll3A_3469 = arith.constant 1 : i32
    %roll3A_3470 = tpu.dynamic_rotate %select_n3A_3413 by %roll3A_3469 dim 0 : vector<32x128xf32>, i32 -> vector<32x128xf32>
    %select_n3A_3471 = arith.select %eq3A_3437, %roll3A_3468, %roll3A_3470 : vector<32x128xi1>, vector<32x128xf32>
    %select_n3A_3472 = arith.select %eq3A_3464, %select_n3A_3413, %select_n3A_3471 : vector<32x128xi1>, vector<32x128xf32>
    %roll3A_3473 = arith.constant 31 : i32
    %roll3A_3474 = tpu.dynamic_rotate %select_n3A_3419 by %roll3A_3473 dim 0 : vector<32x128xf32>, i32 -> vector<32x128xf32>
    %roll3A_3475 = arith.constant 1 : i32
    %roll3A_3476 = tpu.dynamic_rotate %select_n3A_3419 by %roll3A_3475 dim 0 : vector<32x128xf32>, i32 -> vector<32x128xf32>
    %select_n3A_3477 = arith.select %eq3A_3437, %roll3A_3474, %roll3A_3476 : vector<32x128xi1>, vector<32x128xf32>
    %select_n3A_3478 = arith.select %eq3A_3464, %select_n3A_3419, %select_n3A_3477 : vector<32x128xi1>, vector<32x128xf32>
    %roll3A_3479 = arith.constant 31 : i32
    %roll3A_3480 = tpu.dynamic_rotate %select_n3A_3425 by %roll3A_3479 dim 0 : vector<32x128xf32>, i32 -> vector<32x128xf32>
    %roll3A_3481 = arith.constant 1 : i32
    %roll3A_3482 = tpu.dynamic_rotate %select_n3A_3425 by %roll3A_3481 dim 0 : vector<32x128xf32>, i32 -> vector<32x128xf32>
    %select_n3A_3483 = arith.select %eq3A_3437, %roll3A_3480, %roll3A_3482 : vector<32x128xi1>, vector<32x128xf32>
    %select_n3A_3484 = arith.select %eq3A_3464, %select_n3A_3425, %select_n3A_3483 : vector<32x128xi1>, vector<32x128xf32>
    %roll3A_3485 = arith.constant 31 : i32
    %roll3A_3486 = tpu.dynamic_rotate %select_n3A_3431 by %roll3A_3485 dim 0 : vector<32x128xf32>, i32 -> vector<32x128xf32>
    %roll3A_3487 = arith.constant 1 : i32
    %roll3A_3488 = tpu.dynamic_rotate %select_n3A_3431 by %roll3A_3487 dim 0 : vector<32x128xf32>, i32 -> vector<32x128xf32>
    %select_n3A_3489 = arith.select %eq3A_3437, %roll3A_3486, %roll3A_3488 : vector<32x128xi1>, vector<32x128xf32>
    %select_n3A_3490 = arith.select %eq3A_3464, %select_n3A_3431, %select_n3A_3489 : vector<32x128xi1>, vector<32x128xf32>
    %and3A_3491 = arith.constant 64 : i32
    %and3A_3492 = vector.broadcast %and3A_3491 : i32 to vector<32x128xi32>
    %and3A_3493 = arith.andi %add3A, %and3A_3492 : vector<32x128xi32>
    %eq3A_3494 = arith.constant 0 : i32
    %eq3A_3495 = vector.broadcast %eq3A_3494 : i32 to vector<32x128xi32>
    %eq3A_3496 = arith.cmpi eq, %and3A_3493, %eq3A_3495 : vector<32x128xi32>
    %and3A_3497 = arith.constant 2048 : i32
    %and3A_3498 = vector.broadcast %and3A_3497 : i32 to vector<32x128xi32>
    %and3A_3499 = arith.andi %add3A, %and3A_3498 : vector<32x128xi32>
    %eq3A_3500 = arith.constant 0 : i32
    %eq3A_3501 = vector.broadcast %eq3A_3500 : i32 to vector<32x128xi32>
    %eq3A_3502 = arith.cmpi eq, %and3A_3499, %eq3A_3501 : vector<32x128xi32>
    %roll3A_3503 = arith.constant 64 : i32
    %roll3A_3504 = tpu.dynamic_rotate %select_n3A_3465 by %roll3A_3503 dim 1 : vector<32x128xi32>, i32 -> vector<32x128xi32>
    %roll3A_3505 = arith.constant 64 : i32
    %roll3A_3506 = tpu.dynamic_rotate %select_n3A_3465 by %roll3A_3505 dim 1 : vector<32x128xi32>, i32 -> vector<32x128xi32>
    %select_n3A_3507 = arith.select %eq3A_3496, %roll3A_3504, %roll3A_3506 : vector<32x128xi1>, vector<32x128xi32>
    %roll3A_3508 = arith.constant 64 : i32
    %roll3A_3509 = tpu.dynamic_rotate %select_n3A_3466 by %roll3A_3508 dim 1 : vector<32x128xi32>, i32 -> vector<32x128xi32>
    %roll3A_3510 = arith.constant 64 : i32
    %roll3A_3511 = tpu.dynamic_rotate %select_n3A_3466 by %roll3A_3510 dim 1 : vector<32x128xi32>, i32 -> vector<32x128xi32>
    %select_n3A_3512 = arith.select %eq3A_3496, %roll3A_3509, %roll3A_3511 : vector<32x128xi1>, vector<32x128xi32>
    %gt3A_3513 = arith.cmpi sgt, %select_n3A_3465, %select_n3A_3507 : vector<32x128xi32>
    %eq3A_3514 = arith.cmpi eq, %select_n3A_3465, %select_n3A_3507 : vector<32x128xi32>
    %lt3A_3515 = arith.cmpi slt, %select_n3A_3466, %select_n3A_3512 : vector<32x128xi32>
    %and3A_3516 = arith.andi %eq3A_3514, %lt3A_3515 : vector<32x128xi1>
    %or3A_3517 = arith.ori %gt3A_3513, %and3A_3516 : vector<32x128xi1>
    %eq3A_3518 = arith.xori %eq3A_3496, %eq3A_3502 : vector<32x128xi1>
    %eq3A_3519 = arith.constant dense<true> : vector<32x128xi1>
    %eq3A_3520 = arith.xori %eq3A_3518, %eq3A_3519 : vector<32x128xi1>
    %eq3A_3521 = arith.xori %or3A_3517, %eq3A_3520 : vector<32x128xi1>
    %eq3A_3522 = arith.constant dense<true> : vector<32x128xi1>
    %eq3A_3523 = arith.xori %eq3A_3521, %eq3A_3522 : vector<32x128xi1>
    %select_n3A_3524 = arith.select %eq3A_3523, %select_n3A_3465, %select_n3A_3507 : vector<32x128xi1>, vector<32x128xi32>
    %select_n3A_3525 = arith.select %eq3A_3523, %select_n3A_3466, %select_n3A_3512 : vector<32x128xi1>, vector<32x128xi32>
    %roll3A_3526 = arith.constant 64 : i32
    %roll3A_3527 = tpu.dynamic_rotate %select_n3A_3472 by %roll3A_3526 dim 1 : vector<32x128xf32>, i32 -> vector<32x128xf32>
    %roll3A_3528 = arith.constant 64 : i32
    %roll3A_3529 = tpu.dynamic_rotate %select_n3A_3472 by %roll3A_3528 dim 1 : vector<32x128xf32>, i32 -> vector<32x128xf32>
    %select_n3A_3530 = arith.select %eq3A_3496, %roll3A_3527, %roll3A_3529 : vector<32x128xi1>, vector<32x128xf32>
    %select_n3A_3531 = arith.select %eq3A_3523, %select_n3A_3472, %select_n3A_3530 : vector<32x128xi1>, vector<32x128xf32>
    %roll3A_3532 = arith.constant 64 : i32
    %roll3A_3533 = tpu.dynamic_rotate %select_n3A_3478 by %roll3A_3532 dim 1 : vector<32x128xf32>, i32 -> vector<32x128xf32>
    %roll3A_3534 = arith.constant 64 : i32
    %roll3A_3535 = tpu.dynamic_rotate %select_n3A_3478 by %roll3A_3534 dim 1 : vector<32x128xf32>, i32 -> vector<32x128xf32>
    %select_n3A_3536 = arith.select %eq3A_3496, %roll3A_3533, %roll3A_3535 : vector<32x128xi1>, vector<32x128xf32>
    %select_n3A_3537 = arith.select %eq3A_3523, %select_n3A_3478, %select_n3A_3536 : vector<32x128xi1>, vector<32x128xf32>
    %roll3A_3538 = arith.constant 64 : i32
    %roll3A_3539 = tpu.dynamic_rotate %select_n3A_3484 by %roll3A_3538 dim 1 : vector<32x128xf32>, i32 -> vector<32x128xf32>
    %roll3A_3540 = arith.constant 64 : i32
    %roll3A_3541 = tpu.dynamic_rotate %select_n3A_3484 by %roll3A_3540 dim 1 : vector<32x128xf32>, i32 -> vector<32x128xf32>
    %select_n3A_3542 = arith.select %eq3A_3496, %roll3A_3539, %roll3A_3541 : vector<32x128xi1>, vector<32x128xf32>
    %select_n3A_3543 = arith.select %eq3A_3523, %select_n3A_3484, %select_n3A_3542 : vector<32x128xi1>, vector<32x128xf32>
    %roll3A_3544 = arith.constant 64 : i32
    %roll3A_3545 = tpu.dynamic_rotate %select_n3A_3490 by %roll3A_3544 dim 1 : vector<32x128xf32>, i32 -> vector<32x128xf32>
    %roll3A_3546 = arith.constant 64 : i32
    %roll3A_3547 = tpu.dynamic_rotate %select_n3A_3490 by %roll3A_3546 dim 1 : vector<32x128xf32>, i32 -> vector<32x128xf32>
    %select_n3A_3548 = arith.select %eq3A_3496, %roll3A_3545, %roll3A_3547 : vector<32x128xi1>, vector<32x128xf32>
    %select_n3A_3549 = arith.select %eq3A_3523, %select_n3A_3490, %select_n3A_3548 : vector<32x128xi1>, vector<32x128xf32>
    %and3A_3550 = arith.constant 32 : i32
    %and3A_3551 = vector.broadcast %and3A_3550 : i32 to vector<32x128xi32>
    %and3A_3552 = arith.andi %add3A, %and3A_3551 : vector<32x128xi32>
    %eq3A_3553 = arith.constant 0 : i32
    %eq3A_3554 = vector.broadcast %eq3A_3553 : i32 to vector<32x128xi32>
    %eq3A_3555 = arith.cmpi eq, %and3A_3552, %eq3A_3554 : vector<32x128xi32>
    %and3A_3556 = arith.constant 2048 : i32
    %and3A_3557 = vector.broadcast %and3A_3556 : i32 to vector<32x128xi32>
    %and3A_3558 = arith.andi %add3A, %and3A_3557 : vector<32x128xi32>
    %eq3A_3559 = arith.constant 0 : i32
    %eq3A_3560 = vector.broadcast %eq3A_3559 : i32 to vector<32x128xi32>
    %eq3A_3561 = arith.cmpi eq, %and3A_3558, %eq3A_3560 : vector<32x128xi32>
    %roll3A_3562 = arith.constant 96 : i32
    %roll3A_3563 = tpu.dynamic_rotate %select_n3A_3524 by %roll3A_3562 dim 1 : vector<32x128xi32>, i32 -> vector<32x128xi32>
    %roll3A_3564 = arith.constant 32 : i32
    %roll3A_3565 = tpu.dynamic_rotate %select_n3A_3524 by %roll3A_3564 dim 1 : vector<32x128xi32>, i32 -> vector<32x128xi32>
    %select_n3A_3566 = arith.select %eq3A_3555, %roll3A_3563, %roll3A_3565 : vector<32x128xi1>, vector<32x128xi32>
    %roll3A_3567 = arith.constant 96 : i32
    %roll3A_3568 = tpu.dynamic_rotate %select_n3A_3525 by %roll3A_3567 dim 1 : vector<32x128xi32>, i32 -> vector<32x128xi32>
    %roll3A_3569 = arith.constant 32 : i32
    %roll3A_3570 = tpu.dynamic_rotate %select_n3A_3525 by %roll3A_3569 dim 1 : vector<32x128xi32>, i32 -> vector<32x128xi32>
    %select_n3A_3571 = arith.select %eq3A_3555, %roll3A_3568, %roll3A_3570 : vector<32x128xi1>, vector<32x128xi32>
    %gt3A_3572 = arith.cmpi sgt, %select_n3A_3524, %select_n3A_3566 : vector<32x128xi32>
    %eq3A_3573 = arith.cmpi eq, %select_n3A_3524, %select_n3A_3566 : vector<32x128xi32>
    %lt3A_3574 = arith.cmpi slt, %select_n3A_3525, %select_n3A_3571 : vector<32x128xi32>
    %and3A_3575 = arith.andi %eq3A_3573, %lt3A_3574 : vector<32x128xi1>
    %or3A_3576 = arith.ori %gt3A_3572, %and3A_3575 : vector<32x128xi1>
    %eq3A_3577 = arith.xori %eq3A_3555, %eq3A_3561 : vector<32x128xi1>
    %eq3A_3578 = arith.constant dense<true> : vector<32x128xi1>
    %eq3A_3579 = arith.xori %eq3A_3577, %eq3A_3578 : vector<32x128xi1>
    %eq3A_3580 = arith.xori %or3A_3576, %eq3A_3579 : vector<32x128xi1>
    %eq3A_3581 = arith.constant dense<true> : vector<32x128xi1>
    %eq3A_3582 = arith.xori %eq3A_3580, %eq3A_3581 : vector<32x128xi1>
    %select_n3A_3583 = arith.select %eq3A_3582, %select_n3A_3524, %select_n3A_3566 : vector<32x128xi1>, vector<32x128xi32>
    %select_n3A_3584 = arith.select %eq3A_3582, %select_n3A_3525, %select_n3A_3571 : vector<32x128xi1>, vector<32x128xi32>
    %roll3A_3585 = arith.constant 96 : i32
    %roll3A_3586 = tpu.dynamic_rotate %select_n3A_3531 by %roll3A_3585 dim 1 : vector<32x128xf32>, i32 -> vector<32x128xf32>
    %roll3A_3587 = arith.constant 32 : i32
    %roll3A_3588 = tpu.dynamic_rotate %select_n3A_3531 by %roll3A_3587 dim 1 : vector<32x128xf32>, i32 -> vector<32x128xf32>
    %select_n3A_3589 = arith.select %eq3A_3555, %roll3A_3586, %roll3A_3588 : vector<32x128xi1>, vector<32x128xf32>
    %select_n3A_3590 = arith.select %eq3A_3582, %select_n3A_3531, %select_n3A_3589 : vector<32x128xi1>, vector<32x128xf32>
    %roll3A_3591 = arith.constant 96 : i32
    %roll3A_3592 = tpu.dynamic_rotate %select_n3A_3537 by %roll3A_3591 dim 1 : vector<32x128xf32>, i32 -> vector<32x128xf32>
    %roll3A_3593 = arith.constant 32 : i32
    %roll3A_3594 = tpu.dynamic_rotate %select_n3A_3537 by %roll3A_3593 dim 1 : vector<32x128xf32>, i32 -> vector<32x128xf32>
    %select_n3A_3595 = arith.select %eq3A_3555, %roll3A_3592, %roll3A_3594 : vector<32x128xi1>, vector<32x128xf32>
    %select_n3A_3596 = arith.select %eq3A_3582, %select_n3A_3537, %select_n3A_3595 : vector<32x128xi1>, vector<32x128xf32>
    %roll3A_3597 = arith.constant 96 : i32
    %roll3A_3598 = tpu.dynamic_rotate %select_n3A_3543 by %roll3A_3597 dim 1 : vector<32x128xf32>, i32 -> vector<32x128xf32>
    %roll3A_3599 = arith.constant 32 : i32
    %roll3A_3600 = tpu.dynamic_rotate %select_n3A_3543 by %roll3A_3599 dim 1 : vector<32x128xf32>, i32 -> vector<32x128xf32>
    %select_n3A_3601 = arith.select %eq3A_3555, %roll3A_3598, %roll3A_3600 : vector<32x128xi1>, vector<32x128xf32>
    %select_n3A_3602 = arith.select %eq3A_3582, %select_n3A_3543, %select_n3A_3601 : vector<32x128xi1>, vector<32x128xf32>
    %roll3A_3603 = arith.constant 96 : i32
    %roll3A_3604 = tpu.dynamic_rotate %select_n3A_3549 by %roll3A_3603 dim 1 : vector<32x128xf32>, i32 -> vector<32x128xf32>
    %roll3A_3605 = arith.constant 32 : i32
    %roll3A_3606 = tpu.dynamic_rotate %select_n3A_3549 by %roll3A_3605 dim 1 : vector<32x128xf32>, i32 -> vector<32x128xf32>
    %select_n3A_3607 = arith.select %eq3A_3555, %roll3A_3604, %roll3A_3606 : vector<32x128xi1>, vector<32x128xf32>
    %select_n3A_3608 = arith.select %eq3A_3582, %select_n3A_3549, %select_n3A_3607 : vector<32x128xi1>, vector<32x128xf32>
    %and3A_3609 = arith.constant 16 : i32
    %and3A_3610 = vector.broadcast %and3A_3609 : i32 to vector<32x128xi32>
    %and3A_3611 = arith.andi %add3A, %and3A_3610 : vector<32x128xi32>
    %eq3A_3612 = arith.constant 0 : i32
    %eq3A_3613 = vector.broadcast %eq3A_3612 : i32 to vector<32x128xi32>
    %eq3A_3614 = arith.cmpi eq, %and3A_3611, %eq3A_3613 : vector<32x128xi32>
    %and3A_3615 = arith.constant 2048 : i32
    %and3A_3616 = vector.broadcast %and3A_3615 : i32 to vector<32x128xi32>
    %and3A_3617 = arith.andi %add3A, %and3A_3616 : vector<32x128xi32>
    %eq3A_3618 = arith.constant 0 : i32
    %eq3A_3619 = vector.broadcast %eq3A_3618 : i32 to vector<32x128xi32>
    %eq3A_3620 = arith.cmpi eq, %and3A_3617, %eq3A_3619 : vector<32x128xi32>
    %roll3A_3621 = arith.constant 112 : i32
    %roll3A_3622 = tpu.dynamic_rotate %select_n3A_3583 by %roll3A_3621 dim 1 : vector<32x128xi32>, i32 -> vector<32x128xi32>
    %roll3A_3623 = arith.constant 16 : i32
    %roll3A_3624 = tpu.dynamic_rotate %select_n3A_3583 by %roll3A_3623 dim 1 : vector<32x128xi32>, i32 -> vector<32x128xi32>
    %select_n3A_3625 = arith.select %eq3A_3614, %roll3A_3622, %roll3A_3624 : vector<32x128xi1>, vector<32x128xi32>
    %roll3A_3626 = arith.constant 112 : i32
    %roll3A_3627 = tpu.dynamic_rotate %select_n3A_3584 by %roll3A_3626 dim 1 : vector<32x128xi32>, i32 -> vector<32x128xi32>
    %roll3A_3628 = arith.constant 16 : i32
    %roll3A_3629 = tpu.dynamic_rotate %select_n3A_3584 by %roll3A_3628 dim 1 : vector<32x128xi32>, i32 -> vector<32x128xi32>
    %select_n3A_3630 = arith.select %eq3A_3614, %roll3A_3627, %roll3A_3629 : vector<32x128xi1>, vector<32x128xi32>
    %gt3A_3631 = arith.cmpi sgt, %select_n3A_3583, %select_n3A_3625 : vector<32x128xi32>
    %eq3A_3632 = arith.cmpi eq, %select_n3A_3583, %select_n3A_3625 : vector<32x128xi32>
    %lt3A_3633 = arith.cmpi slt, %select_n3A_3584, %select_n3A_3630 : vector<32x128xi32>
    %and3A_3634 = arith.andi %eq3A_3632, %lt3A_3633 : vector<32x128xi1>
    %or3A_3635 = arith.ori %gt3A_3631, %and3A_3634 : vector<32x128xi1>
    %eq3A_3636 = arith.xori %eq3A_3614, %eq3A_3620 : vector<32x128xi1>
    %eq3A_3637 = arith.constant dense<true> : vector<32x128xi1>
    %eq3A_3638 = arith.xori %eq3A_3636, %eq3A_3637 : vector<32x128xi1>
    %eq3A_3639 = arith.xori %or3A_3635, %eq3A_3638 : vector<32x128xi1>
    %eq3A_3640 = arith.constant dense<true> : vector<32x128xi1>
    %eq3A_3641 = arith.xori %eq3A_3639, %eq3A_3640 : vector<32x128xi1>
    %select_n3A_3642 = arith.select %eq3A_3641, %select_n3A_3583, %select_n3A_3625 : vector<32x128xi1>, vector<32x128xi32>
    %select_n3A_3643 = arith.select %eq3A_3641, %select_n3A_3584, %select_n3A_3630 : vector<32x128xi1>, vector<32x128xi32>
    %roll3A_3644 = arith.constant 112 : i32
    %roll3A_3645 = tpu.dynamic_rotate %select_n3A_3590 by %roll3A_3644 dim 1 : vector<32x128xf32>, i32 -> vector<32x128xf32>
    %roll3A_3646 = arith.constant 16 : i32
    %roll3A_3647 = tpu.dynamic_rotate %select_n3A_3590 by %roll3A_3646 dim 1 : vector<32x128xf32>, i32 -> vector<32x128xf32>
    %select_n3A_3648 = arith.select %eq3A_3614, %roll3A_3645, %roll3A_3647 : vector<32x128xi1>, vector<32x128xf32>
    %select_n3A_3649 = arith.select %eq3A_3641, %select_n3A_3590, %select_n3A_3648 : vector<32x128xi1>, vector<32x128xf32>
    %roll3A_3650 = arith.constant 112 : i32
    %roll3A_3651 = tpu.dynamic_rotate %select_n3A_3596 by %roll3A_3650 dim 1 : vector<32x128xf32>, i32 -> vector<32x128xf32>
    %roll3A_3652 = arith.constant 16 : i32
    %roll3A_3653 = tpu.dynamic_rotate %select_n3A_3596 by %roll3A_3652 dim 1 : vector<32x128xf32>, i32 -> vector<32x128xf32>
    %select_n3A_3654 = arith.select %eq3A_3614, %roll3A_3651, %roll3A_3653 : vector<32x128xi1>, vector<32x128xf32>
    %select_n3A_3655 = arith.select %eq3A_3641, %select_n3A_3596, %select_n3A_3654 : vector<32x128xi1>, vector<32x128xf32>
    %roll3A_3656 = arith.constant 112 : i32
    %roll3A_3657 = tpu.dynamic_rotate %select_n3A_3602 by %roll3A_3656 dim 1 : vector<32x128xf32>, i32 -> vector<32x128xf32>
    %roll3A_3658 = arith.constant 16 : i32
    %roll3A_3659 = tpu.dynamic_rotate %select_n3A_3602 by %roll3A_3658 dim 1 : vector<32x128xf32>, i32 -> vector<32x128xf32>
    %select_n3A_3660 = arith.select %eq3A_3614, %roll3A_3657, %roll3A_3659 : vector<32x128xi1>, vector<32x128xf32>
    %select_n3A_3661 = arith.select %eq3A_3641, %select_n3A_3602, %select_n3A_3660 : vector<32x128xi1>, vector<32x128xf32>
    %roll3A_3662 = arith.constant 112 : i32
    %roll3A_3663 = tpu.dynamic_rotate %select_n3A_3608 by %roll3A_3662 dim 1 : vector<32x128xf32>, i32 -> vector<32x128xf32>
    %roll3A_3664 = arith.constant 16 : i32
    %roll3A_3665 = tpu.dynamic_rotate %select_n3A_3608 by %roll3A_3664 dim 1 : vector<32x128xf32>, i32 -> vector<32x128xf32>
    %select_n3A_3666 = arith.select %eq3A_3614, %roll3A_3663, %roll3A_3665 : vector<32x128xi1>, vector<32x128xf32>
    %select_n3A_3667 = arith.select %eq3A_3641, %select_n3A_3608, %select_n3A_3666 : vector<32x128xi1>, vector<32x128xf32>
    %and3A_3668 = arith.constant 8 : i32
    %and3A_3669 = vector.broadcast %and3A_3668 : i32 to vector<32x128xi32>
    %and3A_3670 = arith.andi %add3A, %and3A_3669 : vector<32x128xi32>
    %eq3A_3671 = arith.constant 0 : i32
    %eq3A_3672 = vector.broadcast %eq3A_3671 : i32 to vector<32x128xi32>
    %eq3A_3673 = arith.cmpi eq, %and3A_3670, %eq3A_3672 : vector<32x128xi32>
    %and3A_3674 = arith.constant 2048 : i32
    %and3A_3675 = vector.broadcast %and3A_3674 : i32 to vector<32x128xi32>
    %and3A_3676 = arith.andi %add3A, %and3A_3675 : vector<32x128xi32>
    %eq3A_3677 = arith.constant 0 : i32
    %eq3A_3678 = vector.broadcast %eq3A_3677 : i32 to vector<32x128xi32>
    %eq3A_3679 = arith.cmpi eq, %and3A_3676, %eq3A_3678 : vector<32x128xi32>
    %roll3A_3680 = arith.constant 120 : i32
    %roll3A_3681 = tpu.dynamic_rotate %select_n3A_3642 by %roll3A_3680 dim 1 : vector<32x128xi32>, i32 -> vector<32x128xi32>
    %roll3A_3682 = arith.constant 8 : i32
    %roll3A_3683 = tpu.dynamic_rotate %select_n3A_3642 by %roll3A_3682 dim 1 : vector<32x128xi32>, i32 -> vector<32x128xi32>
    %select_n3A_3684 = arith.select %eq3A_3673, %roll3A_3681, %roll3A_3683 : vector<32x128xi1>, vector<32x128xi32>
    %roll3A_3685 = arith.constant 120 : i32
    %roll3A_3686 = tpu.dynamic_rotate %select_n3A_3643 by %roll3A_3685 dim 1 : vector<32x128xi32>, i32 -> vector<32x128xi32>
    %roll3A_3687 = arith.constant 8 : i32
    %roll3A_3688 = tpu.dynamic_rotate %select_n3A_3643 by %roll3A_3687 dim 1 : vector<32x128xi32>, i32 -> vector<32x128xi32>
    %select_n3A_3689 = arith.select %eq3A_3673, %roll3A_3686, %roll3A_3688 : vector<32x128xi1>, vector<32x128xi32>
    %gt3A_3690 = arith.cmpi sgt, %select_n3A_3642, %select_n3A_3684 : vector<32x128xi32>
    %eq3A_3691 = arith.cmpi eq, %select_n3A_3642, %select_n3A_3684 : vector<32x128xi32>
    %lt3A_3692 = arith.cmpi slt, %select_n3A_3643, %select_n3A_3689 : vector<32x128xi32>
    %and3A_3693 = arith.andi %eq3A_3691, %lt3A_3692 : vector<32x128xi1>
    %or3A_3694 = arith.ori %gt3A_3690, %and3A_3693 : vector<32x128xi1>
    %eq3A_3695 = arith.xori %eq3A_3673, %eq3A_3679 : vector<32x128xi1>
    %eq3A_3696 = arith.constant dense<true> : vector<32x128xi1>
    %eq3A_3697 = arith.xori %eq3A_3695, %eq3A_3696 : vector<32x128xi1>
    %eq3A_3698 = arith.xori %or3A_3694, %eq3A_3697 : vector<32x128xi1>
    %eq3A_3699 = arith.constant dense<true> : vector<32x128xi1>
    %eq3A_3700 = arith.xori %eq3A_3698, %eq3A_3699 : vector<32x128xi1>
    %select_n3A_3701 = arith.select %eq3A_3700, %select_n3A_3642, %select_n3A_3684 : vector<32x128xi1>, vector<32x128xi32>
    %select_n3A_3702 = arith.select %eq3A_3700, %select_n3A_3643, %select_n3A_3689 : vector<32x128xi1>, vector<32x128xi32>
    %roll3A_3703 = arith.constant 120 : i32
    %roll3A_3704 = tpu.dynamic_rotate %select_n3A_3649 by %roll3A_3703 dim 1 : vector<32x128xf32>, i32 -> vector<32x128xf32>
    %roll3A_3705 = arith.constant 8 : i32
    %roll3A_3706 = tpu.dynamic_rotate %select_n3A_3649 by %roll3A_3705 dim 1 : vector<32x128xf32>, i32 -> vector<32x128xf32>
    %select_n3A_3707 = arith.select %eq3A_3673, %roll3A_3704, %roll3A_3706 : vector<32x128xi1>, vector<32x128xf32>
    %select_n3A_3708 = arith.select %eq3A_3700, %select_n3A_3649, %select_n3A_3707 : vector<32x128xi1>, vector<32x128xf32>
    %roll3A_3709 = arith.constant 120 : i32
    %roll3A_3710 = tpu.dynamic_rotate %select_n3A_3655 by %roll3A_3709 dim 1 : vector<32x128xf32>, i32 -> vector<32x128xf32>
    %roll3A_3711 = arith.constant 8 : i32
    %roll3A_3712 = tpu.dynamic_rotate %select_n3A_3655 by %roll3A_3711 dim 1 : vector<32x128xf32>, i32 -> vector<32x128xf32>
    %select_n3A_3713 = arith.select %eq3A_3673, %roll3A_3710, %roll3A_3712 : vector<32x128xi1>, vector<32x128xf32>
    %select_n3A_3714 = arith.select %eq3A_3700, %select_n3A_3655, %select_n3A_3713 : vector<32x128xi1>, vector<32x128xf32>
    %roll3A_3715 = arith.constant 120 : i32
    %roll3A_3716 = tpu.dynamic_rotate %select_n3A_3661 by %roll3A_3715 dim 1 : vector<32x128xf32>, i32 -> vector<32x128xf32>
    %roll3A_3717 = arith.constant 8 : i32
    %roll3A_3718 = tpu.dynamic_rotate %select_n3A_3661 by %roll3A_3717 dim 1 : vector<32x128xf32>, i32 -> vector<32x128xf32>
    %select_n3A_3719 = arith.select %eq3A_3673, %roll3A_3716, %roll3A_3718 : vector<32x128xi1>, vector<32x128xf32>
    %select_n3A_3720 = arith.select %eq3A_3700, %select_n3A_3661, %select_n3A_3719 : vector<32x128xi1>, vector<32x128xf32>
    %roll3A_3721 = arith.constant 120 : i32
    %roll3A_3722 = tpu.dynamic_rotate %select_n3A_3667 by %roll3A_3721 dim 1 : vector<32x128xf32>, i32 -> vector<32x128xf32>
    %roll3A_3723 = arith.constant 8 : i32
    %roll3A_3724 = tpu.dynamic_rotate %select_n3A_3667 by %roll3A_3723 dim 1 : vector<32x128xf32>, i32 -> vector<32x128xf32>
    %select_n3A_3725 = arith.select %eq3A_3673, %roll3A_3722, %roll3A_3724 : vector<32x128xi1>, vector<32x128xf32>
    %select_n3A_3726 = arith.select %eq3A_3700, %select_n3A_3667, %select_n3A_3725 : vector<32x128xi1>, vector<32x128xf32>
    %and3A_3727 = arith.constant 4 : i32
    %and3A_3728 = vector.broadcast %and3A_3727 : i32 to vector<32x128xi32>
    %and3A_3729 = arith.andi %add3A, %and3A_3728 : vector<32x128xi32>
    %eq3A_3730 = arith.constant 0 : i32
    %eq3A_3731 = vector.broadcast %eq3A_3730 : i32 to vector<32x128xi32>
    %eq3A_3732 = arith.cmpi eq, %and3A_3729, %eq3A_3731 : vector<32x128xi32>
    %and3A_3733 = arith.constant 2048 : i32
    %and3A_3734 = vector.broadcast %and3A_3733 : i32 to vector<32x128xi32>
    %and3A_3735 = arith.andi %add3A, %and3A_3734 : vector<32x128xi32>
    %eq3A_3736 = arith.constant 0 : i32
    %eq3A_3737 = vector.broadcast %eq3A_3736 : i32 to vector<32x128xi32>
    %eq3A_3738 = arith.cmpi eq, %and3A_3735, %eq3A_3737 : vector<32x128xi32>
    %roll3A_3739 = arith.constant 124 : i32
    %roll3A_3740 = tpu.dynamic_rotate %select_n3A_3701 by %roll3A_3739 dim 1 : vector<32x128xi32>, i32 -> vector<32x128xi32>
    %roll3A_3741 = arith.constant 4 : i32
    %roll3A_3742 = tpu.dynamic_rotate %select_n3A_3701 by %roll3A_3741 dim 1 : vector<32x128xi32>, i32 -> vector<32x128xi32>
    %select_n3A_3743 = arith.select %eq3A_3732, %roll3A_3740, %roll3A_3742 : vector<32x128xi1>, vector<32x128xi32>
    %roll3A_3744 = arith.constant 124 : i32
    %roll3A_3745 = tpu.dynamic_rotate %select_n3A_3702 by %roll3A_3744 dim 1 : vector<32x128xi32>, i32 -> vector<32x128xi32>
    %roll3A_3746 = arith.constant 4 : i32
    %roll3A_3747 = tpu.dynamic_rotate %select_n3A_3702 by %roll3A_3746 dim 1 : vector<32x128xi32>, i32 -> vector<32x128xi32>
    %select_n3A_3748 = arith.select %eq3A_3732, %roll3A_3745, %roll3A_3747 : vector<32x128xi1>, vector<32x128xi32>
    %gt3A_3749 = arith.cmpi sgt, %select_n3A_3701, %select_n3A_3743 : vector<32x128xi32>
    %eq3A_3750 = arith.cmpi eq, %select_n3A_3701, %select_n3A_3743 : vector<32x128xi32>
    %lt3A_3751 = arith.cmpi slt, %select_n3A_3702, %select_n3A_3748 : vector<32x128xi32>
    %and3A_3752 = arith.andi %eq3A_3750, %lt3A_3751 : vector<32x128xi1>
    %or3A_3753 = arith.ori %gt3A_3749, %and3A_3752 : vector<32x128xi1>
    %eq3A_3754 = arith.xori %eq3A_3732, %eq3A_3738 : vector<32x128xi1>
    %eq3A_3755 = arith.constant dense<true> : vector<32x128xi1>
    %eq3A_3756 = arith.xori %eq3A_3754, %eq3A_3755 : vector<32x128xi1>
    %eq3A_3757 = arith.xori %or3A_3753, %eq3A_3756 : vector<32x128xi1>
    %eq3A_3758 = arith.constant dense<true> : vector<32x128xi1>
    %eq3A_3759 = arith.xori %eq3A_3757, %eq3A_3758 : vector<32x128xi1>
    %select_n3A_3760 = arith.select %eq3A_3759, %select_n3A_3701, %select_n3A_3743 : vector<32x128xi1>, vector<32x128xi32>
    %select_n3A_3761 = arith.select %eq3A_3759, %select_n3A_3702, %select_n3A_3748 : vector<32x128xi1>, vector<32x128xi32>
    %roll3A_3762 = arith.constant 124 : i32
    %roll3A_3763 = tpu.dynamic_rotate %select_n3A_3708 by %roll3A_3762 dim 1 : vector<32x128xf32>, i32 -> vector<32x128xf32>
    %roll3A_3764 = arith.constant 4 : i32
    %roll3A_3765 = tpu.dynamic_rotate %select_n3A_3708 by %roll3A_3764 dim 1 : vector<32x128xf32>, i32 -> vector<32x128xf32>
    %select_n3A_3766 = arith.select %eq3A_3732, %roll3A_3763, %roll3A_3765 : vector<32x128xi1>, vector<32x128xf32>
    %select_n3A_3767 = arith.select %eq3A_3759, %select_n3A_3708, %select_n3A_3766 : vector<32x128xi1>, vector<32x128xf32>
    %roll3A_3768 = arith.constant 124 : i32
    %roll3A_3769 = tpu.dynamic_rotate %select_n3A_3714 by %roll3A_3768 dim 1 : vector<32x128xf32>, i32 -> vector<32x128xf32>
    %roll3A_3770 = arith.constant 4 : i32
    %roll3A_3771 = tpu.dynamic_rotate %select_n3A_3714 by %roll3A_3770 dim 1 : vector<32x128xf32>, i32 -> vector<32x128xf32>
    %select_n3A_3772 = arith.select %eq3A_3732, %roll3A_3769, %roll3A_3771 : vector<32x128xi1>, vector<32x128xf32>
    %select_n3A_3773 = arith.select %eq3A_3759, %select_n3A_3714, %select_n3A_3772 : vector<32x128xi1>, vector<32x128xf32>
    %roll3A_3774 = arith.constant 124 : i32
    %roll3A_3775 = tpu.dynamic_rotate %select_n3A_3720 by %roll3A_3774 dim 1 : vector<32x128xf32>, i32 -> vector<32x128xf32>
    %roll3A_3776 = arith.constant 4 : i32
    %roll3A_3777 = tpu.dynamic_rotate %select_n3A_3720 by %roll3A_3776 dim 1 : vector<32x128xf32>, i32 -> vector<32x128xf32>
    %select_n3A_3778 = arith.select %eq3A_3732, %roll3A_3775, %roll3A_3777 : vector<32x128xi1>, vector<32x128xf32>
    %select_n3A_3779 = arith.select %eq3A_3759, %select_n3A_3720, %select_n3A_3778 : vector<32x128xi1>, vector<32x128xf32>
    %roll3A_3780 = arith.constant 124 : i32
    %roll3A_3781 = tpu.dynamic_rotate %select_n3A_3726 by %roll3A_3780 dim 1 : vector<32x128xf32>, i32 -> vector<32x128xf32>
    %roll3A_3782 = arith.constant 4 : i32
    %roll3A_3783 = tpu.dynamic_rotate %select_n3A_3726 by %roll3A_3782 dim 1 : vector<32x128xf32>, i32 -> vector<32x128xf32>
    %select_n3A_3784 = arith.select %eq3A_3732, %roll3A_3781, %roll3A_3783 : vector<32x128xi1>, vector<32x128xf32>
    %select_n3A_3785 = arith.select %eq3A_3759, %select_n3A_3726, %select_n3A_3784 : vector<32x128xi1>, vector<32x128xf32>
    %and3A_3786 = arith.constant 2 : i32
    %and3A_3787 = vector.broadcast %and3A_3786 : i32 to vector<32x128xi32>
    %and3A_3788 = arith.andi %add3A, %and3A_3787 : vector<32x128xi32>
    %eq3A_3789 = arith.constant 0 : i32
    %eq3A_3790 = vector.broadcast %eq3A_3789 : i32 to vector<32x128xi32>
    %eq3A_3791 = arith.cmpi eq, %and3A_3788, %eq3A_3790 : vector<32x128xi32>
    %and3A_3792 = arith.constant 2048 : i32
    %and3A_3793 = vector.broadcast %and3A_3792 : i32 to vector<32x128xi32>
    %and3A_3794 = arith.andi %add3A, %and3A_3793 : vector<32x128xi32>
    %eq3A_3795 = arith.constant 0 : i32
    %eq3A_3796 = vector.broadcast %eq3A_3795 : i32 to vector<32x128xi32>
    %eq3A_3797 = arith.cmpi eq, %and3A_3794, %eq3A_3796 : vector<32x128xi32>
    %roll3A_3798 = arith.constant 126 : i32
    %roll3A_3799 = tpu.dynamic_rotate %select_n3A_3760 by %roll3A_3798 dim 1 : vector<32x128xi32>, i32 -> vector<32x128xi32>
    %roll3A_3800 = arith.constant 2 : i32
    %roll3A_3801 = tpu.dynamic_rotate %select_n3A_3760 by %roll3A_3800 dim 1 : vector<32x128xi32>, i32 -> vector<32x128xi32>
    %select_n3A_3802 = arith.select %eq3A_3791, %roll3A_3799, %roll3A_3801 : vector<32x128xi1>, vector<32x128xi32>
    %roll3A_3803 = arith.constant 126 : i32
    %roll3A_3804 = tpu.dynamic_rotate %select_n3A_3761 by %roll3A_3803 dim 1 : vector<32x128xi32>, i32 -> vector<32x128xi32>
    %roll3A_3805 = arith.constant 2 : i32
    %roll3A_3806 = tpu.dynamic_rotate %select_n3A_3761 by %roll3A_3805 dim 1 : vector<32x128xi32>, i32 -> vector<32x128xi32>
    %select_n3A_3807 = arith.select %eq3A_3791, %roll3A_3804, %roll3A_3806 : vector<32x128xi1>, vector<32x128xi32>
    %gt3A_3808 = arith.cmpi sgt, %select_n3A_3760, %select_n3A_3802 : vector<32x128xi32>
    %eq3A_3809 = arith.cmpi eq, %select_n3A_3760, %select_n3A_3802 : vector<32x128xi32>
    %lt3A_3810 = arith.cmpi slt, %select_n3A_3761, %select_n3A_3807 : vector<32x128xi32>
    %and3A_3811 = arith.andi %eq3A_3809, %lt3A_3810 : vector<32x128xi1>
    %or3A_3812 = arith.ori %gt3A_3808, %and3A_3811 : vector<32x128xi1>
    %eq3A_3813 = arith.xori %eq3A_3791, %eq3A_3797 : vector<32x128xi1>
    %eq3A_3814 = arith.constant dense<true> : vector<32x128xi1>
    %eq3A_3815 = arith.xori %eq3A_3813, %eq3A_3814 : vector<32x128xi1>
    %eq3A_3816 = arith.xori %or3A_3812, %eq3A_3815 : vector<32x128xi1>
    %eq3A_3817 = arith.constant dense<true> : vector<32x128xi1>
    %eq3A_3818 = arith.xori %eq3A_3816, %eq3A_3817 : vector<32x128xi1>
    %select_n3A_3819 = arith.select %eq3A_3818, %select_n3A_3760, %select_n3A_3802 : vector<32x128xi1>, vector<32x128xi32>
    %select_n3A_3820 = arith.select %eq3A_3818, %select_n3A_3761, %select_n3A_3807 : vector<32x128xi1>, vector<32x128xi32>
    %roll3A_3821 = arith.constant 126 : i32
    %roll3A_3822 = tpu.dynamic_rotate %select_n3A_3767 by %roll3A_3821 dim 1 : vector<32x128xf32>, i32 -> vector<32x128xf32>
    %roll3A_3823 = arith.constant 2 : i32
    %roll3A_3824 = tpu.dynamic_rotate %select_n3A_3767 by %roll3A_3823 dim 1 : vector<32x128xf32>, i32 -> vector<32x128xf32>
    %select_n3A_3825 = arith.select %eq3A_3791, %roll3A_3822, %roll3A_3824 : vector<32x128xi1>, vector<32x128xf32>
    %select_n3A_3826 = arith.select %eq3A_3818, %select_n3A_3767, %select_n3A_3825 : vector<32x128xi1>, vector<32x128xf32>
    %roll3A_3827 = arith.constant 126 : i32
    %roll3A_3828 = tpu.dynamic_rotate %select_n3A_3773 by %roll3A_3827 dim 1 : vector<32x128xf32>, i32 -> vector<32x128xf32>
    %roll3A_3829 = arith.constant 2 : i32
    %roll3A_3830 = tpu.dynamic_rotate %select_n3A_3773 by %roll3A_3829 dim 1 : vector<32x128xf32>, i32 -> vector<32x128xf32>
    %select_n3A_3831 = arith.select %eq3A_3791, %roll3A_3828, %roll3A_3830 : vector<32x128xi1>, vector<32x128xf32>
    %select_n3A_3832 = arith.select %eq3A_3818, %select_n3A_3773, %select_n3A_3831 : vector<32x128xi1>, vector<32x128xf32>
    %roll3A_3833 = arith.constant 126 : i32
    %roll3A_3834 = tpu.dynamic_rotate %select_n3A_3779 by %roll3A_3833 dim 1 : vector<32x128xf32>, i32 -> vector<32x128xf32>
    %roll3A_3835 = arith.constant 2 : i32
    %roll3A_3836 = tpu.dynamic_rotate %select_n3A_3779 by %roll3A_3835 dim 1 : vector<32x128xf32>, i32 -> vector<32x128xf32>
    %select_n3A_3837 = arith.select %eq3A_3791, %roll3A_3834, %roll3A_3836 : vector<32x128xi1>, vector<32x128xf32>
    %select_n3A_3838 = arith.select %eq3A_3818, %select_n3A_3779, %select_n3A_3837 : vector<32x128xi1>, vector<32x128xf32>
    %roll3A_3839 = arith.constant 126 : i32
    %roll3A_3840 = tpu.dynamic_rotate %select_n3A_3785 by %roll3A_3839 dim 1 : vector<32x128xf32>, i32 -> vector<32x128xf32>
    %roll3A_3841 = arith.constant 2 : i32
    %roll3A_3842 = tpu.dynamic_rotate %select_n3A_3785 by %roll3A_3841 dim 1 : vector<32x128xf32>, i32 -> vector<32x128xf32>
    %select_n3A_3843 = arith.select %eq3A_3791, %roll3A_3840, %roll3A_3842 : vector<32x128xi1>, vector<32x128xf32>
    %select_n3A_3844 = arith.select %eq3A_3818, %select_n3A_3785, %select_n3A_3843 : vector<32x128xi1>, vector<32x128xf32>
    %and3A_3845 = arith.constant 1 : i32
    %and3A_3846 = vector.broadcast %and3A_3845 : i32 to vector<32x128xi32>
    %and3A_3847 = arith.andi %add3A, %and3A_3846 : vector<32x128xi32>
    %eq3A_3848 = arith.constant 0 : i32
    %eq3A_3849 = vector.broadcast %eq3A_3848 : i32 to vector<32x128xi32>
    %eq3A_3850 = arith.cmpi eq, %and3A_3847, %eq3A_3849 : vector<32x128xi32>
    %and3A_3851 = arith.constant 2048 : i32
    %and3A_3852 = vector.broadcast %and3A_3851 : i32 to vector<32x128xi32>
    %and3A_3853 = arith.andi %add3A, %and3A_3852 : vector<32x128xi32>
    %eq3A_3854 = arith.constant 0 : i32
    %eq3A_3855 = vector.broadcast %eq3A_3854 : i32 to vector<32x128xi32>
    %eq3A_3856 = arith.cmpi eq, %and3A_3853, %eq3A_3855 : vector<32x128xi32>
    %roll3A_3857 = arith.constant 127 : i32
    %roll3A_3858 = tpu.dynamic_rotate %select_n3A_3819 by %roll3A_3857 dim 1 : vector<32x128xi32>, i32 -> vector<32x128xi32>
    %roll3A_3859 = arith.constant 1 : i32
    %roll3A_3860 = tpu.dynamic_rotate %select_n3A_3819 by %roll3A_3859 dim 1 : vector<32x128xi32>, i32 -> vector<32x128xi32>
    %select_n3A_3861 = arith.select %eq3A_3850, %roll3A_3858, %roll3A_3860 : vector<32x128xi1>, vector<32x128xi32>
    %roll3A_3862 = arith.constant 127 : i32
    %roll3A_3863 = tpu.dynamic_rotate %select_n3A_3820 by %roll3A_3862 dim 1 : vector<32x128xi32>, i32 -> vector<32x128xi32>
    %roll3A_3864 = arith.constant 1 : i32
    %roll3A_3865 = tpu.dynamic_rotate %select_n3A_3820 by %roll3A_3864 dim 1 : vector<32x128xi32>, i32 -> vector<32x128xi32>
    %select_n3A_3866 = arith.select %eq3A_3850, %roll3A_3863, %roll3A_3865 : vector<32x128xi1>, vector<32x128xi32>
    %gt3A_3867 = arith.cmpi sgt, %select_n3A_3819, %select_n3A_3861 : vector<32x128xi32>
    %eq3A_3868 = arith.cmpi eq, %select_n3A_3819, %select_n3A_3861 : vector<32x128xi32>
    %lt3A_3869 = arith.cmpi slt, %select_n3A_3820, %select_n3A_3866 : vector<32x128xi32>
    %and3A_3870 = arith.andi %eq3A_3868, %lt3A_3869 : vector<32x128xi1>
    %or3A_3871 = arith.ori %gt3A_3867, %and3A_3870 : vector<32x128xi1>
    %eq3A_3872 = arith.xori %eq3A_3850, %eq3A_3856 : vector<32x128xi1>
    %eq3A_3873 = arith.constant dense<true> : vector<32x128xi1>
    %eq3A_3874 = arith.xori %eq3A_3872, %eq3A_3873 : vector<32x128xi1>
    %eq3A_3875 = arith.xori %or3A_3871, %eq3A_3874 : vector<32x128xi1>
    %eq3A_3876 = arith.constant dense<true> : vector<32x128xi1>
    %eq3A_3877 = arith.xori %eq3A_3875, %eq3A_3876 : vector<32x128xi1>
    %select_n3A_3878 = arith.select %eq3A_3877, %select_n3A_3819, %select_n3A_3861 : vector<32x128xi1>, vector<32x128xi32>
    %select_n3A_3879 = arith.select %eq3A_3877, %select_n3A_3820, %select_n3A_3866 : vector<32x128xi1>, vector<32x128xi32>
    %roll3A_3880 = arith.constant 127 : i32
    %roll3A_3881 = tpu.dynamic_rotate %select_n3A_3826 by %roll3A_3880 dim 1 : vector<32x128xf32>, i32 -> vector<32x128xf32>
    %roll3A_3882 = arith.constant 1 : i32
    %roll3A_3883 = tpu.dynamic_rotate %select_n3A_3826 by %roll3A_3882 dim 1 : vector<32x128xf32>, i32 -> vector<32x128xf32>
    %select_n3A_3884 = arith.select %eq3A_3850, %roll3A_3881, %roll3A_3883 : vector<32x128xi1>, vector<32x128xf32>
    %select_n3A_3885 = arith.select %eq3A_3877, %select_n3A_3826, %select_n3A_3884 : vector<32x128xi1>, vector<32x128xf32>
    %roll3A_3886 = arith.constant 127 : i32
    %roll3A_3887 = tpu.dynamic_rotate %select_n3A_3832 by %roll3A_3886 dim 1 : vector<32x128xf32>, i32 -> vector<32x128xf32>
    %roll3A_3888 = arith.constant 1 : i32
    %roll3A_3889 = tpu.dynamic_rotate %select_n3A_3832 by %roll3A_3888 dim 1 : vector<32x128xf32>, i32 -> vector<32x128xf32>
    %select_n3A_3890 = arith.select %eq3A_3850, %roll3A_3887, %roll3A_3889 : vector<32x128xi1>, vector<32x128xf32>
    %select_n3A_3891 = arith.select %eq3A_3877, %select_n3A_3832, %select_n3A_3890 : vector<32x128xi1>, vector<32x128xf32>
    %roll3A_3892 = arith.constant 127 : i32
    %roll3A_3893 = tpu.dynamic_rotate %select_n3A_3838 by %roll3A_3892 dim 1 : vector<32x128xf32>, i32 -> vector<32x128xf32>
    %roll3A_3894 = arith.constant 1 : i32
    %roll3A_3895 = tpu.dynamic_rotate %select_n3A_3838 by %roll3A_3894 dim 1 : vector<32x128xf32>, i32 -> vector<32x128xf32>
    %select_n3A_3896 = arith.select %eq3A_3850, %roll3A_3893, %roll3A_3895 : vector<32x128xi1>, vector<32x128xf32>
    %select_n3A_3897 = arith.select %eq3A_3877, %select_n3A_3838, %select_n3A_3896 : vector<32x128xi1>, vector<32x128xf32>
    %roll3A_3898 = arith.constant 127 : i32
    %roll3A_3899 = tpu.dynamic_rotate %select_n3A_3844 by %roll3A_3898 dim 1 : vector<32x128xf32>, i32 -> vector<32x128xf32>
    %roll3A_3900 = arith.constant 1 : i32
    %roll3A_3901 = tpu.dynamic_rotate %select_n3A_3844 by %roll3A_3900 dim 1 : vector<32x128xf32>, i32 -> vector<32x128xf32>
    %select_n3A_3902 = arith.select %eq3A_3850, %roll3A_3899, %roll3A_3901 : vector<32x128xi1>, vector<32x128xf32>
    %select_n3A_3903 = arith.select %eq3A_3877, %select_n3A_3844, %select_n3A_3902 : vector<32x128xi1>, vector<32x128xf32>
    %and3A_3904 = arith.constant 2048 : i32
    %and3A_3905 = vector.broadcast %and3A_3904 : i32 to vector<32x128xi32>
    %and3A_3906 = arith.andi %add3A, %and3A_3905 : vector<32x128xi32>
    %eq3A_3907 = arith.constant 0 : i32
    %eq3A_3908 = vector.broadcast %eq3A_3907 : i32 to vector<32x128xi32>
    %eq3A_3909 = arith.cmpi eq, %and3A_3906, %eq3A_3908 : vector<32x128xi32>
    %and3A_3910 = arith.constant 4096 : i32
    %and3A_3911 = vector.broadcast %and3A_3910 : i32 to vector<32x128xi32>
    %and3A_3912 = arith.andi %add3A, %and3A_3911 : vector<32x128xi32>
    %eq3A_3913 = arith.constant 0 : i32
    %eq3A_3914 = vector.broadcast %eq3A_3913 : i32 to vector<32x128xi32>
    %eq3A_3915 = arith.cmpi eq, %and3A_3912, %eq3A_3914 : vector<32x128xi32>
    %roll3A_3916 = arith.constant 16 : i32
    %roll3A_3917 = tpu.dynamic_rotate %select_n3A_3878 by %roll3A_3916 dim 0 : vector<32x128xi32>, i32 -> vector<32x128xi32>
    %roll3A_3918 = arith.constant 16 : i32
    %roll3A_3919 = tpu.dynamic_rotate %select_n3A_3878 by %roll3A_3918 dim 0 : vector<32x128xi32>, i32 -> vector<32x128xi32>
    %select_n3A_3920 = arith.select %eq3A_3909, %roll3A_3917, %roll3A_3919 : vector<32x128xi1>, vector<32x128xi32>
    %roll3A_3921 = arith.constant 16 : i32
    %roll3A_3922 = tpu.dynamic_rotate %select_n3A_3879 by %roll3A_3921 dim 0 : vector<32x128xi32>, i32 -> vector<32x128xi32>
    %roll3A_3923 = arith.constant 16 : i32
    %roll3A_3924 = tpu.dynamic_rotate %select_n3A_3879 by %roll3A_3923 dim 0 : vector<32x128xi32>, i32 -> vector<32x128xi32>
    %select_n3A_3925 = arith.select %eq3A_3909, %roll3A_3922, %roll3A_3924 : vector<32x128xi1>, vector<32x128xi32>
    %gt3A_3926 = arith.cmpi sgt, %select_n3A_3878, %select_n3A_3920 : vector<32x128xi32>
    %eq3A_3927 = arith.cmpi eq, %select_n3A_3878, %select_n3A_3920 : vector<32x128xi32>
    %lt3A_3928 = arith.cmpi slt, %select_n3A_3879, %select_n3A_3925 : vector<32x128xi32>
    %and3A_3929 = arith.andi %eq3A_3927, %lt3A_3928 : vector<32x128xi1>
    %or3A_3930 = arith.ori %gt3A_3926, %and3A_3929 : vector<32x128xi1>
    %eq3A_3931 = arith.xori %eq3A_3909, %eq3A_3915 : vector<32x128xi1>
    %eq3A_3932 = arith.constant dense<true> : vector<32x128xi1>
    %eq3A_3933 = arith.xori %eq3A_3931, %eq3A_3932 : vector<32x128xi1>
    %eq3A_3934 = arith.xori %or3A_3930, %eq3A_3933 : vector<32x128xi1>
    %eq3A_3935 = arith.constant dense<true> : vector<32x128xi1>
    %eq3A_3936 = arith.xori %eq3A_3934, %eq3A_3935 : vector<32x128xi1>
    %select_n3A_3937 = arith.select %eq3A_3936, %select_n3A_3878, %select_n3A_3920 : vector<32x128xi1>, vector<32x128xi32>
    %select_n3A_3938 = arith.select %eq3A_3936, %select_n3A_3879, %select_n3A_3925 : vector<32x128xi1>, vector<32x128xi32>
    %roll3A_3939 = arith.constant 16 : i32
    %roll3A_3940 = tpu.dynamic_rotate %select_n3A_3885 by %roll3A_3939 dim 0 : vector<32x128xf32>, i32 -> vector<32x128xf32>
    %roll3A_3941 = arith.constant 16 : i32
    %roll3A_3942 = tpu.dynamic_rotate %select_n3A_3885 by %roll3A_3941 dim 0 : vector<32x128xf32>, i32 -> vector<32x128xf32>
    %select_n3A_3943 = arith.select %eq3A_3909, %roll3A_3940, %roll3A_3942 : vector<32x128xi1>, vector<32x128xf32>
    %select_n3A_3944 = arith.select %eq3A_3936, %select_n3A_3885, %select_n3A_3943 : vector<32x128xi1>, vector<32x128xf32>
    %roll3A_3945 = arith.constant 16 : i32
    %roll3A_3946 = tpu.dynamic_rotate %select_n3A_3891 by %roll3A_3945 dim 0 : vector<32x128xf32>, i32 -> vector<32x128xf32>
    %roll3A_3947 = arith.constant 16 : i32
    %roll3A_3948 = tpu.dynamic_rotate %select_n3A_3891 by %roll3A_3947 dim 0 : vector<32x128xf32>, i32 -> vector<32x128xf32>
    %select_n3A_3949 = arith.select %eq3A_3909, %roll3A_3946, %roll3A_3948 : vector<32x128xi1>, vector<32x128xf32>
    %select_n3A_3950 = arith.select %eq3A_3936, %select_n3A_3891, %select_n3A_3949 : vector<32x128xi1>, vector<32x128xf32>
    %roll3A_3951 = arith.constant 16 : i32
    %roll3A_3952 = tpu.dynamic_rotate %select_n3A_3897 by %roll3A_3951 dim 0 : vector<32x128xf32>, i32 -> vector<32x128xf32>
    %roll3A_3953 = arith.constant 16 : i32
    %roll3A_3954 = tpu.dynamic_rotate %select_n3A_3897 by %roll3A_3953 dim 0 : vector<32x128xf32>, i32 -> vector<32x128xf32>
    %select_n3A_3955 = arith.select %eq3A_3909, %roll3A_3952, %roll3A_3954 : vector<32x128xi1>, vector<32x128xf32>
    %select_n3A_3956 = arith.select %eq3A_3936, %select_n3A_3897, %select_n3A_3955 : vector<32x128xi1>, vector<32x128xf32>
    %roll3A_3957 = arith.constant 16 : i32
    %roll3A_3958 = tpu.dynamic_rotate %select_n3A_3903 by %roll3A_3957 dim 0 : vector<32x128xf32>, i32 -> vector<32x128xf32>
    %roll3A_3959 = arith.constant 16 : i32
    %roll3A_3960 = tpu.dynamic_rotate %select_n3A_3903 by %roll3A_3959 dim 0 : vector<32x128xf32>, i32 -> vector<32x128xf32>
    %select_n3A_3961 = arith.select %eq3A_3909, %roll3A_3958, %roll3A_3960 : vector<32x128xi1>, vector<32x128xf32>
    %select_n3A_3962 = arith.select %eq3A_3936, %select_n3A_3903, %select_n3A_3961 : vector<32x128xi1>, vector<32x128xf32>
    %and3A_3963 = arith.constant 1024 : i32
    %and3A_3964 = vector.broadcast %and3A_3963 : i32 to vector<32x128xi32>
    %and3A_3965 = arith.andi %add3A, %and3A_3964 : vector<32x128xi32>
    %eq3A_3966 = arith.constant 0 : i32
    %eq3A_3967 = vector.broadcast %eq3A_3966 : i32 to vector<32x128xi32>
    %eq3A_3968 = arith.cmpi eq, %and3A_3965, %eq3A_3967 : vector<32x128xi32>
    %and3A_3969 = arith.constant 4096 : i32
    %and3A_3970 = vector.broadcast %and3A_3969 : i32 to vector<32x128xi32>
    %and3A_3971 = arith.andi %add3A, %and3A_3970 : vector<32x128xi32>
    %eq3A_3972 = arith.constant 0 : i32
    %eq3A_3973 = vector.broadcast %eq3A_3972 : i32 to vector<32x128xi32>
    %eq3A_3974 = arith.cmpi eq, %and3A_3971, %eq3A_3973 : vector<32x128xi32>
    %roll3A_3975 = arith.constant 24 : i32
    %roll3A_3976 = tpu.dynamic_rotate %select_n3A_3937 by %roll3A_3975 dim 0 : vector<32x128xi32>, i32 -> vector<32x128xi32>
    %roll3A_3977 = arith.constant 8 : i32
    %roll3A_3978 = tpu.dynamic_rotate %select_n3A_3937 by %roll3A_3977 dim 0 : vector<32x128xi32>, i32 -> vector<32x128xi32>
    %select_n3A_3979 = arith.select %eq3A_3968, %roll3A_3976, %roll3A_3978 : vector<32x128xi1>, vector<32x128xi32>
    %roll3A_3980 = arith.constant 24 : i32
    %roll3A_3981 = tpu.dynamic_rotate %select_n3A_3938 by %roll3A_3980 dim 0 : vector<32x128xi32>, i32 -> vector<32x128xi32>
    %roll3A_3982 = arith.constant 8 : i32
    %roll3A_3983 = tpu.dynamic_rotate %select_n3A_3938 by %roll3A_3982 dim 0 : vector<32x128xi32>, i32 -> vector<32x128xi32>
    %select_n3A_3984 = arith.select %eq3A_3968, %roll3A_3981, %roll3A_3983 : vector<32x128xi1>, vector<32x128xi32>
    %gt3A_3985 = arith.cmpi sgt, %select_n3A_3937, %select_n3A_3979 : vector<32x128xi32>
    %eq3A_3986 = arith.cmpi eq, %select_n3A_3937, %select_n3A_3979 : vector<32x128xi32>
    %lt3A_3987 = arith.cmpi slt, %select_n3A_3938, %select_n3A_3984 : vector<32x128xi32>
    %and3A_3988 = arith.andi %eq3A_3986, %lt3A_3987 : vector<32x128xi1>
    %or3A_3989 = arith.ori %gt3A_3985, %and3A_3988 : vector<32x128xi1>
    %eq3A_3990 = arith.xori %eq3A_3968, %eq3A_3974 : vector<32x128xi1>
    %eq3A_3991 = arith.constant dense<true> : vector<32x128xi1>
    %eq3A_3992 = arith.xori %eq3A_3990, %eq3A_3991 : vector<32x128xi1>
    %eq3A_3993 = arith.xori %or3A_3989, %eq3A_3992 : vector<32x128xi1>
    %eq3A_3994 = arith.constant dense<true> : vector<32x128xi1>
    %eq3A_3995 = arith.xori %eq3A_3993, %eq3A_3994 : vector<32x128xi1>
    %select_n3A_3996 = arith.select %eq3A_3995, %select_n3A_3937, %select_n3A_3979 : vector<32x128xi1>, vector<32x128xi32>
    %select_n3A_3997 = arith.select %eq3A_3995, %select_n3A_3938, %select_n3A_3984 : vector<32x128xi1>, vector<32x128xi32>
    %roll3A_3998 = arith.constant 24 : i32
    %roll3A_3999 = tpu.dynamic_rotate %select_n3A_3944 by %roll3A_3998 dim 0 : vector<32x128xf32>, i32 -> vector<32x128xf32>
    %roll3A_4000 = arith.constant 8 : i32
    %roll3A_4001 = tpu.dynamic_rotate %select_n3A_3944 by %roll3A_4000 dim 0 : vector<32x128xf32>, i32 -> vector<32x128xf32>
    %select_n3A_4002 = arith.select %eq3A_3968, %roll3A_3999, %roll3A_4001 : vector<32x128xi1>, vector<32x128xf32>
    %select_n3A_4003 = arith.select %eq3A_3995, %select_n3A_3944, %select_n3A_4002 : vector<32x128xi1>, vector<32x128xf32>
    %roll3A_4004 = arith.constant 24 : i32
    %roll3A_4005 = tpu.dynamic_rotate %select_n3A_3950 by %roll3A_4004 dim 0 : vector<32x128xf32>, i32 -> vector<32x128xf32>
    %roll3A_4006 = arith.constant 8 : i32
    %roll3A_4007 = tpu.dynamic_rotate %select_n3A_3950 by %roll3A_4006 dim 0 : vector<32x128xf32>, i32 -> vector<32x128xf32>
    %select_n3A_4008 = arith.select %eq3A_3968, %roll3A_4005, %roll3A_4007 : vector<32x128xi1>, vector<32x128xf32>
    %select_n3A_4009 = arith.select %eq3A_3995, %select_n3A_3950, %select_n3A_4008 : vector<32x128xi1>, vector<32x128xf32>
    %roll3A_4010 = arith.constant 24 : i32
    %roll3A_4011 = tpu.dynamic_rotate %select_n3A_3956 by %roll3A_4010 dim 0 : vector<32x128xf32>, i32 -> vector<32x128xf32>
    %roll3A_4012 = arith.constant 8 : i32
    %roll3A_4013 = tpu.dynamic_rotate %select_n3A_3956 by %roll3A_4012 dim 0 : vector<32x128xf32>, i32 -> vector<32x128xf32>
    %select_n3A_4014 = arith.select %eq3A_3968, %roll3A_4011, %roll3A_4013 : vector<32x128xi1>, vector<32x128xf32>
    %select_n3A_4015 = arith.select %eq3A_3995, %select_n3A_3956, %select_n3A_4014 : vector<32x128xi1>, vector<32x128xf32>
    %roll3A_4016 = arith.constant 24 : i32
    %roll3A_4017 = tpu.dynamic_rotate %select_n3A_3962 by %roll3A_4016 dim 0 : vector<32x128xf32>, i32 -> vector<32x128xf32>
    %roll3A_4018 = arith.constant 8 : i32
    %roll3A_4019 = tpu.dynamic_rotate %select_n3A_3962 by %roll3A_4018 dim 0 : vector<32x128xf32>, i32 -> vector<32x128xf32>
    %select_n3A_4020 = arith.select %eq3A_3968, %roll3A_4017, %roll3A_4019 : vector<32x128xi1>, vector<32x128xf32>
    %select_n3A_4021 = arith.select %eq3A_3995, %select_n3A_3962, %select_n3A_4020 : vector<32x128xi1>, vector<32x128xf32>
    %and3A_4022 = arith.constant 512 : i32
    %and3A_4023 = vector.broadcast %and3A_4022 : i32 to vector<32x128xi32>
    %and3A_4024 = arith.andi %add3A, %and3A_4023 : vector<32x128xi32>
    %eq3A_4025 = arith.constant 0 : i32
    %eq3A_4026 = vector.broadcast %eq3A_4025 : i32 to vector<32x128xi32>
    %eq3A_4027 = arith.cmpi eq, %and3A_4024, %eq3A_4026 : vector<32x128xi32>
    %and3A_4028 = arith.constant 4096 : i32
    %and3A_4029 = vector.broadcast %and3A_4028 : i32 to vector<32x128xi32>
    %and3A_4030 = arith.andi %add3A, %and3A_4029 : vector<32x128xi32>
    %eq3A_4031 = arith.constant 0 : i32
    %eq3A_4032 = vector.broadcast %eq3A_4031 : i32 to vector<32x128xi32>
    %eq3A_4033 = arith.cmpi eq, %and3A_4030, %eq3A_4032 : vector<32x128xi32>
    %roll3A_4034 = arith.constant 28 : i32
    %roll3A_4035 = tpu.dynamic_rotate %select_n3A_3996 by %roll3A_4034 dim 0 : vector<32x128xi32>, i32 -> vector<32x128xi32>
    %roll3A_4036 = arith.constant 4 : i32
    %roll3A_4037 = tpu.dynamic_rotate %select_n3A_3996 by %roll3A_4036 dim 0 : vector<32x128xi32>, i32 -> vector<32x128xi32>
    %select_n3A_4038 = arith.select %eq3A_4027, %roll3A_4035, %roll3A_4037 : vector<32x128xi1>, vector<32x128xi32>
    %roll3A_4039 = arith.constant 28 : i32
    %roll3A_4040 = tpu.dynamic_rotate %select_n3A_3997 by %roll3A_4039 dim 0 : vector<32x128xi32>, i32 -> vector<32x128xi32>
    %roll3A_4041 = arith.constant 4 : i32
    %roll3A_4042 = tpu.dynamic_rotate %select_n3A_3997 by %roll3A_4041 dim 0 : vector<32x128xi32>, i32 -> vector<32x128xi32>
    %select_n3A_4043 = arith.select %eq3A_4027, %roll3A_4040, %roll3A_4042 : vector<32x128xi1>, vector<32x128xi32>
    %gt3A_4044 = arith.cmpi sgt, %select_n3A_3996, %select_n3A_4038 : vector<32x128xi32>
    %eq3A_4045 = arith.cmpi eq, %select_n3A_3996, %select_n3A_4038 : vector<32x128xi32>
    %lt3A_4046 = arith.cmpi slt, %select_n3A_3997, %select_n3A_4043 : vector<32x128xi32>
    %and3A_4047 = arith.andi %eq3A_4045, %lt3A_4046 : vector<32x128xi1>
    %or3A_4048 = arith.ori %gt3A_4044, %and3A_4047 : vector<32x128xi1>
    %eq3A_4049 = arith.xori %eq3A_4027, %eq3A_4033 : vector<32x128xi1>
    %eq3A_4050 = arith.constant dense<true> : vector<32x128xi1>
    %eq3A_4051 = arith.xori %eq3A_4049, %eq3A_4050 : vector<32x128xi1>
    %eq3A_4052 = arith.xori %or3A_4048, %eq3A_4051 : vector<32x128xi1>
    %eq3A_4053 = arith.constant dense<true> : vector<32x128xi1>
    %eq3A_4054 = arith.xori %eq3A_4052, %eq3A_4053 : vector<32x128xi1>
    %select_n3A_4055 = arith.select %eq3A_4054, %select_n3A_3996, %select_n3A_4038 : vector<32x128xi1>, vector<32x128xi32>
    %select_n3A_4056 = arith.select %eq3A_4054, %select_n3A_3997, %select_n3A_4043 : vector<32x128xi1>, vector<32x128xi32>
    %roll3A_4057 = arith.constant 28 : i32
    %roll3A_4058 = tpu.dynamic_rotate %select_n3A_4003 by %roll3A_4057 dim 0 : vector<32x128xf32>, i32 -> vector<32x128xf32>
    %roll3A_4059 = arith.constant 4 : i32
    %roll3A_4060 = tpu.dynamic_rotate %select_n3A_4003 by %roll3A_4059 dim 0 : vector<32x128xf32>, i32 -> vector<32x128xf32>
    %select_n3A_4061 = arith.select %eq3A_4027, %roll3A_4058, %roll3A_4060 : vector<32x128xi1>, vector<32x128xf32>
    %select_n3A_4062 = arith.select %eq3A_4054, %select_n3A_4003, %select_n3A_4061 : vector<32x128xi1>, vector<32x128xf32>
    %roll3A_4063 = arith.constant 28 : i32
    %roll3A_4064 = tpu.dynamic_rotate %select_n3A_4009 by %roll3A_4063 dim 0 : vector<32x128xf32>, i32 -> vector<32x128xf32>
    %roll3A_4065 = arith.constant 4 : i32
    %roll3A_4066 = tpu.dynamic_rotate %select_n3A_4009 by %roll3A_4065 dim 0 : vector<32x128xf32>, i32 -> vector<32x128xf32>
    %select_n3A_4067 = arith.select %eq3A_4027, %roll3A_4064, %roll3A_4066 : vector<32x128xi1>, vector<32x128xf32>
    %select_n3A_4068 = arith.select %eq3A_4054, %select_n3A_4009, %select_n3A_4067 : vector<32x128xi1>, vector<32x128xf32>
    %roll3A_4069 = arith.constant 28 : i32
    %roll3A_4070 = tpu.dynamic_rotate %select_n3A_4015 by %roll3A_4069 dim 0 : vector<32x128xf32>, i32 -> vector<32x128xf32>
    %roll3A_4071 = arith.constant 4 : i32
    %roll3A_4072 = tpu.dynamic_rotate %select_n3A_4015 by %roll3A_4071 dim 0 : vector<32x128xf32>, i32 -> vector<32x128xf32>
    %select_n3A_4073 = arith.select %eq3A_4027, %roll3A_4070, %roll3A_4072 : vector<32x128xi1>, vector<32x128xf32>
    %select_n3A_4074 = arith.select %eq3A_4054, %select_n3A_4015, %select_n3A_4073 : vector<32x128xi1>, vector<32x128xf32>
    %roll3A_4075 = arith.constant 28 : i32
    %roll3A_4076 = tpu.dynamic_rotate %select_n3A_4021 by %roll3A_4075 dim 0 : vector<32x128xf32>, i32 -> vector<32x128xf32>
    %roll3A_4077 = arith.constant 4 : i32
    %roll3A_4078 = tpu.dynamic_rotate %select_n3A_4021 by %roll3A_4077 dim 0 : vector<32x128xf32>, i32 -> vector<32x128xf32>
    %select_n3A_4079 = arith.select %eq3A_4027, %roll3A_4076, %roll3A_4078 : vector<32x128xi1>, vector<32x128xf32>
    %select_n3A_4080 = arith.select %eq3A_4054, %select_n3A_4021, %select_n3A_4079 : vector<32x128xi1>, vector<32x128xf32>
    %and3A_4081 = arith.constant 256 : i32
    %and3A_4082 = vector.broadcast %and3A_4081 : i32 to vector<32x128xi32>
    %and3A_4083 = arith.andi %add3A, %and3A_4082 : vector<32x128xi32>
    %eq3A_4084 = arith.constant 0 : i32
    %eq3A_4085 = vector.broadcast %eq3A_4084 : i32 to vector<32x128xi32>
    %eq3A_4086 = arith.cmpi eq, %and3A_4083, %eq3A_4085 : vector<32x128xi32>
    %and3A_4087 = arith.constant 4096 : i32
    %and3A_4088 = vector.broadcast %and3A_4087 : i32 to vector<32x128xi32>
    %and3A_4089 = arith.andi %add3A, %and3A_4088 : vector<32x128xi32>
    %eq3A_4090 = arith.constant 0 : i32
    %eq3A_4091 = vector.broadcast %eq3A_4090 : i32 to vector<32x128xi32>
    %eq3A_4092 = arith.cmpi eq, %and3A_4089, %eq3A_4091 : vector<32x128xi32>
    %roll3A_4093 = arith.constant 30 : i32
    %roll3A_4094 = tpu.dynamic_rotate %select_n3A_4055 by %roll3A_4093 dim 0 : vector<32x128xi32>, i32 -> vector<32x128xi32>
    %roll3A_4095 = arith.constant 2 : i32
    %roll3A_4096 = tpu.dynamic_rotate %select_n3A_4055 by %roll3A_4095 dim 0 : vector<32x128xi32>, i32 -> vector<32x128xi32>
    %select_n3A_4097 = arith.select %eq3A_4086, %roll3A_4094, %roll3A_4096 : vector<32x128xi1>, vector<32x128xi32>
    %roll3A_4098 = arith.constant 30 : i32
    %roll3A_4099 = tpu.dynamic_rotate %select_n3A_4056 by %roll3A_4098 dim 0 : vector<32x128xi32>, i32 -> vector<32x128xi32>
    %roll3A_4100 = arith.constant 2 : i32
    %roll3A_4101 = tpu.dynamic_rotate %select_n3A_4056 by %roll3A_4100 dim 0 : vector<32x128xi32>, i32 -> vector<32x128xi32>
    %select_n3A_4102 = arith.select %eq3A_4086, %roll3A_4099, %roll3A_4101 : vector<32x128xi1>, vector<32x128xi32>
    %gt3A_4103 = arith.cmpi sgt, %select_n3A_4055, %select_n3A_4097 : vector<32x128xi32>
    %eq3A_4104 = arith.cmpi eq, %select_n3A_4055, %select_n3A_4097 : vector<32x128xi32>
    %lt3A_4105 = arith.cmpi slt, %select_n3A_4056, %select_n3A_4102 : vector<32x128xi32>
    %and3A_4106 = arith.andi %eq3A_4104, %lt3A_4105 : vector<32x128xi1>
    %or3A_4107 = arith.ori %gt3A_4103, %and3A_4106 : vector<32x128xi1>
    %eq3A_4108 = arith.xori %eq3A_4086, %eq3A_4092 : vector<32x128xi1>
    %eq3A_4109 = arith.constant dense<true> : vector<32x128xi1>
    %eq3A_4110 = arith.xori %eq3A_4108, %eq3A_4109 : vector<32x128xi1>
    %eq3A_4111 = arith.xori %or3A_4107, %eq3A_4110 : vector<32x128xi1>
    %eq3A_4112 = arith.constant dense<true> : vector<32x128xi1>
    %eq3A_4113 = arith.xori %eq3A_4111, %eq3A_4112 : vector<32x128xi1>
    %select_n3A_4114 = arith.select %eq3A_4113, %select_n3A_4055, %select_n3A_4097 : vector<32x128xi1>, vector<32x128xi32>
    %select_n3A_4115 = arith.select %eq3A_4113, %select_n3A_4056, %select_n3A_4102 : vector<32x128xi1>, vector<32x128xi32>
    %roll3A_4116 = arith.constant 30 : i32
    %roll3A_4117 = tpu.dynamic_rotate %select_n3A_4062 by %roll3A_4116 dim 0 : vector<32x128xf32>, i32 -> vector<32x128xf32>
    %roll3A_4118 = arith.constant 2 : i32
    %roll3A_4119 = tpu.dynamic_rotate %select_n3A_4062 by %roll3A_4118 dim 0 : vector<32x128xf32>, i32 -> vector<32x128xf32>
    %select_n3A_4120 = arith.select %eq3A_4086, %roll3A_4117, %roll3A_4119 : vector<32x128xi1>, vector<32x128xf32>
    %select_n3A_4121 = arith.select %eq3A_4113, %select_n3A_4062, %select_n3A_4120 : vector<32x128xi1>, vector<32x128xf32>
    %roll3A_4122 = arith.constant 30 : i32
    %roll3A_4123 = tpu.dynamic_rotate %select_n3A_4068 by %roll3A_4122 dim 0 : vector<32x128xf32>, i32 -> vector<32x128xf32>
    %roll3A_4124 = arith.constant 2 : i32
    %roll3A_4125 = tpu.dynamic_rotate %select_n3A_4068 by %roll3A_4124 dim 0 : vector<32x128xf32>, i32 -> vector<32x128xf32>
    %select_n3A_4126 = arith.select %eq3A_4086, %roll3A_4123, %roll3A_4125 : vector<32x128xi1>, vector<32x128xf32>
    %select_n3A_4127 = arith.select %eq3A_4113, %select_n3A_4068, %select_n3A_4126 : vector<32x128xi1>, vector<32x128xf32>
    %roll3A_4128 = arith.constant 30 : i32
    %roll3A_4129 = tpu.dynamic_rotate %select_n3A_4074 by %roll3A_4128 dim 0 : vector<32x128xf32>, i32 -> vector<32x128xf32>
    %roll3A_4130 = arith.constant 2 : i32
    %roll3A_4131 = tpu.dynamic_rotate %select_n3A_4074 by %roll3A_4130 dim 0 : vector<32x128xf32>, i32 -> vector<32x128xf32>
    %select_n3A_4132 = arith.select %eq3A_4086, %roll3A_4129, %roll3A_4131 : vector<32x128xi1>, vector<32x128xf32>
    %select_n3A_4133 = arith.select %eq3A_4113, %select_n3A_4074, %select_n3A_4132 : vector<32x128xi1>, vector<32x128xf32>
    %roll3A_4134 = arith.constant 30 : i32
    %roll3A_4135 = tpu.dynamic_rotate %select_n3A_4080 by %roll3A_4134 dim 0 : vector<32x128xf32>, i32 -> vector<32x128xf32>
    %roll3A_4136 = arith.constant 2 : i32
    %roll3A_4137 = tpu.dynamic_rotate %select_n3A_4080 by %roll3A_4136 dim 0 : vector<32x128xf32>, i32 -> vector<32x128xf32>
    %select_n3A_4138 = arith.select %eq3A_4086, %roll3A_4135, %roll3A_4137 : vector<32x128xi1>, vector<32x128xf32>
    %select_n3A_4139 = arith.select %eq3A_4113, %select_n3A_4080, %select_n3A_4138 : vector<32x128xi1>, vector<32x128xf32>
    %and3A_4140 = arith.constant 128 : i32
    %and3A_4141 = vector.broadcast %and3A_4140 : i32 to vector<32x128xi32>
    %and3A_4142 = arith.andi %add3A, %and3A_4141 : vector<32x128xi32>
    %eq3A_4143 = arith.constant 0 : i32
    %eq3A_4144 = vector.broadcast %eq3A_4143 : i32 to vector<32x128xi32>
    %eq3A_4145 = arith.cmpi eq, %and3A_4142, %eq3A_4144 : vector<32x128xi32>
    %and3A_4146 = arith.constant 4096 : i32
    %and3A_4147 = vector.broadcast %and3A_4146 : i32 to vector<32x128xi32>
    %and3A_4148 = arith.andi %add3A, %and3A_4147 : vector<32x128xi32>
    %eq3A_4149 = arith.constant 0 : i32
    %eq3A_4150 = vector.broadcast %eq3A_4149 : i32 to vector<32x128xi32>
    %eq3A_4151 = arith.cmpi eq, %and3A_4148, %eq3A_4150 : vector<32x128xi32>
    %roll3A_4152 = arith.constant 31 : i32
    %roll3A_4153 = tpu.dynamic_rotate %select_n3A_4114 by %roll3A_4152 dim 0 : vector<32x128xi32>, i32 -> vector<32x128xi32>
    %roll3A_4154 = arith.constant 1 : i32
    %roll3A_4155 = tpu.dynamic_rotate %select_n3A_4114 by %roll3A_4154 dim 0 : vector<32x128xi32>, i32 -> vector<32x128xi32>
    %select_n3A_4156 = arith.select %eq3A_4145, %roll3A_4153, %roll3A_4155 : vector<32x128xi1>, vector<32x128xi32>
    %roll3A_4157 = arith.constant 31 : i32
    %roll3A_4158 = tpu.dynamic_rotate %select_n3A_4115 by %roll3A_4157 dim 0 : vector<32x128xi32>, i32 -> vector<32x128xi32>
    %roll3A_4159 = arith.constant 1 : i32
    %roll3A_4160 = tpu.dynamic_rotate %select_n3A_4115 by %roll3A_4159 dim 0 : vector<32x128xi32>, i32 -> vector<32x128xi32>
    %select_n3A_4161 = arith.select %eq3A_4145, %roll3A_4158, %roll3A_4160 : vector<32x128xi1>, vector<32x128xi32>
    %gt3A_4162 = arith.cmpi sgt, %select_n3A_4114, %select_n3A_4156 : vector<32x128xi32>
    %eq3A_4163 = arith.cmpi eq, %select_n3A_4114, %select_n3A_4156 : vector<32x128xi32>
    %lt3A_4164 = arith.cmpi slt, %select_n3A_4115, %select_n3A_4161 : vector<32x128xi32>
    %and3A_4165 = arith.andi %eq3A_4163, %lt3A_4164 : vector<32x128xi1>
    %or3A_4166 = arith.ori %gt3A_4162, %and3A_4165 : vector<32x128xi1>
    %eq3A_4167 = arith.xori %eq3A_4145, %eq3A_4151 : vector<32x128xi1>
    %eq3A_4168 = arith.constant dense<true> : vector<32x128xi1>
    %eq3A_4169 = arith.xori %eq3A_4167, %eq3A_4168 : vector<32x128xi1>
    %eq3A_4170 = arith.xori %or3A_4166, %eq3A_4169 : vector<32x128xi1>
    %eq3A_4171 = arith.constant dense<true> : vector<32x128xi1>
    %eq3A_4172 = arith.xori %eq3A_4170, %eq3A_4171 : vector<32x128xi1>
    %select_n3A_4173 = arith.select %eq3A_4172, %select_n3A_4114, %select_n3A_4156 : vector<32x128xi1>, vector<32x128xi32>
    %select_n3A_4174 = arith.select %eq3A_4172, %select_n3A_4115, %select_n3A_4161 : vector<32x128xi1>, vector<32x128xi32>
    %roll3A_4175 = arith.constant 31 : i32
    %roll3A_4176 = tpu.dynamic_rotate %select_n3A_4121 by %roll3A_4175 dim 0 : vector<32x128xf32>, i32 -> vector<32x128xf32>
    %roll3A_4177 = arith.constant 1 : i32
    %roll3A_4178 = tpu.dynamic_rotate %select_n3A_4121 by %roll3A_4177 dim 0 : vector<32x128xf32>, i32 -> vector<32x128xf32>
    %select_n3A_4179 = arith.select %eq3A_4145, %roll3A_4176, %roll3A_4178 : vector<32x128xi1>, vector<32x128xf32>
    %select_n3A_4180 = arith.select %eq3A_4172, %select_n3A_4121, %select_n3A_4179 : vector<32x128xi1>, vector<32x128xf32>
    %roll3A_4181 = arith.constant 31 : i32
    %roll3A_4182 = tpu.dynamic_rotate %select_n3A_4127 by %roll3A_4181 dim 0 : vector<32x128xf32>, i32 -> vector<32x128xf32>
    %roll3A_4183 = arith.constant 1 : i32
    %roll3A_4184 = tpu.dynamic_rotate %select_n3A_4127 by %roll3A_4183 dim 0 : vector<32x128xf32>, i32 -> vector<32x128xf32>
    %select_n3A_4185 = arith.select %eq3A_4145, %roll3A_4182, %roll3A_4184 : vector<32x128xi1>, vector<32x128xf32>
    %select_n3A_4186 = arith.select %eq3A_4172, %select_n3A_4127, %select_n3A_4185 : vector<32x128xi1>, vector<32x128xf32>
    %roll3A_4187 = arith.constant 31 : i32
    %roll3A_4188 = tpu.dynamic_rotate %select_n3A_4133 by %roll3A_4187 dim 0 : vector<32x128xf32>, i32 -> vector<32x128xf32>
    %roll3A_4189 = arith.constant 1 : i32
    %roll3A_4190 = tpu.dynamic_rotate %select_n3A_4133 by %roll3A_4189 dim 0 : vector<32x128xf32>, i32 -> vector<32x128xf32>
    %select_n3A_4191 = arith.select %eq3A_4145, %roll3A_4188, %roll3A_4190 : vector<32x128xi1>, vector<32x128xf32>
    %select_n3A_4192 = arith.select %eq3A_4172, %select_n3A_4133, %select_n3A_4191 : vector<32x128xi1>, vector<32x128xf32>
    %roll3A_4193 = arith.constant 31 : i32
    %roll3A_4194 = tpu.dynamic_rotate %select_n3A_4139 by %roll3A_4193 dim 0 : vector<32x128xf32>, i32 -> vector<32x128xf32>
    %roll3A_4195 = arith.constant 1 : i32
    %roll3A_4196 = tpu.dynamic_rotate %select_n3A_4139 by %roll3A_4195 dim 0 : vector<32x128xf32>, i32 -> vector<32x128xf32>
    %select_n3A_4197 = arith.select %eq3A_4145, %roll3A_4194, %roll3A_4196 : vector<32x128xi1>, vector<32x128xf32>
    %select_n3A_4198 = arith.select %eq3A_4172, %select_n3A_4139, %select_n3A_4197 : vector<32x128xi1>, vector<32x128xf32>
    %and3A_4199 = arith.constant 64 : i32
    %and3A_4200 = vector.broadcast %and3A_4199 : i32 to vector<32x128xi32>
    %and3A_4201 = arith.andi %add3A, %and3A_4200 : vector<32x128xi32>
    %eq3A_4202 = arith.constant 0 : i32
    %eq3A_4203 = vector.broadcast %eq3A_4202 : i32 to vector<32x128xi32>
    %eq3A_4204 = arith.cmpi eq, %and3A_4201, %eq3A_4203 : vector<32x128xi32>
    %and3A_4205 = arith.constant 4096 : i32
    %and3A_4206 = vector.broadcast %and3A_4205 : i32 to vector<32x128xi32>
    %and3A_4207 = arith.andi %add3A, %and3A_4206 : vector<32x128xi32>
    %eq3A_4208 = arith.constant 0 : i32
    %eq3A_4209 = vector.broadcast %eq3A_4208 : i32 to vector<32x128xi32>
    %eq3A_4210 = arith.cmpi eq, %and3A_4207, %eq3A_4209 : vector<32x128xi32>
    %roll3A_4211 = arith.constant 64 : i32
    %roll3A_4212 = tpu.dynamic_rotate %select_n3A_4173 by %roll3A_4211 dim 1 : vector<32x128xi32>, i32 -> vector<32x128xi32>
    %roll3A_4213 = arith.constant 64 : i32
    %roll3A_4214 = tpu.dynamic_rotate %select_n3A_4173 by %roll3A_4213 dim 1 : vector<32x128xi32>, i32 -> vector<32x128xi32>
    %select_n3A_4215 = arith.select %eq3A_4204, %roll3A_4212, %roll3A_4214 : vector<32x128xi1>, vector<32x128xi32>
    %roll3A_4216 = arith.constant 64 : i32
    %roll3A_4217 = tpu.dynamic_rotate %select_n3A_4174 by %roll3A_4216 dim 1 : vector<32x128xi32>, i32 -> vector<32x128xi32>
    %roll3A_4218 = arith.constant 64 : i32
    %roll3A_4219 = tpu.dynamic_rotate %select_n3A_4174 by %roll3A_4218 dim 1 : vector<32x128xi32>, i32 -> vector<32x128xi32>
    %select_n3A_4220 = arith.select %eq3A_4204, %roll3A_4217, %roll3A_4219 : vector<32x128xi1>, vector<32x128xi32>
    %gt3A_4221 = arith.cmpi sgt, %select_n3A_4173, %select_n3A_4215 : vector<32x128xi32>
    %eq3A_4222 = arith.cmpi eq, %select_n3A_4173, %select_n3A_4215 : vector<32x128xi32>
    %lt3A_4223 = arith.cmpi slt, %select_n3A_4174, %select_n3A_4220 : vector<32x128xi32>
    %and3A_4224 = arith.andi %eq3A_4222, %lt3A_4223 : vector<32x128xi1>
    %or3A_4225 = arith.ori %gt3A_4221, %and3A_4224 : vector<32x128xi1>
    %eq3A_4226 = arith.xori %eq3A_4204, %eq3A_4210 : vector<32x128xi1>
    %eq3A_4227 = arith.constant dense<true> : vector<32x128xi1>
    %eq3A_4228 = arith.xori %eq3A_4226, %eq3A_4227 : vector<32x128xi1>
    %eq3A_4229 = arith.xori %or3A_4225, %eq3A_4228 : vector<32x128xi1>
    %eq3A_4230 = arith.constant dense<true> : vector<32x128xi1>
    %eq3A_4231 = arith.xori %eq3A_4229, %eq3A_4230 : vector<32x128xi1>
    %select_n3A_4232 = arith.select %eq3A_4231, %select_n3A_4173, %select_n3A_4215 : vector<32x128xi1>, vector<32x128xi32>
    %select_n3A_4233 = arith.select %eq3A_4231, %select_n3A_4174, %select_n3A_4220 : vector<32x128xi1>, vector<32x128xi32>
    %roll3A_4234 = arith.constant 64 : i32
    %roll3A_4235 = tpu.dynamic_rotate %select_n3A_4180 by %roll3A_4234 dim 1 : vector<32x128xf32>, i32 -> vector<32x128xf32>
    %roll3A_4236 = arith.constant 64 : i32
    %roll3A_4237 = tpu.dynamic_rotate %select_n3A_4180 by %roll3A_4236 dim 1 : vector<32x128xf32>, i32 -> vector<32x128xf32>
    %select_n3A_4238 = arith.select %eq3A_4204, %roll3A_4235, %roll3A_4237 : vector<32x128xi1>, vector<32x128xf32>
    %select_n3A_4239 = arith.select %eq3A_4231, %select_n3A_4180, %select_n3A_4238 : vector<32x128xi1>, vector<32x128xf32>
    %roll3A_4240 = arith.constant 64 : i32
    %roll3A_4241 = tpu.dynamic_rotate %select_n3A_4186 by %roll3A_4240 dim 1 : vector<32x128xf32>, i32 -> vector<32x128xf32>
    %roll3A_4242 = arith.constant 64 : i32
    %roll3A_4243 = tpu.dynamic_rotate %select_n3A_4186 by %roll3A_4242 dim 1 : vector<32x128xf32>, i32 -> vector<32x128xf32>
    %select_n3A_4244 = arith.select %eq3A_4204, %roll3A_4241, %roll3A_4243 : vector<32x128xi1>, vector<32x128xf32>
    %select_n3A_4245 = arith.select %eq3A_4231, %select_n3A_4186, %select_n3A_4244 : vector<32x128xi1>, vector<32x128xf32>
    %roll3A_4246 = arith.constant 64 : i32
    %roll3A_4247 = tpu.dynamic_rotate %select_n3A_4192 by %roll3A_4246 dim 1 : vector<32x128xf32>, i32 -> vector<32x128xf32>
    %roll3A_4248 = arith.constant 64 : i32
    %roll3A_4249 = tpu.dynamic_rotate %select_n3A_4192 by %roll3A_4248 dim 1 : vector<32x128xf32>, i32 -> vector<32x128xf32>
    %select_n3A_4250 = arith.select %eq3A_4204, %roll3A_4247, %roll3A_4249 : vector<32x128xi1>, vector<32x128xf32>
    %select_n3A_4251 = arith.select %eq3A_4231, %select_n3A_4192, %select_n3A_4250 : vector<32x128xi1>, vector<32x128xf32>
    %roll3A_4252 = arith.constant 64 : i32
    %roll3A_4253 = tpu.dynamic_rotate %select_n3A_4198 by %roll3A_4252 dim 1 : vector<32x128xf32>, i32 -> vector<32x128xf32>
    %roll3A_4254 = arith.constant 64 : i32
    %roll3A_4255 = tpu.dynamic_rotate %select_n3A_4198 by %roll3A_4254 dim 1 : vector<32x128xf32>, i32 -> vector<32x128xf32>
    %select_n3A_4256 = arith.select %eq3A_4204, %roll3A_4253, %roll3A_4255 : vector<32x128xi1>, vector<32x128xf32>
    %select_n3A_4257 = arith.select %eq3A_4231, %select_n3A_4198, %select_n3A_4256 : vector<32x128xi1>, vector<32x128xf32>
    %and3A_4258 = arith.constant 32 : i32
    %and3A_4259 = vector.broadcast %and3A_4258 : i32 to vector<32x128xi32>
    %and3A_4260 = arith.andi %add3A, %and3A_4259 : vector<32x128xi32>
    %eq3A_4261 = arith.constant 0 : i32
    %eq3A_4262 = vector.broadcast %eq3A_4261 : i32 to vector<32x128xi32>
    %eq3A_4263 = arith.cmpi eq, %and3A_4260, %eq3A_4262 : vector<32x128xi32>
    %and3A_4264 = arith.constant 4096 : i32
    %and3A_4265 = vector.broadcast %and3A_4264 : i32 to vector<32x128xi32>
    %and3A_4266 = arith.andi %add3A, %and3A_4265 : vector<32x128xi32>
    %eq3A_4267 = arith.constant 0 : i32
    %eq3A_4268 = vector.broadcast %eq3A_4267 : i32 to vector<32x128xi32>
    %eq3A_4269 = arith.cmpi eq, %and3A_4266, %eq3A_4268 : vector<32x128xi32>
    %roll3A_4270 = arith.constant 96 : i32
    %roll3A_4271 = tpu.dynamic_rotate %select_n3A_4232 by %roll3A_4270 dim 1 : vector<32x128xi32>, i32 -> vector<32x128xi32>
    %roll3A_4272 = arith.constant 32 : i32
    %roll3A_4273 = tpu.dynamic_rotate %select_n3A_4232 by %roll3A_4272 dim 1 : vector<32x128xi32>, i32 -> vector<32x128xi32>
    %select_n3A_4274 = arith.select %eq3A_4263, %roll3A_4271, %roll3A_4273 : vector<32x128xi1>, vector<32x128xi32>
    %roll3A_4275 = arith.constant 96 : i32
    %roll3A_4276 = tpu.dynamic_rotate %select_n3A_4233 by %roll3A_4275 dim 1 : vector<32x128xi32>, i32 -> vector<32x128xi32>
    %roll3A_4277 = arith.constant 32 : i32
    %roll3A_4278 = tpu.dynamic_rotate %select_n3A_4233 by %roll3A_4277 dim 1 : vector<32x128xi32>, i32 -> vector<32x128xi32>
    %select_n3A_4279 = arith.select %eq3A_4263, %roll3A_4276, %roll3A_4278 : vector<32x128xi1>, vector<32x128xi32>
    %gt3A_4280 = arith.cmpi sgt, %select_n3A_4232, %select_n3A_4274 : vector<32x128xi32>
    %eq3A_4281 = arith.cmpi eq, %select_n3A_4232, %select_n3A_4274 : vector<32x128xi32>
    %lt3A_4282 = arith.cmpi slt, %select_n3A_4233, %select_n3A_4279 : vector<32x128xi32>
    %and3A_4283 = arith.andi %eq3A_4281, %lt3A_4282 : vector<32x128xi1>
    %or3A_4284 = arith.ori %gt3A_4280, %and3A_4283 : vector<32x128xi1>
    %eq3A_4285 = arith.xori %eq3A_4263, %eq3A_4269 : vector<32x128xi1>
    %eq3A_4286 = arith.constant dense<true> : vector<32x128xi1>
    %eq3A_4287 = arith.xori %eq3A_4285, %eq3A_4286 : vector<32x128xi1>
    %eq3A_4288 = arith.xori %or3A_4284, %eq3A_4287 : vector<32x128xi1>
    %eq3A_4289 = arith.constant dense<true> : vector<32x128xi1>
    %eq3A_4290 = arith.xori %eq3A_4288, %eq3A_4289 : vector<32x128xi1>
    %select_n3A_4291 = arith.select %eq3A_4290, %select_n3A_4232, %select_n3A_4274 : vector<32x128xi1>, vector<32x128xi32>
    %select_n3A_4292 = arith.select %eq3A_4290, %select_n3A_4233, %select_n3A_4279 : vector<32x128xi1>, vector<32x128xi32>
    %roll3A_4293 = arith.constant 96 : i32
    %roll3A_4294 = tpu.dynamic_rotate %select_n3A_4239 by %roll3A_4293 dim 1 : vector<32x128xf32>, i32 -> vector<32x128xf32>
    %roll3A_4295 = arith.constant 32 : i32
    %roll3A_4296 = tpu.dynamic_rotate %select_n3A_4239 by %roll3A_4295 dim 1 : vector<32x128xf32>, i32 -> vector<32x128xf32>
    %select_n3A_4297 = arith.select %eq3A_4263, %roll3A_4294, %roll3A_4296 : vector<32x128xi1>, vector<32x128xf32>
    %select_n3A_4298 = arith.select %eq3A_4290, %select_n3A_4239, %select_n3A_4297 : vector<32x128xi1>, vector<32x128xf32>
    %roll3A_4299 = arith.constant 96 : i32
    %roll3A_4300 = tpu.dynamic_rotate %select_n3A_4245 by %roll3A_4299 dim 1 : vector<32x128xf32>, i32 -> vector<32x128xf32>
    %roll3A_4301 = arith.constant 32 : i32
    %roll3A_4302 = tpu.dynamic_rotate %select_n3A_4245 by %roll3A_4301 dim 1 : vector<32x128xf32>, i32 -> vector<32x128xf32>
    %select_n3A_4303 = arith.select %eq3A_4263, %roll3A_4300, %roll3A_4302 : vector<32x128xi1>, vector<32x128xf32>
    %select_n3A_4304 = arith.select %eq3A_4290, %select_n3A_4245, %select_n3A_4303 : vector<32x128xi1>, vector<32x128xf32>
    %roll3A_4305 = arith.constant 96 : i32
    %roll3A_4306 = tpu.dynamic_rotate %select_n3A_4251 by %roll3A_4305 dim 1 : vector<32x128xf32>, i32 -> vector<32x128xf32>
    %roll3A_4307 = arith.constant 32 : i32
    %roll3A_4308 = tpu.dynamic_rotate %select_n3A_4251 by %roll3A_4307 dim 1 : vector<32x128xf32>, i32 -> vector<32x128xf32>
    %select_n3A_4309 = arith.select %eq3A_4263, %roll3A_4306, %roll3A_4308 : vector<32x128xi1>, vector<32x128xf32>
    %select_n3A_4310 = arith.select %eq3A_4290, %select_n3A_4251, %select_n3A_4309 : vector<32x128xi1>, vector<32x128xf32>
    %roll3A_4311 = arith.constant 96 : i32
    %roll3A_4312 = tpu.dynamic_rotate %select_n3A_4257 by %roll3A_4311 dim 1 : vector<32x128xf32>, i32 -> vector<32x128xf32>
    %roll3A_4313 = arith.constant 32 : i32
    %roll3A_4314 = tpu.dynamic_rotate %select_n3A_4257 by %roll3A_4313 dim 1 : vector<32x128xf32>, i32 -> vector<32x128xf32>
    %select_n3A_4315 = arith.select %eq3A_4263, %roll3A_4312, %roll3A_4314 : vector<32x128xi1>, vector<32x128xf32>
    %select_n3A_4316 = arith.select %eq3A_4290, %select_n3A_4257, %select_n3A_4315 : vector<32x128xi1>, vector<32x128xf32>
    %and3A_4317 = arith.constant 16 : i32
    %and3A_4318 = vector.broadcast %and3A_4317 : i32 to vector<32x128xi32>
    %and3A_4319 = arith.andi %add3A, %and3A_4318 : vector<32x128xi32>
    %eq3A_4320 = arith.constant 0 : i32
    %eq3A_4321 = vector.broadcast %eq3A_4320 : i32 to vector<32x128xi32>
    %eq3A_4322 = arith.cmpi eq, %and3A_4319, %eq3A_4321 : vector<32x128xi32>
    %and3A_4323 = arith.constant 4096 : i32
    %and3A_4324 = vector.broadcast %and3A_4323 : i32 to vector<32x128xi32>
    %and3A_4325 = arith.andi %add3A, %and3A_4324 : vector<32x128xi32>
    %eq3A_4326 = arith.constant 0 : i32
    %eq3A_4327 = vector.broadcast %eq3A_4326 : i32 to vector<32x128xi32>
    %eq3A_4328 = arith.cmpi eq, %and3A_4325, %eq3A_4327 : vector<32x128xi32>
    %roll3A_4329 = arith.constant 112 : i32
    %roll3A_4330 = tpu.dynamic_rotate %select_n3A_4291 by %roll3A_4329 dim 1 : vector<32x128xi32>, i32 -> vector<32x128xi32>
    %roll3A_4331 = arith.constant 16 : i32
    %roll3A_4332 = tpu.dynamic_rotate %select_n3A_4291 by %roll3A_4331 dim 1 : vector<32x128xi32>, i32 -> vector<32x128xi32>
    %select_n3A_4333 = arith.select %eq3A_4322, %roll3A_4330, %roll3A_4332 : vector<32x128xi1>, vector<32x128xi32>
    %roll3A_4334 = arith.constant 112 : i32
    %roll3A_4335 = tpu.dynamic_rotate %select_n3A_4292 by %roll3A_4334 dim 1 : vector<32x128xi32>, i32 -> vector<32x128xi32>
    %roll3A_4336 = arith.constant 16 : i32
    %roll3A_4337 = tpu.dynamic_rotate %select_n3A_4292 by %roll3A_4336 dim 1 : vector<32x128xi32>, i32 -> vector<32x128xi32>
    %select_n3A_4338 = arith.select %eq3A_4322, %roll3A_4335, %roll3A_4337 : vector<32x128xi1>, vector<32x128xi32>
    %gt3A_4339 = arith.cmpi sgt, %select_n3A_4291, %select_n3A_4333 : vector<32x128xi32>
    %eq3A_4340 = arith.cmpi eq, %select_n3A_4291, %select_n3A_4333 : vector<32x128xi32>
    %lt3A_4341 = arith.cmpi slt, %select_n3A_4292, %select_n3A_4338 : vector<32x128xi32>
    %and3A_4342 = arith.andi %eq3A_4340, %lt3A_4341 : vector<32x128xi1>
    %or3A_4343 = arith.ori %gt3A_4339, %and3A_4342 : vector<32x128xi1>
    %eq3A_4344 = arith.xori %eq3A_4322, %eq3A_4328 : vector<32x128xi1>
    %eq3A_4345 = arith.constant dense<true> : vector<32x128xi1>
    %eq3A_4346 = arith.xori %eq3A_4344, %eq3A_4345 : vector<32x128xi1>
    %eq3A_4347 = arith.xori %or3A_4343, %eq3A_4346 : vector<32x128xi1>
    %eq3A_4348 = arith.constant dense<true> : vector<32x128xi1>
    %eq3A_4349 = arith.xori %eq3A_4347, %eq3A_4348 : vector<32x128xi1>
    %select_n3A_4350 = arith.select %eq3A_4349, %select_n3A_4291, %select_n3A_4333 : vector<32x128xi1>, vector<32x128xi32>
    %select_n3A_4351 = arith.select %eq3A_4349, %select_n3A_4292, %select_n3A_4338 : vector<32x128xi1>, vector<32x128xi32>
    %roll3A_4352 = arith.constant 112 : i32
    %roll3A_4353 = tpu.dynamic_rotate %select_n3A_4298 by %roll3A_4352 dim 1 : vector<32x128xf32>, i32 -> vector<32x128xf32>
    %roll3A_4354 = arith.constant 16 : i32
    %roll3A_4355 = tpu.dynamic_rotate %select_n3A_4298 by %roll3A_4354 dim 1 : vector<32x128xf32>, i32 -> vector<32x128xf32>
    %select_n3A_4356 = arith.select %eq3A_4322, %roll3A_4353, %roll3A_4355 : vector<32x128xi1>, vector<32x128xf32>
    %select_n3A_4357 = arith.select %eq3A_4349, %select_n3A_4298, %select_n3A_4356 : vector<32x128xi1>, vector<32x128xf32>
    %roll3A_4358 = arith.constant 112 : i32
    %roll3A_4359 = tpu.dynamic_rotate %select_n3A_4304 by %roll3A_4358 dim 1 : vector<32x128xf32>, i32 -> vector<32x128xf32>
    %roll3A_4360 = arith.constant 16 : i32
    %roll3A_4361 = tpu.dynamic_rotate %select_n3A_4304 by %roll3A_4360 dim 1 : vector<32x128xf32>, i32 -> vector<32x128xf32>
    %select_n3A_4362 = arith.select %eq3A_4322, %roll3A_4359, %roll3A_4361 : vector<32x128xi1>, vector<32x128xf32>
    %select_n3A_4363 = arith.select %eq3A_4349, %select_n3A_4304, %select_n3A_4362 : vector<32x128xi1>, vector<32x128xf32>
    %roll3A_4364 = arith.constant 112 : i32
    %roll3A_4365 = tpu.dynamic_rotate %select_n3A_4310 by %roll3A_4364 dim 1 : vector<32x128xf32>, i32 -> vector<32x128xf32>
    %roll3A_4366 = arith.constant 16 : i32
    %roll3A_4367 = tpu.dynamic_rotate %select_n3A_4310 by %roll3A_4366 dim 1 : vector<32x128xf32>, i32 -> vector<32x128xf32>
    %select_n3A_4368 = arith.select %eq3A_4322, %roll3A_4365, %roll3A_4367 : vector<32x128xi1>, vector<32x128xf32>
    %select_n3A_4369 = arith.select %eq3A_4349, %select_n3A_4310, %select_n3A_4368 : vector<32x128xi1>, vector<32x128xf32>
    %roll3A_4370 = arith.constant 112 : i32
    %roll3A_4371 = tpu.dynamic_rotate %select_n3A_4316 by %roll3A_4370 dim 1 : vector<32x128xf32>, i32 -> vector<32x128xf32>
    %roll3A_4372 = arith.constant 16 : i32
    %roll3A_4373 = tpu.dynamic_rotate %select_n3A_4316 by %roll3A_4372 dim 1 : vector<32x128xf32>, i32 -> vector<32x128xf32>
    %select_n3A_4374 = arith.select %eq3A_4322, %roll3A_4371, %roll3A_4373 : vector<32x128xi1>, vector<32x128xf32>
    %select_n3A_4375 = arith.select %eq3A_4349, %select_n3A_4316, %select_n3A_4374 : vector<32x128xi1>, vector<32x128xf32>
    %and3A_4376 = arith.constant 8 : i32
    %and3A_4377 = vector.broadcast %and3A_4376 : i32 to vector<32x128xi32>
    %and3A_4378 = arith.andi %add3A, %and3A_4377 : vector<32x128xi32>
    %eq3A_4379 = arith.constant 0 : i32
    %eq3A_4380 = vector.broadcast %eq3A_4379 : i32 to vector<32x128xi32>
    %eq3A_4381 = arith.cmpi eq, %and3A_4378, %eq3A_4380 : vector<32x128xi32>
    %and3A_4382 = arith.constant 4096 : i32
    %and3A_4383 = vector.broadcast %and3A_4382 : i32 to vector<32x128xi32>
    %and3A_4384 = arith.andi %add3A, %and3A_4383 : vector<32x128xi32>
    %eq3A_4385 = arith.constant 0 : i32
    %eq3A_4386 = vector.broadcast %eq3A_4385 : i32 to vector<32x128xi32>
    %eq3A_4387 = arith.cmpi eq, %and3A_4384, %eq3A_4386 : vector<32x128xi32>
    %roll3A_4388 = arith.constant 120 : i32
    %roll3A_4389 = tpu.dynamic_rotate %select_n3A_4350 by %roll3A_4388 dim 1 : vector<32x128xi32>, i32 -> vector<32x128xi32>
    %roll3A_4390 = arith.constant 8 : i32
    %roll3A_4391 = tpu.dynamic_rotate %select_n3A_4350 by %roll3A_4390 dim 1 : vector<32x128xi32>, i32 -> vector<32x128xi32>
    %select_n3A_4392 = arith.select %eq3A_4381, %roll3A_4389, %roll3A_4391 : vector<32x128xi1>, vector<32x128xi32>
    %roll3A_4393 = arith.constant 120 : i32
    %roll3A_4394 = tpu.dynamic_rotate %select_n3A_4351 by %roll3A_4393 dim 1 : vector<32x128xi32>, i32 -> vector<32x128xi32>
    %roll3A_4395 = arith.constant 8 : i32
    %roll3A_4396 = tpu.dynamic_rotate %select_n3A_4351 by %roll3A_4395 dim 1 : vector<32x128xi32>, i32 -> vector<32x128xi32>
    %select_n3A_4397 = arith.select %eq3A_4381, %roll3A_4394, %roll3A_4396 : vector<32x128xi1>, vector<32x128xi32>
    %gt3A_4398 = arith.cmpi sgt, %select_n3A_4350, %select_n3A_4392 : vector<32x128xi32>
    %eq3A_4399 = arith.cmpi eq, %select_n3A_4350, %select_n3A_4392 : vector<32x128xi32>
    %lt3A_4400 = arith.cmpi slt, %select_n3A_4351, %select_n3A_4397 : vector<32x128xi32>
    %and3A_4401 = arith.andi %eq3A_4399, %lt3A_4400 : vector<32x128xi1>
    %or3A_4402 = arith.ori %gt3A_4398, %and3A_4401 : vector<32x128xi1>
    %eq3A_4403 = arith.xori %eq3A_4381, %eq3A_4387 : vector<32x128xi1>
    %eq3A_4404 = arith.constant dense<true> : vector<32x128xi1>
    %eq3A_4405 = arith.xori %eq3A_4403, %eq3A_4404 : vector<32x128xi1>
    %eq3A_4406 = arith.xori %or3A_4402, %eq3A_4405 : vector<32x128xi1>
    %eq3A_4407 = arith.constant dense<true> : vector<32x128xi1>
    %eq3A_4408 = arith.xori %eq3A_4406, %eq3A_4407 : vector<32x128xi1>
    %select_n3A_4409 = arith.select %eq3A_4408, %select_n3A_4350, %select_n3A_4392 : vector<32x128xi1>, vector<32x128xi32>
    %select_n3A_4410 = arith.select %eq3A_4408, %select_n3A_4351, %select_n3A_4397 : vector<32x128xi1>, vector<32x128xi32>
    %roll3A_4411 = arith.constant 120 : i32
    %roll3A_4412 = tpu.dynamic_rotate %select_n3A_4357 by %roll3A_4411 dim 1 : vector<32x128xf32>, i32 -> vector<32x128xf32>
    %roll3A_4413 = arith.constant 8 : i32
    %roll3A_4414 = tpu.dynamic_rotate %select_n3A_4357 by %roll3A_4413 dim 1 : vector<32x128xf32>, i32 -> vector<32x128xf32>
    %select_n3A_4415 = arith.select %eq3A_4381, %roll3A_4412, %roll3A_4414 : vector<32x128xi1>, vector<32x128xf32>
    %select_n3A_4416 = arith.select %eq3A_4408, %select_n3A_4357, %select_n3A_4415 : vector<32x128xi1>, vector<32x128xf32>
    %roll3A_4417 = arith.constant 120 : i32
    %roll3A_4418 = tpu.dynamic_rotate %select_n3A_4363 by %roll3A_4417 dim 1 : vector<32x128xf32>, i32 -> vector<32x128xf32>
    %roll3A_4419 = arith.constant 8 : i32
    %roll3A_4420 = tpu.dynamic_rotate %select_n3A_4363 by %roll3A_4419 dim 1 : vector<32x128xf32>, i32 -> vector<32x128xf32>
    %select_n3A_4421 = arith.select %eq3A_4381, %roll3A_4418, %roll3A_4420 : vector<32x128xi1>, vector<32x128xf32>
    %select_n3A_4422 = arith.select %eq3A_4408, %select_n3A_4363, %select_n3A_4421 : vector<32x128xi1>, vector<32x128xf32>
    %roll3A_4423 = arith.constant 120 : i32
    %roll3A_4424 = tpu.dynamic_rotate %select_n3A_4369 by %roll3A_4423 dim 1 : vector<32x128xf32>, i32 -> vector<32x128xf32>
    %roll3A_4425 = arith.constant 8 : i32
    %roll3A_4426 = tpu.dynamic_rotate %select_n3A_4369 by %roll3A_4425 dim 1 : vector<32x128xf32>, i32 -> vector<32x128xf32>
    %select_n3A_4427 = arith.select %eq3A_4381, %roll3A_4424, %roll3A_4426 : vector<32x128xi1>, vector<32x128xf32>
    %select_n3A_4428 = arith.select %eq3A_4408, %select_n3A_4369, %select_n3A_4427 : vector<32x128xi1>, vector<32x128xf32>
    %roll3A_4429 = arith.constant 120 : i32
    %roll3A_4430 = tpu.dynamic_rotate %select_n3A_4375 by %roll3A_4429 dim 1 : vector<32x128xf32>, i32 -> vector<32x128xf32>
    %roll3A_4431 = arith.constant 8 : i32
    %roll3A_4432 = tpu.dynamic_rotate %select_n3A_4375 by %roll3A_4431 dim 1 : vector<32x128xf32>, i32 -> vector<32x128xf32>
    %select_n3A_4433 = arith.select %eq3A_4381, %roll3A_4430, %roll3A_4432 : vector<32x128xi1>, vector<32x128xf32>
    %select_n3A_4434 = arith.select %eq3A_4408, %select_n3A_4375, %select_n3A_4433 : vector<32x128xi1>, vector<32x128xf32>
    %and3A_4435 = arith.constant 4 : i32
    %and3A_4436 = vector.broadcast %and3A_4435 : i32 to vector<32x128xi32>
    %and3A_4437 = arith.andi %add3A, %and3A_4436 : vector<32x128xi32>
    %eq3A_4438 = arith.constant 0 : i32
    %eq3A_4439 = vector.broadcast %eq3A_4438 : i32 to vector<32x128xi32>
    %eq3A_4440 = arith.cmpi eq, %and3A_4437, %eq3A_4439 : vector<32x128xi32>
    %and3A_4441 = arith.constant 4096 : i32
    %and3A_4442 = vector.broadcast %and3A_4441 : i32 to vector<32x128xi32>
    %and3A_4443 = arith.andi %add3A, %and3A_4442 : vector<32x128xi32>
    %eq3A_4444 = arith.constant 0 : i32
    %eq3A_4445 = vector.broadcast %eq3A_4444 : i32 to vector<32x128xi32>
    %eq3A_4446 = arith.cmpi eq, %and3A_4443, %eq3A_4445 : vector<32x128xi32>
    %roll3A_4447 = arith.constant 124 : i32
    %roll3A_4448 = tpu.dynamic_rotate %select_n3A_4409 by %roll3A_4447 dim 1 : vector<32x128xi32>, i32 -> vector<32x128xi32>
    %roll3A_4449 = arith.constant 4 : i32
    %roll3A_4450 = tpu.dynamic_rotate %select_n3A_4409 by %roll3A_4449 dim 1 : vector<32x128xi32>, i32 -> vector<32x128xi32>
    %select_n3A_4451 = arith.select %eq3A_4440, %roll3A_4448, %roll3A_4450 : vector<32x128xi1>, vector<32x128xi32>
    %roll3A_4452 = arith.constant 124 : i32
    %roll3A_4453 = tpu.dynamic_rotate %select_n3A_4410 by %roll3A_4452 dim 1 : vector<32x128xi32>, i32 -> vector<32x128xi32>
    %roll3A_4454 = arith.constant 4 : i32
    %roll3A_4455 = tpu.dynamic_rotate %select_n3A_4410 by %roll3A_4454 dim 1 : vector<32x128xi32>, i32 -> vector<32x128xi32>
    %select_n3A_4456 = arith.select %eq3A_4440, %roll3A_4453, %roll3A_4455 : vector<32x128xi1>, vector<32x128xi32>
    %gt3A_4457 = arith.cmpi sgt, %select_n3A_4409, %select_n3A_4451 : vector<32x128xi32>
    %eq3A_4458 = arith.cmpi eq, %select_n3A_4409, %select_n3A_4451 : vector<32x128xi32>
    %lt3A_4459 = arith.cmpi slt, %select_n3A_4410, %select_n3A_4456 : vector<32x128xi32>
    %and3A_4460 = arith.andi %eq3A_4458, %lt3A_4459 : vector<32x128xi1>
    %or3A_4461 = arith.ori %gt3A_4457, %and3A_4460 : vector<32x128xi1>
    %eq3A_4462 = arith.xori %eq3A_4440, %eq3A_4446 : vector<32x128xi1>
    %eq3A_4463 = arith.constant dense<true> : vector<32x128xi1>
    %eq3A_4464 = arith.xori %eq3A_4462, %eq3A_4463 : vector<32x128xi1>
    %eq3A_4465 = arith.xori %or3A_4461, %eq3A_4464 : vector<32x128xi1>
    %eq3A_4466 = arith.constant dense<true> : vector<32x128xi1>
    %eq3A_4467 = arith.xori %eq3A_4465, %eq3A_4466 : vector<32x128xi1>
    %select_n3A_4468 = arith.select %eq3A_4467, %select_n3A_4409, %select_n3A_4451 : vector<32x128xi1>, vector<32x128xi32>
    %select_n3A_4469 = arith.select %eq3A_4467, %select_n3A_4410, %select_n3A_4456 : vector<32x128xi1>, vector<32x128xi32>
    %roll3A_4470 = arith.constant 124 : i32
    %roll3A_4471 = tpu.dynamic_rotate %select_n3A_4416 by %roll3A_4470 dim 1 : vector<32x128xf32>, i32 -> vector<32x128xf32>
    %roll3A_4472 = arith.constant 4 : i32
    %roll3A_4473 = tpu.dynamic_rotate %select_n3A_4416 by %roll3A_4472 dim 1 : vector<32x128xf32>, i32 -> vector<32x128xf32>
    %select_n3A_4474 = arith.select %eq3A_4440, %roll3A_4471, %roll3A_4473 : vector<32x128xi1>, vector<32x128xf32>
    %select_n3A_4475 = arith.select %eq3A_4467, %select_n3A_4416, %select_n3A_4474 : vector<32x128xi1>, vector<32x128xf32>
    %roll3A_4476 = arith.constant 124 : i32
    %roll3A_4477 = tpu.dynamic_rotate %select_n3A_4422 by %roll3A_4476 dim 1 : vector<32x128xf32>, i32 -> vector<32x128xf32>
    %roll3A_4478 = arith.constant 4 : i32
    %roll3A_4479 = tpu.dynamic_rotate %select_n3A_4422 by %roll3A_4478 dim 1 : vector<32x128xf32>, i32 -> vector<32x128xf32>
    %select_n3A_4480 = arith.select %eq3A_4440, %roll3A_4477, %roll3A_4479 : vector<32x128xi1>, vector<32x128xf32>
    %select_n3A_4481 = arith.select %eq3A_4467, %select_n3A_4422, %select_n3A_4480 : vector<32x128xi1>, vector<32x128xf32>
    %roll3A_4482 = arith.constant 124 : i32
    %roll3A_4483 = tpu.dynamic_rotate %select_n3A_4428 by %roll3A_4482 dim 1 : vector<32x128xf32>, i32 -> vector<32x128xf32>
    %roll3A_4484 = arith.constant 4 : i32
    %roll3A_4485 = tpu.dynamic_rotate %select_n3A_4428 by %roll3A_4484 dim 1 : vector<32x128xf32>, i32 -> vector<32x128xf32>
    %select_n3A_4486 = arith.select %eq3A_4440, %roll3A_4483, %roll3A_4485 : vector<32x128xi1>, vector<32x128xf32>
    %select_n3A_4487 = arith.select %eq3A_4467, %select_n3A_4428, %select_n3A_4486 : vector<32x128xi1>, vector<32x128xf32>
    %roll3A_4488 = arith.constant 124 : i32
    %roll3A_4489 = tpu.dynamic_rotate %select_n3A_4434 by %roll3A_4488 dim 1 : vector<32x128xf32>, i32 -> vector<32x128xf32>
    %roll3A_4490 = arith.constant 4 : i32
    %roll3A_4491 = tpu.dynamic_rotate %select_n3A_4434 by %roll3A_4490 dim 1 : vector<32x128xf32>, i32 -> vector<32x128xf32>
    %select_n3A_4492 = arith.select %eq3A_4440, %roll3A_4489, %roll3A_4491 : vector<32x128xi1>, vector<32x128xf32>
    %select_n3A_4493 = arith.select %eq3A_4467, %select_n3A_4434, %select_n3A_4492 : vector<32x128xi1>, vector<32x128xf32>
    %and3A_4494 = arith.constant 2 : i32
    %and3A_4495 = vector.broadcast %and3A_4494 : i32 to vector<32x128xi32>
    %and3A_4496 = arith.andi %add3A, %and3A_4495 : vector<32x128xi32>
    %eq3A_4497 = arith.constant 0 : i32
    %eq3A_4498 = vector.broadcast %eq3A_4497 : i32 to vector<32x128xi32>
    %eq3A_4499 = arith.cmpi eq, %and3A_4496, %eq3A_4498 : vector<32x128xi32>
    %and3A_4500 = arith.constant 4096 : i32
    %and3A_4501 = vector.broadcast %and3A_4500 : i32 to vector<32x128xi32>
    %and3A_4502 = arith.andi %add3A, %and3A_4501 : vector<32x128xi32>
    %eq3A_4503 = arith.constant 0 : i32
    %eq3A_4504 = vector.broadcast %eq3A_4503 : i32 to vector<32x128xi32>
    %eq3A_4505 = arith.cmpi eq, %and3A_4502, %eq3A_4504 : vector<32x128xi32>
    %roll3A_4506 = arith.constant 126 : i32
    %roll3A_4507 = tpu.dynamic_rotate %select_n3A_4468 by %roll3A_4506 dim 1 : vector<32x128xi32>, i32 -> vector<32x128xi32>
    %roll3A_4508 = arith.constant 2 : i32
    %roll3A_4509 = tpu.dynamic_rotate %select_n3A_4468 by %roll3A_4508 dim 1 : vector<32x128xi32>, i32 -> vector<32x128xi32>
    %select_n3A_4510 = arith.select %eq3A_4499, %roll3A_4507, %roll3A_4509 : vector<32x128xi1>, vector<32x128xi32>
    %roll3A_4511 = arith.constant 126 : i32
    %roll3A_4512 = tpu.dynamic_rotate %select_n3A_4469 by %roll3A_4511 dim 1 : vector<32x128xi32>, i32 -> vector<32x128xi32>
    %roll3A_4513 = arith.constant 2 : i32
    %roll3A_4514 = tpu.dynamic_rotate %select_n3A_4469 by %roll3A_4513 dim 1 : vector<32x128xi32>, i32 -> vector<32x128xi32>
    %select_n3A_4515 = arith.select %eq3A_4499, %roll3A_4512, %roll3A_4514 : vector<32x128xi1>, vector<32x128xi32>
    %gt3A_4516 = arith.cmpi sgt, %select_n3A_4468, %select_n3A_4510 : vector<32x128xi32>
    %eq3A_4517 = arith.cmpi eq, %select_n3A_4468, %select_n3A_4510 : vector<32x128xi32>
    %lt3A_4518 = arith.cmpi slt, %select_n3A_4469, %select_n3A_4515 : vector<32x128xi32>
    %and3A_4519 = arith.andi %eq3A_4517, %lt3A_4518 : vector<32x128xi1>
    %or3A_4520 = arith.ori %gt3A_4516, %and3A_4519 : vector<32x128xi1>
    %eq3A_4521 = arith.xori %eq3A_4499, %eq3A_4505 : vector<32x128xi1>
    %eq3A_4522 = arith.constant dense<true> : vector<32x128xi1>
    %eq3A_4523 = arith.xori %eq3A_4521, %eq3A_4522 : vector<32x128xi1>
    %eq3A_4524 = arith.xori %or3A_4520, %eq3A_4523 : vector<32x128xi1>
    %eq3A_4525 = arith.constant dense<true> : vector<32x128xi1>
    %eq3A_4526 = arith.xori %eq3A_4524, %eq3A_4525 : vector<32x128xi1>
    %select_n3A_4527 = arith.select %eq3A_4526, %select_n3A_4468, %select_n3A_4510 : vector<32x128xi1>, vector<32x128xi32>
    %select_n3A_4528 = arith.select %eq3A_4526, %select_n3A_4469, %select_n3A_4515 : vector<32x128xi1>, vector<32x128xi32>
    %roll3A_4529 = arith.constant 126 : i32
    %roll3A_4530 = tpu.dynamic_rotate %select_n3A_4475 by %roll3A_4529 dim 1 : vector<32x128xf32>, i32 -> vector<32x128xf32>
    %roll3A_4531 = arith.constant 2 : i32
    %roll3A_4532 = tpu.dynamic_rotate %select_n3A_4475 by %roll3A_4531 dim 1 : vector<32x128xf32>, i32 -> vector<32x128xf32>
    %select_n3A_4533 = arith.select %eq3A_4499, %roll3A_4530, %roll3A_4532 : vector<32x128xi1>, vector<32x128xf32>
    %select_n3A_4534 = arith.select %eq3A_4526, %select_n3A_4475, %select_n3A_4533 : vector<32x128xi1>, vector<32x128xf32>
    %roll3A_4535 = arith.constant 126 : i32
    %roll3A_4536 = tpu.dynamic_rotate %select_n3A_4481 by %roll3A_4535 dim 1 : vector<32x128xf32>, i32 -> vector<32x128xf32>
    %roll3A_4537 = arith.constant 2 : i32
    %roll3A_4538 = tpu.dynamic_rotate %select_n3A_4481 by %roll3A_4537 dim 1 : vector<32x128xf32>, i32 -> vector<32x128xf32>
    %select_n3A_4539 = arith.select %eq3A_4499, %roll3A_4536, %roll3A_4538 : vector<32x128xi1>, vector<32x128xf32>
    %select_n3A_4540 = arith.select %eq3A_4526, %select_n3A_4481, %select_n3A_4539 : vector<32x128xi1>, vector<32x128xf32>
    %roll3A_4541 = arith.constant 126 : i32
    %roll3A_4542 = tpu.dynamic_rotate %select_n3A_4487 by %roll3A_4541 dim 1 : vector<32x128xf32>, i32 -> vector<32x128xf32>
    %roll3A_4543 = arith.constant 2 : i32
    %roll3A_4544 = tpu.dynamic_rotate %select_n3A_4487 by %roll3A_4543 dim 1 : vector<32x128xf32>, i32 -> vector<32x128xf32>
    %select_n3A_4545 = arith.select %eq3A_4499, %roll3A_4542, %roll3A_4544 : vector<32x128xi1>, vector<32x128xf32>
    %select_n3A_4546 = arith.select %eq3A_4526, %select_n3A_4487, %select_n3A_4545 : vector<32x128xi1>, vector<32x128xf32>
    %roll3A_4547 = arith.constant 126 : i32
    %roll3A_4548 = tpu.dynamic_rotate %select_n3A_4493 by %roll3A_4547 dim 1 : vector<32x128xf32>, i32 -> vector<32x128xf32>
    %roll3A_4549 = arith.constant 2 : i32
    %roll3A_4550 = tpu.dynamic_rotate %select_n3A_4493 by %roll3A_4549 dim 1 : vector<32x128xf32>, i32 -> vector<32x128xf32>
    %select_n3A_4551 = arith.select %eq3A_4499, %roll3A_4548, %roll3A_4550 : vector<32x128xi1>, vector<32x128xf32>
    %select_n3A_4552 = arith.select %eq3A_4526, %select_n3A_4493, %select_n3A_4551 : vector<32x128xi1>, vector<32x128xf32>
    %and3A_4553 = arith.constant 1 : i32
    %and3A_4554 = vector.broadcast %and3A_4553 : i32 to vector<32x128xi32>
    %and3A_4555 = arith.andi %add3A, %and3A_4554 : vector<32x128xi32>
    %eq3A_4556 = arith.constant 0 : i32
    %eq3A_4557 = vector.broadcast %eq3A_4556 : i32 to vector<32x128xi32>
    %eq3A_4558 = arith.cmpi eq, %and3A_4555, %eq3A_4557 : vector<32x128xi32>
    %and3A_4559 = arith.constant 4096 : i32
    %and3A_4560 = vector.broadcast %and3A_4559 : i32 to vector<32x128xi32>
    %and3A_4561 = arith.andi %add3A, %and3A_4560 : vector<32x128xi32>
    %eq3A_4562 = arith.constant 0 : i32
    %eq3A_4563 = vector.broadcast %eq3A_4562 : i32 to vector<32x128xi32>
    %eq3A_4564 = arith.cmpi eq, %and3A_4561, %eq3A_4563 : vector<32x128xi32>
    %roll3A_4565 = arith.constant 127 : i32
    %roll3A_4566 = tpu.dynamic_rotate %select_n3A_4527 by %roll3A_4565 dim 1 : vector<32x128xi32>, i32 -> vector<32x128xi32>
    %roll3A_4567 = arith.constant 1 : i32
    %roll3A_4568 = tpu.dynamic_rotate %select_n3A_4527 by %roll3A_4567 dim 1 : vector<32x128xi32>, i32 -> vector<32x128xi32>
    %select_n3A_4569 = arith.select %eq3A_4558, %roll3A_4566, %roll3A_4568 : vector<32x128xi1>, vector<32x128xi32>
    %roll3A_4570 = arith.constant 127 : i32
    %roll3A_4571 = tpu.dynamic_rotate %select_n3A_4528 by %roll3A_4570 dim 1 : vector<32x128xi32>, i32 -> vector<32x128xi32>
    %roll3A_4572 = arith.constant 1 : i32
    %roll3A_4573 = tpu.dynamic_rotate %select_n3A_4528 by %roll3A_4572 dim 1 : vector<32x128xi32>, i32 -> vector<32x128xi32>
    %select_n3A_4574 = arith.select %eq3A_4558, %roll3A_4571, %roll3A_4573 : vector<32x128xi1>, vector<32x128xi32>
    %gt3A_4575 = arith.cmpi sgt, %select_n3A_4527, %select_n3A_4569 : vector<32x128xi32>
    %eq3A_4576 = arith.cmpi eq, %select_n3A_4527, %select_n3A_4569 : vector<32x128xi32>
    %lt3A_4577 = arith.cmpi slt, %select_n3A_4528, %select_n3A_4574 : vector<32x128xi32>
    %and3A_4578 = arith.andi %eq3A_4576, %lt3A_4577 : vector<32x128xi1>
    %or3A_4579 = arith.ori %gt3A_4575, %and3A_4578 : vector<32x128xi1>
    %eq3A_4580 = arith.xori %eq3A_4558, %eq3A_4564 : vector<32x128xi1>
    %eq3A_4581 = arith.constant dense<true> : vector<32x128xi1>
    %eq3A_4582 = arith.xori %eq3A_4580, %eq3A_4581 : vector<32x128xi1>
    %eq3A_4583 = arith.xori %or3A_4579, %eq3A_4582 : vector<32x128xi1>
    %eq3A_4584 = arith.constant dense<true> : vector<32x128xi1>
    %eq3A_4585 = arith.xori %eq3A_4583, %eq3A_4584 : vector<32x128xi1>
    %select_n3A_4586 = arith.select %eq3A_4585, %select_n3A_4527, %select_n3A_4569 : vector<32x128xi1>, vector<32x128xi32>
    %roll3A_4587 = arith.constant 127 : i32
    %roll3A_4588 = tpu.dynamic_rotate %select_n3A_4534 by %roll3A_4587 dim 1 : vector<32x128xf32>, i32 -> vector<32x128xf32>
    %roll3A_4589 = arith.constant 1 : i32
    %roll3A_4590 = tpu.dynamic_rotate %select_n3A_4534 by %roll3A_4589 dim 1 : vector<32x128xf32>, i32 -> vector<32x128xf32>
    %select_n3A_4591 = arith.select %eq3A_4558, %roll3A_4588, %roll3A_4590 : vector<32x128xi1>, vector<32x128xf32>
    %select_n3A_4592 = arith.select %eq3A_4585, %select_n3A_4534, %select_n3A_4591 : vector<32x128xi1>, vector<32x128xf32>
    %roll3A_4593 = arith.constant 127 : i32
    %roll3A_4594 = tpu.dynamic_rotate %select_n3A_4540 by %roll3A_4593 dim 1 : vector<32x128xf32>, i32 -> vector<32x128xf32>
    %roll3A_4595 = arith.constant 1 : i32
    %roll3A_4596 = tpu.dynamic_rotate %select_n3A_4540 by %roll3A_4595 dim 1 : vector<32x128xf32>, i32 -> vector<32x128xf32>
    %select_n3A_4597 = arith.select %eq3A_4558, %roll3A_4594, %roll3A_4596 : vector<32x128xi1>, vector<32x128xf32>
    %select_n3A_4598 = arith.select %eq3A_4585, %select_n3A_4540, %select_n3A_4597 : vector<32x128xi1>, vector<32x128xf32>
    %roll3A_4599 = arith.constant 127 : i32
    %roll3A_4600 = tpu.dynamic_rotate %select_n3A_4546 by %roll3A_4599 dim 1 : vector<32x128xf32>, i32 -> vector<32x128xf32>
    %roll3A_4601 = arith.constant 1 : i32
    %roll3A_4602 = tpu.dynamic_rotate %select_n3A_4546 by %roll3A_4601 dim 1 : vector<32x128xf32>, i32 -> vector<32x128xf32>
    %select_n3A_4603 = arith.select %eq3A_4558, %roll3A_4600, %roll3A_4602 : vector<32x128xi1>, vector<32x128xf32>
    %select_n3A_4604 = arith.select %eq3A_4585, %select_n3A_4546, %select_n3A_4603 : vector<32x128xi1>, vector<32x128xf32>
    %roll3A_4605 = arith.constant 127 : i32
    %roll3A_4606 = tpu.dynamic_rotate %select_n3A_4552 by %roll3A_4605 dim 1 : vector<32x128xf32>, i32 -> vector<32x128xf32>
    %roll3A_4607 = arith.constant 1 : i32
    %roll3A_4608 = tpu.dynamic_rotate %select_n3A_4552 by %roll3A_4607 dim 1 : vector<32x128xf32>, i32 -> vector<32x128xf32>
    %select_n3A_4609 = arith.select %eq3A_4558, %roll3A_4606, %roll3A_4608 : vector<32x128xi1>, vector<32x128xf32>
    %select_n3A_4610 = arith.select %eq3A_4585, %select_n3A_4552, %select_n3A_4609 : vector<32x128xi1>, vector<32x128xf32>
    %bitcast_convert_type3A_4611 = tpu.bitcast %select_n3A_4586 : vector<32x128xi32> -> vector<32x128xf32>
    %swap3A = arith.constant 0 : index
    %swap3A_4612 = arith.constant 0 : index
    %swap3A_4613 = vector.load %arg5[%swap3A, %swap3A_4612] : memref<32x128xf32, #tpu.memory_space<vmem>>, vector<32x128xf32>
    tpu.vector_store %arg5[%swap3A, %swap3A_4612], %bitcast_convert_type3A_4611 {strides = array<i32>} : memref<32x128xf32, #tpu.memory_space<vmem>>, vector<32x128xf32>,
    %swap3A_4614 = arith.constant 0 : index
    %swap3A_4615 = arith.constant 0 : index
    %swap3A_4616 = vector.load %arg6[%swap3A_4614, %swap3A_4615] : memref<32x128xf32, #tpu.memory_space<vmem>>, vector<32x128xf32>
    tpu.vector_store %arg6[%swap3A_4614, %swap3A_4615], %select_n3A_4592 {strides = array<i32>} : memref<32x128xf32, #tpu.memory_space<vmem>>, vector<32x128xf32>,
    %swap3A_4617 = arith.constant 0 : index
    %swap3A_4618 = arith.constant 0 : index
    %swap3A_4619 = vector.load %arg7[%swap3A_4617, %swap3A_4618] : memref<32x128xf32, #tpu.memory_space<vmem>>, vector<32x128xf32>
    tpu.vector_store %arg7[%swap3A_4617, %swap3A_4618], %select_n3A_4598 {strides = array<i32>} : memref<32x128xf32, #tpu.memory_space<vmem>>, vector<32x128xf32>,
    %swap3A_4620 = arith.constant 0 : index
    %swap3A_4621 = arith.constant 0 : index
    %swap3A_4622 = vector.load %arg8[%swap3A_4620, %swap3A_4621] : memref<32x128xf32, #tpu.memory_space<vmem>>, vector<32x128xf32>
    tpu.vector_store %arg8[%swap3A_4620, %swap3A_4621], %select_n3A_4604 {strides = array<i32>} : memref<32x128xf32, #tpu.memory_space<vmem>>, vector<32x128xf32>,
    %swap3A_4623 = arith.constant 0 : index
    %swap3A_4624 = arith.constant 0 : index
    %swap3A_4625 = vector.load %arg9[%swap3A_4623, %swap3A_4624] : memref<32x128xf32, #tpu.memory_space<vmem>>, vector<32x128xf32>
    tpu.vector_store %arg9[%swap3A_4623, %swap3A_4624], %select_n3A_4610 {strides = array<i32>} : memref<32x128xf32, #tpu.memory_space<vmem>>, vector<32x128xf32>,
    return
  }
}

</mosaic_0001>

<sc_bundles>
// kernel: kernel.6.cloned.1.call-start
scs
__scs_entry_jumppad:
0x0: {  	(pc) =	sbr.rel $0x88, $3  }
0x1: {  	(tag) =	ssettag $0x0;
	lr =	simm.s32 $0x1  }
0x2: {  	[smem:$0x3F9F] =	sst lr;
	_ =	strace $0xD0000000  }
0x3: {  	_ = 	snop  }
0x4: {  	_ = 	snop  }
0x5: {  	_ = 	snop  }
0x6: {  	_ = 	snop  }
0x7: {  	_ = 	snop  }
__scs_overlays_trampoline_lowered:
0x8: {  	[smem:$0x3FAE] =	sst s0  }
0x9: {  	[smem:$0x3FAF] =	sst s1  }
0xa: {  	[smem:$0x3FB0] =	sst s2  }
0xb: {  	[smem:$0x3FB1] =	sst s3  }
0xc: {  	[smem:$0x3FB2] =	sst s4  }
0xd: {  	[smem:$0x3FB3] =	sst s5  }
0xe: {  	[smem:$0x3FB4] =	sst s6  }
0xf: {  	[smem:$0x3FB5] =	sst s7  }
0x10: {  	[smem:$0x3FB6] =	sst s8  }
0x11: {  	[smem:$0x3FB7] =	sst s9;
	s0 =	simm.s32 @!p0 $0x0  }
0x12: {  	s1 =	sld [smem:$0x3F9D];
	s0 =	simm.s32 @p0 $0x1  }
0x13: {  	[smem:$0x3FB8] =	sst s0;
	s0 =	simm.s32 @!p1 $0x0  }
0x14: {  	s2 =	sld [smem:$0x3F9C];
	s0 =	simm.s32 @p1 $0x1  }
0x15: {  	[smem:$0x3FB9] =	sst s0;
	s0 =	simm.s32 @!p2 $0x0  }
0x16: {  	s3 =	sld [smem:$0x3FDB];
	s0 =	simm.s32 @p2 $0x1  }
0x17: {  	s4 =	simm.s32 $0x1BF5;
	[smem:$0x3FBB] =	sst s0  }
0x18: {  	s0 =	sld [smem:$0x3F9E];
	_ =	swait.ge [sflag:s4], $0x0  }
0x19: {  	s7 =	sld [smem:$0x3F9F]  }
0x1a: {  	s8 =	sadd.s32 $0xFFFFE003, lr  }
0x1b: {  	s9 =	sadd.s32 $0xFFFFFEF7, lr;
	s5 =	simm.s32 $0xFFFFFFFF;
	p2 =	slt.u32 s8, $0xFFFFF086  }
0x1c: {  	p1 =	slt.u32 s9, $0xF7A;
	s5 =	simm.s32 @!p2 $0x0  }
0x1d: {  	s5 =	simm.s32 @p1 $0x1;
	p0 =	seq.s32 s7, s2  }
0x1e: {  	s7 =	smul.u32 @!p0 $0xF7A, s2;
	p2 =	seq.s32 @!p0 s5, $0x0  }
0x1f: {  	s9 =	smul.u32 $0xF7A, s1;
	s8 =	simm.s32 @!p0 $0x1BF5;
	p2 =	por !p2, p0  }
0x20: {  	[sflag:s8] =	ssyncset.s32 @!p0 $0xFFFFF086;
	s6 =	sadd.s32 @!p0 s3, s7;
	s7 =	simm.s32 @!p0 $0x108  }
0x21: {  	s3 =	sadd.s32 s3, s9;
	s6 =	sadd.s32 @!p0 $0x88, s6;
	s7 =	simm.s32 @p2 $0x1082  }
0x22: {  	[simem:s7], [sflag:s8] =	dma.local @!p0 [hbm:s6], $0xF7A  }
0x23: {  	s9 =	sor.u32 $0xD0000000, s2;
	s6 =	simm.s32 $0x108;
	_ =	swait.ge @!p0 [sflag:s8], $0x0  }
0x24: {  	s3 =	sadd.s32 $0x88, s3;
	s6 =	simm.s32 @!p1 $0x1082;
	[sflag:s4] =	ssyncset.s32 $0xFFFFF086  }
0x25: {  	[simem:s6], [sflag:s4] =	dma.local [hbm:s3], $0xF7A  }
0x26: {  	[smem:$0x3F9F] =	sst s1;
	(tag) =	ssettag s2;
	_ =	strace s9  }
0x27: {  	s1 =	sld [smem:$0x3FAF]  }
0x28: {  	s2 =	sld [smem:$0x3FB0]  }
0x29: {  	s4 =	sld [smem:$0x3FB2]  }
0x2a: {  	p0 =	seq.s32 s5, $0x0;
	s5 =	sld [smem:$0x3FB3]  }
0x2b: {  	s6 =	sld [smem:$0x3FB4]  }
0x2c: {  	s7 =	sld [smem:$0x3FB5]  }
0x2d: {  	s3 =	simm.s32 $0x108;
	s8 =	sld [smem:$0x3FB6]  }
0x2e: {  	s3 =	simm.s32 @!p0 $0x1082;
	s9 =	sld [smem:$0x3FB7]  }
0x2f: {  	lr =	sadd.s32 s0, s3;
	s0 =	sld [smem:$0x3FAE]  }
0x30: {  	s3 =	sld [smem:$0x3FB1]  }
0x31: {  	[smem:$0x3FBA] =	sst s10  }
0x32: {  	s10 =	sld [smem:$0x3FB8];
	_ =	sdelay $0x3  }
0x33: {  	p0 =	seq.s32 s10, $0x1;
	s10 =	sld [smem:$0x3FBA];
	_ =	sdelay $0x3  }
0x34: {  	[smem:$0x3FBA] =	sst s10  }
0x35: {  	s10 =	sld [smem:$0x3FB9];
	_ =	sdelay $0x3  }
0x36: {  	p1 =	seq.s32 s10, $0x1;
	s10 =	sld [smem:$0x3FBA];
	_ =	sdelay $0x3  }
0x37: {  	[smem:$0x3FBA] =	sst s10  }
0x38: {  	s10 =	sld [smem:$0x3FBB]  }
0x39: {  	_ = 	snop;
	(pc) =	sbr.ind lr, $3  }
0x3a: {  	_ = 	snop  }
0x3b: {  	_ = 	snop  }
0x3c: {  	p2 =	seq.s32 s10, $0x1;
	s10 =	sld [smem:$0x3FBA]  }
0x3d: {  	_ =	shalt  }
0x3e: {  	_ =	shalt  }
0x3f: {  	_ =	shalt  }
0x40: {  	_ =	shalt  }
0x41: {  	_ =	shalt  }
0x42: {  	_ =	shalt  }
0x43: {  	_ =	shalt  }
0x44: {  	_ =	shalt  }
0x45: {  	_ =	shalt  }
0x46: {  	_ =	shalt  }
0x47: {  	_ =	shalt  }
0x48: {  	_ =	shalt  }
0x49: {  	_ =	shalt  }
0x4a: {  	_ =	shalt  }
0x4b: {  	_ =	shalt  }
0x4c: {  	_ =	shalt  }
0x4d: {  	_ =	shalt  }
0x4e: {  	_ =	shalt  }
0x4f: {  	_ =	shalt  }
0x50: {  	_ =	shalt  }
0x51: {  	_ =	shalt  }
0x52: {  	_ =	shalt  }
0x53: {  	_ =	shalt  }
0x54: {  	_ =	shalt  }
0x55: {  	_ =	shalt  }
0x56: {  	_ =	shalt  }
0x57: {  	_ =	shalt  }
0x58: {  	_ =	shalt  }
0x59: {  	_ =	shalt  }
0x5a: {  	_ =	shalt  }
0x5b: {  	_ =	shalt  }
0x5c: {  	_ =	shalt  }
0x5d: {  	_ =	shalt  }
0x5e: {  	_ =	shalt  }
0x5f: {  	_ =	shalt  }
0x60: {  	_ =	shalt  }
0x61: {  	_ =	shalt  }
0x62: {  	_ =	shalt  }
0x63: {  	_ =	shalt  }
0x64: {  	_ =	shalt  }
0x65: {  	_ =	shalt  }
0x66: {  	_ =	shalt  }
0x67: {  	_ =	shalt  }
0x68: {  	_ =	shalt  }
0x69: {  	_ =	shalt  }
0x6a: {  	_ =	shalt  }
0x6b: {  	_ =	shalt  }
0x6c: {  	_ =	shalt  }
0x6d: {  	_ =	shalt  }
0x6e: {  	_ =	shalt  }
0x6f: {  	_ =	shalt  }
0x70: {  	_ =	shalt  }
0x71: {  	_ =	shalt  }
0x72: {  	_ =	shalt  }
0x73: {  	_ =	shalt  }
0x74: {  	_ =	shalt  }
0x75: {  	_ =	shalt  }
0x76: {  	_ =	shalt  }
0x77: {  	_ =	shalt  }
0x78: {  	_ =	shalt  }
0x79: {  	_ =	shalt  }
0x7a: {  	_ =	shalt  }
0x7b: {  	_ =	shalt  }
0x7c: {  	_ =	shalt  }
0x7d: {  	_ =	shalt  }
0x7e: {  	_ =	shalt  }
0x7f: {  	_ =	shalt  }
0x80: {  	_ =	shalt  }
0x81: {  	_ =	shalt  }
0x82: {  	_ =	shalt  }
0x83: {  	_ =	shalt  }
0x84: {  	_ =	shalt  }
0x85: {  	_ =	shalt  }
0x86: {  	_ =	shalt  }
0x87: {  	_ =	shalt  }
.Lfunc_end0:
.L_simem_size_0:
called_computation_lowered:
.L_overlay_start_0:
0x88: {  	s2 =	sld [smem:$0x3FD9]  }
0x89: {  	s3 =	sld [smem:$0x3FFE];
	_ =	sdelay $0x1  }
0x8a: {  	s1 =	srdreg.scid  }
0x8b: {  	s0 =	sand.u32 $0x1, s1  }
0x8c: {  	s17 =	sshll.u32 s0, $0xA;
	s2 =	sadd.s32 s3, s2  }
0x8d: {  	s2 =	sadd.s32 s2, s17  }
0x8e: {  	[smem:$0x3FC6] =	sst s2  }
0x8f: {  	_ = 	snop  }
0x90: {  	s2 =	sld [smem:$0x3FD0];
	(tm) =	ssettm $0x1  }
0x91: {  	s18 =	sld [smem:$0x3FFB];
	_ =	sdelay $0x3  }
0x92: {  	_ =	strace s18  }
0x93: {  	s3 =	sld [smem:$0x3FFC];
	_ =	sdelay $0x3  }
0x94: {  	_ =	strace s3  }
0x95: {  	s3 =	sld [smem:$0x3FFD];
	_ =	sdelay $0x3  }
0x96: {  	_ =	strace s3  }
0x97: {  	_ =	strace $0x8FFFFFFF  }
0x98: {  	s19 =	sld [smem:$0x3FDB];
	_ =	sdelay $0x1  }
0x99: {  	s4 =	simm.s32 $_scs_section_size  }
0x9a: {  	s5 =	simm.s32 $_size__tile_overlayer_lowered;
	s6 =	simm.s32 $_tile_overlayer_lowered  }
0x9b: {  	s22 =	simm.s32 $0x1BFF;
	s21 =	sshll.u32 s6, $0x1;
	s3 =	sadd.s32 s4, s19  }
0x9c: {  	s7 =	simm.s32 $0x0;
	s20 =	sshll.u32 s5, $0x1;
	s5 =	sadd.s32 s21, s3  }
0x9d: {  	[timem:s7], [sflag:s22] =	dma.local [hbm:s5], s20  }
0x9e: {  	_ =	swait.ge [sflag:s22], s20  }
0x9f: {  	s4 =	ssub.s32 $0x0, s20;
	[sflag:s22] =	ssyncset.done $0x0  }
0xa0: {  	[sflag:s22] =	ssyncadd.s32 s4;
	_ =	sdelay $0x1  }
0xa1: {  	s23 =	simm.s32 $0x1B8B  }
0xa2: {  	_ =	swait.ge [sflag:s23], $0x1  }
0xa3: {  	[sflag:s23] =	ssyncset.done $0x0  }
0xa4: {  	s25 =	simm.s32 $0x1B8E;
	s24 =	sld [smem:$0x3FFE];
	[sflag:s23] =	ssyncadd.s32 $0xFFFFFFFF  }
0xa5: {  	s26 =	simm.s32 $execute0_lowered;
	[smem:$0x3FD2] =	sst s25  }
0xa6: {  	s5 =	sshll.u32 s26, $0x1;
	_ =	strace $0x80000046;
	[dreg:$0x1] =	wrdreg $0xFFFFFFFF  }
0xa7: {  	s28 =	simm.s32 $_size_execute0_lowered;
	s3 =	sadd.s32 s3, s5;
	[dreg:$0x0] =	wrdreg $0x0  }
0xa8: {  	s5 =	sshll.u32 s28, $0x1;
	[dreg:$0x2] =	wrdreg s3  }
0xa9: {  	[dreg:$0x3] =	wrdreg s5  }
0xaa: {  	[dreg:$0x4] =	wrdreg $0xC0  }
0xab: {  	_ =	task [dreg:s7], $0x5FFFF  }
0xac: {  	[dreg:$0x1] =	wrdreg $0xFFFFFFFF  }
0xad: {  	[dreg:$0x0] =	wrdreg $0x60  }
0xae: {  	[dreg:$0x2] =	wrdreg s24  }
0xaf: {  	[dreg:$0x3] =	wrdreg s2  }
0xb0: {  	[dreg:$0x4] =	wrdreg $0x9  }
0xb1: {  	_ =	task.clear_ibuf [dreg:s7], $0x5FFFF;
	_ =	strace $0x90000046  }
0xb2: {  	s29 =	simm.s32 $0x9;
	_ =	strace $0x80000048  }
0xb3: {  	_ =	swait.ge [sflag:s29], $0x1  }
0xb4: {  	[sflag:s29] =	ssyncadd.s32 $0xFFFFFFFF  }
0xb5: {  	_ =	strace $0x90000048  }
0xb6: {  	_ =	sfence  }
0xb7: {  	s30 =	sld [smem:$0x0];
	_ =	sdelay $0x2  }
0xb8: {  	s31 =	sshll.u32 s1, $0xD;
	s1 =	sshrl.u32 s1, $0x2  }
0xb9: {  	s3 =	sand.u32 $0x4000, s31;
	s1 =	sadd.s32 s1, s30  }
0xba: {  	s0 =	sor.u32 s3, s0;
	s1 =	sshll.u32 s1, $0x11  }
0xbb: {  	s0 =	sor.u32 s1, s0  }
0xbc: {  	s0 =	sadd.s32 $0x8F2B, s0  }
0xbd: {  	[sflag:s0] =	ssyncadd.remote.s32 $0x1  }
0xbe: {  	_ =	sfence.sel $0xFFFF  }
0xbf: {  	[dreg:$0x0] =	wrdreg $0xFFFFFFFF;
	(pc) =	sbr.abs _section_cstart, $3  }
0xc0: {  	[dreg:$0x1] =	wrdreg $0xFFFFFFFF  }
0xc1: {  	_ =	task.clear_ibuf [dreg:s7], $0x2FFFF;
	_ =	strace $0x9FFFFFFF  }
0xc2: {  	(tm) =	ssettm $0x7FFFFFFF  }
0xc3: {  	_ =	shalt  }
tec
execute0_lowered:
.L_overlay_start_1:
0x0: {  	(tag) =	ssettag $0x1  }
0x1: {  	s0 =	srdreg.scid;
	s5 =	rddreg [dreg:$0x0]  }
0x2: {  	s10 =	stileid.u32;
	s2 =	rddreg [dreg:$0x1];
	v0 =	vimm.s32 $0xEDCBA987  }
0x3: {  	s3 =	simm.s32 $0x0;
	v2 =	vimm.s32 $0x65432100;
	v4 =	vimm.s32 $0xDCBA9876;
	s17 =	simm.s32 $0x1;
	s18 =	simm.s32 $0x280  }
0x4: {  	v6 =	vimm.s32 $0xBA987654;
	s19 =	simm.s32 $0x500;
	s20 =	simm.s32 $0x780;
	s21 =	simm.s32 $0xA00  }
0x5: {  	v5 =	vimm.s32 $0x54321000;
	v7 =	vimm.s32 $0xE40000;
	v8 =	vimm.s32 $0x32100000;
	s22 =	simm.s32 $0xC80;
	s23 =	simm.s32 $0xC90;
	s24 =	simm.s32 $0xD00  }
0x6: {  	vm0 =	vmmov $0x3;
	vm2 =	vcmask $0x3F30;
	s25 =	simm.s32 $0xE00;
	s26 =	simm.s32 $0xF00;
	vm1 =	vmmov $0xf;
	s28 =	simm.s32 $0x1000  }
0x7: {  	s29 =	simm.s32 $0x1100;
	s30 =	simm.s32 $0x0;
	s0 =	sand.u32 $0x1, s0;
	v1 =	vunpack.c.l.s4.s8 v0;
	v0 =	vimm.f32 $-3.000000000e+09;
	v2 =	vunpack.c.l.s4.s8 v2  }
0x8: {  	s1 =	sshll.u32 s10, $0x1;
	[smem:$0x7FF] =	sst s3;
	v4 =	vunpack.c.l.s4.s8 v4;
	v5 =	vunpack.c.l.s4.s8 v5;
	s16 =	smul.u32 $0x500, s10;
	v7 =	vunpack.c.l.s2.s4 v7  }
0x9: {  	v6 =	vunpack.c.l.s4.s8 v6;
	v8 =	vunpack.c.l.s4.s8 v8;
	s1 =	sor.u32 s0, s1;
	_ =	strace $0x80000047;
	s6 =	ssub.s32 $0x2, s0;
	v3 =	vunpack.c.0.s8.s32 v1  }
0xa: {  	s4 =	smul.u32 $0x280, s1;
	s1 =	sshll.u32 s1, $0x4;
	v1 =	vimm.f32 $0.0e+00;
	s7 =	sshrl.u32 s6, $0x1;
	v4 =	vunpack.c.0.s8.s32 v4;
	v7 =	vunpack.c.l.s4.s8 v7  }
0xb: {  	s0 =	smul.u32 $0x280, s0;
	v2 =	vunpack.c.0.s8.s32 v2;
	v5 =	vunpack.c.0.s8.s32 v5;
	v6 =	vunpack.c.0.s8.s32 v6;
	s1 =	sadd.s32 s1, s5;
	s15 =	ssub.s32 s6, s7  }
0xc: {  	s4 =	sshrl.u32 s4, $0x3;
	v3 =	vand.u32 $0xF, v3;
	s10 =	sadd.s32 $0x5000, s1;
	s11 =	sadd.s32 $0x5200, s1;
	v4 =	vand.u32 $0xF, v4;
	v7 =	vunpack.c.0.s8.s32 v7  }
0xd: {  	s12 =	sadd.s32 $0x5400, s1;
	s13 =	sadd.s32 $0x5600, s1;
	s14 =	sadd.s32 $0x5800, s1;
	v4 =	vcombine.low v5, v4;
	v5 =	vunpack.c.0.s8.s32 v8;
	v8 =	vimm.s32 $0x7060504  }
0xe: {  	s15 =	smax.u32 s15, $0x1;
	s1 =	sadd.s32 s0, s16;
	v6 =	vand.u32 $0xF, v6;
	s9 =	sadd.s32 s4, s5;
	v2 =	vcombine.low v2, v3;
	v8 =	vunpack.c.0.s8.s32 v8  }
0xf: {  	s4 =	sadd.s32 $0x2600, s5;
	v3 =	vlaneseq.u32;
	s5 =	sadd.s32 $0x1C00, s9;
	s6 =	sadd.s32 $0x4600, s9;
	v7 =	vand.u32 $0x3, v7;
	v5 =	vcombine.low v5, v6  }
0x10: {  	s7 =	sadd.s32 $0x3200, s9;
	s8 =	sadd.s32 $0x3C00, s9;
	s9 =	sadd.s32 $0x2800, s9;
	v6 =	vimm.s32 $0x0;
	v7 =	vsel vm2, v8, v7;
	vm2 =	vmmov $0xff  }
.LBB2_1:
0x11: {  	[tilespmem:s3], [sflag:$0x1] =	stream.linear.gather [hbm4b:s5+s3], $0x280, $0x38;
	[tilespmem:$0x1200] =	vst v63  }
0x12: {  	_ =	swait.ge [sflag:s17], $0x280  }
0x13: {  	[sflag:s17] =	ssyncset.done $0x0  }
0x14: {  	[sflag:s17] =	ssyncadd.s32 $0xFFFFFD80  }
0x15: {  	[tilespmem:s18], [sflag:$0x1] =	stream.linear.gather [hbm4b:s6+s3], $0x280, $0x38;
	[tilespmem:$0x1200] =	vst v63  }
0x16: {  	_ =	swait.ge [sflag:s17], $0x280  }
0x17: {  	[sflag:s17] =	ssyncset.done $0x0  }
0x18: {  	[sflag:s17] =	ssyncadd.s32 $0xFFFFFD80  }
0x19: {  	[tilespmem:s19], [sflag:$0x1] =	stream.linear.gather [hbm4b:s7+s3], $0x280, $0x38;
	[tilespmem:$0x1200] =	vst v63  }
0x1a: {  	_ =	swait.ge [sflag:s17], $0x280  }
0x1b: {  	[sflag:s17] =	ssyncset.done $0x0  }
0x1c: {  	[sflag:s17] =	ssyncadd.s32 $0xFFFFFD80  }
0x1d: {  	[tilespmem:s20], [sflag:$0x1] =	stream.linear.gather [hbm4b:s8+s3], $0x280, $0x38;
	[tilespmem:$0x1200] =	vst v63  }
0x1e: {  	_ =	swait.ge [sflag:s17], $0x280  }
0x1f: {  	[sflag:s17] =	ssyncset.done $0x0  }
0x20: {  	[sflag:s17] =	ssyncadd.s32 $0xFFFFFD80  }
0x21: {  	[tilespmem:s21], [sflag:$0x1] =	stream.linear.gather [hbm4b:s9+s3], $0x280, $0x38;
	[tilespmem:$0x1200] =	vst v63  }
0x22: {  	_ =	swait.ge [sflag:s17], $0x280  }
0x23: {  	[sflag:s17] =	ssyncset.done $0x0  }
0x24: {  	[sflag:s17] =	ssyncadd.s32 $0xFFFFFD80  }
0x25: {  	[tilespmem:s22], [sflag:$0x1] =	stream.linear.gather [hbm4b:s4+s3], $0x10, $0x38;
	[tilespmem:$0x1200] =	vst v63  }
0x26: {  	_ =	swait.ge [sflag:s17], $0x10  }
0x27: {  	[sflag:s17] =	ssyncset.done $0x0  }
0x28: {  	[sflag:s17] =	ssyncadd.s32 $0xFFFFFFF0  }
0x29: {  	[tilespmem:s23], [sflag:$0x1] =	stream.linear.gather [hbm4b:s2+s3], $0x10, $0x38;
	[tilespmem:$0x1200] =	vst v63  }
0x2a: {  	_ =	swait.ge [sflag:s17], $0x10  }
0x2b: {  	[sflag:s17] =	ssyncset.done $0x0  }
0x2c: {  	[sflag:s17] =	ssyncadd.s32 $0xFFFFFFF0  }
0x2d: {  	[tilespmem:$0xD00] =	vst v0  }
0x2e: {  	[tilespmem:$0xE00] =	vst v1  }
0x2f: {  	[tilespmem:$0xF00] =	vst v1  }
0x30: {  	[tilespmem:$0x1000] =	vst v1  }
0x31: {  	[tilespmem:$0x1100] =	vst v1  }
0x32: {  	[tilespmem:$0xD10] =	vst v0  }
0x33: {  	[tilespmem:$0xE10] =	vst v1  }
0x34: {  	[tilespmem:$0xF10] =	vst v1  }
0x35: {  	[tilespmem:$0x1010] =	vst v1  }
0x36: {  	[tilespmem:$0x1110] =	vst v1  }
0x37: {  	[tilespmem:$0xD20] =	vst v0  }
0x38: {  	[tilespmem:$0xE20] =	vst v1  }
0x39: {  	[tilespmem:$0xF20] =	vst v1  }
0x3a: {  	[tilespmem:$0x1020] =	vst v1  }
0x3b: {  	[tilespmem:$0x1120] =	vst v1  }
0x3c: {  	[tilespmem:$0xD30] =	vst v0  }
0x3d: {  	[tilespmem:$0xE30] =	vst v1  }
0x3e: {  	[tilespmem:$0xF30] =	vst v1  }
0x3f: {  	[tilespmem:$0x1030] =	vst v1  }
0x40: {  	[tilespmem:$0x1130] =	vst v1  }
0x41: {  	[tilespmem:$0xD40] =	vst v0  }
0x42: {  	[tilespmem:$0xE40] =	vst v1  }
0x43: {  	[tilespmem:$0xF40] =	vst v1  }
0x44: {  	[tilespmem:$0x1040] =	vst v1  }
0x45: {  	[tilespmem:$0x1140] =	vst v1  }
0x46: {  	[tilespmem:$0xD50] =	vst v0  }
0x47: {  	[tilespmem:$0xE50] =	vst v1  }
0x48: {  	[tilespmem:$0xF50] =	vst v1  }
0x49: {  	[tilespmem:$0x1050] =	vst v1  }
0x4a: {  	[tilespmem:$0x1150] =	vst v1  }
0x4b: {  	[tilespmem:$0xD60] =	vst v0  }
0x4c: {  	[tilespmem:$0xE60] =	vst v1  }
0x4d: {  	[tilespmem:$0xF60] =	vst v1  }
0x4e: {  	[tilespmem:$0x1060] =	vst v1  }
0x4f: {  	[tilespmem:$0x1160] =	vst v1  }
0x50: {  	[tilespmem:$0xD70] =	vst v0  }
0x51: {  	[tilespmem:$0xE70] =	vst v1  }
0x52: {  	[tilespmem:$0xF70] =	vst v1  }
0x53: {  	[tilespmem:$0x1070] =	vst v1  }
0x54: {  	[tilespmem:$0x1170] =	vst v1  }
0x55: {  	[tilespmem:$0xD80] =	vst v0  }
0x56: {  	[tilespmem:$0xE80] =	vst v1  }
0x57: {  	[tilespmem:$0xF80] =	vst v1  }
0x58: {  	[tilespmem:$0x1080] =	vst v1  }
0x59: {  	s0 =	simm.s32 $0x0;
	[tilespmem:$0x1180] =	vst v1;
	v8 =	vld [tilespmem:$0xC90]  }
0x5a: {  	v9 =	vld [tilespmem:s0+$0x0];
	_ =	sdelay $0x1  }
0x5b: {  	v10 =	vld [tilespmem:$0xC80];
	_ =	sdelay $0x1  }
0x5c: {  	v8 =	vtrunc.f32 v8  }
0x5d: {  	vm3 =	vgt.f32 v9, $5.000000070e-02;
	v8 =	vcvt.f32.s32 v8  }
0x5e: {  	v11 =	vnsel vm3, $0xCE6E6B28, v9;
	v9 =	vor.u32 s1, v3  }
0x5f: {  	vm3 =	veq.f32 v11, v10;
	vm4 =	vlt.s32 v9, v8  }
0x60: {  	vm5 =	vgt.f32 v11, v10;
	vm3 =	vmand vm3, vm4  }
0x61: {  	vm4 =	vmor vm5, vm3  }
0x62: {  	v8 =	vsel vm4, $0x1, v6  }
0x63: {  	v9 =	vperm.xlane v8, v2  }
0x64: {  	vm3 =	veq.s32 v3, $0x0  }
0x65: {  	v9 =	vsel vm3, $0x0, v9  }
0x66: {  	v8 =	vadd.s32 v8, v9  }
0x67: {  	v9 =	vperm.xlane v8, v4;
	_ =	sdelay $0x1  }
0x68: {  	v9 =	vsel vm0, $0x0, v9  }
0x69: {  	v8 =	vadd.s32 v9, v8  }
0x6a: {  	v9 =	vperm.xlane v8, v5;
	_ =	sdelay $0x1  }
0x6b: {  	v9 =	vsel vm1, $0x0, v9  }
0x6c: {  	v8 =	vadd.s32 v9, v8  }
0x6d: {  	v9 =	vperm.xlane v8, v7;
	_ =	sdelay $0x1  }
0x6e: {  	v9 =	vsel vm2, $0x0, v9  }
0x6f: {  	v9 =	vadd.s32 v9, v6  }
0x70: {  	v8 =	vadd.s32 v8, v9  }
0x71: {  	v8 =	vadd.s32 $0xFFFFFFFF, v8  }
0x72: {  	vm5 =	vlt.s32 v8, $0x80  }
0x73: {  	v8 =	vnsel vm5, $0x80, v8  }
0x74: {  	v9 =	vnsel vm4, $0x80, v8;
	_ =	sdelay $0x4  }
0x75: {  	[tilespmem:v9+s24+$0x0] =	vst.idx.msk $0xffff, v11  }
0x76: {  	v8 =	vld [tilespmem:s0+$0x280];
	_ =	sdelay $0x4  }
0x77: {  	[tilespmem:v9+s25+$0x0] =	vst.idx.msk $0xffff, v8  }
0x78: {  	v8 =	vld [tilespmem:s0+$0x500];
	_ =	sdelay $0x4  }
0x79: {  	[tilespmem:v9+s26+$0x0] =	vst.idx.msk $0xffff, v8  }
0x7a: {  	v8 =	vld [tilespmem:s0+$0x780];
	_ =	sdelay $0x1  }
0x7b: {  	v10 =	vmpcnt.ones.xlane vm4;
	_ =	sdelay $0x1  }
0x7c: {  	v10 =	vadd.s32 v6, v10  }
0x7d: {  	vm4 =	vlt.s32 v10, $0x80;
	[tilespmem:v9+s28+$0x0] =	vst.idx.msk $0xffff, v8  }
0x7e: {  	s31 =	simm.s32 $0x40;
	s16 =	smov.u32 s1;
	v8 =	vnsel vm4, $0x80, v10;
	v10 =	vld [tilespmem:s0+$0xA00]  }
.LBB2_2:
0x7f: {  	_ =	sdelay $0x2  }
0x80: {  	p0 =	sne.s32 s31, $0x9C0  }
0x81: {  	s16 =	sadd.s32 $0x10, s16;
	s0 =	smov.u32 s31;
	s31 =	sadd.s32 $0x40, s31;
	[tilespmem:v9+s29+$0x0] =	vst.idx.msk $0xffff, v10;
	v9 =	vmov v8  }
0x82: {  	s0 =	sshra.s32 s0, $0x2;
	v10 =	vld [tilespmem:$0xC90]  }
0x83: {  	v11 =	vld [tilespmem:s0+$0x0];
	_ =	sdelay $0x1  }
0x84: {  	v12 =	vld [tilespmem:$0xC80];
	_ =	sdelay $0x1  }
0x85: {  	v10 =	vtrunc.f32 v10  }
0x86: {  	vm4 =	vgt.f32 v11, $5.000000070e-02;
	v10 =	vcvt.f32.s32 v10  }
0x87: {  	v13 =	vor.u32 s16, v3;
	v11 =	vnsel vm4, $0xCE6E6B28, v11  }
0x88: {  	vm4 =	veq.f32 v11, v12;
	vm5 =	vlt.s32 v13, v10  }
0x89: {  	vm6 =	vgt.f32 v11, v12;
	vm4 =	vmand vm4, vm5  }
0x8a: {  	vm4 =	vmor vm6, vm4  }
0x8b: {  	v10 =	vsel vm4, $0x1, v6;
	v12 =	vmpcnt.ones.xlane vm4  }
0x8c: {  	v13 =	vperm.xlane v10, v2  }
0x8d: {  	v8 =	vadd.s32 v8, v12  }
0x8e: {  	v12 =	vsel vm3, $0x0, v13;
	vm5 =	vlt.s32 v8, $0x80  }
0x8f: {  	v10 =	vadd.s32 v10, v12;
	v8 =	vnsel vm5, $0x80, v8  }
0x90: {  	v12 =	vperm.xlane v10, v4;
	_ =	sdelay $0x1  }
0x91: {  	v12 =	vsel vm0, $0x0, v12  }
0x92: {  	v10 =	vadd.s32 v12, v10  }
0x93: {  	v12 =	vperm.xlane v10, v5;
	_ =	sdelay $0x1  }
0x94: {  	v12 =	vsel vm1, $0x0, v12  }
0x95: {  	v10 =	vadd.s32 v12, v10  }
0x96: {  	v12 =	vperm.xlane v10, v7;
	_ =	sdelay $0x1  }
0x97: {  	v12 =	vsel vm2, $0x0, v12  }
0x98: {  	v9 =	vadd.s32 v12, v9  }
0x99: {  	v9 =	vadd.s32 v10, v9  }
0x9a: {  	v9 =	vadd.s32 $0xFFFFFFFF, v9  }
0x9b: {  	vm5 =	vlt.s32 v9, $0x80  }
0x9c: {  	v9 =	vnsel vm5, $0x80, v9  }
0x9d: {  	v9 =	vnsel vm4, $0x80, v9;
	_ =	sdelay $0x4  }
0x9e: {  	[tilespmem:v9+s24+$0x0] =	vst.idx.msk $0xffff, v11  }
0x9f: {  	v10 =	vld [tilespmem:s0+$0x280];
	_ =	sdelay $0x4  }
0xa0: {  	[tilespmem:v9+s25+$0x0] =	vst.idx.msk $0xffff, v10  }
0xa1: {  	v10 =	vld [tilespmem:s0+$0x500];
	_ =	sdelay $0x4  }
0xa2: {  	[tilespmem:v9+s26+$0x0] =	vst.idx.msk $0xffff, v10  }
0xa3: {  	v10 =	vld [tilespmem:s0+$0x780];
	_ =	sdelay $0x1  }
.Ltmp0:
0xa4: {  	(pc) =	sbr.rel @p0 .LBB2_2-.Ltmp0, $3  }
0xa5: {  	_ =	sdelay $0x1  }
0xa6: {  	[tilespmem:v9+s28+$0x0] =	vst.idx.msk $0xffff, v10  }
0xa7: {  	v10 =	vld [tilespmem:s0+$0xA00]  }
0xa8: {  	_ =	sdelay $0x3  }
0xa9: {  	[tilespmem:v9+s29+$0x0] =	vst.idx.msk $0xffff, v10  }
0xaa: {  	[hbm4b:s10+s3] =	stream.linear.scatter [tilespmem:s24], [sflag:$0x1], $0x80, $0x38;
	[tilespmem:$0x1200] =	vst v63  }
0xab: {  	_ =	swait.ge [sflag:s17], $0x80  }
0xac: {  	[sflag:s17] =	ssyncset.done $0x0  }
0xad: {  	[sflag:s17] =	ssyncadd.s32 $0xFFFFFF80  }
0xae: {  	[hbm4b:s11+s3] =	stream.linear.scatter [tilespmem:s25], [sflag:$0x1], $0x80, $0x38;
	[tilespmem:$0x1200] =	vst v63  }
0xaf: {  	_ =	swait.ge [sflag:s17], $0x80  }
0xb0: {  	[sflag:s17] =	ssyncset.done $0x0  }
0xb1: {  	[sflag:s17] =	ssyncadd.s32 $0xFFFFFF80  }
0xb2: {  	[hbm4b:s12+s3] =	stream.linear.scatter [tilespmem:s26], [sflag:$0x1], $0x80, $0x38;
	[tilespmem:$0x1200] =	vst v63  }
0xb3: {  	_ =	swait.ge [sflag:s17], $0x80  }
0xb4: {  	[sflag:s17] =	ssyncset.done $0x0  }
0xb5: {  	[sflag:s17] =	ssyncadd.s32 $0xFFFFFF80  }
0xb6: {  	[hbm4b:s13+s3] =	stream.linear.scatter [tilespmem:s28], [sflag:$0x1], $0x80, $0x38;
	[tilespmem:$0x1200] =	vst v63  }
0xb7: {  	s30 =	sadd.s32 $0x1, s30;
	_ =	swait.ge [sflag:s17], $0x80  }
0xb8: {  	p0 =	sne.s32 s30, s15;
	[sflag:s17] =	ssyncset.done $0x0  }
.Ltmp1:
0xb9: {  	[sflag:s17] =	ssyncadd.s32 $0xFFFFFF80;
	(pc) =	sbr.rel @p0 .LBB2_1-.Ltmp1, $4  }
0xba: {  	[hbm4b:s14+s3] =	stream.linear.scatter [tilespmem:s29], [sflag:$0x1], $0x80, $0x38;
	[tilespmem:$0x1200] =	vst v63  }
0xbb: {  	_ =	swait.ge [sflag:s17], $0x80  }
0xbc: {  	[sflag:s17] =	ssyncset.done $0x0  }
0xbd: {  	[sflag:s17] =	ssyncadd.s32 $0xFFFFFF80  }
0xbe: {  	_ =	sfence.sel $0x180000  }
0xbf: {  	[bflag:$0x0] =	sbarrier.arrive $0xFFFF  }
0xc0: {  	_ =	strace $0x90000047  }
0xc1: {  	s0 =	stileid.u32;
	[bflag:$0x2] =	sbarrier.arrive $0xFFFF  }
0xc2: {  	p0 =	sne.s32 s0, $0x0;
	s0 =	rddreg [dreg:$0x2]  }
0xc3: {  	s0 =	sadd.s32 @!p0 $0x100000, s0  }
0xc4: {  	[sflag:s0] =	ssyncadd.tile.s32 @!p0 $0x1;
	_ =	shalt  }
.Lfunc_end2:
_tile_overlayer_lowered:
.L_overlay_start_2:
0xc5: {  	(tag) =	ssettag $0x2  }
0xc6: {  	s0 =	rddreg [dreg:$0x0];
	s2 =	stileid.u32  }
0xc7: {  	s1 =	rddreg [dreg:$0x1];
	p0 =	sne.s32 s2, $0x0  }
0xc8: {  	s3 =	rddreg [dreg:$0x2];
	[bflag:$0x3] =	sbarrier.arrive $0xFFFF;
	s2 =	simm.s32 @!p0 $0x1C01  }
0xc9: {  	[timem:s3], [sflag:s2] =	dma.local @!p0 [hbm:s0], s1  }
0xca: {  	s0 =	simm.s32 @!p0 $0x1  }
0xcb: {  	_ =	swait.ge @!p0 [sflag:s0], s1  }
0xcc: {  	s1 =	ssub.s32 @!p0 $0x0, s1;
	[sflag:s0] =	ssyncset.done @!p0 $0x0  }
0xcd: {  	[sflag:s0] =	ssyncadd.s32 @!p0 s1  }
0xce: {  	[bflag:$0x3] =	sbarrier.arrive $0xFFFF  }
0xcf: {  	_ =	shalt  }

</sc_bundles>
